<compile_context>
chip_gen: v7x
topology: tpu7x:2x2x1
jax: 0.10.2.dev20260603
libtpu: 0.0.44.dev20260713+nightly
codegen_flags: <defaults>
</compile_context>

<pallas_src>
import functools

import jax
import jax.numpy as jnp
from jax import lax
from jax.experimental import pallas as pl
from jax.experimental.pallas import tpu as pltpu
from jax.experimental.pallas import tpu_sc as plsc

N = 10000
E = 320000
G = 64
D = 128
LD = 768
NCL = 10
NC = 2
NS = 16
NW = NC * NS
EP = E // NW
CH = 40
NCHUNK = EP // CH
NB = 5
NOUT = NCHUNK // NB
RB = 5000
NRB = N // RB
RPS = N // NS
EPS = 1e-5

_sc_mesh = plsc.VectorSubcoreMesh(core_axis_name="c", subcore_axis_name="s")
_sc_params = pltpu.CompilerParams(needs_layout_passes=False,
                                  use_tc_tiling_on_sc=False)



def _deg_body(ef2_hbm, degp_hbm, dstv, degv):
    c = lax.axis_index("c")
    s = lax.axis_index("s")
    wid = c * NS + s
    pltpu.sync_copy(ef2_hbm.at[1, wid], dstv)

    zeros16 = jnp.zeros((16,), jnp.float32)

    def zero(i, carry):
        for u in range(4):
            degv[pl.ds(i * 64 + u * 16, 16)] = zeros16
        return carry

    lax.fori_loop(0, N // 64, zero, 0)
    for r in range(N - N % 64, N, 16):
        degv[pl.ds(r, 16)] = zeros16
    ones = jnp.ones((16,), jnp.float32)

    def acc(i, carry):
        for u in range(4):
            idx = dstv[pl.ds(i * 64 + u * 16, 16)]
            plsc.addupdate_scatter(degv, [idx], ones)
        return carry

    lax.fori_loop(0, EP // 64, acc, 0)
    for r in range(EP - EP % 64, EP, 16):
        idx = dstv[pl.ds(r, 16)]
        plsc.addupdate_scatter(degv, [idx], ones)
    for jb in range(NRB):
        pltpu.sync_copy(degv.at[pl.ds(jb * RB, RB)], degp_hbm.at[jb, wid])


_deg_kernel = functools.partial(
    pl.kernel,
    out_type=jax.ShapeDtypeStruct((NRB, NW, RB), jnp.float32),
    mesh=_sc_mesh,
    compiler_params=_sc_params,
    scratch_types=[
        pltpu.VMEM((EP,), jnp.int32),
        pltpu.VMEM((N,), jnp.float32),
    ],
)(_deg_body)


def _mp_body(zt_hbm, e4_hbm, acc2_hbm, srcv, dstv, r0, r1, r2, r3, r4,
             acc_sh, g0, g1, g2, g3, g4, s0, s1, s2, s3, s4):
    c = lax.axis_index("c")
    s = lax.axis_index("s")
    wid = c * NS + s
    rows = [r0, r1, r2, r3, r4]
    gsem = [g0, g1, g2, g3, g4]
    ssem = [s0, s1, s2, s3, s4]
    pltpu.async_copy(e4_hbm.at[0, wid], srcv, g0)
    pltpu.async_copy(e4_hbm.at[1, wid], dstv, g1)
    pltpu.async_copy(zt_hbm.at[pl.ds(s * RPS, RPS)],
                     acc_sh.at[pl.ds(s * RPS, RPS)], g2)
    pltpu.make_async_copy(e4_hbm.at[0, wid], srcv, g0).wait()
    pltpu.make_async_copy(e4_hbm.at[1, wid], dstv, g1).wait()
    pltpu.make_async_copy(zt_hbm.at[pl.ds(s * RPS, RPS)],
                          acc_sh.at[pl.ds(s * RPS, RPS)], g2).wait()
    plsc.subcore_barrier()

    def gather(j, b):
        return pltpu.async_copy(zt_hbm.at[srcv.at[j]], rows[b], gsem[b])

    def scatter(j, b):
        return pltpu.async_copy(rows[b], acc_sh.at[dstv.at[j]], ssem[b],
                                add=True)

    for b in range(NB):
        gather(b, b)

    def outer(i, carry):
        for b in range(NB):
            j = i * NB + b
            pltpu.make_async_copy(zt_hbm.at[srcv.at[j]], rows[b],
                                  gsem[b]).wait()
            scatter(j, b)
        for b in range(NB):
            j = i * NB + b
            pltpu.make_async_copy(rows[b], acc_sh.at[dstv.at[j]],
                                  ssem[b]).wait()

            @pl.when(i < NOUT - 1)
            def _():
                gather(j + NB, b)

        return carry

    lax.fori_loop(0, NOUT, outer, 0)
    plsc.subcore_barrier()
    pltpu.sync_copy(acc_sh.at[pl.ds(s * RPS, RPS)],
                    acc2_hbm.at[c, pl.ds(s * RPS, RPS)])


_mp_kernel = functools.partial(
    pl.kernel,
    out_type=jax.ShapeDtypeStruct((NC, N, D), jnp.float32),
    mesh=_sc_mesh,
    compiler_params=_sc_params,
    scratch_types=[
        pltpu.VMEM((NCHUNK, CH), jnp.int32),
        pltpu.VMEM((NCHUNK, CH), jnp.int32),
        pltpu.VMEM((CH, D), jnp.float32),
        pltpu.VMEM((CH, D), jnp.float32),
        pltpu.VMEM((CH, D), jnp.float32),
        pltpu.VMEM((CH, D), jnp.float32),
        pltpu.VMEM((CH, D), jnp.float32),
        pltpu.VMEM_SHARED((N, D), jnp.float32),
        pltpu.SemaphoreType.DMA,
        pltpu.SemaphoreType.DMA,
        pltpu.SemaphoreType.DMA,
        pltpu.SemaphoreType.DMA,
        pltpu.SemaphoreType.DMA,
        pltpu.SemaphoreType.DMA,
        pltpu.SemaphoreType.DMA,
        pltpu.SemaphoreType.DMA,
        pltpu.SemaphoreType.DMA,
        pltpu.SemaphoreType.DMA,
    ],
)(_mp_body)



def _graph_bias(smile_ref, wproj_ref, bproj_ref, wrep_ref):
    s = jnp.maximum(
        lax.dot_general(smile_ref[...].reshape(G, LD), wproj_ref[...],
                        (((1,), (0,)), ((), ())),
                        preferred_element_type=jnp.float32)
        + bproj_ref[...], 0.0)
    return lax.dot_general(s, wrep_ref[D:D + NCL], (((1,), (0,)), ((), ())),
                           preferred_element_type=jnp.float32)


def _project(h, batch_ref, w_ref, bias):
    oht = (batch_ref[...].reshape(1, h.shape[0]) ==
           lax.broadcasted_iota(jnp.int32, (G, h.shape[0]), 0)
           ).astype(jnp.float32)
    z = lax.dot_general(h, w_ref[0:D], (((1,), (0,)), ((), ())),
                        preferred_element_type=jnp.float32)
    z = z + lax.dot_general(oht, bias, (((0,), (0,)), ((), ())),
                            preferred_element_type=jnp.float32)
    return z


def _scale_body(degp_ref, x_ref, batch_ref, smile_ref, wproj_ref, bproj_ref,
                w_ref, dinv_ref, zt_ref):
    degsum = lax.dot_general(degp_ref[...].reshape(NW, RB),
                             jnp.ones((NW, 1), jnp.float32),
                             (((0,), (0,)), ((), ())),
                             preferred_element_type=jnp.float32)
    dinv = lax.rsqrt(degsum + 1.0)
    dinv_ref[...] = dinv
    bias = _graph_bias(smile_ref, wproj_ref, bproj_ref, w_ref)
    z = _project(x_ref[...], batch_ref, w_ref, bias)
    zt_ref[...] = z * dinv


def _tc_scale(degp, x, batch2, smile3, wproj, bproj2, w):
    return pl.pallas_call(
        _scale_body,
        grid=(NRB,),
        in_specs=[
            pl.BlockSpec((1, NW, RB), lambda j: (j, 0, 0)),
            pl.BlockSpec((RB, D), lambda j: (j, 0)),
            pl.BlockSpec((1, 1, RB), lambda j: (j, 0, 0)),
            pl.BlockSpec((G, 1, LD), lambda j: (0, 0, 0)),
            pl.BlockSpec((LD, NCL), lambda j: (0, 0)),
            pl.BlockSpec((1, NCL), lambda j: (0, 0)),
            pl.BlockSpec((D + NCL, D), lambda j: (0, 0)),
        ],
        out_specs=[
            pl.BlockSpec((RB, 1), lambda j: (j, 0)),
            pl.BlockSpec((RB, D), lambda j: (j, 0)),
        ],
        out_shape=[
            jax.ShapeDtypeStruct((N, 1), jnp.float32),
            jax.ShapeDtypeStruct((N, D), jnp.float32),
        ],
    )(degp, x, batch2, smile3, wproj, bproj2, w)


def _post(acc2_ref, zt_ref, dinv_ref, bconv_ref, gsc_ref, bsh_ref):
    a = acc2_ref[...]
    pre = (a[0] + a[1] - zt_ref[...]) * dinv_ref[...] + bconv_ref[...]
    return jnp.maximum(pre, 0.0) * gsc_ref[...] + bsh_ref[...]


def _mid_body(acc2_ref, zt_ref, dinv_ref, batch_ref, smile_ref, wproj_ref,
              bproj_ref, w_ref, bconv_ref, gsc_ref, bsh_ref,
              ztn_ref):
    h = _post(acc2_ref, zt_ref, dinv_ref, bconv_ref, gsc_ref, bsh_ref)
    bias = _graph_bias(smile_ref, wproj_ref, bproj_ref, w_ref)
    z = _project(h, batch_ref, w_ref, bias)
    ztn_ref[...] = z * dinv_ref[...]


def _tc_mid(acc2, zt, dinv, batch2, smile3, wproj, bproj2, w, bconv,
            gsc, bsh):
    return pl.pallas_call(
        _mid_body,
        grid=(NRB,),
        in_specs=[
            pl.BlockSpec((NC, RB, D), lambda j: (0, j, 0)),
            pl.BlockSpec((RB, D), lambda j: (j, 0)),
            pl.BlockSpec((RB, 1), lambda j: (j, 0)),
            pl.BlockSpec((1, 1, RB), lambda j: (j, 0, 0)),
            pl.BlockSpec((G, 1, LD), lambda j: (0, 0, 0)),
            pl.BlockSpec((LD, NCL), lambda j: (0, 0)),
            pl.BlockSpec((1, NCL), lambda j: (0, 0)),
            pl.BlockSpec((D + NCL, D), lambda j: (0, 0)),
            pl.BlockSpec((1, D), lambda j: (0, 0)),
            pl.BlockSpec((1, D), lambda j: (0, 0)),
            pl.BlockSpec((1, D), lambda j: (0, 0)),
        ],
        out_specs=pl.BlockSpec((RB, D), lambda j: (j, 0)),
        out_shape=jax.ShapeDtypeStruct((N, D), jnp.float32),
    )(acc2, zt, dinv, batch2, smile3, wproj, bproj2, w, bconv,
      gsc, bsh)


def _final_body(acc2_ref, zt_ref, dinv_ref, batch_ref, bconv_ref, gsc_ref,
                bsh_ref, lin1_ref, b1_ref, lin2_ref, b2_ref, out_ref,
                sums_ref, cnts_ref):
    j = pl.program_id(0)
    h = _post(acc2_ref, zt_ref, dinv_ref, bconv_ref, gsc_ref, bsh_ref)
    oht = (batch_ref[...].reshape(1, RB) ==
           lax.broadcasted_iota(jnp.int32, (G, RB), 0)).astype(jnp.float32)
    contrib = lax.dot_general(oht, h, (((1,), (0,)), ((), ())),
                              preferred_element_type=jnp.float32)
    ccnt = lax.dot_general(oht, jnp.ones((RB, D), jnp.float32),
                           (((1,), (0,)), ((), ())),
                           preferred_element_type=jnp.float32)

    @pl.when(j == 0)
    def _():
        sums_ref[...] = contrib
        cnts_ref[...] = ccnt

    @pl.when(j > 0)
    def _():
        sums_ref[...] = sums_ref[...] + contrib
        cnts_ref[...] = cnts_ref[...] + ccnt

    @pl.when(j == NRB - 1)
    def _():
        pooled = sums_ref[...] / jnp.maximum(cnts_ref[...], 1.0)
        o = jnp.maximum(
            lax.dot_general(pooled, lin1_ref[...], (((1,), (0,)), ((), ())),
                            preferred_element_type=jnp.float32)
            + b1_ref[...], 0.0)
        out_ref[...] = lax.dot_general(o, lin2_ref[...],
                                       (((1,), (0,)), ((), ())),
                                       preferred_element_type=jnp.float32) \
            + b2_ref[...]


def _tc_final(acc2, zt, dinv, batch2, bconv, gsc, bsh, lin1, b1, lin2, b2):
    return pl.pallas_call(
        _final_body,
        grid=(NRB,),
        in_specs=[
            pl.BlockSpec((NC, RB, D), lambda j: (0, j, 0)),
            pl.BlockSpec((RB, D), lambda j: (j, 0)),
            pl.BlockSpec((RB, 1), lambda j: (j, 0)),
            pl.BlockSpec((1, 1, RB), lambda j: (j, 0, 0)),
            pl.BlockSpec((1, D), lambda j: (0, 0)),
            pl.BlockSpec((1, D), lambda j: (0, 0)),
            pl.BlockSpec((1, D), lambda j: (0, 0)),
            pl.BlockSpec((D, D), lambda j: (0, 0)),
            pl.BlockSpec((1, D), lambda j: (0, 0)),
            pl.BlockSpec((D, NCL), lambda j: (0, 0)),
            pl.BlockSpec((1, NCL), lambda j: (0, 0)),
        ],
        out_specs=pl.BlockSpec((G, NCL), lambda j: (0, 0)),
        out_shape=jax.ShapeDtypeStruct((G, NCL), jnp.float32),
        scratch_shapes=[
            pltpu.VMEM((G, D), jnp.float32),
            pltpu.VMEM((G, D), jnp.float32),
        ],
    )(acc2, zt, dinv, batch2, bconv, gsc, bsh, lin1, b1, lin2, b2)



def kernel(x, edge_index, batch_indice, smile_llm, params):
    ei32 = edge_index.astype(jnp.int32)
    e4 = ei32.reshape(2, NW, NCHUNK, CH)
    ef2 = ei32.reshape(2, NW, EP)
    batch2 = batch_indice.astype(jnp.int32).reshape(NRB, 1, RB)

    wproj = params['W_proj']
    bproj2 = params['b_proj'].reshape(1, NCL)
    lin2 = params['lin2_W']
    b2 = params['lin2_b'].reshape(1, NCL)
    b1 = params['lin1_b'].reshape(1, D)
    bn_scale = 1.0 / jnp.sqrt(jnp.float32(1.0 + EPS))

    degp = _deg_kernel(ef2)

    c0 = params['convs'][0]
    dinv, zt = _tc_scale(degp, x, batch2, smile_llm, wproj, bproj2, c0['W'])

    for i in range(1, 6):
        acc2 = _mp_kernel(zt, e4)
        ci = params['convs'][i]
        bni = params['bns'][i - 1]
        cprev = params['convs'][i - 1]
        zt = _tc_mid(acc2, zt, dinv, batch2, smile_llm, wproj, bproj2,
                     ci['W'], cprev['b'].reshape(1, D),
                     (bni['g'] * bn_scale).reshape(1, D),
                     bni['b'].reshape(1, D))

    acc2 = _mp_kernel(zt, e4)
    c5 = params['convs'][5]
    bn5 = params['bns'][5]
    return _tc_final(acc2, zt, dinv, batch2, c5['b'].reshape(1, D),
                     (bn5['g'] * bn_scale).reshape(1, D),
                     bn5['b'].reshape(1, D), params['lin1_W'], b1, lin2, b2)

# --- scband reference (transcript-rebuilt; emitter-appended) ---
"""Pipeline reference for scband-gcn-llm-12807592476696 (READ-ONLY COPY).

The authoritative reference and input builder live on the scoring server;
editing this copy changes nothing except your own understanding.
"""

import jax, jax.numpy as jnp
import numpy as np

N_NODES = 10000
N_EDGES = 320000
N_GRAPHS = 64
D_FEAT = 128
HIDDEN = 128
LLM_DIM = 768
N_CLASSES = 10
EPS = 1e-5


def setup_inputs(seed: int = 0):
    key = jax.random.key(seed)
    def k(i):
        return jax.random.fold_in(key, i)
    x = jax.random.normal(k(0), (N_NODES, D_FEAT), dtype=jnp.float32)
    edge_index = jax.random.randint(k(1), (2, N_EDGES), 0, N_NODES)
    batch_indice = jnp.sort(jax.random.randint(k(2), (N_NODES,), 0, N_GRAPHS))
    smile_llm = jax.random.normal(k(3), (N_GRAPHS, 1, LLM_DIM), dtype=jnp.float32)
    params = {}
    params['W_proj'] = jax.random.normal(k(4), (LLM_DIM, 10), dtype=jnp.float32) * 0.02
    params['b_proj'] = jnp.zeros((10,), jnp.float32)
    convs = []
    bns = []
    for i in range(6):
        fan_in = (D_FEAT if i == 0 else HIDDEN) + 10
        convs.append({
            'W': jax.random.normal(k(10 + i), (fan_in, HIDDEN), dtype=jnp.float32) * (1.0 / np.sqrt(fan_in)),
            'b': jnp.zeros((HIDDEN,), jnp.float32),
        })
        bns.append({'g': jnp.ones((HIDDEN,), jnp.float32), 'b': jnp.zeros((HIDDEN,), jnp.float32)})
    params['convs'] = convs
    params['bns'] = bns
    params['lin1_W'] = jax.random.normal(k(20), (HIDDEN, HIDDEN), dtype=jnp.float32) * (1.0 / np.sqrt(HIDDEN))
    params['lin1_b'] = jnp.zeros((HIDDEN,), jnp.float32)
    params['lin2_W'] = jax.random.normal(k(21), (HIDDEN, N_CLASSES), dtype=jnp.float32) * (1.0 / np.sqrt(HIDDEN))
    params['lin2_b'] = jnp.zeros((N_CLASSES,), jnp.float32)
    return {'x': x, 'edge_index': edge_index, 'batch_indice': batch_indice, 'smile_llm': smile_llm, 'params': params}


def _gcn_conv(h, src, dst, W, b, n):
    # PyG GCNConv: h' = D^{-1/2} (A + I) D^{-1/2} (h W) + b
    h = h @ W
    loop = jnp.arange(n, dtype=src.dtype)
    s2 = jnp.concatenate([src, loop])
    d2 = jnp.concatenate([dst, loop])
    deg = jnp.zeros((n,), h.dtype).at[d2].add(1.0)
    dinv = jnp.where(deg > 0, jax.lax.rsqrt(jnp.maximum(deg, 1.0)), 0.0)
    norm = dinv[s2] * dinv[d2]
    msg = h[s2] * norm[:, None]
    out = jnp.zeros_like(h).at[d2].add(msg)
    return out + b


def _bn_eval(h, g, b):
    # eval-mode BatchNorm1d with running_mean=0, running_var=1
    return h * (g / jnp.sqrt(1.0 + EPS)) + b


def reference(x, edge_index, batch_indice, smile_llm, params):
    n = x.shape[0]
    s = jax.nn.relu(smile_llm @ params['W_proj'] + params['b_proj'])
    # dropout p=0.3 is identity in eval mode
    s = jnp.squeeze(s, axis=1)
    rep = s[batch_indice]
    src, dst = edge_index[0], edge_index[1]
    h = x
    for i in range(6):
        h = jnp.concatenate([h, rep], axis=1)
        h = _gcn_conv(h, src, dst, params['convs'][i]['W'], params['convs'][i]['b'], n)
        h = jax.nn.relu(h)
        h = _bn_eval(h, params['bns'][i]['g'], params['bns'][i]['b'])
    sums = jax.ops.segment_sum(h, batch_indice, num_segments=N_GRAPHS)
    cnts = jax.ops.segment_sum(jnp.ones((n,), h.dtype), batch_indice, num_segments=N_GRAPHS)
    pooled = sums / jnp.maximum(cnts, 1.0)[:, None]
    out = jax.nn.relu(pooled @ params['lin1_W'] + params['lin1_b'])
    # dropout p=0.5 is identity in eval mode
    out = out @ params['lin2_W'] + params['lin2_b']
    return out

if __name__ == "__main__":
    import jax
    _d = setup_inputs()
    print(jax.jit(kernel)(*tuple(_d.values())))

</pallas_src>

<mosaic_0001>
#map = affine_map<(d0, d1) -> (0, 0)>
#map1 = affine_map<(d0, d1) -> (0, 0, 0, 0)>
#map2 = affine_map<(d0, d1) -> (0, 0, 0)>
module attributes {stable_mosaic.version = 14 : i64} {
  func.func @_mp_body(%arg0: i32, %arg1: i32, %arg2: memref<10000x128xf32, #tpu.memory_space<hbm>>, %arg3: memref<2x32x250x40xi32, #tpu.memory_space<hbm>>, %arg4: memref<2x10000x128xf32, #tpu.memory_space<hbm>>, %arg5: memref<250x40xi32, #tpu.memory_space<vmem>>, %arg6: memref<250x40xi32, #tpu.memory_space<vmem>>, %arg7: memref<40x128xf32, #tpu.memory_space<vmem>>, %arg8: memref<40x128xf32, #tpu.memory_space<vmem>>, %arg9: memref<40x128xf32, #tpu.memory_space<vmem>>, %arg10: memref<40x128xf32, #tpu.memory_space<vmem>>, %arg11: memref<40x128xf32, #tpu.memory_space<vmem>>, %arg12: memref<10000x128xf32, #tpu.memory_space<vmem_shared>>, %arg13: memref<!tpu.dma_semaphore, #tpu.memory_space<semaphore_mem>>, %arg14: memref<!tpu.dma_semaphore, #tpu.memory_space<semaphore_mem>>, %arg15: memref<!tpu.dma_semaphore, #tpu.memory_space<semaphore_mem>>, %arg16: memref<!tpu.dma_semaphore, #tpu.memory_space<semaphore_mem>>, %arg17: memref<!tpu.dma_semaphore, #tpu.memory_space<semaphore_mem>>, %arg18: memref<!tpu.dma_semaphore, #tpu.memory_space<semaphore_mem>>, %arg19: memref<!tpu.dma_semaphore, #tpu.memory_space<semaphore_mem>>, %arg20: memref<!tpu.dma_semaphore, #tpu.memory_space<semaphore_mem>>, %arg21: memref<!tpu.dma_semaphore, #tpu.memory_space<semaphore_mem>>, %arg22: memref<!tpu.dma_semaphore, #tpu.memory_space<semaphore_mem>>) attributes {dimension_semantics = [#tpu.dimension_semantics<core_parallel>, #tpu.dimension_semantics<subcore_parallel>], iteration_bounds = array<i64: 2, 16>, scalar_prefetch = 0 : i64, scratch_operands = 18 : i64, tpu.core_type = #tpu.core_type<sc_vector_subcore>, window_params = [{transform_indices = #map}, {transform_indices = #map1}, {transform_indices = #map2}]} {
    %mul3A = arith.constant 16 : i32
    %mul3A_0 = arith.muli %arg0, %mul3A : i32
    %add3A = arith.addi %mul3A_0, %arg1 : i32
    %dma_start3A = arith.constant 0 : i32
    %dma_start3A_1 = arith.constant 0 : i32
    %dma_start3A_2 = arith.constant 0 : i32
    %dma_start3A_3 = tpu.memref_slice %arg3[%dma_start3A, %add3A, %dma_start3A_1, %dma_start3A_2] : memref<2x32x250x40xi32, #tpu.memory_space<hbm>> -> memref<1x1x250x40xi32, #tpu.memory_space<hbm>>
    %dma_start3A_4 = tpu.memref_squeeze %dma_start3A_3 : memref<1x1x250x40xi32, #tpu.memory_space<hbm>> -> memref<250x40xi32, #tpu.memory_space<hbm>>
    %dma_start3A_5 = arith.constant 0 : i32
    %dma_start3A_6 = arith.constant 0 : i32
    %dma_start3A_7 = tpu.memref_slice %arg3[%dma_start3A, %add3A, %dma_start3A_5, %dma_start3A_6] : memref<2x32x250x40xi32, #tpu.memory_space<hbm>> -> memref<1x1x250x40xi32, #tpu.memory_space<hbm>>
    %dma_start3A_8 = tpu.memref_squeeze %dma_start3A_7 : memref<1x1x250x40xi32, #tpu.memory_space<hbm>> -> memref<250x40xi32, #tpu.memory_space<hbm>>
    tpu.enqueue_dma source(%dma_start3A_8 : memref<250x40xi32, #tpu.memory_space<hbm>>) target(%arg5 : memref<250x40xi32, #tpu.memory_space<vmem>>) target_semaphore(%arg13 : memref<!tpu.dma_semaphore, #tpu.memory_space<semaphore_mem>>)
    %dma_start3A_9 = arith.constant 1 : i32
    %dma_start3A_10 = arith.constant 0 : i32
    %dma_start3A_11 = arith.constant 0 : i32
    %dma_start3A_12 = tpu.memref_slice %arg3[%dma_start3A_9, %add3A, %dma_start3A_10, %dma_start3A_11] : memref<2x32x250x40xi32, #tpu.memory_space<hbm>> -> memref<1x1x250x40xi32, #tpu.memory_space<hbm>>
    %dma_start3A_13 = tpu.memref_squeeze %dma_start3A_12 : memref<1x1x250x40xi32, #tpu.memory_space<hbm>> -> memref<250x40xi32, #tpu.memory_space<hbm>>
    %dma_start3A_14 = arith.constant 0 : i32
    %dma_start3A_15 = arith.constant 0 : i32
    %dma_start3A_16 = tpu.memref_slice %arg3[%dma_start3A_9, %add3A, %dma_start3A_14, %dma_start3A_15] : memref<2x32x250x40xi32, #tpu.memory_space<hbm>> -> memref<1x1x250x40xi32, #tpu.memory_space<hbm>>
    %dma_start3A_17 = tpu.memref_squeeze %dma_start3A_16 : memref<1x1x250x40xi32, #tpu.memory_space<hbm>> -> memref<250x40xi32, #tpu.memory_space<hbm>>
    tpu.enqueue_dma source(%dma_start3A_17 : memref<250x40xi32, #tpu.memory_space<hbm>>) target(%arg6 : memref<250x40xi32, #tpu.memory_space<vmem>>) target_semaphore(%arg14 : memref<!tpu.dma_semaphore, #tpu.memory_space<semaphore_mem>>)
    %mul3A_18 = arith.constant 625 : i32
    %mul3A_19 = arith.muli %arg1, %mul3A_18 : i32
    %mul3A_20 = arith.constant 625 : i32
    %mul3A_21 = arith.muli %arg1, %mul3A_20 : i32
    %dma_start3A_22 = arith.constant 0 : i32
    %dma_start3A_23 = tpu.memref_slice %arg12[%mul3A_21, %dma_start3A_22] : memref<10000x128xf32, #tpu.memory_space<vmem_shared>> -> memref<625x128xf32, #tpu.memory_space<vmem_shared>>
    %dma_start3A_24 = arith.constant 0 : i32
    %dma_start3A_25 = tpu.memref_slice %arg2[%mul3A_19, %dma_start3A_24] : memref<10000x128xf32, #tpu.memory_space<hbm>> -> memref<625x128xf32, #tpu.memory_space<hbm>>
    tpu.enqueue_dma source(%dma_start3A_25 : memref<625x128xf32, #tpu.memory_space<hbm>>) target(%dma_start3A_23 : memref<625x128xf32, #tpu.memory_space<vmem_shared>>) target_semaphore(%arg15 : memref<!tpu.dma_semaphore, #tpu.memory_space<semaphore_mem>>)
    %dma_wait3A = arith.constant 0 : i32
    %dma_wait3A_26 = arith.constant 0 : i32
    %dma_wait3A_27 = arith.constant 0 : i32
    %dma_wait3A_28 = tpu.memref_slice %arg3[%dma_wait3A, %add3A, %dma_wait3A_26, %dma_wait3A_27] : memref<2x32x250x40xi32, #tpu.memory_space<hbm>> -> memref<1x1x250x40xi32, #tpu.memory_space<hbm>>
    %dma_wait3A_29 = tpu.memref_squeeze %dma_wait3A_28 : memref<1x1x250x40xi32, #tpu.memory_space<hbm>> -> memref<250x40xi32, #tpu.memory_space<hbm>>
    %dma_wait3A_30 = arith.constant 0 : i32
    %dma_wait3A_31 = arith.constant 0 : i32
    %dma_wait3A_32 = tpu.memref_slice %arg3[%dma_wait3A, %add3A, %dma_wait3A_30, %dma_wait3A_31] : memref<2x32x250x40xi32, #tpu.memory_space<hbm>> -> memref<1x1x250x40xi32, #tpu.memory_space<hbm>>
    %dma_wait3A_33 = tpu.memref_squeeze %dma_wait3A_32 : memref<1x1x250x40xi32, #tpu.memory_space<hbm>> -> memref<250x40xi32, #tpu.memory_space<hbm>>
    tpu.wait_dma2 semaphore(%arg13 : memref<!tpu.dma_semaphore, #tpu.memory_space<semaphore_mem>>) src(%dma_wait3A_33 : memref<250x40xi32, #tpu.memory_space<hbm>>) dst(%arg5 : memref<250x40xi32, #tpu.memory_space<vmem>>)
    %dma_wait3A_34 = arith.constant 1 : i32
    %dma_wait3A_35 = arith.constant 0 : i32
    %dma_wait3A_36 = arith.constant 0 : i32
    %dma_wait3A_37 = tpu.memref_slice %arg3[%dma_wait3A_34, %add3A, %dma_wait3A_35, %dma_wait3A_36] : memref<2x32x250x40xi32, #tpu.memory_space<hbm>> -> memref<1x1x250x40xi32, #tpu.memory_space<hbm>>
    %dma_wait3A_38 = tpu.memref_squeeze %dma_wait3A_37 : memref<1x1x250x40xi32, #tpu.memory_space<hbm>> -> memref<250x40xi32, #tpu.memory_space<hbm>>
    %dma_wait3A_39 = arith.constant 0 : i32
    %dma_wait3A_40 = arith.constant 0 : i32
    %dma_wait3A_41 = tpu.memref_slice %arg3[%dma_wait3A_34, %add3A, %dma_wait3A_39, %dma_wait3A_40] : memref<2x32x250x40xi32, #tpu.memory_space<hbm>> -> memref<1x1x250x40xi32, #tpu.memory_space<hbm>>
    %dma_wait3A_42 = tpu.memref_squeeze %dma_wait3A_41 : memref<1x1x250x40xi32, #tpu.memory_space<hbm>> -> memref<250x40xi32, #tpu.memory_space<hbm>>
    tpu.wait_dma2 semaphore(%arg14 : memref<!tpu.dma_semaphore, #tpu.memory_space<semaphore_mem>>) src(%dma_wait3A_42 : memref<250x40xi32, #tpu.memory_space<hbm>>) dst(%arg6 : memref<250x40xi32, #tpu.memory_space<vmem>>)
    %mul3A_43 = arith.constant 625 : i32
    %mul3A_44 = arith.muli %arg1, %mul3A_43 : i32
    %mul3A_45 = arith.constant 625 : i32
    %mul3A_46 = arith.muli %arg1, %mul3A_45 : i32
    %dma_wait3A_47 = arith.constant 0 : i32
    %dma_wait3A_48 = tpu.memref_slice %arg12[%mul3A_46, %dma_wait3A_47] : memref<10000x128xf32, #tpu.memory_space<vmem_shared>> -> memref<625x128xf32, #tpu.memory_space<vmem_shared>>
    %dma_wait3A_49 = arith.constant 0 : i32
    %dma_wait3A_50 = tpu.memref_slice %arg2[%mul3A_44, %dma_wait3A_49] : memref<10000x128xf32, #tpu.memory_space<hbm>> -> memref<625x128xf32, #tpu.memory_space<hbm>>
    tpu.wait_dma2 semaphore(%arg15 : memref<!tpu.dma_semaphore, #tpu.memory_space<semaphore_mem>>) src(%dma_wait3A_50 : memref<625x128xf32, #tpu.memory_space<hbm>>) dst(%dma_wait3A_48 : memref<625x128xf32, #tpu.memory_space<vmem_shared>>)
    %barrier3A = arith.constant 0 : index
    tpu.barrier barrier_id(%barrier3A)
    %dma_start3A_51 = arith.constant 0 : i32
    %dma_start3A_52 = arith.constant 0 : i32
    %dma_start3A_53 = tpu.memref_slice %arg5[%dma_start3A_51, %dma_start3A_52] : memref<250x40xi32, #tpu.memory_space<vmem>> -> memref<1x40xi32, #tpu.memory_space<vmem>>
    %dma_start3A_54 = tpu.memref_squeeze %dma_start3A_53 : memref<1x40xi32, #tpu.memory_space<vmem>> -> memref<40xi32, #tpu.memory_space<vmem>>
    %dma_start3A_55 = arith.constant 0 : i32
    %dma_start3A_56 = arith.constant 0 : i32
    %dma_start3A_57 = tpu.memref_slice %arg2[%dma_start3A_55, %dma_start3A_56] : memref<10000x128xf32, #tpu.memory_space<hbm>> -> memref<10000x128xf32, #tpu.memory_space<hbm>>
    tpu.enqueue_indirect_dma source(%dma_start3A_57 : memref<10000x128xf32, #tpu.memory_space<hbm>>) target(%arg7 : memref<40x128xf32, #tpu.memory_space<vmem>>) offsets(%dma_start3A_54 : memref<40xi32, #tpu.memory_space<vmem>>) semaphore(%arg13 : memref<!tpu.dma_semaphore, #tpu.memory_space<semaphore_mem>>)
    %dma_start3A_58 = arith.constant 1 : i32
    %dma_start3A_59 = arith.constant 0 : i32
    %dma_start3A_60 = tpu.memref_slice %arg5[%dma_start3A_58, %dma_start3A_59] : memref<250x40xi32, #tpu.memory_space<vmem>> -> memref<1x40xi32, #tpu.memory_space<vmem>>
    %dma_start3A_61 = tpu.memref_squeeze %dma_start3A_60 : memref<1x40xi32, #tpu.memory_space<vmem>> -> memref<40xi32, #tpu.memory_space<vmem>>
    %dma_start3A_62 = arith.constant 0 : i32
    %dma_start3A_63 = arith.constant 0 : i32
    %dma_start3A_64 = tpu.memref_slice %arg2[%dma_start3A_62, %dma_start3A_63] : memref<10000x128xf32, #tpu.memory_space<hbm>> -> memref<10000x128xf32, #tpu.memory_space<hbm>>
    tpu.enqueue_indirect_dma source(%dma_start3A_64 : memref<10000x128xf32, #tpu.memory_space<hbm>>) target(%arg8 : memref<40x128xf32, #tpu.memory_space<vmem>>) offsets(%dma_start3A_61 : memref<40xi32, #tpu.memory_space<vmem>>) semaphore(%arg14 : memref<!tpu.dma_semaphore, #tpu.memory_space<semaphore_mem>>)
    %dma_start3A_65 = arith.constant 2 : i32
    %dma_start3A_66 = arith.constant 0 : i32
    %dma_start3A_67 = tpu.memref_slice %arg5[%dma_start3A_65, %dma_start3A_66] : memref<250x40xi32, #tpu.memory_space<vmem>> -> memref<1x40xi32, #tpu.memory_space<vmem>>
    %dma_start3A_68 = tpu.memref_squeeze %dma_start3A_67 : memref<1x40xi32, #tpu.memory_space<vmem>> -> memref<40xi32, #tpu.memory_space<vmem>>
    %dma_start3A_69 = arith.constant 0 : i32
    %dma_start3A_70 = arith.constant 0 : i32
    %dma_start3A_71 = tpu.memref_slice %arg2[%dma_start3A_69, %dma_start3A_70] : memref<10000x128xf32, #tpu.memory_space<hbm>> -> memref<10000x128xf32, #tpu.memory_space<hbm>>
    tpu.enqueue_indirect_dma source(%dma_start3A_71 : memref<10000x128xf32, #tpu.memory_space<hbm>>) target(%arg9 : memref<40x128xf32, #tpu.memory_space<vmem>>) offsets(%dma_start3A_68 : memref<40xi32, #tpu.memory_space<vmem>>) semaphore(%arg15 : memref<!tpu.dma_semaphore, #tpu.memory_space<semaphore_mem>>)
    %dma_start3A_72 = arith.constant 3 : i32
    %dma_start3A_73 = arith.constant 0 : i32
    %dma_start3A_74 = tpu.memref_slice %arg5[%dma_start3A_72, %dma_start3A_73] : memref<250x40xi32, #tpu.memory_space<vmem>> -> memref<1x40xi32, #tpu.memory_space<vmem>>
    %dma_start3A_75 = tpu.memref_squeeze %dma_start3A_74 : memref<1x40xi32, #tpu.memory_space<vmem>> -> memref<40xi32, #tpu.memory_space<vmem>>
    %dma_start3A_76 = arith.constant 0 : i32
    %dma_start3A_77 = arith.constant 0 : i32
    %dma_start3A_78 = tpu.memref_slice %arg2[%dma_start3A_76, %dma_start3A_77] : memref<10000x128xf32, #tpu.memory_space<hbm>> -> memref<10000x128xf32, #tpu.memory_space<hbm>>
    tpu.enqueue_indirect_dma source(%dma_start3A_78 : memref<10000x128xf32, #tpu.memory_space<hbm>>) target(%arg10 : memref<40x128xf32, #tpu.memory_space<vmem>>) offsets(%dma_start3A_75 : memref<40xi32, #tpu.memory_space<vmem>>) semaphore(%arg16 : memref<!tpu.dma_semaphore, #tpu.memory_space<semaphore_mem>>)
    %dma_start3A_79 = arith.constant 4 : i32
    %dma_start3A_80 = arith.constant 0 : i32
    %dma_start3A_81 = tpu.memref_slice %arg5[%dma_start3A_79, %dma_start3A_80] : memref<250x40xi32, #tpu.memory_space<vmem>> -> memref<1x40xi32, #tpu.memory_space<vmem>>
    %dma_start3A_82 = tpu.memref_squeeze %dma_start3A_81 : memref<1x40xi32, #tpu.memory_space<vmem>> -> memref<40xi32, #tpu.memory_space<vmem>>
    %dma_start3A_83 = arith.constant 0 : i32
    %dma_start3A_84 = arith.constant 0 : i32
    %dma_start3A_85 = tpu.memref_slice %arg2[%dma_start3A_83, %dma_start3A_84] : memref<10000x128xf32, #tpu.memory_space<hbm>> -> memref<10000x128xf32, #tpu.memory_space<hbm>>
    tpu.enqueue_indirect_dma source(%dma_start3A_85 : memref<10000x128xf32, #tpu.memory_space<hbm>>) target(%arg11 : memref<40x128xf32, #tpu.memory_space<vmem>>) offsets(%dma_start3A_82 : memref<40xi32, #tpu.memory_space<vmem>>) semaphore(%arg17 : memref<!tpu.dma_semaphore, #tpu.memory_space<semaphore_mem>>)
    %scan3A = arith.constant 0 : i32
    %scan3A_86 = arith.constant 0 : i32
    %scan3A_87 = arith.constant 50 : i32
    %scan3A_88 = arith.addi %scan3A_86, %scan3A_87 : i32
    %scan3A_89 = arith.constant 1 : i32
    scf.for %scan3A_96 = %scan3A_86 to %scan3A_88 step %scan3A_89  : i32 {
      %mul3A_97 = arith.constant 5 : i32
      %mul3A_98 = arith.muli %scan3A_96, %mul3A_97 : i32
      %add3A_99 = arith.constant 0 : i32
      %add3A_100 = arith.addi %mul3A_98, %add3A_99 : i32
      %dma_wait3A_101 = arith.constant 0 : i32
      %dma_wait3A_102 = tpu.memref_slice %arg5[%add3A_100, %dma_wait3A_101] : memref<250x40xi32, #tpu.memory_space<vmem>> -> memref<1x40xi32, #tpu.memory_space<vmem>>
      %dma_wait3A_103 = tpu.memref_squeeze %dma_wait3A_102 : memref<1x40xi32, #tpu.memory_space<vmem>> -> memref<40xi32, #tpu.memory_space<vmem>>
      %dma_wait3A_104 = arith.constant 0 : i32
      %dma_wait3A_105 = arith.constant 0 : i32
      %dma_wait3A_106 = tpu.memref_slice %arg2[%dma_wait3A_104, %dma_wait3A_105] : memref<10000x128xf32, #tpu.memory_space<hbm>> -> memref<10000x128xf32, #tpu.memory_space<hbm>>
      tpu.wait_indirect_dma semaphore(%arg13 : memref<!tpu.dma_semaphore, #tpu.memory_space<semaphore_mem>>) src(%dma_wait3A_106 : memref<10000x128xf32, #tpu.memory_space<hbm>>) dst(%arg7 : memref<40x128xf32, #tpu.memory_space<vmem>>)
      %dma_start3A_107 = arith.constant 0 : i32
      %dma_start3A_108 = tpu.memref_slice %arg6[%add3A_100, %dma_start3A_107] : memref<250x40xi32, #tpu.memory_space<vmem>> -> memref<1x40xi32, #tpu.memory_space<vmem>>
      %dma_start3A_109 = tpu.memref_squeeze %dma_start3A_108 : memref<1x40xi32, #tpu.memory_space<vmem>> -> memref<40xi32, #tpu.memory_space<vmem>>
      %dma_start3A_110 = arith.constant 0 : i32
      %dma_start3A_111 = arith.constant 0 : i32
      %dma_start3A_112 = tpu.memref_slice %arg12[%dma_start3A_110, %dma_start3A_111] : memref<10000x128xf32, #tpu.memory_space<vmem_shared>> -> memref<10000x128xf32, #tpu.memory_space<vmem_shared>>
      tpu.enqueue_indirect_dma source(%arg7 : memref<40x128xf32, #tpu.memory_space<vmem>>) target(%dma_start3A_112 : memref<10000x128xf32, #tpu.memory_space<vmem_shared>>) offsets(%dma_start3A_109 : memref<40xi32, #tpu.memory_space<vmem>>) semaphore(%arg18 : memref<!tpu.dma_semaphore, #tpu.memory_space<semaphore_mem>>) {add = true}
      %mul3A_113 = arith.constant 5 : i32
      %mul3A_114 = arith.muli %scan3A_96, %mul3A_113 : i32
      %add3A_115 = arith.constant 1 : i32
      %add3A_116 = arith.addi %mul3A_114, %add3A_115 : i32
      %dma_wait3A_117 = arith.constant 0 : i32
      %dma_wait3A_118 = tpu.memref_slice %arg5[%add3A_116, %dma_wait3A_117] : memref<250x40xi32, #tpu.memory_space<vmem>> -> memref<1x40xi32, #tpu.memory_space<vmem>>
      %dma_wait3A_119 = tpu.memref_squeeze %dma_wait3A_118 : memref<1x40xi32, #tpu.memory_space<vmem>> -> memref<40xi32, #tpu.memory_space<vmem>>
      %dma_wait3A_120 = arith.constant 0 : i32
      %dma_wait3A_121 = arith.constant 0 : i32
      %dma_wait3A_122 = tpu.memref_slice %arg2[%dma_wait3A_120, %dma_wait3A_121] : memref<10000x128xf32, #tpu.memory_space<hbm>> -> memref<10000x128xf32, #tpu.memory_space<hbm>>
      tpu.wait_indirect_dma semaphore(%arg14 : memref<!tpu.dma_semaphore, #tpu.memory_space<semaphore_mem>>) src(%dma_wait3A_122 : memref<10000x128xf32, #tpu.memory_space<hbm>>) dst(%arg8 : memref<40x128xf32, #tpu.memory_space<vmem>>)
      %dma_start3A_123 = arith.constant 0 : i32
      %dma_start3A_124 = tpu.memref_slice %arg6[%add3A_116, %dma_start3A_123] : memref<250x40xi32, #tpu.memory_space<vmem>> -> memref<1x40xi32, #tpu.memory_space<vmem>>
      %dma_start3A_125 = tpu.memref_squeeze %dma_start3A_124 : memref<1x40xi32, #tpu.memory_space<vmem>> -> memref<40xi32, #tpu.memory_space<vmem>>
      %dma_start3A_126 = arith.constant 0 : i32
      %dma_start3A_127 = arith.constant 0 : i32
      %dma_start3A_128 = tpu.memref_slice %arg12[%dma_start3A_126, %dma_start3A_127] : memref<10000x128xf32, #tpu.memory_space<vmem_shared>> -> memref<10000x128xf32, #tpu.memory_space<vmem_shared>>
      tpu.enqueue_indirect_dma source(%arg8 : memref<40x128xf32, #tpu.memory_space<vmem>>) target(%dma_start3A_128 : memref<10000x128xf32, #tpu.memory_space<vmem_shared>>) offsets(%dma_start3A_125 : memref<40xi32, #tpu.memory_space<vmem>>) semaphore(%arg19 : memref<!tpu.dma_semaphore, #tpu.memory_space<semaphore_mem>>) {add = true}
      %mul3A_129 = arith.constant 5 : i32
      %mul3A_130 = arith.muli %scan3A_96, %mul3A_129 : i32
      %add3A_131 = arith.constant 2 : i32
      %add3A_132 = arith.addi %mul3A_130, %add3A_131 : i32
      %dma_wait3A_133 = arith.constant 0 : i32
      %dma_wait3A_134 = tpu.memref_slice %arg5[%add3A_132, %dma_wait3A_133] : memref<250x40xi32, #tpu.memory_space<vmem>> -> memref<1x40xi32, #tpu.memory_space<vmem>>
      %dma_wait3A_135 = tpu.memref_squeeze %dma_wait3A_134 : memref<1x40xi32, #tpu.memory_space<vmem>> -> memref<40xi32, #tpu.memory_space<vmem>>
      %dma_wait3A_136 = arith.constant 0 : i32
      %dma_wait3A_137 = arith.constant 0 : i32
      %dma_wait3A_138 = tpu.memref_slice %arg2[%dma_wait3A_136, %dma_wait3A_137] : memref<10000x128xf32, #tpu.memory_space<hbm>> -> memref<10000x128xf32, #tpu.memory_space<hbm>>
      tpu.wait_indirect_dma semaphore(%arg15 : memref<!tpu.dma_semaphore, #tpu.memory_space<semaphore_mem>>) src(%dma_wait3A_138 : memref<10000x128xf32, #tpu.memory_space<hbm>>) dst(%arg9 : memref<40x128xf32, #tpu.memory_space<vmem>>)
      %dma_start3A_139 = arith.constant 0 : i32
      %dma_start3A_140 = tpu.memref_slice %arg6[%add3A_132, %dma_start3A_139] : memref<250x40xi32, #tpu.memory_space<vmem>> -> memref<1x40xi32, #tpu.memory_space<vmem>>
      %dma_start3A_141 = tpu.memref_squeeze %dma_start3A_140 : memref<1x40xi32, #tpu.memory_space<vmem>> -> memref<40xi32, #tpu.memory_space<vmem>>
      %dma_start3A_142 = arith.constant 0 : i32
      %dma_start3A_143 = arith.constant 0 : i32
      %dma_start3A_144 = tpu.memref_slice %arg12[%dma_start3A_142, %dma_start3A_143] : memref<10000x128xf32, #tpu.memory_space<vmem_shared>> -> memref<10000x128xf32, #tpu.memory_space<vmem_shared>>
      tpu.enqueue_indirect_dma source(%arg9 : memref<40x128xf32, #tpu.memory_space<vmem>>) target(%dma_start3A_144 : memref<10000x128xf32, #tpu.memory_space<vmem_shared>>) offsets(%dma_start3A_141 : memref<40xi32, #tpu.memory_space<vmem>>) semaphore(%arg20 : memref<!tpu.dma_semaphore, #tpu.memory_space<semaphore_mem>>) {add = true}
      %mul3A_145 = arith.constant 5 : i32
      %mul3A_146 = arith.muli %scan3A_96, %mul3A_145 : i32
      %add3A_147 = arith.constant 3 : i32
      %add3A_148 = arith.addi %mul3A_146, %add3A_147 : i32
      %dma_wait3A_149 = arith.constant 0 : i32
      %dma_wait3A_150 = tpu.memref_slice %arg5[%add3A_148, %dma_wait3A_149] : memref<250x40xi32, #tpu.memory_space<vmem>> -> memref<1x40xi32, #tpu.memory_space<vmem>>
      %dma_wait3A_151 = tpu.memref_squeeze %dma_wait3A_150 : memref<1x40xi32, #tpu.memory_space<vmem>> -> memref<40xi32, #tpu.memory_space<vmem>>
      %dma_wait3A_152 = arith.constant 0 : i32
      %dma_wait3A_153 = arith.constant 0 : i32
      %dma_wait3A_154 = tpu.memref_slice %arg2[%dma_wait3A_152, %dma_wait3A_153] : memref<10000x128xf32, #tpu.memory_space<hbm>> -> memref<10000x128xf32, #tpu.memory_space<hbm>>
      tpu.wait_indirect_dma semaphore(%arg16 : memref<!tpu.dma_semaphore, #tpu.memory_space<semaphore_mem>>) src(%dma_wait3A_154 : memref<10000x128xf32, #tpu.memory_space<hbm>>) dst(%arg10 : memref<40x128xf32, #tpu.memory_space<vmem>>)
      %dma_start3A_155 = arith.constant 0 : i32
      %dma_start3A_156 = tpu.memref_slice %arg6[%add3A_148, %dma_start3A_155] : memref<250x40xi32, #tpu.memory_space<vmem>> -> memref<1x40xi32, #tpu.memory_space<vmem>>
      %dma_start3A_157 = tpu.memref_squeeze %dma_start3A_156 : memref<1x40xi32, #tpu.memory_space<vmem>> -> memref<40xi32, #tpu.memory_space<vmem>>
      %dma_start3A_158 = arith.constant 0 : i32
      %dma_start3A_159 = arith.constant 0 : i32
      %dma_start3A_160 = tpu.memref_slice %arg12[%dma_start3A_158, %dma_start3A_159] : memref<10000x128xf32, #tpu.memory_space<vmem_shared>> -> memref<10000x128xf32, #tpu.memory_space<vmem_shared>>
      tpu.enqueue_indirect_dma source(%arg10 : memref<40x128xf32, #tpu.memory_space<vmem>>) target(%dma_start3A_160 : memref<10000x128xf32, #tpu.memory_space<vmem_shared>>) offsets(%dma_start3A_157 : memref<40xi32, #tpu.memory_space<vmem>>) semaphore(%arg21 : memref<!tpu.dma_semaphore, #tpu.memory_space<semaphore_mem>>) {add = true}
      %mul3A_161 = arith.constant 5 : i32
      %mul3A_162 = arith.muli %scan3A_96, %mul3A_161 : i32
      %add3A_163 = arith.constant 4 : i32
      %add3A_164 = arith.addi %mul3A_162, %add3A_163 : i32
      %dma_wait3A_165 = arith.constant 0 : i32
      %dma_wait3A_166 = tpu.memref_slice %arg5[%add3A_164, %dma_wait3A_165] : memref<250x40xi32, #tpu.memory_space<vmem>> -> memref<1x40xi32, #tpu.memory_space<vmem>>
      %dma_wait3A_167 = tpu.memref_squeeze %dma_wait3A_166 : memref<1x40xi32, #tpu.memory_space<vmem>> -> memref<40xi32, #tpu.memory_space<vmem>>
      %dma_wait3A_168 = arith.constant 0 : i32
      %dma_wait3A_169 = arith.constant 0 : i32
      %dma_wait3A_170 = tpu.memref_slice %arg2[%dma_wait3A_168, %dma_wait3A_169] : memref<10000x128xf32, #tpu.memory_space<hbm>> -> memref<10000x128xf32, #tpu.memory_space<hbm>>
      tpu.wait_indirect_dma semaphore(%arg17 : memref<!tpu.dma_semaphore, #tpu.memory_space<semaphore_mem>>) src(%dma_wait3A_170 : memref<10000x128xf32, #tpu.memory_space<hbm>>) dst(%arg11 : memref<40x128xf32, #tpu.memory_space<vmem>>)
      %dma_start3A_171 = arith.constant 0 : i32
      %dma_start3A_172 = tpu.memref_slice %arg6[%add3A_164, %dma_start3A_171] : memref<250x40xi32, #tpu.memory_space<vmem>> -> memref<1x40xi32, #tpu.memory_space<vmem>>
      %dma_start3A_173 = tpu.memref_squeeze %dma_start3A_172 : memref<1x40xi32, #tpu.memory_space<vmem>> -> memref<40xi32, #tpu.memory_space<vmem>>
      %dma_start3A_174 = arith.constant 0 : i32
      %dma_start3A_175 = arith.constant 0 : i32
      %dma_start3A_176 = tpu.memref_slice %arg12[%dma_start3A_174, %dma_start3A_175] : memref<10000x128xf32, #tpu.memory_space<vmem_shared>> -> memref<10000x128xf32, #tpu.memory_space<vmem_shared>>
      tpu.enqueue_indirect_dma source(%arg11 : memref<40x128xf32, #tpu.memory_space<vmem>>) target(%dma_start3A_176 : memref<10000x128xf32, #tpu.memory_space<vmem_shared>>) offsets(%dma_start3A_173 : memref<40xi32, #tpu.memory_space<vmem>>) semaphore(%arg22 : memref<!tpu.dma_semaphore, #tpu.memory_space<semaphore_mem>>) {add = true}
      %mul3A_177 = arith.constant 5 : i32
      %mul3A_178 = arith.muli %scan3A_96, %mul3A_177 : i32
      %add3A_179 = arith.constant 0 : i32
      %add3A_180 = arith.addi %mul3A_178, %add3A_179 : i32
      %dma_wait3A_181 = arith.constant 0 : i32
      %dma_wait3A_182 = tpu.memref_slice %arg6[%add3A_180, %dma_wait3A_181] : memref<250x40xi32, #tpu.memory_space<vmem>> -> memref<1x40xi32, #tpu.memory_space<vmem>>
      %dma_wait3A_183 = tpu.memref_squeeze %dma_wait3A_182 : memref<1x40xi32, #tpu.memory_space<vmem>> -> memref<40xi32, #tpu.memory_space<vmem>>
      %dma_wait3A_184 = arith.constant 0 : i32
      %dma_wait3A_185 = arith.constant 0 : i32
      %dma_wait3A_186 = tpu.memref_slice %arg12[%dma_wait3A_184, %dma_wait3A_185] : memref<10000x128xf32, #tpu.memory_space<vmem_shared>> -> memref<10000x128xf32, #tpu.memory_space<vmem_shared>>
      tpu.wait_indirect_dma semaphore(%arg18 : memref<!tpu.dma_semaphore, #tpu.memory_space<semaphore_mem>>) src(%arg7 : memref<40x128xf32, #tpu.memory_space<vmem>>) dst(%dma_wait3A_186 : memref<10000x128xf32, #tpu.memory_space<vmem_shared>>)
      %lt3A = arith.constant 49 : i32
      %lt3A_187 = arith.cmpi slt, %scan3A_96, %lt3A : i32
      %convert_element_type3A = arith.extui %lt3A_187 : i1 to i32
      %cond3A = arith.constant 0 : i32
      %cond3A_188 = arith.cmpi ne, %convert_element_type3A, %cond3A : i32
      scf.if %cond3A_188 {
        %add3A_249 = arith.constant 5 : i32
        %add3A_250 = arith.addi %add3A_180, %add3A_249 : i32
        %dma_start3A_251 = arith.constant 0 : i32
        %dma_start3A_252 = tpu.memref_slice %arg5[%add3A_250, %dma_start3A_251] : memref<250x40xi32, #tpu.memory_space<vmem>> -> memref<1x40xi32, #tpu.memory_space<vmem>>
        %dma_start3A_253 = tpu.memref_squeeze %dma_start3A_252 : memref<1x40xi32, #tpu.memory_space<vmem>> -> memref<40xi32, #tpu.memory_space<vmem>>
        %dma_start3A_254 = arith.constant 0 : i32
        %dma_start3A_255 = arith.constant 0 : i32
        %dma_start3A_256 = tpu.memref_slice %arg2[%dma_start3A_254, %dma_start3A_255] : memref<10000x128xf32, #tpu.memory_space<hbm>> -> memref<10000x128xf32, #tpu.memory_space<hbm>>
        tpu.enqueue_indirect_dma source(%dma_start3A_256 : memref<10000x128xf32, #tpu.memory_space<hbm>>) target(%arg7 : memref<40x128xf32, #tpu.memory_space<vmem>>) offsets(%dma_start3A_253 : memref<40xi32, #tpu.memory_space<vmem>>) semaphore(%arg13 : memref<!tpu.dma_semaphore, #tpu.memory_space<semaphore_mem>>)
      } else {
      }
      %mul3A_189 = arith.constant 5 : i32
      %mul3A_190 = arith.muli %scan3A_96, %mul3A_189 : i32
      %add3A_191 = arith.constant 1 : i32
      %add3A_192 = arith.addi %mul3A_190, %add3A_191 : i32
      %dma_wait3A_193 = arith.constant 0 : i32
      %dma_wait3A_194 = tpu.memref_slice %arg6[%add3A_192, %dma_wait3A_193] : memref<250x40xi32, #tpu.memory_space<vmem>> -> memref<1x40xi32, #tpu.memory_space<vmem>>
      %dma_wait3A_195 = tpu.memref_squeeze %dma_wait3A_194 : memref<1x40xi32, #tpu.memory_space<vmem>> -> memref<40xi32, #tpu.memory_space<vmem>>
      %dma_wait3A_196 = arith.constant 0 : i32
      %dma_wait3A_197 = arith.constant 0 : i32
      %dma_wait3A_198 = tpu.memref_slice %arg12[%dma_wait3A_196, %dma_wait3A_197] : memref<10000x128xf32, #tpu.memory_space<vmem_shared>> -> memref<10000x128xf32, #tpu.memory_space<vmem_shared>>
      tpu.wait_indirect_dma semaphore(%arg19 : memref<!tpu.dma_semaphore, #tpu.memory_space<semaphore_mem>>) src(%arg8 : memref<40x128xf32, #tpu.memory_space<vmem>>) dst(%dma_wait3A_198 : memref<10000x128xf32, #tpu.memory_space<vmem_shared>>)
      %lt3A_199 = arith.constant 49 : i32
      %lt3A_200 = arith.cmpi slt, %scan3A_96, %lt3A_199 : i32
      %convert_element_type3A_201 = arith.extui %lt3A_200 : i1 to i32
      %cond3A_202 = arith.constant 0 : i32
      %cond3A_203 = arith.cmpi ne, %convert_element_type3A_201, %cond3A_202 : i32
      scf.if %cond3A_203 {
        %add3A_249 = arith.constant 5 : i32
        %add3A_250 = arith.addi %add3A_192, %add3A_249 : i32
        %dma_start3A_251 = arith.constant 0 : i32
        %dma_start3A_252 = tpu.memref_slice %arg5[%add3A_250, %dma_start3A_251] : memref<250x40xi32, #tpu.memory_space<vmem>> -> memref<1x40xi32, #tpu.memory_space<vmem>>
        %dma_start3A_253 = tpu.memref_squeeze %dma_start3A_252 : memref<1x40xi32, #tpu.memory_space<vmem>> -> memref<40xi32, #tpu.memory_space<vmem>>
        %dma_start3A_254 = arith.constant 0 : i32
        %dma_start3A_255 = arith.constant 0 : i32
        %dma_start3A_256 = tpu.memref_slice %arg2[%dma_start3A_254, %dma_start3A_255] : memref<10000x128xf32, #tpu.memory_space<hbm>> -> memref<10000x128xf32, #tpu.memory_space<hbm>>
        tpu.enqueue_indirect_dma source(%dma_start3A_256 : memref<10000x128xf32, #tpu.memory_space<hbm>>) target(%arg8 : memref<40x128xf32, #tpu.memory_space<vmem>>) offsets(%dma_start3A_253 : memref<40xi32, #tpu.memory_space<vmem>>) semaphore(%arg14 : memref<!tpu.dma_semaphore, #tpu.memory_space<semaphore_mem>>)
      } else {
      }
      %mul3A_204 = arith.constant 5 : i32
      %mul3A_205 = arith.muli %scan3A_96, %mul3A_204 : i32
      %add3A_206 = arith.constant 2 : i32
      %add3A_207 = arith.addi %mul3A_205, %add3A_206 : i32
      %dma_wait3A_208 = arith.constant 0 : i32
      %dma_wait3A_209 = tpu.memref_slice %arg6[%add3A_207, %dma_wait3A_208] : memref<250x40xi32, #tpu.memory_space<vmem>> -> memref<1x40xi32, #tpu.memory_space<vmem>>
      %dma_wait3A_210 = tpu.memref_squeeze %dma_wait3A_209 : memref<1x40xi32, #tpu.memory_space<vmem>> -> memref<40xi32, #tpu.memory_space<vmem>>
      %dma_wait3A_211 = arith.constant 0 : i32
      %dma_wait3A_212 = arith.constant 0 : i32
      %dma_wait3A_213 = tpu.memref_slice %arg12[%dma_wait3A_211, %dma_wait3A_212] : memref<10000x128xf32, #tpu.memory_space<vmem_shared>> -> memref<10000x128xf32, #tpu.memory_space<vmem_shared>>
      tpu.wait_indirect_dma semaphore(%arg20 : memref<!tpu.dma_semaphore, #tpu.memory_space<semaphore_mem>>) src(%arg9 : memref<40x128xf32, #tpu.memory_space<vmem>>) dst(%dma_wait3A_213 : memref<10000x128xf32, #tpu.memory_space<vmem_shared>>)
      %lt3A_214 = arith.constant 49 : i32
      %lt3A_215 = arith.cmpi slt, %scan3A_96, %lt3A_214 : i32
      %convert_element_type3A_216 = arith.extui %lt3A_215 : i1 to i32
      %cond3A_217 = arith.constant 0 : i32
      %cond3A_218 = arith.cmpi ne, %convert_element_type3A_216, %cond3A_217 : i32
      scf.if %cond3A_218 {
        %add3A_249 = arith.constant 5 : i32
        %add3A_250 = arith.addi %add3A_207, %add3A_249 : i32
        %dma_start3A_251 = arith.constant 0 : i32
        %dma_start3A_252 = tpu.memref_slice %arg5[%add3A_250, %dma_start3A_251] : memref<250x40xi32, #tpu.memory_space<vmem>> -> memref<1x40xi32, #tpu.memory_space<vmem>>
        %dma_start3A_253 = tpu.memref_squeeze %dma_start3A_252 : memref<1x40xi32, #tpu.memory_space<vmem>> -> memref<40xi32, #tpu.memory_space<vmem>>
        %dma_start3A_254 = arith.constant 0 : i32
        %dma_start3A_255 = arith.constant 0 : i32
        %dma_start3A_256 = tpu.memref_slice %arg2[%dma_start3A_254, %dma_start3A_255] : memref<10000x128xf32, #tpu.memory_space<hbm>> -> memref<10000x128xf32, #tpu.memory_space<hbm>>
        tpu.enqueue_indirect_dma source(%dma_start3A_256 : memref<10000x128xf32, #tpu.memory_space<hbm>>) target(%arg9 : memref<40x128xf32, #tpu.memory_space<vmem>>) offsets(%dma_start3A_253 : memref<40xi32, #tpu.memory_space<vmem>>) semaphore(%arg15 : memref<!tpu.dma_semaphore, #tpu.memory_space<semaphore_mem>>)
      } else {
      }
      %mul3A_219 = arith.constant 5 : i32
      %mul3A_220 = arith.muli %scan3A_96, %mul3A_219 : i32
      %add3A_221 = arith.constant 3 : i32
      %add3A_222 = arith.addi %mul3A_220, %add3A_221 : i32
      %dma_wait3A_223 = arith.constant 0 : i32
      %dma_wait3A_224 = tpu.memref_slice %arg6[%add3A_222, %dma_wait3A_223] : memref<250x40xi32, #tpu.memory_space<vmem>> -> memref<1x40xi32, #tpu.memory_space<vmem>>
      %dma_wait3A_225 = tpu.memref_squeeze %dma_wait3A_224 : memref<1x40xi32, #tpu.memory_space<vmem>> -> memref<40xi32, #tpu.memory_space<vmem>>
      %dma_wait3A_226 = arith.constant 0 : i32
      %dma_wait3A_227 = arith.constant 0 : i32
      %dma_wait3A_228 = tpu.memref_slice %arg12[%dma_wait3A_226, %dma_wait3A_227] : memref<10000x128xf32, #tpu.memory_space<vmem_shared>> -> memref<10000x128xf32, #tpu.memory_space<vmem_shared>>
      tpu.wait_indirect_dma semaphore(%arg21 : memref<!tpu.dma_semaphore, #tpu.memory_space<semaphore_mem>>) src(%arg10 : memref<40x128xf32, #tpu.memory_space<vmem>>) dst(%dma_wait3A_228 : memref<10000x128xf32, #tpu.memory_space<vmem_shared>>)
      %lt3A_229 = arith.constant 49 : i32
      %lt3A_230 = arith.cmpi slt, %scan3A_96, %lt3A_229 : i32
      %convert_element_type3A_231 = arith.extui %lt3A_230 : i1 to i32
      %cond3A_232 = arith.constant 0 : i32
      %cond3A_233 = arith.cmpi ne, %convert_element_type3A_231, %cond3A_232 : i32
      scf.if %cond3A_233 {
        %add3A_249 = arith.constant 5 : i32
        %add3A_250 = arith.addi %add3A_222, %add3A_249 : i32
        %dma_start3A_251 = arith.constant 0 : i32
        %dma_start3A_252 = tpu.memref_slice %arg5[%add3A_250, %dma_start3A_251] : memref<250x40xi32, #tpu.memory_space<vmem>> -> memref<1x40xi32, #tpu.memory_space<vmem>>
        %dma_start3A_253 = tpu.memref_squeeze %dma_start3A_252 : memref<1x40xi32, #tpu.memory_space<vmem>> -> memref<40xi32, #tpu.memory_space<vmem>>
        %dma_start3A_254 = arith.constant 0 : i32
        %dma_start3A_255 = arith.constant 0 : i32
        %dma_start3A_256 = tpu.memref_slice %arg2[%dma_start3A_254, %dma_start3A_255] : memref<10000x128xf32, #tpu.memory_space<hbm>> -> memref<10000x128xf32, #tpu.memory_space<hbm>>
        tpu.enqueue_indirect_dma source(%dma_start3A_256 : memref<10000x128xf32, #tpu.memory_space<hbm>>) target(%arg10 : memref<40x128xf32, #tpu.memory_space<vmem>>) offsets(%dma_start3A_253 : memref<40xi32, #tpu.memory_space<vmem>>) semaphore(%arg16 : memref<!tpu.dma_semaphore, #tpu.memory_space<semaphore_mem>>)
      } else {
      }
      %mul3A_234 = arith.constant 5 : i32
      %mul3A_235 = arith.muli %scan3A_96, %mul3A_234 : i32
      %add3A_236 = arith.constant 4 : i32
      %add3A_237 = arith.addi %mul3A_235, %add3A_236 : i32
      %dma_wait3A_238 = arith.constant 0 : i32
      %dma_wait3A_239 = tpu.memref_slice %arg6[%add3A_237, %dma_wait3A_238] : memref<250x40xi32, #tpu.memory_space<vmem>> -> memref<1x40xi32, #tpu.memory_space<vmem>>
      %dma_wait3A_240 = tpu.memref_squeeze %dma_wait3A_239 : memref<1x40xi32, #tpu.memory_space<vmem>> -> memref<40xi32, #tpu.memory_space<vmem>>
      %dma_wait3A_241 = arith.constant 0 : i32
      %dma_wait3A_242 = arith.constant 0 : i32
      %dma_wait3A_243 = tpu.memref_slice %arg12[%dma_wait3A_241, %dma_wait3A_242] : memref<10000x128xf32, #tpu.memory_space<vmem_shared>> -> memref<10000x128xf32, #tpu.memory_space<vmem_shared>>
      tpu.wait_indirect_dma semaphore(%arg22 : memref<!tpu.dma_semaphore, #tpu.memory_space<semaphore_mem>>) src(%arg11 : memref<40x128xf32, #tpu.memory_space<vmem>>) dst(%dma_wait3A_243 : memref<10000x128xf32, #tpu.memory_space<vmem_shared>>)
      %lt3A_244 = arith.constant 49 : i32
      %lt3A_245 = arith.cmpi slt, %scan3A_96, %lt3A_244 : i32
      %convert_element_type3A_246 = arith.extui %lt3A_245 : i1 to i32
      %cond3A_247 = arith.constant 0 : i32
      %cond3A_248 = arith.cmpi ne, %convert_element_type3A_246, %cond3A_247 : i32
      scf.if %cond3A_248 {
        %add3A_249 = arith.constant 5 : i32
        %add3A_250 = arith.addi %add3A_237, %add3A_249 : i32
        %dma_start3A_251 = arith.constant 0 : i32
        %dma_start3A_252 = tpu.memref_slice %arg5[%add3A_250, %dma_start3A_251] : memref<250x40xi32, #tpu.memory_space<vmem>> -> memref<1x40xi32, #tpu.memory_space<vmem>>
        %dma_start3A_253 = tpu.memref_squeeze %dma_start3A_252 : memref<1x40xi32, #tpu.memory_space<vmem>> -> memref<40xi32, #tpu.memory_space<vmem>>
        %dma_start3A_254 = arith.constant 0 : i32
        %dma_start3A_255 = arith.constant 0 : i32
        %dma_start3A_256 = tpu.memref_slice %arg2[%dma_start3A_254, %dma_start3A_255] : memref<10000x128xf32, #tpu.memory_space<hbm>> -> memref<10000x128xf32, #tpu.memory_space<hbm>>
        tpu.enqueue_indirect_dma source(%dma_start3A_256 : memref<10000x128xf32, #tpu.memory_space<hbm>>) target(%arg11 : memref<40x128xf32, #tpu.memory_space<vmem>>) offsets(%dma_start3A_253 : memref<40xi32, #tpu.memory_space<vmem>>) semaphore(%arg17 : memref<!tpu.dma_semaphore, #tpu.memory_space<semaphore_mem>>)
      } else {
      }
    }
    %scan3A_90 = arith.constant 50 : i32
    %barrier3A_91 = arith.constant 0 : index
    tpu.barrier barrier_id(%barrier3A_91)
    %mul3A_92 = arith.constant 625 : i32
    %mul3A_93 = arith.muli %arg1, %mul3A_92 : i32
    %mul3A_94 = arith.constant 625 : i32
    %mul3A_95 = arith.muli %arg1, %mul3A_94 : i32
    "tpu.region"() ({
      %run_scoped3A = tpu.sem_alloc : memref<!tpu.dma_semaphore, #tpu.memory_space<semaphore_mem>>
      %dma_start3A_96 = arith.constant 0 : i32
      %dma_start3A_97 = tpu.memref_slice %arg4[%arg0, %mul3A_95, %dma_start3A_96] : memref<2x10000x128xf32, #tpu.memory_space<hbm>> -> memref<1x625x128xf32, #tpu.memory_space<hbm>>
      %dma_start3A_98 = tpu.memref_squeeze %dma_start3A_97 : memref<1x625x128xf32, #tpu.memory_space<hbm>> -> memref<625x128xf32, #tpu.memory_space<hbm>>
      %dma_start3A_99 = arith.constant 0 : i32
      %dma_start3A_100 = tpu.memref_slice %arg12[%mul3A_93, %dma_start3A_99] : memref<10000x128xf32, #tpu.memory_space<vmem_shared>> -> memref<625x128xf32, #tpu.memory_space<vmem_shared>>
      tpu.enqueue_dma source(%dma_start3A_100 : memref<625x128xf32, #tpu.memory_space<vmem_shared>>) target(%dma_start3A_98 : memref<625x128xf32, #tpu.memory_space<hbm>>) target_semaphore(%run_scoped3A : memref<!tpu.dma_semaphore, #tpu.memory_space<semaphore_mem>>)
      %dma_wait3A_101 = arith.constant 0 : i32
      %dma_wait3A_102 = tpu.memref_slice %arg4[%arg0, %mul3A_95, %dma_wait3A_101] : memref<2x10000x128xf32, #tpu.memory_space<hbm>> -> memref<1x625x128xf32, #tpu.memory_space<hbm>>
      %dma_wait3A_103 = tpu.memref_squeeze %dma_wait3A_102 : memref<1x625x128xf32, #tpu.memory_space<hbm>> -> memref<625x128xf32, #tpu.memory_space<hbm>>
      %dma_wait3A_104 = arith.constant 0 : i32
      %dma_wait3A_105 = tpu.memref_slice %arg12[%mul3A_93, %dma_wait3A_104] : memref<10000x128xf32, #tpu.memory_space<vmem_shared>> -> memref<625x128xf32, #tpu.memory_space<vmem_shared>>
      tpu.wait_dma2 semaphore(%run_scoped3A : memref<!tpu.dma_semaphore, #tpu.memory_space<semaphore_mem>>) src(%dma_wait3A_105 : memref<625x128xf32, #tpu.memory_space<vmem_shared>>) dst(%dma_wait3A_103 : memref<625x128xf32, #tpu.memory_space<hbm>>)
      tpu.yield
    }) : () -> ()
    return
  }
}

#map = affine_map<(d0, d1) -> (0, 0)>
#map1 = affine_map<(d0, d1) -> (0, 0, 0, 0)>
#map2 = affine_map<(d0, d1) -> (0, 0, 0)>
module attributes {stable_mosaic.version = 14 : i64} {
  func.func @_mp_body(%arg0: i32, %arg1: i32, %arg2: memref<10000x128xf32, #tpu.memory_space<hbm>>, %arg3: memref<2x32x250x40xi32, #tpu.memory_space<hbm>>, %arg4: memref<2x10000x128xf32, #tpu.memory_space<hbm>>, %arg5: memref<250x40xi32, #tpu.memory_space<vmem>>, %arg6: memref<250x40xi32, #tpu.memory_space<vmem>>, %arg7: memref<40x128xf32, #tpu.memory_space<vmem>>, %arg8: memref<40x128xf32, #tpu.memory_space<vmem>>, %arg9: memref<40x128xf32, #tpu.memory_space<vmem>>, %arg10: memref<40x128xf32, #tpu.memory_space<vmem>>, %arg11: memref<40x128xf32, #tpu.memory_space<vmem>>, %arg12: memref<10000x128xf32, #tpu.memory_space<vmem_shared>>, %arg13: memref<!tpu.dma_semaphore, #tpu.memory_space<semaphore_mem>>, %arg14: memref<!tpu.dma_semaphore, #tpu.memory_space<semaphore_mem>>, %arg15: memref<!tpu.dma_semaphore, #tpu.memory_space<semaphore_mem>>, %arg16: memref<!tpu.dma_semaphore, #tpu.memory_space<semaphore_mem>>, %arg17: memref<!tpu.dma_semaphore, #tpu.memory_space<semaphore_mem>>, %arg18: memref<!tpu.dma_semaphore, #tpu.memory_space<semaphore_mem>>, %arg19: memref<!tpu.dma_semaphore, #tpu.memory_space<semaphore_mem>>, %arg20: memref<!tpu.dma_semaphore, #tpu.memory_space<semaphore_mem>>, %arg21: memref<!tpu.dma_semaphore, #tpu.memory_space<semaphore_mem>>, %arg22: memref<!tpu.dma_semaphore, #tpu.memory_space<semaphore_mem>>) attributes {dimension_semantics = [#tpu.dimension_semantics<core_parallel>, #tpu.dimension_semantics<subcore_parallel>], iteration_bounds = array<i64: 2, 16>, scalar_prefetch = 0 : i64, scratch_operands = 18 : i64, tpu.core_type = #tpu.core_type<sc_vector_subcore>, window_params = [{transform_indices = #map}, {transform_indices = #map1}, {transform_indices = #map2}]} {
    %mul3A = arith.constant 16 : i32
    %mul3A_0 = arith.muli %arg0, %mul3A : i32
    %add3A = arith.addi %mul3A_0, %arg1 : i32
    %dma_start3A = arith.constant 0 : i32
    %dma_start3A_1 = arith.constant 0 : i32
    %dma_start3A_2 = arith.constant 0 : i32
    %dma_start3A_3 = tpu.memref_slice %arg3[%dma_start3A, %add3A, %dma_start3A_1, %dma_start3A_2] : memref<2x32x250x40xi32, #tpu.memory_space<hbm>> -> memref<1x1x250x40xi32, #tpu.memory_space<hbm>>
    %dma_start3A_4 = tpu.memref_squeeze %dma_start3A_3 : memref<1x1x250x40xi32, #tpu.memory_space<hbm>> -> memref<250x40xi32, #tpu.memory_space<hbm>>
    %dma_start3A_5 = arith.constant 0 : i32
    %dma_start3A_6 = arith.constant 0 : i32
    %dma_start3A_7 = tpu.memref_slice %arg3[%dma_start3A, %add3A, %dma_start3A_5, %dma_start3A_6] : memref<2x32x250x40xi32, #tpu.memory_space<hbm>> -> memref<1x1x250x40xi32, #tpu.memory_space<hbm>>
    %dma_start3A_8 = tpu.memref_squeeze %dma_start3A_7 : memref<1x1x250x40xi32, #tpu.memory_space<hbm>> -> memref<250x40xi32, #tpu.memory_space<hbm>>
    tpu.enqueue_dma source(%dma_start3A_8 : memref<250x40xi32, #tpu.memory_space<hbm>>) target(%arg5 : memref<250x40xi32, #tpu.memory_space<vmem>>) target_semaphore(%arg13 : memref<!tpu.dma_semaphore, #tpu.memory_space<semaphore_mem>>)
    %dma_start3A_9 = arith.constant 1 : i32
    %dma_start3A_10 = arith.constant 0 : i32
    %dma_start3A_11 = arith.constant 0 : i32
    %dma_start3A_12 = tpu.memref_slice %arg3[%dma_start3A_9, %add3A, %dma_start3A_10, %dma_start3A_11] : memref<2x32x250x40xi32, #tpu.memory_space<hbm>> -> memref<1x1x250x40xi32, #tpu.memory_space<hbm>>
    %dma_start3A_13 = tpu.memref_squeeze %dma_start3A_12 : memref<1x1x250x40xi32, #tpu.memory_space<hbm>> -> memref<250x40xi32, #tpu.memory_space<hbm>>
    %dma_start3A_14 = arith.constant 0 : i32
    %dma_start3A_15 = arith.constant 0 : i32
    %dma_start3A_16 = tpu.memref_slice %arg3[%dma_start3A_9, %add3A, %dma_start3A_14, %dma_start3A_15] : memref<2x32x250x40xi32, #tpu.memory_space<hbm>> -> memref<1x1x250x40xi32, #tpu.memory_space<hbm>>
    %dma_start3A_17 = tpu.memref_squeeze %dma_start3A_16 : memref<1x1x250x40xi32, #tpu.memory_space<hbm>> -> memref<250x40xi32, #tpu.memory_space<hbm>>
    tpu.enqueue_dma source(%dma_start3A_17 : memref<250x40xi32, #tpu.memory_space<hbm>>) target(%arg6 : memref<250x40xi32, #tpu.memory_space<vmem>>) target_semaphore(%arg14 : memref<!tpu.dma_semaphore, #tpu.memory_space<semaphore_mem>>)
    %mul3A_18 = arith.constant 625 : i32
    %mul3A_19 = arith.muli %arg1, %mul3A_18 : i32
    %mul3A_20 = arith.constant 625 : i32
    %mul3A_21 = arith.muli %arg1, %mul3A_20 : i32
    %dma_start3A_22 = arith.constant 0 : i32
    %dma_start3A_23 = tpu.memref_slice %arg12[%mul3A_21, %dma_start3A_22] : memref<10000x128xf32, #tpu.memory_space<vmem_shared>> -> memref<625x128xf32, #tpu.memory_space<vmem_shared>>
    %dma_start3A_24 = arith.constant 0 : i32
    %dma_start3A_25 = tpu.memref_slice %arg2[%mul3A_19, %dma_start3A_24] : memref<10000x128xf32, #tpu.memory_space<hbm>> -> memref<625x128xf32, #tpu.memory_space<hbm>>
    tpu.enqueue_dma source(%dma_start3A_25 : memref<625x128xf32, #tpu.memory_space<hbm>>) target(%dma_start3A_23 : memref<625x128xf32, #tpu.memory_space<vmem_shared>>) target_semaphore(%arg15 : memref<!tpu.dma_semaphore, #tpu.memory_space<semaphore_mem>>)
    %dma_wait3A = arith.constant 0 : i32
    %dma_wait3A_26 = arith.constant 0 : i32
    %dma_wait3A_27 = arith.constant 0 : i32
    %dma_wait3A_28 = tpu.memref_slice %arg3[%dma_wait3A, %add3A, %dma_wait3A_26, %dma_wait3A_27] : memref<2x32x250x40xi32, #tpu.memory_space<hbm>> -> memref<1x1x250x40xi32, #tpu.memory_space<hbm>>
    %dma_wait3A_29 = tpu.memref_squeeze %dma_wait3A_28 : memref<1x1x250x40xi32, #tpu.memory_space<hbm>> -> memref<250x40xi32, #tpu.memory_space<hbm>>
    %dma_wait3A_30 = arith.constant 0 : i32
    %dma_wait3A_31 = arith.constant 0 : i32
    %dma_wait3A_32 = tpu.memref_slice %arg3[%dma_wait3A, %add3A, %dma_wait3A_30, %dma_wait3A_31] : memref<2x32x250x40xi32, #tpu.memory_space<hbm>> -> memref<1x1x250x40xi32, #tpu.memory_space<hbm>>
    %dma_wait3A_33 = tpu.memref_squeeze %dma_wait3A_32 : memref<1x1x250x40xi32, #tpu.memory_space<hbm>> -> memref<250x40xi32, #tpu.memory_space<hbm>>
    tpu.wait_dma2 semaphore(%arg13 : memref<!tpu.dma_semaphore, #tpu.memory_space<semaphore_mem>>) src(%dma_wait3A_33 : memref<250x40xi32, #tpu.memory_space<hbm>>) dst(%arg5 : memref<250x40xi32, #tpu.memory_space<vmem>>)
    %dma_wait3A_34 = arith.constant 1 : i32
    %dma_wait3A_35 = arith.constant 0 : i32
    %dma_wait3A_36 = arith.constant 0 : i32
    %dma_wait3A_37 = tpu.memref_slice %arg3[%dma_wait3A_34, %add3A, %dma_wait3A_35, %dma_wait3A_36] : memref<2x32x250x40xi32, #tpu.memory_space<hbm>> -> memref<1x1x250x40xi32, #tpu.memory_space<hbm>>
    %dma_wait3A_38 = tpu.memref_squeeze %dma_wait3A_37 : memref<1x1x250x40xi32, #tpu.memory_space<hbm>> -> memref<250x40xi32, #tpu.memory_space<hbm>>
    %dma_wait3A_39 = arith.constant 0 : i32
    %dma_wait3A_40 = arith.constant 0 : i32
    %dma_wait3A_41 = tpu.memref_slice %arg3[%dma_wait3A_34, %add3A, %dma_wait3A_39, %dma_wait3A_40] : memref<2x32x250x40xi32, #tpu.memory_space<hbm>> -> memref<1x1x250x40xi32, #tpu.memory_space<hbm>>
    %dma_wait3A_42 = tpu.memref_squeeze %dma_wait3A_41 : memref<1x1x250x40xi32, #tpu.memory_space<hbm>> -> memref<250x40xi32, #tpu.memory_space<hbm>>
    tpu.wait_dma2 semaphore(%arg14 : memref<!tpu.dma_semaphore, #tpu.memory_space<semaphore_mem>>) src(%dma_wait3A_42 : memref<250x40xi32, #tpu.memory_space<hbm>>) dst(%arg6 : memref<250x40xi32, #tpu.memory_space<vmem>>)
    %mul3A_43 = arith.constant 625 : i32
    %mul3A_44 = arith.muli %arg1, %mul3A_43 : i32
    %mul3A_45 = arith.constant 625 : i32
    %mul3A_46 = arith.muli %arg1, %mul3A_45 : i32
    %dma_wait3A_47 = arith.constant 0 : i32
    %dma_wait3A_48 = tpu.memref_slice %arg12[%mul3A_46, %dma_wait3A_47] : memref<10000x128xf32, #tpu.memory_space<vmem_shared>> -> memref<625x128xf32, #tpu.memory_space<vmem_shared>>
    %dma_wait3A_49 = arith.constant 0 : i32
    %dma_wait3A_50 = tpu.memref_slice %arg2[%mul3A_44, %dma_wait3A_49] : memref<10000x128xf32, #tpu.memory_space<hbm>> -> memref<625x128xf32, #tpu.memory_space<hbm>>
    tpu.wait_dma2 semaphore(%arg15 : memref<!tpu.dma_semaphore, #tpu.memory_space<semaphore_mem>>) src(%dma_wait3A_50 : memref<625x128xf32, #tpu.memory_space<hbm>>) dst(%dma_wait3A_48 : memref<625x128xf32, #tpu.memory_space<vmem_shared>>)
    %barrier3A = arith.constant 0 : index
    tpu.barrier barrier_id(%barrier3A)
    %dma_start3A_51 = arith.constant 0 : i32
    %dma_start3A_52 = arith.constant 0 : i32
    %dma_start3A_53 = tpu.memref_slice %arg5[%dma_start3A_51, %dma_start3A_52] : memref<250x40xi32, #tpu.memory_space<vmem>> -> memref<1x40xi32, #tpu.memory_space<vmem>>
    %dma_start3A_54 = tpu.memref_squeeze %dma_start3A_53 : memref<1x40xi32, #tpu.memory_space<vmem>> -> memref<40xi32, #tpu.memory_space<vmem>>
    %dma_start3A_55 = arith.constant 0 : i32
    %dma_start3A_56 = arith.constant 0 : i32
    %dma_start3A_57 = tpu.memref_slice %arg2[%dma_start3A_55, %dma_start3A_56] : memref<10000x128xf32, #tpu.memory_space<hbm>> -> memref<10000x128xf32, #tpu.memory_space<hbm>>
    tpu.enqueue_indirect_dma source(%dma_start3A_57 : memref<10000x128xf32, #tpu.memory_space<hbm>>) target(%arg7 : memref<40x128xf32, #tpu.memory_space<vmem>>) offsets(%dma_start3A_54 : memref<40xi32, #tpu.memory_space<vmem>>) semaphore(%arg13 : memref<!tpu.dma_semaphore, #tpu.memory_space<semaphore_mem>>)
    %dma_start3A_58 = arith.constant 1 : i32
    %dma_start3A_59 = arith.constant 0 : i32
    %dma_start3A_60 = tpu.memref_slice %arg5[%dma_start3A_58, %dma_start3A_59] : memref<250x40xi32, #tpu.memory_space<vmem>> -> memref<1x40xi32, #tpu.memory_space<vmem>>
    %dma_start3A_61 = tpu.memref_squeeze %dma_start3A_60 : memref<1x40xi32, #tpu.memory_space<vmem>> -> memref<40xi32, #tpu.memory_space<vmem>>
    %dma_start3A_62 = arith.constant 0 : i32
    %dma_start3A_63 = arith.constant 0 : i32
    %dma_start3A_64 = tpu.memref_slice %arg2[%dma_start3A_62, %dma_start3A_63] : memref<10000x128xf32, #tpu.memory_space<hbm>> -> memref<10000x128xf32, #tpu.memory_space<hbm>>
    tpu.enqueue_indirect_dma source(%dma_start3A_64 : memref<10000x128xf32, #tpu.memory_space<hbm>>) target(%arg8 : memref<40x128xf32, #tpu.memory_space<vmem>>) offsets(%dma_start3A_61 : memref<40xi32, #tpu.memory_space<vmem>>) semaphore(%arg14 : memref<!tpu.dma_semaphore, #tpu.memory_space<semaphore_mem>>)
    %dma_start3A_65 = arith.constant 2 : i32
    %dma_start3A_66 = arith.constant 0 : i32
    %dma_start3A_67 = tpu.memref_slice %arg5[%dma_start3A_65, %dma_start3A_66] : memref<250x40xi32, #tpu.memory_space<vmem>> -> memref<1x40xi32, #tpu.memory_space<vmem>>
    %dma_start3A_68 = tpu.memref_squeeze %dma_start3A_67 : memref<1x40xi32, #tpu.memory_space<vmem>> -> memref<40xi32, #tpu.memory_space<vmem>>
    %dma_start3A_69 = arith.constant 0 : i32
    %dma_start3A_70 = arith.constant 0 : i32
    %dma_start3A_71 = tpu.memref_slice %arg2[%dma_start3A_69, %dma_start3A_70] : memref<10000x128xf32, #tpu.memory_space<hbm>> -> memref<10000x128xf32, #tpu.memory_space<hbm>>
    tpu.enqueue_indirect_dma source(%dma_start3A_71 : memref<10000x128xf32, #tpu.memory_space<hbm>>) target(%arg9 : memref<40x128xf32, #tpu.memory_space<vmem>>) offsets(%dma_start3A_68 : memref<40xi32, #tpu.memory_space<vmem>>) semaphore(%arg15 : memref<!tpu.dma_semaphore, #tpu.memory_space<semaphore_mem>>)
    %dma_start3A_72 = arith.constant 3 : i32
    %dma_start3A_73 = arith.constant 0 : i32
    %dma_start3A_74 = tpu.memref_slice %arg5[%dma_start3A_72, %dma_start3A_73] : memref<250x40xi32, #tpu.memory_space<vmem>> -> memref<1x40xi32, #tpu.memory_space<vmem>>
    %dma_start3A_75 = tpu.memref_squeeze %dma_start3A_74 : memref<1x40xi32, #tpu.memory_space<vmem>> -> memref<40xi32, #tpu.memory_space<vmem>>
    %dma_start3A_76 = arith.constant 0 : i32
    %dma_start3A_77 = arith.constant 0 : i32
    %dma_start3A_78 = tpu.memref_slice %arg2[%dma_start3A_76, %dma_start3A_77] : memref<10000x128xf32, #tpu.memory_space<hbm>> -> memref<10000x128xf32, #tpu.memory_space<hbm>>
    tpu.enqueue_indirect_dma source(%dma_start3A_78 : memref<10000x128xf32, #tpu.memory_space<hbm>>) target(%arg10 : memref<40x128xf32, #tpu.memory_space<vmem>>) offsets(%dma_start3A_75 : memref<40xi32, #tpu.memory_space<vmem>>) semaphore(%arg16 : memref<!tpu.dma_semaphore, #tpu.memory_space<semaphore_mem>>)
    %dma_start3A_79 = arith.constant 4 : i32
    %dma_start3A_80 = arith.constant 0 : i32
    %dma_start3A_81 = tpu.memref_slice %arg5[%dma_start3A_79, %dma_start3A_80] : memref<250x40xi32, #tpu.memory_space<vmem>> -> memref<1x40xi32, #tpu.memory_space<vmem>>
    %dma_start3A_82 = tpu.memref_squeeze %dma_start3A_81 : memref<1x40xi32, #tpu.memory_space<vmem>> -> memref<40xi32, #tpu.memory_space<vmem>>
    %dma_start3A_83 = arith.constant 0 : i32
    %dma_start3A_84 = arith.constant 0 : i32
    %dma_start3A_85 = tpu.memref_slice %arg2[%dma_start3A_83, %dma_start3A_84] : memref<10000x128xf32, #tpu.memory_space<hbm>> -> memref<10000x128xf32, #tpu.memory_space<hbm>>
    tpu.enqueue_indirect_dma source(%dma_start3A_85 : memref<10000x128xf32, #tpu.memory_space<hbm>>) target(%arg11 : memref<40x128xf32, #tpu.memory_space<vmem>>) offsets(%dma_start3A_82 : memref<40xi32, #tpu.memory_space<vmem>>) semaphore(%arg17 : memref<!tpu.dma_semaphore, #tpu.memory_space<semaphore_mem>>)
    %scan3A = arith.constant 0 : i32
    %scan3A_86 = arith.constant 0 : i32
    %scan3A_87 = arith.constant 50 : i32
    %scan3A_88 = arith.addi %scan3A_86, %scan3A_87 : i32
    %scan3A_89 = arith.constant 1 : i32
    scf.for %scan3A_96 = %scan3A_86 to %scan3A_88 step %scan3A_89  : i32 {
      %mul3A_97 = arith.constant 5 : i32
      %mul3A_98 = arith.muli %scan3A_96, %mul3A_97 : i32
      %add3A_99 = arith.constant 0 : i32
      %add3A_100 = arith.addi %mul3A_98, %add3A_99 : i32
      %dma_wait3A_101 = arith.constant 0 : i32
      %dma_wait3A_102 = tpu.memref_slice %arg5[%add3A_100, %dma_wait3A_101] : memref<250x40xi32, #tpu.memory_space<vmem>> -> memref<1x40xi32, #tpu.memory_space<vmem>>
      %dma_wait3A_103 = tpu.memref_squeeze %dma_wait3A_102 : memref<1x40xi32, #tpu.memory_space<vmem>> -> memref<40xi32, #tpu.memory_space<vmem>>
      %dma_wait3A_104 = arith.constant 0 : i32
      %dma_wait3A_105 = arith.constant 0 : i32
      %dma_wait3A_106 = tpu.memref_slice %arg2[%dma_wait3A_104, %dma_wait3A_105] : memref<10000x128xf32, #tpu.memory_space<hbm>> -> memref<10000x128xf32, #tpu.memory_space<hbm>>
      tpu.wait_indirect_dma semaphore(%arg13 : memref<!tpu.dma_semaphore, #tpu.memory_space<semaphore_mem>>) src(%dma_wait3A_106 : memref<10000x128xf32, #tpu.memory_space<hbm>>) dst(%arg7 : memref<40x128xf32, #tpu.memory_space<vmem>>)
      %dma_start3A_107 = arith.constant 0 : i32
      %dma_start3A_108 = tpu.memref_slice %arg6[%add3A_100, %dma_start3A_107] : memref<250x40xi32, #tpu.memory_space<vmem>> -> memref<1x40xi32, #tpu.memory_space<vmem>>
      %dma_start3A_109 = tpu.memref_squeeze %dma_start3A_108 : memref<1x40xi32, #tpu.memory_space<vmem>> -> memref<40xi32, #tpu.memory_space<vmem>>
      %dma_start3A_110 = arith.constant 0 : i32
      %dma_start3A_111 = arith.constant 0 : i32
      %dma_start3A_112 = tpu.memref_slice %arg12[%dma_start3A_110, %dma_start3A_111] : memref<10000x128xf32, #tpu.memory_space<vmem_shared>> -> memref<10000x128xf32, #tpu.memory_space<vmem_shared>>
      tpu.enqueue_indirect_dma source(%arg7 : memref<40x128xf32, #tpu.memory_space<vmem>>) target(%dma_start3A_112 : memref<10000x128xf32, #tpu.memory_space<vmem_shared>>) offsets(%dma_start3A_109 : memref<40xi32, #tpu.memory_space<vmem>>) semaphore(%arg18 : memref<!tpu.dma_semaphore, #tpu.memory_space<semaphore_mem>>) {add = true}
      %mul3A_113 = arith.constant 5 : i32
      %mul3A_114 = arith.muli %scan3A_96, %mul3A_113 : i32
      %add3A_115 = arith.constant 1 : i32
      %add3A_116 = arith.addi %mul3A_114, %add3A_115 : i32
      %dma_wait3A_117 = arith.constant 0 : i32
      %dma_wait3A_118 = tpu.memref_slice %arg5[%add3A_116, %dma_wait3A_117] : memref<250x40xi32, #tpu.memory_space<vmem>> -> memref<1x40xi32, #tpu.memory_space<vmem>>
      %dma_wait3A_119 = tpu.memref_squeeze %dma_wait3A_118 : memref<1x40xi32, #tpu.memory_space<vmem>> -> memref<40xi32, #tpu.memory_space<vmem>>
      %dma_wait3A_120 = arith.constant 0 : i32
      %dma_wait3A_121 = arith.constant 0 : i32
      %dma_wait3A_122 = tpu.memref_slice %arg2[%dma_wait3A_120, %dma_wait3A_121] : memref<10000x128xf32, #tpu.memory_space<hbm>> -> memref<10000x128xf32, #tpu.memory_space<hbm>>
      tpu.wait_indirect_dma semaphore(%arg14 : memref<!tpu.dma_semaphore, #tpu.memory_space<semaphore_mem>>) src(%dma_wait3A_122 : memref<10000x128xf32, #tpu.memory_space<hbm>>) dst(%arg8 : memref<40x128xf32, #tpu.memory_space<vmem>>)
      %dma_start3A_123 = arith.constant 0 : i32
      %dma_start3A_124 = tpu.memref_slice %arg6[%add3A_116, %dma_start3A_123] : memref<250x40xi32, #tpu.memory_space<vmem>> -> memref<1x40xi32, #tpu.memory_space<vmem>>
      %dma_start3A_125 = tpu.memref_squeeze %dma_start3A_124 : memref<1x40xi32, #tpu.memory_space<vmem>> -> memref<40xi32, #tpu.memory_space<vmem>>
      %dma_start3A_126 = arith.constant 0 : i32
      %dma_start3A_127 = arith.constant 0 : i32
      %dma_start3A_128 = tpu.memref_slice %arg12[%dma_start3A_126, %dma_start3A_127] : memref<10000x128xf32, #tpu.memory_space<vmem_shared>> -> memref<10000x128xf32, #tpu.memory_space<vmem_shared>>
      tpu.enqueue_indirect_dma source(%arg8 : memref<40x128xf32, #tpu.memory_space<vmem>>) target(%dma_start3A_128 : memref<10000x128xf32, #tpu.memory_space<vmem_shared>>) offsets(%dma_start3A_125 : memref<40xi32, #tpu.memory_space<vmem>>) semaphore(%arg19 : memref<!tpu.dma_semaphore, #tpu.memory_space<semaphore_mem>>) {add = true}
      %mul3A_129 = arith.constant 5 : i32
      %mul3A_130 = arith.muli %scan3A_96, %mul3A_129 : i32
      %add3A_131 = arith.constant 2 : i32
      %add3A_132 = arith.addi %mul3A_130, %add3A_131 : i32
      %dma_wait3A_133 = arith.constant 0 : i32
      %dma_wait3A_134 = tpu.memref_slice %arg5[%add3A_132, %dma_wait3A_133] : memref<250x40xi32, #tpu.memory_space<vmem>> -> memref<1x40xi32, #tpu.memory_space<vmem>>
      %dma_wait3A_135 = tpu.memref_squeeze %dma_wait3A_134 : memref<1x40xi32, #tpu.memory_space<vmem>> -> memref<40xi32, #tpu.memory_space<vmem>>
      %dma_wait3A_136 = arith.constant 0 : i32
      %dma_wait3A_137 = arith.constant 0 : i32
      %dma_wait3A_138 = tpu.memref_slice %arg2[%dma_wait3A_136, %dma_wait3A_137] : memref<10000x128xf32, #tpu.memory_space<hbm>> -> memref<10000x128xf32, #tpu.memory_space<hbm>>
      tpu.wait_indirect_dma semaphore(%arg15 : memref<!tpu.dma_semaphore, #tpu.memory_space<semaphore_mem>>) src(%dma_wait3A_138 : memref<10000x128xf32, #tpu.memory_space<hbm>>) dst(%arg9 : memref<40x128xf32, #tpu.memory_space<vmem>>)
      %dma_start3A_139 = arith.constant 0 : i32
      %dma_start3A_140 = tpu.memref_slice %arg6[%add3A_132, %dma_start3A_139] : memref<250x40xi32, #tpu.memory_space<vmem>> -> memref<1x40xi32, #tpu.memory_space<vmem>>
      %dma_start3A_141 = tpu.memref_squeeze %dma_start3A_140 : memref<1x40xi32, #tpu.memory_space<vmem>> -> memref<40xi32, #tpu.memory_space<vmem>>
      %dma_start3A_142 = arith.constant 0 : i32
      %dma_start3A_143 = arith.constant 0 : i32
      %dma_start3A_144 = tpu.memref_slice %arg12[%dma_start3A_142, %dma_start3A_143] : memref<10000x128xf32, #tpu.memory_space<vmem_shared>> -> memref<10000x128xf32, #tpu.memory_space<vmem_shared>>
      tpu.enqueue_indirect_dma source(%arg9 : memref<40x128xf32, #tpu.memory_space<vmem>>) target(%dma_start3A_144 : memref<10000x128xf32, #tpu.memory_space<vmem_shared>>) offsets(%dma_start3A_141 : memref<40xi32, #tpu.memory_space<vmem>>) semaphore(%arg20 : memref<!tpu.dma_semaphore, #tpu.memory_space<semaphore_mem>>) {add = true}
      %mul3A_145 = arith.constant 5 : i32
      %mul3A_146 = arith.muli %scan3A_96, %mul3A_145 : i32
      %add3A_147 = arith.constant 3 : i32
      %add3A_148 = arith.addi %mul3A_146, %add3A_147 : i32
      %dma_wait3A_149 = arith.constant 0 : i32
      %dma_wait3A_150 = tpu.memref_slice %arg5[%add3A_148, %dma_wait3A_149] : memref<250x40xi32, #tpu.memory_space<vmem>> -> memref<1x40xi32, #tpu.memory_space<vmem>>
      %dma_wait3A_151 = tpu.memref_squeeze %dma_wait3A_150 : memref<1x40xi32, #tpu.memory_space<vmem>> -> memref<40xi32, #tpu.memory_space<vmem>>
      %dma_wait3A_152 = arith.constant 0 : i32
      %dma_wait3A_153 = arith.constant 0 : i32
      %dma_wait3A_154 = tpu.memref_slice %arg2[%dma_wait3A_152, %dma_wait3A_153] : memref<10000x128xf32, #tpu.memory_space<hbm>> -> memref<10000x128xf32, #tpu.memory_space<hbm>>
      tpu.wait_indirect_dma semaphore(%arg16 : memref<!tpu.dma_semaphore, #tpu.memory_space<semaphore_mem>>) src(%dma_wait3A_154 : memref<10000x128xf32, #tpu.memory_space<hbm>>) dst(%arg10 : memref<40x128xf32, #tpu.memory_space<vmem>>)
      %dma_start3A_155 = arith.constant 0 : i32
      %dma_start3A_156 = tpu.memref_slice %arg6[%add3A_148, %dma_start3A_155] : memref<250x40xi32, #tpu.memory_space<vmem>> -> memref<1x40xi32, #tpu.memory_space<vmem>>
      %dma_start3A_157 = tpu.memref_squeeze %dma_start3A_156 : memref<1x40xi32, #tpu.memory_space<vmem>> -> memref<40xi32, #tpu.memory_space<vmem>>
      %dma_start3A_158 = arith.constant 0 : i32
      %dma_start3A_159 = arith.constant 0 : i32
      %dma_start3A_160 = tpu.memref_slice %arg12[%dma_start3A_158, %dma_start3A_159] : memref<10000x128xf32, #tpu.memory_space<vmem_shared>> -> memref<10000x128xf32, #tpu.memory_space<vmem_shared>>
      tpu.enqueue_indirect_dma source(%arg10 : memref<40x128xf32, #tpu.memory_space<vmem>>) target(%dma_start3A_160 : memref<10000x128xf32, #tpu.memory_space<vmem_shared>>) offsets(%dma_start3A_157 : memref<40xi32, #tpu.memory_space<vmem>>) semaphore(%arg21 : memref<!tpu.dma_semaphore, #tpu.memory_space<semaphore_mem>>) {add = true}
      %mul3A_161 = arith.constant 5 : i32
      %mul3A_162 = arith.muli %scan3A_96, %mul3A_161 : i32
      %add3A_163 = arith.constant 4 : i32
      %add3A_164 = arith.addi %mul3A_162, %add3A_163 : i32
      %dma_wait3A_165 = arith.constant 0 : i32
      %dma_wait3A_166 = tpu.memref_slice %arg5[%add3A_164, %dma_wait3A_165] : memref<250x40xi32, #tpu.memory_space<vmem>> -> memref<1x40xi32, #tpu.memory_space<vmem>>
      %dma_wait3A_167 = tpu.memref_squeeze %dma_wait3A_166 : memref<1x40xi32, #tpu.memory_space<vmem>> -> memref<40xi32, #tpu.memory_space<vmem>>
      %dma_wait3A_168 = arith.constant 0 : i32
      %dma_wait3A_169 = arith.constant 0 : i32
      %dma_wait3A_170 = tpu.memref_slice %arg2[%dma_wait3A_168, %dma_wait3A_169] : memref<10000x128xf32, #tpu.memory_space<hbm>> -> memref<10000x128xf32, #tpu.memory_space<hbm>>
      tpu.wait_indirect_dma semaphore(%arg17 : memref<!tpu.dma_semaphore, #tpu.memory_space<semaphore_mem>>) src(%dma_wait3A_170 : memref<10000x128xf32, #tpu.memory_space<hbm>>) dst(%arg11 : memref<40x128xf32, #tpu.memory_space<vmem>>)
      %dma_start3A_171 = arith.constant 0 : i32
      %dma_start3A_172 = tpu.memref_slice %arg6[%add3A_164, %dma_start3A_171] : memref<250x40xi32, #tpu.memory_space<vmem>> -> memref<1x40xi32, #tpu.memory_space<vmem>>
      %dma_start3A_173 = tpu.memref_squeeze %dma_start3A_172 : memref<1x40xi32, #tpu.memory_space<vmem>> -> memref<40xi32, #tpu.memory_space<vmem>>
      %dma_start3A_174 = arith.constant 0 : i32
      %dma_start3A_175 = arith.constant 0 : i32
      %dma_start3A_176 = tpu.memref_slice %arg12[%dma_start3A_174, %dma_start3A_175] : memref<10000x128xf32, #tpu.memory_space<vmem_shared>> -> memref<10000x128xf32, #tpu.memory_space<vmem_shared>>
      tpu.enqueue_indirect_dma source(%arg11 : memref<40x128xf32, #tpu.memory_space<vmem>>) target(%dma_start3A_176 : memref<10000x128xf32, #tpu.memory_space<vmem_shared>>) offsets(%dma_start3A_173 : memref<40xi32, #tpu.memory_space<vmem>>) semaphore(%arg22 : memref<!tpu.dma_semaphore, #tpu.memory_space<semaphore_mem>>) {add = true}
      %mul3A_177 = arith.constant 5 : i32
      %mul3A_178 = arith.muli %scan3A_96, %mul3A_177 : i32
      %add3A_179 = arith.constant 0 : i32
      %add3A_180 = arith.addi %mul3A_178, %add3A_179 : i32
      %dma_wait3A_181 = arith.constant 0 : i32
      %dma_wait3A_182 = tpu.memref_slice %arg6[%add3A_180, %dma_wait3A_181] : memref<250x40xi32, #tpu.memory_space<vmem>> -> memref<1x40xi32, #tpu.memory_space<vmem>>
      %dma_wait3A_183 = tpu.memref_squeeze %dma_wait3A_182 : memref<1x40xi32, #tpu.memory_space<vmem>> -> memref<40xi32, #tpu.memory_space<vmem>>
      %dma_wait3A_184 = arith.constant 0 : i32
      %dma_wait3A_185 = arith.constant 0 : i32
      %dma_wait3A_186 = tpu.memref_slice %arg12[%dma_wait3A_184, %dma_wait3A_185] : memref<10000x128xf32, #tpu.memory_space<vmem_shared>> -> memref<10000x128xf32, #tpu.memory_space<vmem_shared>>
      tpu.wait_indirect_dma semaphore(%arg18 : memref<!tpu.dma_semaphore, #tpu.memory_space<semaphore_mem>>) src(%arg7 : memref<40x128xf32, #tpu.memory_space<vmem>>) dst(%dma_wait3A_186 : memref<10000x128xf32, #tpu.memory_space<vmem_shared>>)
      %lt3A = arith.constant 49 : i32
      %lt3A_187 = arith.cmpi slt, %scan3A_96, %lt3A : i32
      %convert_element_type3A = arith.extui %lt3A_187 : i1 to i32
      %cond3A = arith.constant 0 : i32
      %cond3A_188 = arith.cmpi ne, %convert_element_type3A, %cond3A : i32
      scf.if %cond3A_188 {
        %add3A_249 = arith.constant 5 : i32
        %add3A_250 = arith.addi %add3A_180, %add3A_249 : i32
        %dma_start3A_251 = arith.constant 0 : i32
        %dma_start3A_252 = tpu.memref_slice %arg5[%add3A_250, %dma_start3A_251] : memref<250x40xi32, #tpu.memory_space<vmem>> -> memref<1x40xi32, #tpu.memory_space<vmem>>
        %dma_start3A_253 = tpu.memref_squeeze %dma_start3A_252 : memref<1x40xi32, #tpu.memory_space<vmem>> -> memref<40xi32, #tpu.memory_space<vmem>>
        %dma_start3A_254 = arith.constant 0 : i32
        %dma_start3A_255 = arith.constant 0 : i32
        %dma_start3A_256 = tpu.memref_slice %arg2[%dma_start3A_254, %dma_start3A_255] : memref<10000x128xf32, #tpu.memory_space<hbm>> -> memref<10000x128xf32, #tpu.memory_space<hbm>>
        tpu.enqueue_indirect_dma source(%dma_start3A_256 : memref<10000x128xf32, #tpu.memory_space<hbm>>) target(%arg7 : memref<40x128xf32, #tpu.memory_space<vmem>>) offsets(%dma_start3A_253 : memref<40xi32, #tpu.memory_space<vmem>>) semaphore(%arg13 : memref<!tpu.dma_semaphore, #tpu.memory_space<semaphore_mem>>)
      } else {
      }
      %mul3A_189 = arith.constant 5 : i32
      %mul3A_190 = arith.muli %scan3A_96, %mul3A_189 : i32
      %add3A_191 = arith.constant 1 : i32
      %add3A_192 = arith.addi %mul3A_190, %add3A_191 : i32
      %dma_wait3A_193 = arith.constant 0 : i32
      %dma_wait3A_194 = tpu.memref_slice %arg6[%add3A_192, %dma_wait3A_193] : memref<250x40xi32, #tpu.memory_space<vmem>> -> memref<1x40xi32, #tpu.memory_space<vmem>>
      %dma_wait3A_195 = tpu.memref_squeeze %dma_wait3A_194 : memref<1x40xi32, #tpu.memory_space<vmem>> -> memref<40xi32, #tpu.memory_space<vmem>>
      %dma_wait3A_196 = arith.constant 0 : i32
      %dma_wait3A_197 = arith.constant 0 : i32
      %dma_wait3A_198 = tpu.memref_slice %arg12[%dma_wait3A_196, %dma_wait3A_197] : memref<10000x128xf32, #tpu.memory_space<vmem_shared>> -> memref<10000x128xf32, #tpu.memory_space<vmem_shared>>
      tpu.wait_indirect_dma semaphore(%arg19 : memref<!tpu.dma_semaphore, #tpu.memory_space<semaphore_mem>>) src(%arg8 : memref<40x128xf32, #tpu.memory_space<vmem>>) dst(%dma_wait3A_198 : memref<10000x128xf32, #tpu.memory_space<vmem_shared>>)
      %lt3A_199 = arith.constant 49 : i32
      %lt3A_200 = arith.cmpi slt, %scan3A_96, %lt3A_199 : i32
      %convert_element_type3A_201 = arith.extui %lt3A_200 : i1 to i32
      %cond3A_202 = arith.constant 0 : i32
      %cond3A_203 = arith.cmpi ne, %convert_element_type3A_201, %cond3A_202 : i32
      scf.if %cond3A_203 {
        %add3A_249 = arith.constant 5 : i32
        %add3A_250 = arith.addi %add3A_192, %add3A_249 : i32
        %dma_start3A_251 = arith.constant 0 : i32
        %dma_start3A_252 = tpu.memref_slice %arg5[%add3A_250, %dma_start3A_251] : memref<250x40xi32, #tpu.memory_space<vmem>> -> memref<1x40xi32, #tpu.memory_space<vmem>>
        %dma_start3A_253 = tpu.memref_squeeze %dma_start3A_252 : memref<1x40xi32, #tpu.memory_space<vmem>> -> memref<40xi32, #tpu.memory_space<vmem>>
        %dma_start3A_254 = arith.constant 0 : i32
        %dma_start3A_255 = arith.constant 0 : i32
        %dma_start3A_256 = tpu.memref_slice %arg2[%dma_start3A_254, %dma_start3A_255] : memref<10000x128xf32, #tpu.memory_space<hbm>> -> memref<10000x128xf32, #tpu.memory_space<hbm>>
        tpu.enqueue_indirect_dma source(%dma_start3A_256 : memref<10000x128xf32, #tpu.memory_space<hbm>>) target(%arg8 : memref<40x128xf32, #tpu.memory_space<vmem>>) offsets(%dma_start3A_253 : memref<40xi32, #tpu.memory_space<vmem>>) semaphore(%arg14 : memref<!tpu.dma_semaphore, #tpu.memory_space<semaphore_mem>>)
      } else {
      }
      %mul3A_204 = arith.constant 5 : i32
      %mul3A_205 = arith.muli %scan3A_96, %mul3A_204 : i32
      %add3A_206 = arith.constant 2 : i32
      %add3A_207 = arith.addi %mul3A_205, %add3A_206 : i32
      %dma_wait3A_208 = arith.constant 0 : i32
      %dma_wait3A_209 = tpu.memref_slice %arg6[%add3A_207, %dma_wait3A_208] : memref<250x40xi32, #tpu.memory_space<vmem>> -> memref<1x40xi32, #tpu.memory_space<vmem>>
      %dma_wait3A_210 = tpu.memref_squeeze %dma_wait3A_209 : memref<1x40xi32, #tpu.memory_space<vmem>> -> memref<40xi32, #tpu.memory_space<vmem>>
      %dma_wait3A_211 = arith.constant 0 : i32
      %dma_wait3A_212 = arith.constant 0 : i32
      %dma_wait3A_213 = tpu.memref_slice %arg12[%dma_wait3A_211, %dma_wait3A_212] : memref<10000x128xf32, #tpu.memory_space<vmem_shared>> -> memref<10000x128xf32, #tpu.memory_space<vmem_shared>>
      tpu.wait_indirect_dma semaphore(%arg20 : memref<!tpu.dma_semaphore, #tpu.memory_space<semaphore_mem>>) src(%arg9 : memref<40x128xf32, #tpu.memory_space<vmem>>) dst(%dma_wait3A_213 : memref<10000x128xf32, #tpu.memory_space<vmem_shared>>)
      %lt3A_214 = arith.constant 49 : i32
      %lt3A_215 = arith.cmpi slt, %scan3A_96, %lt3A_214 : i32
      %convert_element_type3A_216 = arith.extui %lt3A_215 : i1 to i32
      %cond3A_217 = arith.constant 0 : i32
      %cond3A_218 = arith.cmpi ne, %convert_element_type3A_216, %cond3A_217 : i32
      scf.if %cond3A_218 {
        %add3A_249 = arith.constant 5 : i32
        %add3A_250 = arith.addi %add3A_207, %add3A_249 : i32
        %dma_start3A_251 = arith.constant 0 : i32
        %dma_start3A_252 = tpu.memref_slice %arg5[%add3A_250, %dma_start3A_251] : memref<250x40xi32, #tpu.memory_space<vmem>> -> memref<1x40xi32, #tpu.memory_space<vmem>>
        %dma_start3A_253 = tpu.memref_squeeze %dma_start3A_252 : memref<1x40xi32, #tpu.memory_space<vmem>> -> memref<40xi32, #tpu.memory_space<vmem>>
        %dma_start3A_254 = arith.constant 0 : i32
        %dma_start3A_255 = arith.constant 0 : i32
        %dma_start3A_256 = tpu.memref_slice %arg2[%dma_start3A_254, %dma_start3A_255] : memref<10000x128xf32, #tpu.memory_space<hbm>> -> memref<10000x128xf32, #tpu.memory_space<hbm>>
        tpu.enqueue_indirect_dma source(%dma_start3A_256 : memref<10000x128xf32, #tpu.memory_space<hbm>>) target(%arg9 : memref<40x128xf32, #tpu.memory_space<vmem>>) offsets(%dma_start3A_253 : memref<40xi32, #tpu.memory_space<vmem>>) semaphore(%arg15 : memref<!tpu.dma_semaphore, #tpu.memory_space<semaphore_mem>>)
      } else {
      }
      %mul3A_219 = arith.constant 5 : i32
      %mul3A_220 = arith.muli %scan3A_96, %mul3A_219 : i32
      %add3A_221 = arith.constant 3 : i32
      %add3A_222 = arith.addi %mul3A_220, %add3A_221 : i32
      %dma_wait3A_223 = arith.constant 0 : i32
      %dma_wait3A_224 = tpu.memref_slice %arg6[%add3A_222, %dma_wait3A_223] : memref<250x40xi32, #tpu.memory_space<vmem>> -> memref<1x40xi32, #tpu.memory_space<vmem>>
      %dma_wait3A_225 = tpu.memref_squeeze %dma_wait3A_224 : memref<1x40xi32, #tpu.memory_space<vmem>> -> memref<40xi32, #tpu.memory_space<vmem>>
      %dma_wait3A_226 = arith.constant 0 : i32
      %dma_wait3A_227 = arith.constant 0 : i32
      %dma_wait3A_228 = tpu.memref_slice %arg12[%dma_wait3A_226, %dma_wait3A_227] : memref<10000x128xf32, #tpu.memory_space<vmem_shared>> -> memref<10000x128xf32, #tpu.memory_space<vmem_shared>>
      tpu.wait_indirect_dma semaphore(%arg21 : memref<!tpu.dma_semaphore, #tpu.memory_space<semaphore_mem>>) src(%arg10 : memref<40x128xf32, #tpu.memory_space<vmem>>) dst(%dma_wait3A_228 : memref<10000x128xf32, #tpu.memory_space<vmem_shared>>)
      %lt3A_229 = arith.constant 49 : i32
      %lt3A_230 = arith.cmpi slt, %scan3A_96, %lt3A_229 : i32
      %convert_element_type3A_231 = arith.extui %lt3A_230 : i1 to i32
      %cond3A_232 = arith.constant 0 : i32
      %cond3A_233 = arith.cmpi ne, %convert_element_type3A_231, %cond3A_232 : i32
      scf.if %cond3A_233 {
        %add3A_249 = arith.constant 5 : i32
        %add3A_250 = arith.addi %add3A_222, %add3A_249 : i32
        %dma_start3A_251 = arith.constant 0 : i32
        %dma_start3A_252 = tpu.memref_slice %arg5[%add3A_250, %dma_start3A_251] : memref<250x40xi32, #tpu.memory_space<vmem>> -> memref<1x40xi32, #tpu.memory_space<vmem>>
        %dma_start3A_253 = tpu.memref_squeeze %dma_start3A_252 : memref<1x40xi32, #tpu.memory_space<vmem>> -> memref<40xi32, #tpu.memory_space<vmem>>
        %dma_start3A_254 = arith.constant 0 : i32
        %dma_start3A_255 = arith.constant 0 : i32
        %dma_start3A_256 = tpu.memref_slice %arg2[%dma_start3A_254, %dma_start3A_255] : memref<10000x128xf32, #tpu.memory_space<hbm>> -> memref<10000x128xf32, #tpu.memory_space<hbm>>
        tpu.enqueue_indirect_dma source(%dma_start3A_256 : memref<10000x128xf32, #tpu.memory_space<hbm>>) target(%arg10 : memref<40x128xf32, #tpu.memory_space<vmem>>) offsets(%dma_start3A_253 : memref<40xi32, #tpu.memory_space<vmem>>) semaphore(%arg16 : memref<!tpu.dma_semaphore, #tpu.memory_space<semaphore_mem>>)
      } else {
      }
      %mul3A_234 = arith.constant 5 : i32
      %mul3A_235 = arith.muli %scan3A_96, %mul3A_234 : i32
      %add3A_236 = arith.constant 4 : i32
      %add3A_237 = arith.addi %mul3A_235, %add3A_236 : i32
      %dma_wait3A_238 = arith.constant 0 : i32
      %dma_wait3A_239 = tpu.memref_slice %arg6[%add3A_237, %dma_wait3A_238] : memref<250x40xi32, #tpu.memory_space<vmem>> -> memref<1x40xi32, #tpu.memory_space<vmem>>
      %dma_wait3A_240 = tpu.memref_squeeze %dma_wait3A_239 : memref<1x40xi32, #tpu.memory_space<vmem>> -> memref<40xi32, #tpu.memory_space<vmem>>
      %dma_wait3A_241 = arith.constant 0 : i32
      %dma_wait3A_242 = arith.constant 0 : i32
      %dma_wait3A_243 = tpu.memref_slice %arg12[%dma_wait3A_241, %dma_wait3A_242] : memref<10000x128xf32, #tpu.memory_space<vmem_shared>> -> memref<10000x128xf32, #tpu.memory_space<vmem_shared>>
      tpu.wait_indirect_dma semaphore(%arg22 : memref<!tpu.dma_semaphore, #tpu.memory_space<semaphore_mem>>) src(%arg11 : memref<40x128xf32, #tpu.memory_space<vmem>>) dst(%dma_wait3A_243 : memref<10000x128xf32, #tpu.memory_space<vmem_shared>>)
      %lt3A_244 = arith.constant 49 : i32
      %lt3A_245 = arith.cmpi slt, %scan3A_96, %lt3A_244 : i32
      %convert_element_type3A_246 = arith.extui %lt3A_245 : i1 to i32
      %cond3A_247 = arith.constant 0 : i32
      %cond3A_248 = arith.cmpi ne, %convert_element_type3A_246, %cond3A_247 : i32
      scf.if %cond3A_248 {
        %add3A_249 = arith.constant 5 : i32
        %add3A_250 = arith.addi %add3A_237, %add3A_249 : i32
        %dma_start3A_251 = arith.constant 0 : i32
        %dma_start3A_252 = tpu.memref_slice %arg5[%add3A_250, %dma_start3A_251] : memref<250x40xi32, #tpu.memory_space<vmem>> -> memref<1x40xi32, #tpu.memory_space<vmem>>
        %dma_start3A_253 = tpu.memref_squeeze %dma_start3A_252 : memref<1x40xi32, #tpu.memory_space<vmem>> -> memref<40xi32, #tpu.memory_space<vmem>>
        %dma_start3A_254 = arith.constant 0 : i32
        %dma_start3A_255 = arith.constant 0 : i32
        %dma_start3A_256 = tpu.memref_slice %arg2[%dma_start3A_254, %dma_start3A_255] : memref<10000x128xf32, #tpu.memory_space<hbm>> -> memref<10000x128xf32, #tpu.memory_space<hbm>>
        tpu.enqueue_indirect_dma source(%dma_start3A_256 : memref<10000x128xf32, #tpu.memory_space<hbm>>) target(%arg11 : memref<40x128xf32, #tpu.memory_space<vmem>>) offsets(%dma_start3A_253 : memref<40xi32, #tpu.memory_space<vmem>>) semaphore(%arg17 : memref<!tpu.dma_semaphore, #tpu.memory_space<semaphore_mem>>)
      } else {
      }
    }
    %scan3A_90 = arith.constant 50 : i32
    %barrier3A_91 = arith.constant 0 : index
    tpu.barrier barrier_id(%barrier3A_91)
    %mul3A_92 = arith.constant 625 : i32
    %mul3A_93 = arith.muli %arg1, %mul3A_92 : i32
    %mul3A_94 = arith.constant 625 : i32
    %mul3A_95 = arith.muli %arg1, %mul3A_94 : i32
    "tpu.region"() ({
      %run_scoped3A = tpu.sem_alloc : memref<!tpu.dma_semaphore, #tpu.memory_space<semaphore_mem>>
      %dma_start3A_96 = arith.constant 0 : i32
      %dma_start3A_97 = tpu.memref_slice %arg4[%arg0, %mul3A_95, %dma_start3A_96] : memref<2x10000x128xf32, #tpu.memory_space<hbm>> -> memref<1x625x128xf32, #tpu.memory_space<hbm>>
      %dma_start3A_98 = tpu.memref_squeeze %dma_start3A_97 : memref<1x625x128xf32, #tpu.memory_space<hbm>> -> memref<625x128xf32, #tpu.memory_space<hbm>>
      %dma_start3A_99 = arith.constant 0 : i32
      %dma_start3A_100 = tpu.memref_slice %arg12[%mul3A_93, %dma_start3A_99] : memref<10000x128xf32, #tpu.memory_space<vmem_shared>> -> memref<625x128xf32, #tpu.memory_space<vmem_shared>>
      tpu.enqueue_dma source(%dma_start3A_100 : memref<625x128xf32, #tpu.memory_space<vmem_shared>>) target(%dma_start3A_98 : memref<625x128xf32, #tpu.memory_space<hbm>>) target_semaphore(%run_scoped3A : memref<!tpu.dma_semaphore, #tpu.memory_space<semaphore_mem>>)
      %dma_wait3A_101 = arith.constant 0 : i32
      %dma_wait3A_102 = tpu.memref_slice %arg4[%arg0, %mul3A_95, %dma_wait3A_101] : memref<2x10000x128xf32, #tpu.memory_space<hbm>> -> memref<1x625x128xf32, #tpu.memory_space<hbm>>
      %dma_wait3A_103 = tpu.memref_squeeze %dma_wait3A_102 : memref<1x625x128xf32, #tpu.memory_space<hbm>> -> memref<625x128xf32, #tpu.memory_space<hbm>>
      %dma_wait3A_104 = arith.constant 0 : i32
      %dma_wait3A_105 = tpu.memref_slice %arg12[%mul3A_93, %dma_wait3A_104] : memref<10000x128xf32, #tpu.memory_space<vmem_shared>> -> memref<625x128xf32, #tpu.memory_space<vmem_shared>>
      tpu.wait_dma2 semaphore(%run_scoped3A : memref<!tpu.dma_semaphore, #tpu.memory_space<semaphore_mem>>) src(%dma_wait3A_105 : memref<625x128xf32, #tpu.memory_space<vmem_shared>>) dst(%dma_wait3A_103 : memref<625x128xf32, #tpu.memory_space<hbm>>)
      tpu.yield
    }) : () -> ()
    return
  }
}

#map = affine_map<(d0, d1) -> (0, 0, 0)>
module attributes {stable_mosaic.version = 14 : i64} {
  func.func @_deg_body(%arg0: i32, %arg1: i32, %arg2: memref<2x32x10000xi32, #tpu.memory_space<hbm>>, %arg3: memref<2x32x5000xf32, #tpu.memory_space<hbm>>, %arg4: memref<10000xi32, #tpu.memory_space<vmem>>, %arg5: memref<10000xf32, #tpu.memory_space<vmem>>) attributes {dimension_semantics = [#tpu.dimension_semantics<core_parallel>, #tpu.dimension_semantics<subcore_parallel>], iteration_bounds = array<i64: 2, 16>, scalar_prefetch = 0 : i64, scratch_operands = 2 : i64, tpu.core_type = #tpu.core_type<sc_vector_subcore>, window_params = [{transform_indices = #map}, {transform_indices = #map}]} {
    %mul3A = arith.constant 16 : i32
    %mul3A_0 = arith.muli %arg0, %mul3A : i32
    %add3A = arith.addi %mul3A_0, %arg1 : i32
    %run_scoped3A = arith.constant 1 : i32
    "tpu.region"() ({
      %run_scoped3A_19 = tpu.sem_alloc : memref<!tpu.dma_semaphore, #tpu.memory_space<semaphore_mem>>
      %dma_start3A = arith.constant 0 : i32
      %dma_start3A_20 = tpu.memref_slice %arg2[%run_scoped3A, %add3A, %dma_start3A] : memref<2x32x10000xi32, #tpu.memory_space<hbm>> -> memref<1x1x10000xi32, #tpu.memory_space<hbm>>
      %dma_start3A_21 = tpu.memref_squeeze %dma_start3A_20 : memref<1x1x10000xi32, #tpu.memory_space<hbm>> -> memref<10000xi32, #tpu.memory_space<hbm>>
      %dma_start3A_22 = arith.constant 0 : i32
      %dma_start3A_23 = tpu.memref_slice %arg2[%run_scoped3A, %add3A, %dma_start3A_22] : memref<2x32x10000xi32, #tpu.memory_space<hbm>> -> memref<1x1x10000xi32, #tpu.memory_space<hbm>>
      %dma_start3A_24 = tpu.memref_squeeze %dma_start3A_23 : memref<1x1x10000xi32, #tpu.memory_space<hbm>> -> memref<10000xi32, #tpu.memory_space<hbm>>
      tpu.enqueue_dma source(%dma_start3A_24 : memref<10000xi32, #tpu.memory_space<hbm>>) target(%arg4 : memref<10000xi32, #tpu.memory_space<vmem>>) target_semaphore(%run_scoped3A_19 : memref<!tpu.dma_semaphore, #tpu.memory_space<semaphore_mem>>)
      %dma_wait3A = arith.constant 0 : i32
      %dma_wait3A_25 = tpu.memref_slice %arg2[%run_scoped3A, %add3A, %dma_wait3A] : memref<2x32x10000xi32, #tpu.memory_space<hbm>> -> memref<1x1x10000xi32, #tpu.memory_space<hbm>>
      %dma_wait3A_26 = tpu.memref_squeeze %dma_wait3A_25 : memref<1x1x10000xi32, #tpu.memory_space<hbm>> -> memref<10000xi32, #tpu.memory_space<hbm>>
      %dma_wait3A_27 = arith.constant 0 : i32
      %dma_wait3A_28 = tpu.memref_slice %arg2[%run_scoped3A, %add3A, %dma_wait3A_27] : memref<2x32x10000xi32, #tpu.memory_space<hbm>> -> memref<1x1x10000xi32, #tpu.memory_space<hbm>>
      %dma_wait3A_29 = tpu.memref_squeeze %dma_wait3A_28 : memref<1x1x10000xi32, #tpu.memory_space<hbm>> -> memref<10000xi32, #tpu.memory_space<hbm>>
      tpu.wait_dma2 semaphore(%run_scoped3A_19 : memref<!tpu.dma_semaphore, #tpu.memory_space<semaphore_mem>>) src(%dma_wait3A_29 : memref<10000xi32, #tpu.memory_space<hbm>>) dst(%arg4 : memref<10000xi32, #tpu.memory_space<vmem>>)
      tpu.yield
    }) : () -> ()
    %broadcast_in_dim3A = arith.constant 0.000000e+00 : f32
    %broadcast_in_dim3A_1 = vector.broadcast %broadcast_in_dim3A : f32 to vector<16xf32>
    %scan3A = arith.constant 0 : i32
    %scan3A_2 = arith.constant 0 : i32
    %scan3A_3 = arith.constant 156 : i32
    %scan3A_4 = arith.addi %scan3A_2, %scan3A_3 : i32
    %scan3A_5 = arith.constant 1 : i32
    scf.for %scan3A_19 = %scan3A_2 to %scan3A_4 step %scan3A_5  : i32 {
      %mul3A_20 = arith.constant 64 : i32
      %mul3A_21 = arith.muli %scan3A_19, %mul3A_20 : i32
      %add3A_22 = arith.constant 0 : i32
      %add3A_23 = arith.addi %mul3A_21, %add3A_22 : i32
      %swap3A_24 = arith.index_cast %add3A_23 : i32 to index
      %swap3A_25 = tpu.vector_load %arg5[%swap3A_24] {strides = array<i32>} : memref<10000xf32, #tpu.memory_space<vmem>>, vector<16xf32>,
      tpu.vector_store %arg5[%swap3A_24], %broadcast_in_dim3A_1 {strides = array<i32>} : memref<10000xf32, #tpu.memory_space<vmem>>, vector<16xf32>,
      %mul3A_26 = arith.constant 64 : i32
      %mul3A_27 = arith.muli %scan3A_19, %mul3A_26 : i32
      %add3A_28 = arith.constant 16 : i32
      %add3A_29 = arith.addi %mul3A_27, %add3A_28 : i32
      %swap3A_30 = arith.index_cast %add3A_29 : i32 to index
      %swap3A_31 = tpu.vector_load %arg5[%swap3A_30] {strides = array<i32>} : memref<10000xf32, #tpu.memory_space<vmem>>, vector<16xf32>,
      tpu.vector_store %arg5[%swap3A_30], %broadcast_in_dim3A_1 {strides = array<i32>} : memref<10000xf32, #tpu.memory_space<vmem>>, vector<16xf32>,
      %mul3A_32 = arith.constant 64 : i32
      %mul3A_33 = arith.muli %scan3A_19, %mul3A_32 : i32
      %add3A_34 = arith.constant 32 : i32
      %add3A_35 = arith.addi %mul3A_33, %add3A_34 : i32
      %swap3A_36 = arith.index_cast %add3A_35 : i32 to index
      %swap3A_37 = tpu.vector_load %arg5[%swap3A_36] {strides = array<i32>} : memref<10000xf32, #tpu.memory_space<vmem>>, vector<16xf32>,
      tpu.vector_store %arg5[%swap3A_36], %broadcast_in_dim3A_1 {strides = array<i32>} : memref<10000xf32, #tpu.memory_space<vmem>>, vector<16xf32>,
      %mul3A_38 = arith.constant 64 : i32
      %mul3A_39 = arith.muli %scan3A_19, %mul3A_38 : i32
      %add3A_40 = arith.constant 48 : i32
      %add3A_41 = arith.addi %mul3A_39, %add3A_40 : i32
      %swap3A_42 = arith.index_cast %add3A_41 : i32 to index
      %swap3A_43 = tpu.vector_load %arg5[%swap3A_42] {strides = array<i32>} : memref<10000xf32, #tpu.memory_space<vmem>>, vector<16xf32>,
      tpu.vector_store %arg5[%swap3A_42], %broadcast_in_dim3A_1 {strides = array<i32>} : memref<10000xf32, #tpu.memory_space<vmem>>, vector<16xf32>,
    }
    %scan3A_6 = arith.constant 156 : i32
    %swap3A = arith.constant 9984 : index
    %swap3A_7 = tpu.vector_load %arg5[%swap3A] {strides = array<i32>} : memref<10000xf32, #tpu.memory_space<vmem>>, vector<16xf32>,
    tpu.vector_store %arg5[%swap3A], %broadcast_in_dim3A_1 {strides = array<i32>} : memref<10000xf32, #tpu.memory_space<vmem>>, vector<16xf32>,
    %broadcast_in_dim3A_8 = arith.constant 1.000000e+00 : f32
    %broadcast_in_dim3A_9 = vector.broadcast %broadcast_in_dim3A_8 : f32 to vector<16xf32>
    %scan3A_10 = arith.constant 0 : i32
    %scan3A_11 = arith.constant 0 : i32
    %scan3A_12 = arith.constant 156 : i32
    %scan3A_13 = arith.addi %scan3A_11, %scan3A_12 : i32
    %scan3A_14 = arith.constant 1 : i32
    scf.for %scan3A_19 = %scan3A_11 to %scan3A_13 step %scan3A_14  : i32 {
      %mul3A_20 = arith.constant 64 : i32
      %mul3A_21 = arith.muli %scan3A_19, %mul3A_20 : i32
      %add3A_22 = arith.constant 0 : i32
      %add3A_23 = arith.addi %mul3A_21, %add3A_22 : i32
      %get3A_24 = arith.index_cast %add3A_23 : i32 to index
      %get3A_25 = tpu.vector_load %arg4[%get3A_24] {strides = array<i32>} : memref<10000xi32, #tpu.memory_space<vmem>>, vector<16xi32>,
      tpu.vector_store_idx %arg5[%get3A_25], %broadcast_in_dim3A_9 {add = true} : memref<10000xf32, #tpu.memory_space<vmem>>[vector<16xi32>], vector<16xf32>,
      %mul3A_26 = arith.constant 64 : i32
      %mul3A_27 = arith.muli %scan3A_19, %mul3A_26 : i32
      %add3A_28 = arith.constant 16 : i32
      %add3A_29 = arith.addi %mul3A_27, %add3A_28 : i32
      %get3A_30 = arith.index_cast %add3A_29 : i32 to index
      %get3A_31 = tpu.vector_load %arg4[%get3A_30] {strides = array<i32>} : memref<10000xi32, #tpu.memory_space<vmem>>, vector<16xi32>,
      tpu.vector_store_idx %arg5[%get3A_31], %broadcast_in_dim3A_9 {add = true} : memref<10000xf32, #tpu.memory_space<vmem>>[vector<16xi32>], vector<16xf32>,
      %mul3A_32 = arith.constant 64 : i32
      %mul3A_33 = arith.muli %scan3A_19, %mul3A_32 : i32
      %add3A_34 = arith.constant 32 : i32
      %add3A_35 = arith.addi %mul3A_33, %add3A_34 : i32
      %get3A_36 = arith.index_cast %add3A_35 : i32 to index
      %get3A_37 = tpu.vector_load %arg4[%get3A_36] {strides = array<i32>} : memref<10000xi32, #tpu.memory_space<vmem>>, vector<16xi32>,
      tpu.vector_store_idx %arg5[%get3A_37], %broadcast_in_dim3A_9 {add = true} : memref<10000xf32, #tpu.memory_space<vmem>>[vector<16xi32>], vector<16xf32>,
      %mul3A_38 = arith.constant 64 : i32
      %mul3A_39 = arith.muli %scan3A_19, %mul3A_38 : i32
      %add3A_40 = arith.constant 48 : i32
      %add3A_41 = arith.addi %mul3A_39, %add3A_40 : i32
      %get3A_42 = arith.index_cast %add3A_41 : i32 to index
      %get3A_43 = tpu.vector_load %arg4[%get3A_42] {strides = array<i32>} : memref<10000xi32, #tpu.memory_space<vmem>>, vector<16xi32>,
      tpu.vector_store_idx %arg5[%get3A_43], %broadcast_in_dim3A_9 {add = true} : memref<10000xf32, #tpu.memory_space<vmem>>[vector<16xi32>], vector<16xf32>,
    }
    %scan3A_15 = arith.constant 156 : i32
    %get3A = arith.constant 9984 : index
    %get3A_16 = tpu.vector_load %arg4[%get3A] {strides = array<i32>} : memref<10000xi32, #tpu.memory_space<vmem>>, vector<16xi32>,
    tpu.vector_store_idx %arg5[%get3A_16], %broadcast_in_dim3A_9 {add = true} : memref<10000xf32, #tpu.memory_space<vmem>>[vector<16xi32>], vector<16xf32>,
    %run_scoped3A_17 = arith.constant 0 : i32
    "tpu.region"() ({
      %run_scoped3A_19 = tpu.sem_alloc : memref<!tpu.dma_semaphore, #tpu.memory_space<semaphore_mem>>
      %dma_start3A = arith.constant 0 : i32
      %dma_start3A_20 = tpu.memref_slice %arg5[%dma_start3A] : memref<10000xf32, #tpu.memory_space<vmem>> -> memref<5000xf32, #tpu.memory_space<vmem>>
      %dma_start3A_21 = arith.constant 0 : i32
      %dma_start3A_22 = tpu.memref_slice %arg3[%run_scoped3A_17, %add3A, %dma_start3A_21] : memref<2x32x5000xf32, #tpu.memory_space<hbm>> -> memref<1x1x5000xf32, #tpu.memory_space<hbm>>
      %dma_start3A_23 = tpu.memref_squeeze %dma_start3A_22 : memref<1x1x5000xf32, #tpu.memory_space<hbm>> -> memref<5000xf32, #tpu.memory_space<hbm>>
      %dma_start3A_24 = arith.constant 0 : i32
      %dma_start3A_25 = tpu.memref_slice %arg3[%run_scoped3A_17, %add3A, %dma_start3A_24] : memref<2x32x5000xf32, #tpu.memory_space<hbm>> -> memref<1x1x5000xf32, #tpu.memory_space<hbm>>
      %dma_start3A_26 = tpu.memref_squeeze %dma_start3A_25 : memref<1x1x5000xf32, #tpu.memory_space<hbm>> -> memref<5000xf32, #tpu.memory_space<hbm>>
      %dma_start3A_27 = arith.constant 0 : i32
      %dma_start3A_28 = tpu.memref_slice %arg5[%dma_start3A_27] : memref<10000xf32, #tpu.memory_space<vmem>> -> memref<5000xf32, #tpu.memory_space<vmem>>
      tpu.enqueue_dma source(%dma_start3A_28 : memref<5000xf32, #tpu.memory_space<vmem>>) target(%dma_start3A_26 : memref<5000xf32, #tpu.memory_space<hbm>>) target_semaphore(%run_scoped3A_19 : memref<!tpu.dma_semaphore, #tpu.memory_space<semaphore_mem>>)
      %dma_wait3A = arith.constant 0 : i32
      %dma_wait3A_29 = tpu.memref_slice %arg5[%dma_wait3A] : memref<10000xf32, #tpu.memory_space<vmem>> -> memref<5000xf32, #tpu.memory_space<vmem>>
      %dma_wait3A_30 = arith.constant 0 : i32
      %dma_wait3A_31 = tpu.memref_slice %arg3[%run_scoped3A_17, %add3A, %dma_wait3A_30] : memref<2x32x5000xf32, #tpu.memory_space<hbm>> -> memref<1x1x5000xf32, #tpu.memory_space<hbm>>
      %dma_wait3A_32 = tpu.memref_squeeze %dma_wait3A_31 : memref<1x1x5000xf32, #tpu.memory_space<hbm>> -> memref<5000xf32, #tpu.memory_space<hbm>>
      %dma_wait3A_33 = arith.constant 0 : i32
      %dma_wait3A_34 = tpu.memref_slice %arg3[%run_scoped3A_17, %add3A, %dma_wait3A_33] : memref<2x32x5000xf32, #tpu.memory_space<hbm>> -> memref<1x1x5000xf32, #tpu.memory_space<hbm>>
      %dma_wait3A_35 = tpu.memref_squeeze %dma_wait3A_34 : memref<1x1x5000xf32, #tpu.memory_space<hbm>> -> memref<5000xf32, #tpu.memory_space<hbm>>
      %dma_wait3A_36 = arith.constant 0 : i32
      %dma_wait3A_37 = tpu.memref_slice %arg5[%dma_wait3A_36] : memref<10000xf32, #tpu.memory_space<vmem>> -> memref<5000xf32, #tpu.memory_space<vmem>>
      tpu.wait_dma2 semaphore(%run_scoped3A_19 : memref<!tpu.dma_semaphore, #tpu.memory_space<semaphore_mem>>) src(%dma_wait3A_37 : memref<5000xf32, #tpu.memory_space<vmem>>) dst(%dma_wait3A_35 : memref<5000xf32, #tpu.memory_space<hbm>>)
      tpu.yield
    }) : () -> ()
    %run_scoped3A_18 = arith.constant 1 : i32
    "tpu.region"() ({
      %run_scoped3A_19 = tpu.sem_alloc : memref<!tpu.dma_semaphore, #tpu.memory_space<semaphore_mem>>
      %dma_start3A = arith.constant 5000 : i32
      %dma_start3A_20 = tpu.memref_slice %arg5[%dma_start3A] : memref<10000xf32, #tpu.memory_space<vmem>> -> memref<5000xf32, #tpu.memory_space<vmem>>
      %dma_start3A_21 = arith.constant 0 : i32
      %dma_start3A_22 = tpu.memref_slice %arg3[%run_scoped3A_18, %add3A, %dma_start3A_21] : memref<2x32x5000xf32, #tpu.memory_space<hbm>> -> memref<1x1x5000xf32, #tpu.memory_space<hbm>>
      %dma_start3A_23 = tpu.memref_squeeze %dma_start3A_22 : memref<1x1x5000xf32, #tpu.memory_space<hbm>> -> memref<5000xf32, #tpu.memory_space<hbm>>
      %dma_start3A_24 = arith.constant 0 : i32
      %dma_start3A_25 = tpu.memref_slice %arg3[%run_scoped3A_18, %add3A, %dma_start3A_24] : memref<2x32x5000xf32, #tpu.memory_space<hbm>> -> memref<1x1x5000xf32, #tpu.memory_space<hbm>>
      %dma_start3A_26 = tpu.memref_squeeze %dma_start3A_25 : memref<1x1x5000xf32, #tpu.memory_space<hbm>> -> memref<5000xf32, #tpu.memory_space<hbm>>
      %dma_start3A_27 = arith.constant 5000 : i32
      %dma_start3A_28 = tpu.memref_slice %arg5[%dma_start3A_27] : memref<10000xf32, #tpu.memory_space<vmem>> -> memref<5000xf32, #tpu.memory_space<vmem>>
      tpu.enqueue_dma source(%dma_start3A_28 : memref<5000xf32, #tpu.memory_space<vmem>>) target(%dma_start3A_26 : memref<5000xf32, #tpu.memory_space<hbm>>) target_semaphore(%run_scoped3A_19 : memref<!tpu.dma_semaphore, #tpu.memory_space<semaphore_mem>>)
      %dma_wait3A = arith.constant 5000 : i32
      %dma_wait3A_29 = tpu.memref_slice %arg5[%dma_wait3A] : memref<10000xf32, #tpu.memory_space<vmem>> -> memref<5000xf32, #tpu.memory_space<vmem>>
      %dma_wait3A_30 = arith.constant 0 : i32
      %dma_wait3A_31 = tpu.memref_slice %arg3[%run_scoped3A_18, %add3A, %dma_wait3A_30] : memref<2x32x5000xf32, #tpu.memory_space<hbm>> -> memref<1x1x5000xf32, #tpu.memory_space<hbm>>
      %dma_wait3A_32 = tpu.memref_squeeze %dma_wait3A_31 : memref<1x1x5000xf32, #tpu.memory_space<hbm>> -> memref<5000xf32, #tpu.memory_space<hbm>>
      %dma_wait3A_33 = arith.constant 0 : i32
      %dma_wait3A_34 = tpu.memref_slice %arg3[%run_scoped3A_18, %add3A, %dma_wait3A_33] : memref<2x32x5000xf32, #tpu.memory_space<hbm>> -> memref<1x1x5000xf32, #tpu.memory_space<hbm>>
      %dma_wait3A_35 = tpu.memref_squeeze %dma_wait3A_34 : memref<1x1x5000xf32, #tpu.memory_space<hbm>> -> memref<5000xf32, #tpu.memory_space<hbm>>
      %dma_wait3A_36 = arith.constant 5000 : i32
      %dma_wait3A_37 = tpu.memref_slice %arg5[%dma_wait3A_36] : memref<10000xf32, #tpu.memory_space<vmem>> -> memref<5000xf32, #tpu.memory_space<vmem>>
      tpu.wait_dma2 semaphore(%run_scoped3A_19 : memref<!tpu.dma_semaphore, #tpu.memory_space<semaphore_mem>>) src(%dma_wait3A_37 : memref<5000xf32, #tpu.memory_space<vmem>>) dst(%dma_wait3A_35 : memref<5000xf32, #tpu.memory_space<hbm>>)
      tpu.yield
    }) : () -> ()
    return
  }
}

#map = affine_map<(d0, d1) -> (0, 0)>
#map1 = affine_map<(d0, d1) -> (0, 0, 0, 0)>
#map2 = affine_map<(d0, d1) -> (0, 0, 0)>
module attributes {stable_mosaic.version = 14 : i64} {
  func.func @_mp_body(%arg0: i32, %arg1: i32, %arg2: memref<10000x128xf32, #tpu.memory_space<hbm>>, %arg3: memref<2x32x250x40xi32, #tpu.memory_space<hbm>>, %arg4: memref<2x10000x128xf32, #tpu.memory_space<hbm>>, %arg5: memref<250x40xi32, #tpu.memory_space<vmem>>, %arg6: memref<250x40xi32, #tpu.memory_space<vmem>>, %arg7: memref<40x128xf32, #tpu.memory_space<vmem>>, %arg8: memref<40x128xf32, #tpu.memory_space<vmem>>, %arg9: memref<40x128xf32, #tpu.memory_space<vmem>>, %arg10: memref<40x128xf32, #tpu.memory_space<vmem>>, %arg11: memref<40x128xf32, #tpu.memory_space<vmem>>, %arg12: memref<10000x128xf32, #tpu.memory_space<vmem_shared>>, %arg13: memref<!tpu.dma_semaphore, #tpu.memory_space<semaphore_mem>>, %arg14: memref<!tpu.dma_semaphore, #tpu.memory_space<semaphore_mem>>, %arg15: memref<!tpu.dma_semaphore, #tpu.memory_space<semaphore_mem>>, %arg16: memref<!tpu.dma_semaphore, #tpu.memory_space<semaphore_mem>>, %arg17: memref<!tpu.dma_semaphore, #tpu.memory_space<semaphore_mem>>, %arg18: memref<!tpu.dma_semaphore, #tpu.memory_space<semaphore_mem>>, %arg19: memref<!tpu.dma_semaphore, #tpu.memory_space<semaphore_mem>>, %arg20: memref<!tpu.dma_semaphore, #tpu.memory_space<semaphore_mem>>, %arg21: memref<!tpu.dma_semaphore, #tpu.memory_space<semaphore_mem>>, %arg22: memref<!tpu.dma_semaphore, #tpu.memory_space<semaphore_mem>>) attributes {dimension_semantics = [#tpu.dimension_semantics<core_parallel>, #tpu.dimension_semantics<subcore_parallel>], iteration_bounds = array<i64: 2, 16>, scalar_prefetch = 0 : i64, scratch_operands = 18 : i64, tpu.core_type = #tpu.core_type<sc_vector_subcore>, window_params = [{transform_indices = #map}, {transform_indices = #map1}, {transform_indices = #map2}]} {
    %mul3A = arith.constant 16 : i32
    %mul3A_0 = arith.muli %arg0, %mul3A : i32
    %add3A = arith.addi %mul3A_0, %arg1 : i32
    %dma_start3A = arith.constant 0 : i32
    %dma_start3A_1 = arith.constant 0 : i32
    %dma_start3A_2 = arith.constant 0 : i32
    %dma_start3A_3 = tpu.memref_slice %arg3[%dma_start3A, %add3A, %dma_start3A_1, %dma_start3A_2] : memref<2x32x250x40xi32, #tpu.memory_space<hbm>> -> memref<1x1x250x40xi32, #tpu.memory_space<hbm>>
    %dma_start3A_4 = tpu.memref_squeeze %dma_start3A_3 : memref<1x1x250x40xi32, #tpu.memory_space<hbm>> -> memref<250x40xi32, #tpu.memory_space<hbm>>
    %dma_start3A_5 = arith.constant 0 : i32
    %dma_start3A_6 = arith.constant 0 : i32
    %dma_start3A_7 = tpu.memref_slice %arg3[%dma_start3A, %add3A, %dma_start3A_5, %dma_start3A_6] : memref<2x32x250x40xi32, #tpu.memory_space<hbm>> -> memref<1x1x250x40xi32, #tpu.memory_space<hbm>>
    %dma_start3A_8 = tpu.memref_squeeze %dma_start3A_7 : memref<1x1x250x40xi32, #tpu.memory_space<hbm>> -> memref<250x40xi32, #tpu.memory_space<hbm>>
    tpu.enqueue_dma source(%dma_start3A_8 : memref<250x40xi32, #tpu.memory_space<hbm>>) target(%arg5 : memref<250x40xi32, #tpu.memory_space<vmem>>) target_semaphore(%arg13 : memref<!tpu.dma_semaphore, #tpu.memory_space<semaphore_mem>>)
    %dma_start3A_9 = arith.constant 1 : i32
    %dma_start3A_10 = arith.constant 0 : i32
    %dma_start3A_11 = arith.constant 0 : i32
    %dma_start3A_12 = tpu.memref_slice %arg3[%dma_start3A_9, %add3A, %dma_start3A_10, %dma_start3A_11] : memref<2x32x250x40xi32, #tpu.memory_space<hbm>> -> memref<1x1x250x40xi32, #tpu.memory_space<hbm>>
    %dma_start3A_13 = tpu.memref_squeeze %dma_start3A_12 : memref<1x1x250x40xi32, #tpu.memory_space<hbm>> -> memref<250x40xi32, #tpu.memory_space<hbm>>
    %dma_start3A_14 = arith.constant 0 : i32
    %dma_start3A_15 = arith.constant 0 : i32
    %dma_start3A_16 = tpu.memref_slice %arg3[%dma_start3A_9, %add3A, %dma_start3A_14, %dma_start3A_15] : memref<2x32x250x40xi32, #tpu.memory_space<hbm>> -> memref<1x1x250x40xi32, #tpu.memory_space<hbm>>
    %dma_start3A_17 = tpu.memref_squeeze %dma_start3A_16 : memref<1x1x250x40xi32, #tpu.memory_space<hbm>> -> memref<250x40xi32, #tpu.memory_space<hbm>>
    tpu.enqueue_dma source(%dma_start3A_17 : memref<250x40xi32, #tpu.memory_space<hbm>>) target(%arg6 : memref<250x40xi32, #tpu.memory_space<vmem>>) target_semaphore(%arg14 : memref<!tpu.dma_semaphore, #tpu.memory_space<semaphore_mem>>)
    %mul3A_18 = arith.constant 625 : i32
    %mul3A_19 = arith.muli %arg1, %mul3A_18 : i32
    %mul3A_20 = arith.constant 625 : i32
    %mul3A_21 = arith.muli %arg1, %mul3A_20 : i32
    %dma_start3A_22 = arith.constant 0 : i32
    %dma_start3A_23 = tpu.memref_slice %arg12[%mul3A_21, %dma_start3A_22] : memref<10000x128xf32, #tpu.memory_space<vmem_shared>> -> memref<625x128xf32, #tpu.memory_space<vmem_shared>>
    %dma_start3A_24 = arith.constant 0 : i32
    %dma_start3A_25 = tpu.memref_slice %arg2[%mul3A_19, %dma_start3A_24] : memref<10000x128xf32, #tpu.memory_space<hbm>> -> memref<625x128xf32, #tpu.memory_space<hbm>>
    tpu.enqueue_dma source(%dma_start3A_25 : memref<625x128xf32, #tpu.memory_space<hbm>>) target(%dma_start3A_23 : memref<625x128xf32, #tpu.memory_space<vmem_shared>>) target_semaphore(%arg15 : memref<!tpu.dma_semaphore, #tpu.memory_space<semaphore_mem>>)
    %dma_wait3A = arith.constant 0 : i32
    %dma_wait3A_26 = arith.constant 0 : i32
    %dma_wait3A_27 = arith.constant 0 : i32
    %dma_wait3A_28 = tpu.memref_slice %arg3[%dma_wait3A, %add3A, %dma_wait3A_26, %dma_wait3A_27] : memref<2x32x250x40xi32, #tpu.memory_space<hbm>> -> memref<1x1x250x40xi32, #tpu.memory_space<hbm>>
    %dma_wait3A_29 = tpu.memref_squeeze %dma_wait3A_28 : memref<1x1x250x40xi32, #tpu.memory_space<hbm>> -> memref<250x40xi32, #tpu.memory_space<hbm>>
    %dma_wait3A_30 = arith.constant 0 : i32
    %dma_wait3A_31 = arith.constant 0 : i32
    %dma_wait3A_32 = tpu.memref_slice %arg3[%dma_wait3A, %add3A, %dma_wait3A_30, %dma_wait3A_31] : memref<2x32x250x40xi32, #tpu.memory_space<hbm>> -> memref<1x1x250x40xi32, #tpu.memory_space<hbm>>
    %dma_wait3A_33 = tpu.memref_squeeze %dma_wait3A_32 : memref<1x1x250x40xi32, #tpu.memory_space<hbm>> -> memref<250x40xi32, #tpu.memory_space<hbm>>
    tpu.wait_dma2 semaphore(%arg13 : memref<!tpu.dma_semaphore, #tpu.memory_space<semaphore_mem>>) src(%dma_wait3A_33 : memref<250x40xi32, #tpu.memory_space<hbm>>) dst(%arg5 : memref<250x40xi32, #tpu.memory_space<vmem>>)
    %dma_wait3A_34 = arith.constant 1 : i32
    %dma_wait3A_35 = arith.constant 0 : i32
    %dma_wait3A_36 = arith.constant 0 : i32
    %dma_wait3A_37 = tpu.memref_slice %arg3[%dma_wait3A_34, %add3A, %dma_wait3A_35, %dma_wait3A_36] : memref<2x32x250x40xi32, #tpu.memory_space<hbm>> -> memref<1x1x250x40xi32, #tpu.memory_space<hbm>>
    %dma_wait3A_38 = tpu.memref_squeeze %dma_wait3A_37 : memref<1x1x250x40xi32, #tpu.memory_space<hbm>> -> memref<250x40xi32, #tpu.memory_space<hbm>>
    %dma_wait3A_39 = arith.constant 0 : i32
    %dma_wait3A_40 = arith.constant 0 : i32
    %dma_wait3A_41 = tpu.memref_slice %arg3[%dma_wait3A_34, %add3A, %dma_wait3A_39, %dma_wait3A_40] : memref<2x32x250x40xi32, #tpu.memory_space<hbm>> -> memref<1x1x250x40xi32, #tpu.memory_space<hbm>>
    %dma_wait3A_42 = tpu.memref_squeeze %dma_wait3A_41 : memref<1x1x250x40xi32, #tpu.memory_space<hbm>> -> memref<250x40xi32, #tpu.memory_space<hbm>>
    tpu.wait_dma2 semaphore(%arg14 : memref<!tpu.dma_semaphore, #tpu.memory_space<semaphore_mem>>) src(%dma_wait3A_42 : memref<250x40xi32, #tpu.memory_space<hbm>>) dst(%arg6 : memref<250x40xi32, #tpu.memory_space<vmem>>)
    %mul3A_43 = arith.constant 625 : i32
    %mul3A_44 = arith.muli %arg1, %mul3A_43 : i32
    %mul3A_45 = arith.constant 625 : i32
    %mul3A_46 = arith.muli %arg1, %mul3A_45 : i32
    %dma_wait3A_47 = arith.constant 0 : i32
    %dma_wait3A_48 = tpu.memref_slice %arg12[%mul3A_46, %dma_wait3A_47] : memref<10000x128xf32, #tpu.memory_space<vmem_shared>> -> memref<625x128xf32, #tpu.memory_space<vmem_shared>>
    %dma_wait3A_49 = arith.constant 0 : i32
    %dma_wait3A_50 = tpu.memref_slice %arg2[%mul3A_44, %dma_wait3A_49] : memref<10000x128xf32, #tpu.memory_space<hbm>> -> memref<625x128xf32, #tpu.memory_space<hbm>>
    tpu.wait_dma2 semaphore(%arg15 : memref<!tpu.dma_semaphore, #tpu.memory_space<semaphore_mem>>) src(%dma_wait3A_50 : memref<625x128xf32, #tpu.memory_space<hbm>>) dst(%dma_wait3A_48 : memref<625x128xf32, #tpu.memory_space<vmem_shared>>)
    %barrier3A = arith.constant 0 : index
    tpu.barrier barrier_id(%barrier3A)
    %dma_start3A_51 = arith.constant 0 : i32
    %dma_start3A_52 = arith.constant 0 : i32
    %dma_start3A_53 = tpu.memref_slice %arg5[%dma_start3A_51, %dma_start3A_52] : memref<250x40xi32, #tpu.memory_space<vmem>> -> memref<1x40xi32, #tpu.memory_space<vmem>>
    %dma_start3A_54 = tpu.memref_squeeze %dma_start3A_53 : memref<1x40xi32, #tpu.memory_space<vmem>> -> memref<40xi32, #tpu.memory_space<vmem>>
    %dma_start3A_55 = arith.constant 0 : i32
    %dma_start3A_56 = arith.constant 0 : i32
    %dma_start3A_57 = tpu.memref_slice %arg2[%dma_start3A_55, %dma_start3A_56] : memref<10000x128xf32, #tpu.memory_space<hbm>> -> memref<10000x128xf32, #tpu.memory_space<hbm>>
    tpu.enqueue_indirect_dma source(%dma_start3A_57 : memref<10000x128xf32, #tpu.memory_space<hbm>>) target(%arg7 : memref<40x128xf32, #tpu.memory_space<vmem>>) offsets(%dma_start3A_54 : memref<40xi32, #tpu.memory_space<vmem>>) semaphore(%arg13 : memref<!tpu.dma_semaphore, #tpu.memory_space<semaphore_mem>>)
    %dma_start3A_58 = arith.constant 1 : i32
    %dma_start3A_59 = arith.constant 0 : i32
    %dma_start3A_60 = tpu.memref_slice %arg5[%dma_start3A_58, %dma_start3A_59] : memref<250x40xi32, #tpu.memory_space<vmem>> -> memref<1x40xi32, #tpu.memory_space<vmem>>
    %dma_start3A_61 = tpu.memref_squeeze %dma_start3A_60 : memref<1x40xi32, #tpu.memory_space<vmem>> -> memref<40xi32, #tpu.memory_space<vmem>>
    %dma_start3A_62 = arith.constant 0 : i32
    %dma_start3A_63 = arith.constant 0 : i32
    %dma_start3A_64 = tpu.memref_slice %arg2[%dma_start3A_62, %dma_start3A_63] : memref<10000x128xf32, #tpu.memory_space<hbm>> -> memref<10000x128xf32, #tpu.memory_space<hbm>>
    tpu.enqueue_indirect_dma source(%dma_start3A_64 : memref<10000x128xf32, #tpu.memory_space<hbm>>) target(%arg8 : memref<40x128xf32, #tpu.memory_space<vmem>>) offsets(%dma_start3A_61 : memref<40xi32, #tpu.memory_space<vmem>>) semaphore(%arg14 : memref<!tpu.dma_semaphore, #tpu.memory_space<semaphore_mem>>)
    %dma_start3A_65 = arith.constant 2 : i32
    %dma_start3A_66 = arith.constant 0 : i32
    %dma_start3A_67 = tpu.memref_slice %arg5[%dma_start3A_65, %dma_start3A_66] : memref<250x40xi32, #tpu.memory_space<vmem>> -> memref<1x40xi32, #tpu.memory_space<vmem>>
    %dma_start3A_68 = tpu.memref_squeeze %dma_start3A_67 : memref<1x40xi32, #tpu.memory_space<vmem>> -> memref<40xi32, #tpu.memory_space<vmem>>
    %dma_start3A_69 = arith.constant 0 : i32
    %dma_start3A_70 = arith.constant 0 : i32
    %dma_start3A_71 = tpu.memref_slice %arg2[%dma_start3A_69, %dma_start3A_70] : memref<10000x128xf32, #tpu.memory_space<hbm>> -> memref<10000x128xf32, #tpu.memory_space<hbm>>
    tpu.enqueue_indirect_dma source(%dma_start3A_71 : memref<10000x128xf32, #tpu.memory_space<hbm>>) target(%arg9 : memref<40x128xf32, #tpu.memory_space<vmem>>) offsets(%dma_start3A_68 : memref<40xi32, #tpu.memory_space<vmem>>) semaphore(%arg15 : memref<!tpu.dma_semaphore, #tpu.memory_space<semaphore_mem>>)
    %dma_start3A_72 = arith.constant 3 : i32
    %dma_start3A_73 = arith.constant 0 : i32
    %dma_start3A_74 = tpu.memref_slice %arg5[%dma_start3A_72, %dma_start3A_73] : memref<250x40xi32, #tpu.memory_space<vmem>> -> memref<1x40xi32, #tpu.memory_space<vmem>>
    %dma_start3A_75 = tpu.memref_squeeze %dma_start3A_74 : memref<1x40xi32, #tpu.memory_space<vmem>> -> memref<40xi32, #tpu.memory_space<vmem>>
    %dma_start3A_76 = arith.constant 0 : i32
    %dma_start3A_77 = arith.constant 0 : i32
    %dma_start3A_78 = tpu.memref_slice %arg2[%dma_start3A_76, %dma_start3A_77] : memref<10000x128xf32, #tpu.memory_space<hbm>> -> memref<10000x128xf32, #tpu.memory_space<hbm>>
    tpu.enqueue_indirect_dma source(%dma_start3A_78 : memref<10000x128xf32, #tpu.memory_space<hbm>>) target(%arg10 : memref<40x128xf32, #tpu.memory_space<vmem>>) offsets(%dma_start3A_75 : memref<40xi32, #tpu.memory_space<vmem>>) semaphore(%arg16 : memref<!tpu.dma_semaphore, #tpu.memory_space<semaphore_mem>>)
    %dma_start3A_79 = arith.constant 4 : i32
    %dma_start3A_80 = arith.constant 0 : i32
    %dma_start3A_81 = tpu.memref_slice %arg5[%dma_start3A_79, %dma_start3A_80] : memref<250x40xi32, #tpu.memory_space<vmem>> -> memref<1x40xi32, #tpu.memory_space<vmem>>
    %dma_start3A_82 = tpu.memref_squeeze %dma_start3A_81 : memref<1x40xi32, #tpu.memory_space<vmem>> -> memref<40xi32, #tpu.memory_space<vmem>>
    %dma_start3A_83 = arith.constant 0 : i32
    %dma_start3A_84 = arith.constant 0 : i32
    %dma_start3A_85 = tpu.memref_slice %arg2[%dma_start3A_83, %dma_start3A_84] : memref<10000x128xf32, #tpu.memory_space<hbm>> -> memref<10000x128xf32, #tpu.memory_space<hbm>>
    tpu.enqueue_indirect_dma source(%dma_start3A_85 : memref<10000x128xf32, #tpu.memory_space<hbm>>) target(%arg11 : memref<40x128xf32, #tpu.memory_space<vmem>>) offsets(%dma_start3A_82 : memref<40xi32, #tpu.memory_space<vmem>>) semaphore(%arg17 : memref<!tpu.dma_semaphore, #tpu.memory_space<semaphore_mem>>)
    %scan3A = arith.constant 0 : i32
    %scan3A_86 = arith.constant 0 : i32
    %scan3A_87 = arith.constant 50 : i32
    %scan3A_88 = arith.addi %scan3A_86, %scan3A_87 : i32
    %scan3A_89 = arith.constant 1 : i32
    scf.for %scan3A_96 = %scan3A_86 to %scan3A_88 step %scan3A_89  : i32 {
      %mul3A_97 = arith.constant 5 : i32
      %mul3A_98 = arith.muli %scan3A_96, %mul3A_97 : i32
      %add3A_99 = arith.constant 0 : i32
      %add3A_100 = arith.addi %mul3A_98, %add3A_99 : i32
      %dma_wait3A_101 = arith.constant 0 : i32
      %dma_wait3A_102 = tpu.memref_slice %arg5[%add3A_100, %dma_wait3A_101] : memref<250x40xi32, #tpu.memory_space<vmem>> -> memref<1x40xi32, #tpu.memory_space<vmem>>
      %dma_wait3A_103 = tpu.memref_squeeze %dma_wait3A_102 : memref<1x40xi32, #tpu.memory_space<vmem>> -> memref<40xi32, #tpu.memory_space<vmem>>
      %dma_wait3A_104 = arith.constant 0 : i32
      %dma_wait3A_105 = arith.constant 0 : i32
      %dma_wait3A_106 = tpu.memref_slice %arg2[%dma_wait3A_104, %dma_wait3A_105] : memref<10000x128xf32, #tpu.memory_space<hbm>> -> memref<10000x128xf32, #tpu.memory_space<hbm>>
      tpu.wait_indirect_dma semaphore(%arg13 : memref<!tpu.dma_semaphore, #tpu.memory_space<semaphore_mem>>) src(%dma_wait3A_106 : memref<10000x128xf32, #tpu.memory_space<hbm>>) dst(%arg7 : memref<40x128xf32, #tpu.memory_space<vmem>>)
      %dma_start3A_107 = arith.constant 0 : i32
      %dma_start3A_108 = tpu.memref_slice %arg6[%add3A_100, %dma_start3A_107] : memref<250x40xi32, #tpu.memory_space<vmem>> -> memref<1x40xi32, #tpu.memory_space<vmem>>
      %dma_start3A_109 = tpu.memref_squeeze %dma_start3A_108 : memref<1x40xi32, #tpu.memory_space<vmem>> -> memref<40xi32, #tpu.memory_space<vmem>>
      %dma_start3A_110 = arith.constant 0 : i32
      %dma_start3A_111 = arith.constant 0 : i32
      %dma_start3A_112 = tpu.memref_slice %arg12[%dma_start3A_110, %dma_start3A_111] : memref<10000x128xf32, #tpu.memory_space<vmem_shared>> -> memref<10000x128xf32, #tpu.memory_space<vmem_shared>>
      tpu.enqueue_indirect_dma source(%arg7 : memref<40x128xf32, #tpu.memory_space<vmem>>) target(%dma_start3A_112 : memref<10000x128xf32, #tpu.memory_space<vmem_shared>>) offsets(%dma_start3A_109 : memref<40xi32, #tpu.memory_space<vmem>>) semaphore(%arg18 : memref<!tpu.dma_semaphore, #tpu.memory_space<semaphore_mem>>) {add = true}
      %mul3A_113 = arith.constant 5 : i32
      %mul3A_114 = arith.muli %scan3A_96, %mul3A_113 : i32
      %add3A_115 = arith.constant 1 : i32
      %add3A_116 = arith.addi %mul3A_114, %add3A_115 : i32
      %dma_wait3A_117 = arith.constant 0 : i32
      %dma_wait3A_118 = tpu.memref_slice %arg5[%add3A_116, %dma_wait3A_117] : memref<250x40xi32, #tpu.memory_space<vmem>> -> memref<1x40xi32, #tpu.memory_space<vmem>>
      %dma_wait3A_119 = tpu.memref_squeeze %dma_wait3A_118 : memref<1x40xi32, #tpu.memory_space<vmem>> -> memref<40xi32, #tpu.memory_space<vmem>>
      %dma_wait3A_120 = arith.constant 0 : i32
      %dma_wait3A_121 = arith.constant 0 : i32
      %dma_wait3A_122 = tpu.memref_slice %arg2[%dma_wait3A_120, %dma_wait3A_121] : memref<10000x128xf32, #tpu.memory_space<hbm>> -> memref<10000x128xf32, #tpu.memory_space<hbm>>
      tpu.wait_indirect_dma semaphore(%arg14 : memref<!tpu.dma_semaphore, #tpu.memory_space<semaphore_mem>>) src(%dma_wait3A_122 : memref<10000x128xf32, #tpu.memory_space<hbm>>) dst(%arg8 : memref<40x128xf32, #tpu.memory_space<vmem>>)
      %dma_start3A_123 = arith.constant 0 : i32
      %dma_start3A_124 = tpu.memref_slice %arg6[%add3A_116, %dma_start3A_123] : memref<250x40xi32, #tpu.memory_space<vmem>> -> memref<1x40xi32, #tpu.memory_space<vmem>>
      %dma_start3A_125 = tpu.memref_squeeze %dma_start3A_124 : memref<1x40xi32, #tpu.memory_space<vmem>> -> memref<40xi32, #tpu.memory_space<vmem>>
      %dma_start3A_126 = arith.constant 0 : i32
      %dma_start3A_127 = arith.constant 0 : i32
      %dma_start3A_128 = tpu.memref_slice %arg12[%dma_start3A_126, %dma_start3A_127] : memref<10000x128xf32, #tpu.memory_space<vmem_shared>> -> memref<10000x128xf32, #tpu.memory_space<vmem_shared>>
      tpu.enqueue_indirect_dma source(%arg8 : memref<40x128xf32, #tpu.memory_space<vmem>>) target(%dma_start3A_128 : memref<10000x128xf32, #tpu.memory_space<vmem_shared>>) offsets(%dma_start3A_125 : memref<40xi32, #tpu.memory_space<vmem>>) semaphore(%arg19 : memref<!tpu.dma_semaphore, #tpu.memory_space<semaphore_mem>>) {add = true}
      %mul3A_129 = arith.constant 5 : i32
      %mul3A_130 = arith.muli %scan3A_96, %mul3A_129 : i32
      %add3A_131 = arith.constant 2 : i32
      %add3A_132 = arith.addi %mul3A_130, %add3A_131 : i32
      %dma_wait3A_133 = arith.constant 0 : i32
      %dma_wait3A_134 = tpu.memref_slice %arg5[%add3A_132, %dma_wait3A_133] : memref<250x40xi32, #tpu.memory_space<vmem>> -> memref<1x40xi32, #tpu.memory_space<vmem>>
      %dma_wait3A_135 = tpu.memref_squeeze %dma_wait3A_134 : memref<1x40xi32, #tpu.memory_space<vmem>> -> memref<40xi32, #tpu.memory_space<vmem>>
      %dma_wait3A_136 = arith.constant 0 : i32
      %dma_wait3A_137 = arith.constant 0 : i32
      %dma_wait3A_138 = tpu.memref_slice %arg2[%dma_wait3A_136, %dma_wait3A_137] : memref<10000x128xf32, #tpu.memory_space<hbm>> -> memref<10000x128xf32, #tpu.memory_space<hbm>>
      tpu.wait_indirect_dma semaphore(%arg15 : memref<!tpu.dma_semaphore, #tpu.memory_space<semaphore_mem>>) src(%dma_wait3A_138 : memref<10000x128xf32, #tpu.memory_space<hbm>>) dst(%arg9 : memref<40x128xf32, #tpu.memory_space<vmem>>)
      %dma_start3A_139 = arith.constant 0 : i32
      %dma_start3A_140 = tpu.memref_slice %arg6[%add3A_132, %dma_start3A_139] : memref<250x40xi32, #tpu.memory_space<vmem>> -> memref<1x40xi32, #tpu.memory_space<vmem>>
      %dma_start3A_141 = tpu.memref_squeeze %dma_start3A_140 : memref<1x40xi32, #tpu.memory_space<vmem>> -> memref<40xi32, #tpu.memory_space<vmem>>
      %dma_start3A_142 = arith.constant 0 : i32
      %dma_start3A_143 = arith.constant 0 : i32
      %dma_start3A_144 = tpu.memref_slice %arg12[%dma_start3A_142, %dma_start3A_143] : memref<10000x128xf32, #tpu.memory_space<vmem_shared>> -> memref<10000x128xf32, #tpu.memory_space<vmem_shared>>
      tpu.enqueue_indirect_dma source(%arg9 : memref<40x128xf32, #tpu.memory_space<vmem>>) target(%dma_start3A_144 : memref<10000x128xf32, #tpu.memory_space<vmem_shared>>) offsets(%dma_start3A_141 : memref<40xi32, #tpu.memory_space<vmem>>) semaphore(%arg20 : memref<!tpu.dma_semaphore, #tpu.memory_space<semaphore_mem>>) {add = true}
      %mul3A_145 = arith.constant 5 : i32
      %mul3A_146 = arith.muli %scan3A_96, %mul3A_145 : i32
      %add3A_147 = arith.constant 3 : i32
      %add3A_148 = arith.addi %mul3A_146, %add3A_147 : i32
      %dma_wait3A_149 = arith.constant 0 : i32
      %dma_wait3A_150 = tpu.memref_slice %arg5[%add3A_148, %dma_wait3A_149] : memref<250x40xi32, #tpu.memory_space<vmem>> -> memref<1x40xi32, #tpu.memory_space<vmem>>
      %dma_wait3A_151 = tpu.memref_squeeze %dma_wait3A_150 : memref<1x40xi32, #tpu.memory_space<vmem>> -> memref<40xi32, #tpu.memory_space<vmem>>
      %dma_wait3A_152 = arith.constant 0 : i32
      %dma_wait3A_153 = arith.constant 0 : i32
      %dma_wait3A_154 = tpu.memref_slice %arg2[%dma_wait3A_152, %dma_wait3A_153] : memref<10000x128xf32, #tpu.memory_space<hbm>> -> memref<10000x128xf32, #tpu.memory_space<hbm>>
      tpu.wait_indirect_dma semaphore(%arg16 : memref<!tpu.dma_semaphore, #tpu.memory_space<semaphore_mem>>) src(%dma_wait3A_154 : memref<10000x128xf32, #tpu.memory_space<hbm>>) dst(%arg10 : memref<40x128xf32, #tpu.memory_space<vmem>>)
      %dma_start3A_155 = arith.constant 0 : i32
      %dma_start3A_156 = tpu.memref_slice %arg6[%add3A_148, %dma_start3A_155] : memref<250x40xi32, #tpu.memory_space<vmem>> -> memref<1x40xi32, #tpu.memory_space<vmem>>
      %dma_start3A_157 = tpu.memref_squeeze %dma_start3A_156 : memref<1x40xi32, #tpu.memory_space<vmem>> -> memref<40xi32, #tpu.memory_space<vmem>>
      %dma_start3A_158 = arith.constant 0 : i32
      %dma_start3A_159 = arith.constant 0 : i32
      %dma_start3A_160 = tpu.memref_slice %arg12[%dma_start3A_158, %dma_start3A_159] : memref<10000x128xf32, #tpu.memory_space<vmem_shared>> -> memref<10000x128xf32, #tpu.memory_space<vmem_shared>>
      tpu.enqueue_indirect_dma source(%arg10 : memref<40x128xf32, #tpu.memory_space<vmem>>) target(%dma_start3A_160 : memref<10000x128xf32, #tpu.memory_space<vmem_shared>>) offsets(%dma_start3A_157 : memref<40xi32, #tpu.memory_space<vmem>>) semaphore(%arg21 : memref<!tpu.dma_semaphore, #tpu.memory_space<semaphore_mem>>) {add = true}
      %mul3A_161 = arith.constant 5 : i32
      %mul3A_162 = arith.muli %scan3A_96, %mul3A_161 : i32
      %add3A_163 = arith.constant 4 : i32
      %add3A_164 = arith.addi %mul3A_162, %add3A_163 : i32
      %dma_wait3A_165 = arith.constant 0 : i32
      %dma_wait3A_166 = tpu.memref_slice %arg5[%add3A_164, %dma_wait3A_165] : memref<250x40xi32, #tpu.memory_space<vmem>> -> memref<1x40xi32, #tpu.memory_space<vmem>>
      %dma_wait3A_167 = tpu.memref_squeeze %dma_wait3A_166 : memref<1x40xi32, #tpu.memory_space<vmem>> -> memref<40xi32, #tpu.memory_space<vmem>>
      %dma_wait3A_168 = arith.constant 0 : i32
      %dma_wait3A_169 = arith.constant 0 : i32
      %dma_wait3A_170 = tpu.memref_slice %arg2[%dma_wait3A_168, %dma_wait3A_169] : memref<10000x128xf32, #tpu.memory_space<hbm>> -> memref<10000x128xf32, #tpu.memory_space<hbm>>
      tpu.wait_indirect_dma semaphore(%arg17 : memref<!tpu.dma_semaphore, #tpu.memory_space<semaphore_mem>>) src(%dma_wait3A_170 : memref<10000x128xf32, #tpu.memory_space<hbm>>) dst(%arg11 : memref<40x128xf32, #tpu.memory_space<vmem>>)
      %dma_start3A_171 = arith.constant 0 : i32
      %dma_start3A_172 = tpu.memref_slice %arg6[%add3A_164, %dma_start3A_171] : memref<250x40xi32, #tpu.memory_space<vmem>> -> memref<1x40xi32, #tpu.memory_space<vmem>>
      %dma_start3A_173 = tpu.memref_squeeze %dma_start3A_172 : memref<1x40xi32, #tpu.memory_space<vmem>> -> memref<40xi32, #tpu.memory_space<vmem>>
      %dma_start3A_174 = arith.constant 0 : i32
      %dma_start3A_175 = arith.constant 0 : i32
      %dma_start3A_176 = tpu.memref_slice %arg12[%dma_start3A_174, %dma_start3A_175] : memref<10000x128xf32, #tpu.memory_space<vmem_shared>> -> memref<10000x128xf32, #tpu.memory_space<vmem_shared>>
      tpu.enqueue_indirect_dma source(%arg11 : memref<40x128xf32, #tpu.memory_space<vmem>>) target(%dma_start3A_176 : memref<10000x128xf32, #tpu.memory_space<vmem_shared>>) offsets(%dma_start3A_173 : memref<40xi32, #tpu.memory_space<vmem>>) semaphore(%arg22 : memref<!tpu.dma_semaphore, #tpu.memory_space<semaphore_mem>>) {add = true}
      %mul3A_177 = arith.constant 5 : i32
      %mul3A_178 = arith.muli %scan3A_96, %mul3A_177 : i32
      %add3A_179 = arith.constant 0 : i32
      %add3A_180 = arith.addi %mul3A_178, %add3A_179 : i32
      %dma_wait3A_181 = arith.constant 0 : i32
      %dma_wait3A_182 = tpu.memref_slice %arg6[%add3A_180, %dma_wait3A_181] : memref<250x40xi32, #tpu.memory_space<vmem>> -> memref<1x40xi32, #tpu.memory_space<vmem>>
      %dma_wait3A_183 = tpu.memref_squeeze %dma_wait3A_182 : memref<1x40xi32, #tpu.memory_space<vmem>> -> memref<40xi32, #tpu.memory_space<vmem>>
      %dma_wait3A_184 = arith.constant 0 : i32
      %dma_wait3A_185 = arith.constant 0 : i32
      %dma_wait3A_186 = tpu.memref_slice %arg12[%dma_wait3A_184, %dma_wait3A_185] : memref<10000x128xf32, #tpu.memory_space<vmem_shared>> -> memref<10000x128xf32, #tpu.memory_space<vmem_shared>>
      tpu.wait_indirect_dma semaphore(%arg18 : memref<!tpu.dma_semaphore, #tpu.memory_space<semaphore_mem>>) src(%arg7 : memref<40x128xf32, #tpu.memory_space<vmem>>) dst(%dma_wait3A_186 : memref<10000x128xf32, #tpu.memory_space<vmem_shared>>)
      %lt3A = arith.constant 49 : i32
      %lt3A_187 = arith.cmpi slt, %scan3A_96, %lt3A : i32
      %convert_element_type3A = arith.extui %lt3A_187 : i1 to i32
      %cond3A = arith.constant 0 : i32
      %cond3A_188 = arith.cmpi ne, %convert_element_type3A, %cond3A : i32
      scf.if %cond3A_188 {
        %add3A_249 = arith.constant 5 : i32
        %add3A_250 = arith.addi %add3A_180, %add3A_249 : i32
        %dma_start3A_251 = arith.constant 0 : i32
        %dma_start3A_252 = tpu.memref_slice %arg5[%add3A_250, %dma_start3A_251] : memref<250x40xi32, #tpu.memory_space<vmem>> -> memref<1x40xi32, #tpu.memory_space<vmem>>
        %dma_start3A_253 = tpu.memref_squeeze %dma_start3A_252 : memref<1x40xi32, #tpu.memory_space<vmem>> -> memref<40xi32, #tpu.memory_space<vmem>>
        %dma_start3A_254 = arith.constant 0 : i32
        %dma_start3A_255 = arith.constant 0 : i32
        %dma_start3A_256 = tpu.memref_slice %arg2[%dma_start3A_254, %dma_start3A_255] : memref<10000x128xf32, #tpu.memory_space<hbm>> -> memref<10000x128xf32, #tpu.memory_space<hbm>>
        tpu.enqueue_indirect_dma source(%dma_start3A_256 : memref<10000x128xf32, #tpu.memory_space<hbm>>) target(%arg7 : memref<40x128xf32, #tpu.memory_space<vmem>>) offsets(%dma_start3A_253 : memref<40xi32, #tpu.memory_space<vmem>>) semaphore(%arg13 : memref<!tpu.dma_semaphore, #tpu.memory_space<semaphore_mem>>)
      } else {
      }
      %mul3A_189 = arith.constant 5 : i32
      %mul3A_190 = arith.muli %scan3A_96, %mul3A_189 : i32
      %add3A_191 = arith.constant 1 : i32
      %add3A_192 = arith.addi %mul3A_190, %add3A_191 : i32
      %dma_wait3A_193 = arith.constant 0 : i32
      %dma_wait3A_194 = tpu.memref_slice %arg6[%add3A_192, %dma_wait3A_193] : memref<250x40xi32, #tpu.memory_space<vmem>> -> memref<1x40xi32, #tpu.memory_space<vmem>>
      %dma_wait3A_195 = tpu.memref_squeeze %dma_wait3A_194 : memref<1x40xi32, #tpu.memory_space<vmem>> -> memref<40xi32, #tpu.memory_space<vmem>>
      %dma_wait3A_196 = arith.constant 0 : i32
      %dma_wait3A_197 = arith.constant 0 : i32
      %dma_wait3A_198 = tpu.memref_slice %arg12[%dma_wait3A_196, %dma_wait3A_197] : memref<10000x128xf32, #tpu.memory_space<vmem_shared>> -> memref<10000x128xf32, #tpu.memory_space<vmem_shared>>
      tpu.wait_indirect_dma semaphore(%arg19 : memref<!tpu.dma_semaphore, #tpu.memory_space<semaphore_mem>>) src(%arg8 : memref<40x128xf32, #tpu.memory_space<vmem>>) dst(%dma_wait3A_198 : memref<10000x128xf32, #tpu.memory_space<vmem_shared>>)
      %lt3A_199 = arith.constant 49 : i32
      %lt3A_200 = arith.cmpi slt, %scan3A_96, %lt3A_199 : i32
      %convert_element_type3A_201 = arith.extui %lt3A_200 : i1 to i32
      %cond3A_202 = arith.constant 0 : i32
      %cond3A_203 = arith.cmpi ne, %convert_element_type3A_201, %cond3A_202 : i32
      scf.if %cond3A_203 {
        %add3A_249 = arith.constant 5 : i32
        %add3A_250 = arith.addi %add3A_192, %add3A_249 : i32
        %dma_start3A_251 = arith.constant 0 : i32
        %dma_start3A_252 = tpu.memref_slice %arg5[%add3A_250, %dma_start3A_251] : memref<250x40xi32, #tpu.memory_space<vmem>> -> memref<1x40xi32, #tpu.memory_space<vmem>>
        %dma_start3A_253 = tpu.memref_squeeze %dma_start3A_252 : memref<1x40xi32, #tpu.memory_space<vmem>> -> memref<40xi32, #tpu.memory_space<vmem>>
        %dma_start3A_254 = arith.constant 0 : i32
        %dma_start3A_255 = arith.constant 0 : i32
        %dma_start3A_256 = tpu.memref_slice %arg2[%dma_start3A_254, %dma_start3A_255] : memref<10000x128xf32, #tpu.memory_space<hbm>> -> memref<10000x128xf32, #tpu.memory_space<hbm>>
        tpu.enqueue_indirect_dma source(%dma_start3A_256 : memref<10000x128xf32, #tpu.memory_space<hbm>>) target(%arg8 : memref<40x128xf32, #tpu.memory_space<vmem>>) offsets(%dma_start3A_253 : memref<40xi32, #tpu.memory_space<vmem>>) semaphore(%arg14 : memref<!tpu.dma_semaphore, #tpu.memory_space<semaphore_mem>>)
      } else {
      }
      %mul3A_204 = arith.constant 5 : i32
      %mul3A_205 = arith.muli %scan3A_96, %mul3A_204 : i32
      %add3A_206 = arith.constant 2 : i32
      %add3A_207 = arith.addi %mul3A_205, %add3A_206 : i32
      %dma_wait3A_208 = arith.constant 0 : i32
      %dma_wait3A_209 = tpu.memref_slice %arg6[%add3A_207, %dma_wait3A_208] : memref<250x40xi32, #tpu.memory_space<vmem>> -> memref<1x40xi32, #tpu.memory_space<vmem>>
      %dma_wait3A_210 = tpu.memref_squeeze %dma_wait3A_209 : memref<1x40xi32, #tpu.memory_space<vmem>> -> memref<40xi32, #tpu.memory_space<vmem>>
      %dma_wait3A_211 = arith.constant 0 : i32
      %dma_wait3A_212 = arith.constant 0 : i32
      %dma_wait3A_213 = tpu.memref_slice %arg12[%dma_wait3A_211, %dma_wait3A_212] : memref<10000x128xf32, #tpu.memory_space<vmem_shared>> -> memref<10000x128xf32, #tpu.memory_space<vmem_shared>>
      tpu.wait_indirect_dma semaphore(%arg20 : memref<!tpu.dma_semaphore, #tpu.memory_space<semaphore_mem>>) src(%arg9 : memref<40x128xf32, #tpu.memory_space<vmem>>) dst(%dma_wait3A_213 : memref<10000x128xf32, #tpu.memory_space<vmem_shared>>)
      %lt3A_214 = arith.constant 49 : i32
      %lt3A_215 = arith.cmpi slt, %scan3A_96, %lt3A_214 : i32
      %convert_element_type3A_216 = arith.extui %lt3A_215 : i1 to i32
      %cond3A_217 = arith.constant 0 : i32
      %cond3A_218 = arith.cmpi ne, %convert_element_type3A_216, %cond3A_217 : i32
      scf.if %cond3A_218 {
        %add3A_249 = arith.constant 5 : i32
        %add3A_250 = arith.addi %add3A_207, %add3A_249 : i32
        %dma_start3A_251 = arith.constant 0 : i32
        %dma_start3A_252 = tpu.memref_slice %arg5[%add3A_250, %dma_start3A_251] : memref<250x40xi32, #tpu.memory_space<vmem>> -> memref<1x40xi32, #tpu.memory_space<vmem>>
        %dma_start3A_253 = tpu.memref_squeeze %dma_start3A_252 : memref<1x40xi32, #tpu.memory_space<vmem>> -> memref<40xi32, #tpu.memory_space<vmem>>
        %dma_start3A_254 = arith.constant 0 : i32
        %dma_start3A_255 = arith.constant 0 : i32
        %dma_start3A_256 = tpu.memref_slice %arg2[%dma_start3A_254, %dma_start3A_255] : memref<10000x128xf32, #tpu.memory_space<hbm>> -> memref<10000x128xf32, #tpu.memory_space<hbm>>
        tpu.enqueue_indirect_dma source(%dma_start3A_256 : memref<10000x128xf32, #tpu.memory_space<hbm>>) target(%arg9 : memref<40x128xf32, #tpu.memory_space<vmem>>) offsets(%dma_start3A_253 : memref<40xi32, #tpu.memory_space<vmem>>) semaphore(%arg15 : memref<!tpu.dma_semaphore, #tpu.memory_space<semaphore_mem>>)
      } else {
      }
      %mul3A_219 = arith.constant 5 : i32
      %mul3A_220 = arith.muli %scan3A_96, %mul3A_219 : i32
      %add3A_221 = arith.constant 3 : i32
      %add3A_222 = arith.addi %mul3A_220, %add3A_221 : i32
      %dma_wait3A_223 = arith.constant 0 : i32
      %dma_wait3A_224 = tpu.memref_slice %arg6[%add3A_222, %dma_wait3A_223] : memref<250x40xi32, #tpu.memory_space<vmem>> -> memref<1x40xi32, #tpu.memory_space<vmem>>
      %dma_wait3A_225 = tpu.memref_squeeze %dma_wait3A_224 : memref<1x40xi32, #tpu.memory_space<vmem>> -> memref<40xi32, #tpu.memory_space<vmem>>
      %dma_wait3A_226 = arith.constant 0 : i32
      %dma_wait3A_227 = arith.constant 0 : i32
      %dma_wait3A_228 = tpu.memref_slice %arg12[%dma_wait3A_226, %dma_wait3A_227] : memref<10000x128xf32, #tpu.memory_space<vmem_shared>> -> memref<10000x128xf32, #tpu.memory_space<vmem_shared>>
      tpu.wait_indirect_dma semaphore(%arg21 : memref<!tpu.dma_semaphore, #tpu.memory_space<semaphore_mem>>) src(%arg10 : memref<40x128xf32, #tpu.memory_space<vmem>>) dst(%dma_wait3A_228 : memref<10000x128xf32, #tpu.memory_space<vmem_shared>>)
      %lt3A_229 = arith.constant 49 : i32
      %lt3A_230 = arith.cmpi slt, %scan3A_96, %lt3A_229 : i32
      %convert_element_type3A_231 = arith.extui %lt3A_230 : i1 to i32
      %cond3A_232 = arith.constant 0 : i32
      %cond3A_233 = arith.cmpi ne, %convert_element_type3A_231, %cond3A_232 : i32
      scf.if %cond3A_233 {
        %add3A_249 = arith.constant 5 : i32
        %add3A_250 = arith.addi %add3A_222, %add3A_249 : i32
        %dma_start3A_251 = arith.constant 0 : i32
        %dma_start3A_252 = tpu.memref_slice %arg5[%add3A_250, %dma_start3A_251] : memref<250x40xi32, #tpu.memory_space<vmem>> -> memref<1x40xi32, #tpu.memory_space<vmem>>
        %dma_start3A_253 = tpu.memref_squeeze %dma_start3A_252 : memref<1x40xi32, #tpu.memory_space<vmem>> -> memref<40xi32, #tpu.memory_space<vmem>>
        %dma_start3A_254 = arith.constant 0 : i32
        %dma_start3A_255 = arith.constant 0 : i32
        %dma_start3A_256 = tpu.memref_slice %arg2[%dma_start3A_254, %dma_start3A_255] : memref<10000x128xf32, #tpu.memory_space<hbm>> -> memref<10000x128xf32, #tpu.memory_space<hbm>>
        tpu.enqueue_indirect_dma source(%dma_start3A_256 : memref<10000x128xf32, #tpu.memory_space<hbm>>) target(%arg10 : memref<40x128xf32, #tpu.memory_space<vmem>>) offsets(%dma_start3A_253 : memref<40xi32, #tpu.memory_space<vmem>>) semaphore(%arg16 : memref<!tpu.dma_semaphore, #tpu.memory_space<semaphore_mem>>)
      } else {
      }
      %mul3A_234 = arith.constant 5 : i32
      %mul3A_235 = arith.muli %scan3A_96, %mul3A_234 : i32
      %add3A_236 = arith.constant 4 : i32
      %add3A_237 = arith.addi %mul3A_235, %add3A_236 : i32
      %dma_wait3A_238 = arith.constant 0 : i32
      %dma_wait3A_239 = tpu.memref_slice %arg6[%add3A_237, %dma_wait3A_238] : memref<250x40xi32, #tpu.memory_space<vmem>> -> memref<1x40xi32, #tpu.memory_space<vmem>>
      %dma_wait3A_240 = tpu.memref_squeeze %dma_wait3A_239 : memref<1x40xi32, #tpu.memory_space<vmem>> -> memref<40xi32, #tpu.memory_space<vmem>>
      %dma_wait3A_241 = arith.constant 0 : i32
      %dma_wait3A_242 = arith.constant 0 : i32
      %dma_wait3A_243 = tpu.memref_slice %arg12[%dma_wait3A_241, %dma_wait3A_242] : memref<10000x128xf32, #tpu.memory_space<vmem_shared>> -> memref<10000x128xf32, #tpu.memory_space<vmem_shared>>
      tpu.wait_indirect_dma semaphore(%arg22 : memref<!tpu.dma_semaphore, #tpu.memory_space<semaphore_mem>>) src(%arg11 : memref<40x128xf32, #tpu.memory_space<vmem>>) dst(%dma_wait3A_243 : memref<10000x128xf32, #tpu.memory_space<vmem_shared>>)
      %lt3A_244 = arith.constant 49 : i32
      %lt3A_245 = arith.cmpi slt, %scan3A_96, %lt3A_244 : i32
      %convert_element_type3A_246 = arith.extui %lt3A_245 : i1 to i32
      %cond3A_247 = arith.constant 0 : i32
      %cond3A_248 = arith.cmpi ne, %convert_element_type3A_246, %cond3A_247 : i32
      scf.if %cond3A_248 {
        %add3A_249 = arith.constant 5 : i32
        %add3A_250 = arith.addi %add3A_237, %add3A_249 : i32
        %dma_start3A_251 = arith.constant 0 : i32
        %dma_start3A_252 = tpu.memref_slice %arg5[%add3A_250, %dma_start3A_251] : memref<250x40xi32, #tpu.memory_space<vmem>> -> memref<1x40xi32, #tpu.memory_space<vmem>>
        %dma_start3A_253 = tpu.memref_squeeze %dma_start3A_252 : memref<1x40xi32, #tpu.memory_space<vmem>> -> memref<40xi32, #tpu.memory_space<vmem>>
        %dma_start3A_254 = arith.constant 0 : i32
        %dma_start3A_255 = arith.constant 0 : i32
        %dma_start3A_256 = tpu.memref_slice %arg2[%dma_start3A_254, %dma_start3A_255] : memref<10000x128xf32, #tpu.memory_space<hbm>> -> memref<10000x128xf32, #tpu.memory_space<hbm>>
        tpu.enqueue_indirect_dma source(%dma_start3A_256 : memref<10000x128xf32, #tpu.memory_space<hbm>>) target(%arg11 : memref<40x128xf32, #tpu.memory_space<vmem>>) offsets(%dma_start3A_253 : memref<40xi32, #tpu.memory_space<vmem>>) semaphore(%arg17 : memref<!tpu.dma_semaphore, #tpu.memory_space<semaphore_mem>>)
      } else {
      }
    }
    %scan3A_90 = arith.constant 50 : i32
    %barrier3A_91 = arith.constant 0 : index
    tpu.barrier barrier_id(%barrier3A_91)
    %mul3A_92 = arith.constant 625 : i32
    %mul3A_93 = arith.muli %arg1, %mul3A_92 : i32
    %mul3A_94 = arith.constant 625 : i32
    %mul3A_95 = arith.muli %arg1, %mul3A_94 : i32
    "tpu.region"() ({
      %run_scoped3A = tpu.sem_alloc : memref<!tpu.dma_semaphore, #tpu.memory_space<semaphore_mem>>
      %dma_start3A_96 = arith.constant 0 : i32
      %dma_start3A_97 = tpu.memref_slice %arg4[%arg0, %mul3A_95, %dma_start3A_96] : memref<2x10000x128xf32, #tpu.memory_space<hbm>> -> memref<1x625x128xf32, #tpu.memory_space<hbm>>
      %dma_start3A_98 = tpu.memref_squeeze %dma_start3A_97 : memref<1x625x128xf32, #tpu.memory_space<hbm>> -> memref<625x128xf32, #tpu.memory_space<hbm>>
      %dma_start3A_99 = arith.constant 0 : i32
      %dma_start3A_100 = tpu.memref_slice %arg12[%mul3A_93, %dma_start3A_99] : memref<10000x128xf32, #tpu.memory_space<vmem_shared>> -> memref<625x128xf32, #tpu.memory_space<vmem_shared>>
      tpu.enqueue_dma source(%dma_start3A_100 : memref<625x128xf32, #tpu.memory_space<vmem_shared>>) target(%dma_start3A_98 : memref<625x128xf32, #tpu.memory_space<hbm>>) target_semaphore(%run_scoped3A : memref<!tpu.dma_semaphore, #tpu.memory_space<semaphore_mem>>)
      %dma_wait3A_101 = arith.constant 0 : i32
      %dma_wait3A_102 = tpu.memref_slice %arg4[%arg0, %mul3A_95, %dma_wait3A_101] : memref<2x10000x128xf32, #tpu.memory_space<hbm>> -> memref<1x625x128xf32, #tpu.memory_space<hbm>>
      %dma_wait3A_103 = tpu.memref_squeeze %dma_wait3A_102 : memref<1x625x128xf32, #tpu.memory_space<hbm>> -> memref<625x128xf32, #tpu.memory_space<hbm>>
      %dma_wait3A_104 = arith.constant 0 : i32
      %dma_wait3A_105 = tpu.memref_slice %arg12[%mul3A_93, %dma_wait3A_104] : memref<10000x128xf32, #tpu.memory_space<vmem_shared>> -> memref<625x128xf32, #tpu.memory_space<vmem_shared>>
      tpu.wait_dma2 semaphore(%run_scoped3A : memref<!tpu.dma_semaphore, #tpu.memory_space<semaphore_mem>>) src(%dma_wait3A_105 : memref<625x128xf32, #tpu.memory_space<vmem_shared>>) dst(%dma_wait3A_103 : memref<625x128xf32, #tpu.memory_space<hbm>>)
      tpu.yield
    }) : () -> ()
    return
  }
}

#map = affine_map<(d0, d1) -> (0, 0)>
#map1 = affine_map<(d0, d1) -> (0, 0, 0, 0)>
#map2 = affine_map<(d0, d1) -> (0, 0, 0)>
module attributes {stable_mosaic.version = 14 : i64} {
  func.func @_mp_body(%arg0: i32, %arg1: i32, %arg2: memref<10000x128xf32, #tpu.memory_space<hbm>>, %arg3: memref<2x32x250x40xi32, #tpu.memory_space<hbm>>, %arg4: memref<2x10000x128xf32, #tpu.memory_space<hbm>>, %arg5: memref<250x40xi32, #tpu.memory_space<vmem>>, %arg6: memref<250x40xi32, #tpu.memory_space<vmem>>, %arg7: memref<40x128xf32, #tpu.memory_space<vmem>>, %arg8: memref<40x128xf32, #tpu.memory_space<vmem>>, %arg9: memref<40x128xf32, #tpu.memory_space<vmem>>, %arg10: memref<40x128xf32, #tpu.memory_space<vmem>>, %arg11: memref<40x128xf32, #tpu.memory_space<vmem>>, %arg12: memref<10000x128xf32, #tpu.memory_space<vmem_shared>>, %arg13: memref<!tpu.dma_semaphore, #tpu.memory_space<semaphore_mem>>, %arg14: memref<!tpu.dma_semaphore, #tpu.memory_space<semaphore_mem>>, %arg15: memref<!tpu.dma_semaphore, #tpu.memory_space<semaphore_mem>>, %arg16: memref<!tpu.dma_semaphore, #tpu.memory_space<semaphore_mem>>, %arg17: memref<!tpu.dma_semaphore, #tpu.memory_space<semaphore_mem>>, %arg18: memref<!tpu.dma_semaphore, #tpu.memory_space<semaphore_mem>>, %arg19: memref<!tpu.dma_semaphore, #tpu.memory_space<semaphore_mem>>, %arg20: memref<!tpu.dma_semaphore, #tpu.memory_space<semaphore_mem>>, %arg21: memref<!tpu.dma_semaphore, #tpu.memory_space<semaphore_mem>>, %arg22: memref<!tpu.dma_semaphore, #tpu.memory_space<semaphore_mem>>) attributes {dimension_semantics = [#tpu.dimension_semantics<core_parallel>, #tpu.dimension_semantics<subcore_parallel>], iteration_bounds = array<i64: 2, 16>, scalar_prefetch = 0 : i64, scratch_operands = 18 : i64, tpu.core_type = #tpu.core_type<sc_vector_subcore>, window_params = [{transform_indices = #map}, {transform_indices = #map1}, {transform_indices = #map2}]} {
    %mul3A = arith.constant 16 : i32
    %mul3A_0 = arith.muli %arg0, %mul3A : i32
    %add3A = arith.addi %mul3A_0, %arg1 : i32
    %dma_start3A = arith.constant 0 : i32
    %dma_start3A_1 = arith.constant 0 : i32
    %dma_start3A_2 = arith.constant 0 : i32
    %dma_start3A_3 = tpu.memref_slice %arg3[%dma_start3A, %add3A, %dma_start3A_1, %dma_start3A_2] : memref<2x32x250x40xi32, #tpu.memory_space<hbm>> -> memref<1x1x250x40xi32, #tpu.memory_space<hbm>>
    %dma_start3A_4 = tpu.memref_squeeze %dma_start3A_3 : memref<1x1x250x40xi32, #tpu.memory_space<hbm>> -> memref<250x40xi32, #tpu.memory_space<hbm>>
    %dma_start3A_5 = arith.constant 0 : i32
    %dma_start3A_6 = arith.constant 0 : i32
    %dma_start3A_7 = tpu.memref_slice %arg3[%dma_start3A, %add3A, %dma_start3A_5, %dma_start3A_6] : memref<2x32x250x40xi32, #tpu.memory_space<hbm>> -> memref<1x1x250x40xi32, #tpu.memory_space<hbm>>
    %dma_start3A_8 = tpu.memref_squeeze %dma_start3A_7 : memref<1x1x250x40xi32, #tpu.memory_space<hbm>> -> memref<250x40xi32, #tpu.memory_space<hbm>>
    tpu.enqueue_dma source(%dma_start3A_8 : memref<250x40xi32, #tpu.memory_space<hbm>>) target(%arg5 : memref<250x40xi32, #tpu.memory_space<vmem>>) target_semaphore(%arg13 : memref<!tpu.dma_semaphore, #tpu.memory_space<semaphore_mem>>)
    %dma_start3A_9 = arith.constant 1 : i32
    %dma_start3A_10 = arith.constant 0 : i32
    %dma_start3A_11 = arith.constant 0 : i32
    %dma_start3A_12 = tpu.memref_slice %arg3[%dma_start3A_9, %add3A, %dma_start3A_10, %dma_start3A_11] : memref<2x32x250x40xi32, #tpu.memory_space<hbm>> -> memref<1x1x250x40xi32, #tpu.memory_space<hbm>>
    %dma_start3A_13 = tpu.memref_squeeze %dma_start3A_12 : memref<1x1x250x40xi32, #tpu.memory_space<hbm>> -> memref<250x40xi32, #tpu.memory_space<hbm>>
    %dma_start3A_14 = arith.constant 0 : i32
    %dma_start3A_15 = arith.constant 0 : i32
    %dma_start3A_16 = tpu.memref_slice %arg3[%dma_start3A_9, %add3A, %dma_start3A_14, %dma_start3A_15] : memref<2x32x250x40xi32, #tpu.memory_space<hbm>> -> memref<1x1x250x40xi32, #tpu.memory_space<hbm>>
    %dma_start3A_17 = tpu.memref_squeeze %dma_start3A_16 : memref<1x1x250x40xi32, #tpu.memory_space<hbm>> -> memref<250x40xi32, #tpu.memory_space<hbm>>
    tpu.enqueue_dma source(%dma_start3A_17 : memref<250x40xi32, #tpu.memory_space<hbm>>) target(%arg6 : memref<250x40xi32, #tpu.memory_space<vmem>>) target_semaphore(%arg14 : memref<!tpu.dma_semaphore, #tpu.memory_space<semaphore_mem>>)
    %mul3A_18 = arith.constant 625 : i32
    %mul3A_19 = arith.muli %arg1, %mul3A_18 : i32
    %mul3A_20 = arith.constant 625 : i32
    %mul3A_21 = arith.muli %arg1, %mul3A_20 : i32
    %dma_start3A_22 = arith.constant 0 : i32
    %dma_start3A_23 = tpu.memref_slice %arg12[%mul3A_21, %dma_start3A_22] : memref<10000x128xf32, #tpu.memory_space<vmem_shared>> -> memref<625x128xf32, #tpu.memory_space<vmem_shared>>
    %dma_start3A_24 = arith.constant 0 : i32
    %dma_start3A_25 = tpu.memref_slice %arg2[%mul3A_19, %dma_start3A_24] : memref<10000x128xf32, #tpu.memory_space<hbm>> -> memref<625x128xf32, #tpu.memory_space<hbm>>
    tpu.enqueue_dma source(%dma_start3A_25 : memref<625x128xf32, #tpu.memory_space<hbm>>) target(%dma_start3A_23 : memref<625x128xf32, #tpu.memory_space<vmem_shared>>) target_semaphore(%arg15 : memref<!tpu.dma_semaphore, #tpu.memory_space<semaphore_mem>>)
    %dma_wait3A = arith.constant 0 : i32
    %dma_wait3A_26 = arith.constant 0 : i32
    %dma_wait3A_27 = arith.constant 0 : i32
    %dma_wait3A_28 = tpu.memref_slice %arg3[%dma_wait3A, %add3A, %dma_wait3A_26, %dma_wait3A_27] : memref<2x32x250x40xi32, #tpu.memory_space<hbm>> -> memref<1x1x250x40xi32, #tpu.memory_space<hbm>>
    %dma_wait3A_29 = tpu.memref_squeeze %dma_wait3A_28 : memref<1x1x250x40xi32, #tpu.memory_space<hbm>> -> memref<250x40xi32, #tpu.memory_space<hbm>>
    %dma_wait3A_30 = arith.constant 0 : i32
    %dma_wait3A_31 = arith.constant 0 : i32
    %dma_wait3A_32 = tpu.memref_slice %arg3[%dma_wait3A, %add3A, %dma_wait3A_30, %dma_wait3A_31] : memref<2x32x250x40xi32, #tpu.memory_space<hbm>> -> memref<1x1x250x40xi32, #tpu.memory_space<hbm>>
    %dma_wait3A_33 = tpu.memref_squeeze %dma_wait3A_32 : memref<1x1x250x40xi32, #tpu.memory_space<hbm>> -> memref<250x40xi32, #tpu.memory_space<hbm>>
    tpu.wait_dma2 semaphore(%arg13 : memref<!tpu.dma_semaphore, #tpu.memory_space<semaphore_mem>>) src(%dma_wait3A_33 : memref<250x40xi32, #tpu.memory_space<hbm>>) dst(%arg5 : memref<250x40xi32, #tpu.memory_space<vmem>>)
    %dma_wait3A_34 = arith.constant 1 : i32
    %dma_wait3A_35 = arith.constant 0 : i32
    %dma_wait3A_36 = arith.constant 0 : i32
    %dma_wait3A_37 = tpu.memref_slice %arg3[%dma_wait3A_34, %add3A, %dma_wait3A_35, %dma_wait3A_36] : memref<2x32x250x40xi32, #tpu.memory_space<hbm>> -> memref<1x1x250x40xi32, #tpu.memory_space<hbm>>
    %dma_wait3A_38 = tpu.memref_squeeze %dma_wait3A_37 : memref<1x1x250x40xi32, #tpu.memory_space<hbm>> -> memref<250x40xi32, #tpu.memory_space<hbm>>
    %dma_wait3A_39 = arith.constant 0 : i32
    %dma_wait3A_40 = arith.constant 0 : i32
    %dma_wait3A_41 = tpu.memref_slice %arg3[%dma_wait3A_34, %add3A, %dma_wait3A_39, %dma_wait3A_40] : memref<2x32x250x40xi32, #tpu.memory_space<hbm>> -> memref<1x1x250x40xi32, #tpu.memory_space<hbm>>
    %dma_wait3A_42 = tpu.memref_squeeze %dma_wait3A_41 : memref<1x1x250x40xi32, #tpu.memory_space<hbm>> -> memref<250x40xi32, #tpu.memory_space<hbm>>
    tpu.wait_dma2 semaphore(%arg14 : memref<!tpu.dma_semaphore, #tpu.memory_space<semaphore_mem>>) src(%dma_wait3A_42 : memref<250x40xi32, #tpu.memory_space<hbm>>) dst(%arg6 : memref<250x40xi32, #tpu.memory_space<vmem>>)
    %mul3A_43 = arith.constant 625 : i32
    %mul3A_44 = arith.muli %arg1, %mul3A_43 : i32
    %mul3A_45 = arith.constant 625 : i32
    %mul3A_46 = arith.muli %arg1, %mul3A_45 : i32
    %dma_wait3A_47 = arith.constant 0 : i32
    %dma_wait3A_48 = tpu.memref_slice %arg12[%mul3A_46, %dma_wait3A_47] : memref<10000x128xf32, #tpu.memory_space<vmem_shared>> -> memref<625x128xf32, #tpu.memory_space<vmem_shared>>
    %dma_wait3A_49 = arith.constant 0 : i32
    %dma_wait3A_50 = tpu.memref_slice %arg2[%mul3A_44, %dma_wait3A_49] : memref<10000x128xf32, #tpu.memory_space<hbm>> -> memref<625x128xf32, #tpu.memory_space<hbm>>
    tpu.wait_dma2 semaphore(%arg15 : memref<!tpu.dma_semaphore, #tpu.memory_space<semaphore_mem>>) src(%dma_wait3A_50 : memref<625x128xf32, #tpu.memory_space<hbm>>) dst(%dma_wait3A_48 : memref<625x128xf32, #tpu.memory_space<vmem_shared>>)
    %barrier3A = arith.constant 0 : index
    tpu.barrier barrier_id(%barrier3A)
    %dma_start3A_51 = arith.constant 0 : i32
    %dma_start3A_52 = arith.constant 0 : i32
    %dma_start3A_53 = tpu.memref_slice %arg5[%dma_start3A_51, %dma_start3A_52] : memref<250x40xi32, #tpu.memory_space<vmem>> -> memref<1x40xi32, #tpu.memory_space<vmem>>
    %dma_start3A_54 = tpu.memref_squeeze %dma_start3A_53 : memref<1x40xi32, #tpu.memory_space<vmem>> -> memref<40xi32, #tpu.memory_space<vmem>>
    %dma_start3A_55 = arith.constant 0 : i32
    %dma_start3A_56 = arith.constant 0 : i32
    %dma_start3A_57 = tpu.memref_slice %arg2[%dma_start3A_55, %dma_start3A_56] : memref<10000x128xf32, #tpu.memory_space<hbm>> -> memref<10000x128xf32, #tpu.memory_space<hbm>>
    tpu.enqueue_indirect_dma source(%dma_start3A_57 : memref<10000x128xf32, #tpu.memory_space<hbm>>) target(%arg7 : memref<40x128xf32, #tpu.memory_space<vmem>>) offsets(%dma_start3A_54 : memref<40xi32, #tpu.memory_space<vmem>>) semaphore(%arg13 : memref<!tpu.dma_semaphore, #tpu.memory_space<semaphore_mem>>)
    %dma_start3A_58 = arith.constant 1 : i32
    %dma_start3A_59 = arith.constant 0 : i32
    %dma_start3A_60 = tpu.memref_slice %arg5[%dma_start3A_58, %dma_start3A_59] : memref<250x40xi32, #tpu.memory_space<vmem>> -> memref<1x40xi32, #tpu.memory_space<vmem>>
    %dma_start3A_61 = tpu.memref_squeeze %dma_start3A_60 : memref<1x40xi32, #tpu.memory_space<vmem>> -> memref<40xi32, #tpu.memory_space<vmem>>
    %dma_start3A_62 = arith.constant 0 : i32
    %dma_start3A_63 = arith.constant 0 : i32
    %dma_start3A_64 = tpu.memref_slice %arg2[%dma_start3A_62, %dma_start3A_63] : memref<10000x128xf32, #tpu.memory_space<hbm>> -> memref<10000x128xf32, #tpu.memory_space<hbm>>
    tpu.enqueue_indirect_dma source(%dma_start3A_64 : memref<10000x128xf32, #tpu.memory_space<hbm>>) target(%arg8 : memref<40x128xf32, #tpu.memory_space<vmem>>) offsets(%dma_start3A_61 : memref<40xi32, #tpu.memory_space<vmem>>) semaphore(%arg14 : memref<!tpu.dma_semaphore, #tpu.memory_space<semaphore_mem>>)
    %dma_start3A_65 = arith.constant 2 : i32
    %dma_start3A_66 = arith.constant 0 : i32
    %dma_start3A_67 = tpu.memref_slice %arg5[%dma_start3A_65, %dma_start3A_66] : memref<250x40xi32, #tpu.memory_space<vmem>> -> memref<1x40xi32, #tpu.memory_space<vmem>>
    %dma_start3A_68 = tpu.memref_squeeze %dma_start3A_67 : memref<1x40xi32, #tpu.memory_space<vmem>> -> memref<40xi32, #tpu.memory_space<vmem>>
    %dma_start3A_69 = arith.constant 0 : i32
    %dma_start3A_70 = arith.constant 0 : i32
    %dma_start3A_71 = tpu.memref_slice %arg2[%dma_start3A_69, %dma_start3A_70] : memref<10000x128xf32, #tpu.memory_space<hbm>> -> memref<10000x128xf32, #tpu.memory_space<hbm>>
    tpu.enqueue_indirect_dma source(%dma_start3A_71 : memref<10000x128xf32, #tpu.memory_space<hbm>>) target(%arg9 : memref<40x128xf32, #tpu.memory_space<vmem>>) offsets(%dma_start3A_68 : memref<40xi32, #tpu.memory_space<vmem>>) semaphore(%arg15 : memref<!tpu.dma_semaphore, #tpu.memory_space<semaphore_mem>>)
    %dma_start3A_72 = arith.constant 3 : i32
    %dma_start3A_73 = arith.constant 0 : i32
    %dma_start3A_74 = tpu.memref_slice %arg5[%dma_start3A_72, %dma_start3A_73] : memref<250x40xi32, #tpu.memory_space<vmem>> -> memref<1x40xi32, #tpu.memory_space<vmem>>
    %dma_start3A_75 = tpu.memref_squeeze %dma_start3A_74 : memref<1x40xi32, #tpu.memory_space<vmem>> -> memref<40xi32, #tpu.memory_space<vmem>>
    %dma_start3A_76 = arith.constant 0 : i32
    %dma_start3A_77 = arith.constant 0 : i32
    %dma_start3A_78 = tpu.memref_slice %arg2[%dma_start3A_76, %dma_start3A_77] : memref<10000x128xf32, #tpu.memory_space<hbm>> -> memref<10000x128xf32, #tpu.memory_space<hbm>>
    tpu.enqueue_indirect_dma source(%dma_start3A_78 : memref<10000x128xf32, #tpu.memory_space<hbm>>) target(%arg10 : memref<40x128xf32, #tpu.memory_space<vmem>>) offsets(%dma_start3A_75 : memref<40xi32, #tpu.memory_space<vmem>>) semaphore(%arg16 : memref<!tpu.dma_semaphore, #tpu.memory_space<semaphore_mem>>)
    %dma_start3A_79 = arith.constant 4 : i32
    %dma_start3A_80 = arith.constant 0 : i32
    %dma_start3A_81 = tpu.memref_slice %arg5[%dma_start3A_79, %dma_start3A_80] : memref<250x40xi32, #tpu.memory_space<vmem>> -> memref<1x40xi32, #tpu.memory_space<vmem>>
    %dma_start3A_82 = tpu.memref_squeeze %dma_start3A_81 : memref<1x40xi32, #tpu.memory_space<vmem>> -> memref<40xi32, #tpu.memory_space<vmem>>
    %dma_start3A_83 = arith.constant 0 : i32
    %dma_start3A_84 = arith.constant 0 : i32
    %dma_start3A_85 = tpu.memref_slice %arg2[%dma_start3A_83, %dma_start3A_84] : memref<10000x128xf32, #tpu.memory_space<hbm>> -> memref<10000x128xf32, #tpu.memory_space<hbm>>
    tpu.enqueue_indirect_dma source(%dma_start3A_85 : memref<10000x128xf32, #tpu.memory_space<hbm>>) target(%arg11 : memref<40x128xf32, #tpu.memory_space<vmem>>) offsets(%dma_start3A_82 : memref<40xi32, #tpu.memory_space<vmem>>) semaphore(%arg17 : memref<!tpu.dma_semaphore, #tpu.memory_space<semaphore_mem>>)
    %scan3A = arith.constant 0 : i32
    %scan3A_86 = arith.constant 0 : i32
    %scan3A_87 = arith.constant 50 : i32
    %scan3A_88 = arith.addi %scan3A_86, %scan3A_87 : i32
    %scan3A_89 = arith.constant 1 : i32
    scf.for %scan3A_96 = %scan3A_86 to %scan3A_88 step %scan3A_89  : i32 {
      %mul3A_97 = arith.constant 5 : i32
      %mul3A_98 = arith.muli %scan3A_96, %mul3A_97 : i32
      %add3A_99 = arith.constant 0 : i32
      %add3A_100 = arith.addi %mul3A_98, %add3A_99 : i32
      %dma_wait3A_101 = arith.constant 0 : i32
      %dma_wait3A_102 = tpu.memref_slice %arg5[%add3A_100, %dma_wait3A_101] : memref<250x40xi32, #tpu.memory_space<vmem>> -> memref<1x40xi32, #tpu.memory_space<vmem>>
      %dma_wait3A_103 = tpu.memref_squeeze %dma_wait3A_102 : memref<1x40xi32, #tpu.memory_space<vmem>> -> memref<40xi32, #tpu.memory_space<vmem>>
      %dma_wait3A_104 = arith.constant 0 : i32
      %dma_wait3A_105 = arith.constant 0 : i32
      %dma_wait3A_106 = tpu.memref_slice %arg2[%dma_wait3A_104, %dma_wait3A_105] : memref<10000x128xf32, #tpu.memory_space<hbm>> -> memref<10000x128xf32, #tpu.memory_space<hbm>>
      tpu.wait_indirect_dma semaphore(%arg13 : memref<!tpu.dma_semaphore, #tpu.memory_space<semaphore_mem>>) src(%dma_wait3A_106 : memref<10000x128xf32, #tpu.memory_space<hbm>>) dst(%arg7 : memref<40x128xf32, #tpu.memory_space<vmem>>)
      %dma_start3A_107 = arith.constant 0 : i32
      %dma_start3A_108 = tpu.memref_slice %arg6[%add3A_100, %dma_start3A_107] : memref<250x40xi32, #tpu.memory_space<vmem>> -> memref<1x40xi32, #tpu.memory_space<vmem>>
      %dma_start3A_109 = tpu.memref_squeeze %dma_start3A_108 : memref<1x40xi32, #tpu.memory_space<vmem>> -> memref<40xi32, #tpu.memory_space<vmem>>
      %dma_start3A_110 = arith.constant 0 : i32
      %dma_start3A_111 = arith.constant 0 : i32
      %dma_start3A_112 = tpu.memref_slice %arg12[%dma_start3A_110, %dma_start3A_111] : memref<10000x128xf32, #tpu.memory_space<vmem_shared>> -> memref<10000x128xf32, #tpu.memory_space<vmem_shared>>
      tpu.enqueue_indirect_dma source(%arg7 : memref<40x128xf32, #tpu.memory_space<vmem>>) target(%dma_start3A_112 : memref<10000x128xf32, #tpu.memory_space<vmem_shared>>) offsets(%dma_start3A_109 : memref<40xi32, #tpu.memory_space<vmem>>) semaphore(%arg18 : memref<!tpu.dma_semaphore, #tpu.memory_space<semaphore_mem>>) {add = true}
      %mul3A_113 = arith.constant 5 : i32
      %mul3A_114 = arith.muli %scan3A_96, %mul3A_113 : i32
      %add3A_115 = arith.constant 1 : i32
      %add3A_116 = arith.addi %mul3A_114, %add3A_115 : i32
      %dma_wait3A_117 = arith.constant 0 : i32
      %dma_wait3A_118 = tpu.memref_slice %arg5[%add3A_116, %dma_wait3A_117] : memref<250x40xi32, #tpu.memory_space<vmem>> -> memref<1x40xi32, #tpu.memory_space<vmem>>
      %dma_wait3A_119 = tpu.memref_squeeze %dma_wait3A_118 : memref<1x40xi32, #tpu.memory_space<vmem>> -> memref<40xi32, #tpu.memory_space<vmem>>
      %dma_wait3A_120 = arith.constant 0 : i32
      %dma_wait3A_121 = arith.constant 0 : i32
      %dma_wait3A_122 = tpu.memref_slice %arg2[%dma_wait3A_120, %dma_wait3A_121] : memref<10000x128xf32, #tpu.memory_space<hbm>> -> memref<10000x128xf32, #tpu.memory_space<hbm>>
      tpu.wait_indirect_dma semaphore(%arg14 : memref<!tpu.dma_semaphore, #tpu.memory_space<semaphore_mem>>) src(%dma_wait3A_122 : memref<10000x128xf32, #tpu.memory_space<hbm>>) dst(%arg8 : memref<40x128xf32, #tpu.memory_space<vmem>>)
      %dma_start3A_123 = arith.constant 0 : i32
      %dma_start3A_124 = tpu.memref_slice %arg6[%add3A_116, %dma_start3A_123] : memref<250x40xi32, #tpu.memory_space<vmem>> -> memref<1x40xi32, #tpu.memory_space<vmem>>
      %dma_start3A_125 = tpu.memref_squeeze %dma_start3A_124 : memref<1x40xi32, #tpu.memory_space<vmem>> -> memref<40xi32, #tpu.memory_space<vmem>>
      %dma_start3A_126 = arith.constant 0 : i32
      %dma_start3A_127 = arith.constant 0 : i32
      %dma_start3A_128 = tpu.memref_slice %arg12[%dma_start3A_126, %dma_start3A_127] : memref<10000x128xf32, #tpu.memory_space<vmem_shared>> -> memref<10000x128xf32, #tpu.memory_space<vmem_shared>>
      tpu.enqueue_indirect_dma source(%arg8 : memref<40x128xf32, #tpu.memory_space<vmem>>) target(%dma_start3A_128 : memref<10000x128xf32, #tpu.memory_space<vmem_shared>>) offsets(%dma_start3A_125 : memref<40xi32, #tpu.memory_space<vmem>>) semaphore(%arg19 : memref<!tpu.dma_semaphore, #tpu.memory_space<semaphore_mem>>) {add = true}
      %mul3A_129 = arith.constant 5 : i32
      %mul3A_130 = arith.muli %scan3A_96, %mul3A_129 : i32
      %add3A_131 = arith.constant 2 : i32
      %add3A_132 = arith.addi %mul3A_130, %add3A_131 : i32
      %dma_wait3A_133 = arith.constant 0 : i32
      %dma_wait3A_134 = tpu.memref_slice %arg5[%add3A_132, %dma_wait3A_133] : memref<250x40xi32, #tpu.memory_space<vmem>> -> memref<1x40xi32, #tpu.memory_space<vmem>>
      %dma_wait3A_135 = tpu.memref_squeeze %dma_wait3A_134 : memref<1x40xi32, #tpu.memory_space<vmem>> -> memref<40xi32, #tpu.memory_space<vmem>>
      %dma_wait3A_136 = arith.constant 0 : i32
      %dma_wait3A_137 = arith.constant 0 : i32
      %dma_wait3A_138 = tpu.memref_slice %arg2[%dma_wait3A_136, %dma_wait3A_137] : memref<10000x128xf32, #tpu.memory_space<hbm>> -> memref<10000x128xf32, #tpu.memory_space<hbm>>
      tpu.wait_indirect_dma semaphore(%arg15 : memref<!tpu.dma_semaphore, #tpu.memory_space<semaphore_mem>>) src(%dma_wait3A_138 : memref<10000x128xf32, #tpu.memory_space<hbm>>) dst(%arg9 : memref<40x128xf32, #tpu.memory_space<vmem>>)
      %dma_start3A_139 = arith.constant 0 : i32
      %dma_start3A_140 = tpu.memref_slice %arg6[%add3A_132, %dma_start3A_139] : memref<250x40xi32, #tpu.memory_space<vmem>> -> memref<1x40xi32, #tpu.memory_space<vmem>>
      %dma_start3A_141 = tpu.memref_squeeze %dma_start3A_140 : memref<1x40xi32, #tpu.memory_space<vmem>> -> memref<40xi32, #tpu.memory_space<vmem>>
      %dma_start3A_142 = arith.constant 0 : i32
      %dma_start3A_143 = arith.constant 0 : i32
      %dma_start3A_144 = tpu.memref_slice %arg12[%dma_start3A_142, %dma_start3A_143] : memref<10000x128xf32, #tpu.memory_space<vmem_shared>> -> memref<10000x128xf32, #tpu.memory_space<vmem_shared>>
      tpu.enqueue_indirect_dma source(%arg9 : memref<40x128xf32, #tpu.memory_space<vmem>>) target(%dma_start3A_144 : memref<10000x128xf32, #tpu.memory_space<vmem_shared>>) offsets(%dma_start3A_141 : memref<40xi32, #tpu.memory_space<vmem>>) semaphore(%arg20 : memref<!tpu.dma_semaphore, #tpu.memory_space<semaphore_mem>>) {add = true}
      %mul3A_145 = arith.constant 5 : i32
      %mul3A_146 = arith.muli %scan3A_96, %mul3A_145 : i32
      %add3A_147 = arith.constant 3 : i32
      %add3A_148 = arith.addi %mul3A_146, %add3A_147 : i32
      %dma_wait3A_149 = arith.constant 0 : i32
      %dma_wait3A_150 = tpu.memref_slice %arg5[%add3A_148, %dma_wait3A_149] : memref<250x40xi32, #tpu.memory_space<vmem>> -> memref<1x40xi32, #tpu.memory_space<vmem>>
      %dma_wait3A_151 = tpu.memref_squeeze %dma_wait3A_150 : memref<1x40xi32, #tpu.memory_space<vmem>> -> memref<40xi32, #tpu.memory_space<vmem>>
      %dma_wait3A_152 = arith.constant 0 : i32
      %dma_wait3A_153 = arith.constant 0 : i32
      %dma_wait3A_154 = tpu.memref_slice %arg2[%dma_wait3A_152, %dma_wait3A_153] : memref<10000x128xf32, #tpu.memory_space<hbm>> -> memref<10000x128xf32, #tpu.memory_space<hbm>>
      tpu.wait_indirect_dma semaphore(%arg16 : memref<!tpu.dma_semaphore, #tpu.memory_space<semaphore_mem>>) src(%dma_wait3A_154 : memref<10000x128xf32, #tpu.memory_space<hbm>>) dst(%arg10 : memref<40x128xf32, #tpu.memory_space<vmem>>)
      %dma_start3A_155 = arith.constant 0 : i32
      %dma_start3A_156 = tpu.memref_slice %arg6[%add3A_148, %dma_start3A_155] : memref<250x40xi32, #tpu.memory_space<vmem>> -> memref<1x40xi32, #tpu.memory_space<vmem>>
      %dma_start3A_157 = tpu.memref_squeeze %dma_start3A_156 : memref<1x40xi32, #tpu.memory_space<vmem>> -> memref<40xi32, #tpu.memory_space<vmem>>
      %dma_start3A_158 = arith.constant 0 : i32
      %dma_start3A_159 = arith.constant 0 : i32
      %dma_start3A_160 = tpu.memref_slice %arg12[%dma_start3A_158, %dma_start3A_159] : memref<10000x128xf32, #tpu.memory_space<vmem_shared>> -> memref<10000x128xf32, #tpu.memory_space<vmem_shared>>
      tpu.enqueue_indirect_dma source(%arg10 : memref<40x128xf32, #tpu.memory_space<vmem>>) target(%dma_start3A_160 : memref<10000x128xf32, #tpu.memory_space<vmem_shared>>) offsets(%dma_start3A_157 : memref<40xi32, #tpu.memory_space<vmem>>) semaphore(%arg21 : memref<!tpu.dma_semaphore, #tpu.memory_space<semaphore_mem>>) {add = true}
      %mul3A_161 = arith.constant 5 : i32
      %mul3A_162 = arith.muli %scan3A_96, %mul3A_161 : i32
      %add3A_163 = arith.constant 4 : i32
      %add3A_164 = arith.addi %mul3A_162, %add3A_163 : i32
      %dma_wait3A_165 = arith.constant 0 : i32
      %dma_wait3A_166 = tpu.memref_slice %arg5[%add3A_164, %dma_wait3A_165] : memref<250x40xi32, #tpu.memory_space<vmem>> -> memref<1x40xi32, #tpu.memory_space<vmem>>
      %dma_wait3A_167 = tpu.memref_squeeze %dma_wait3A_166 : memref<1x40xi32, #tpu.memory_space<vmem>> -> memref<40xi32, #tpu.memory_space<vmem>>
      %dma_wait3A_168 = arith.constant 0 : i32
      %dma_wait3A_169 = arith.constant 0 : i32
      %dma_wait3A_170 = tpu.memref_slice %arg2[%dma_wait3A_168, %dma_wait3A_169] : memref<10000x128xf32, #tpu.memory_space<hbm>> -> memref<10000x128xf32, #tpu.memory_space<hbm>>
      tpu.wait_indirect_dma semaphore(%arg17 : memref<!tpu.dma_semaphore, #tpu.memory_space<semaphore_mem>>) src(%dma_wait3A_170 : memref<10000x128xf32, #tpu.memory_space<hbm>>) dst(%arg11 : memref<40x128xf32, #tpu.memory_space<vmem>>)
      %dma_start3A_171 = arith.constant 0 : i32
      %dma_start3A_172 = tpu.memref_slice %arg6[%add3A_164, %dma_start3A_171] : memref<250x40xi32, #tpu.memory_space<vmem>> -> memref<1x40xi32, #tpu.memory_space<vmem>>
      %dma_start3A_173 = tpu.memref_squeeze %dma_start3A_172 : memref<1x40xi32, #tpu.memory_space<vmem>> -> memref<40xi32, #tpu.memory_space<vmem>>
      %dma_start3A_174 = arith.constant 0 : i32
      %dma_start3A_175 = arith.constant 0 : i32
      %dma_start3A_176 = tpu.memref_slice %arg12[%dma_start3A_174, %dma_start3A_175] : memref<10000x128xf32, #tpu.memory_space<vmem_shared>> -> memref<10000x128xf32, #tpu.memory_space<vmem_shared>>
      tpu.enqueue_indirect_dma source(%arg11 : memref<40x128xf32, #tpu.memory_space<vmem>>) target(%dma_start3A_176 : memref<10000x128xf32, #tpu.memory_space<vmem_shared>>) offsets(%dma_start3A_173 : memref<40xi32, #tpu.memory_space<vmem>>) semaphore(%arg22 : memref<!tpu.dma_semaphore, #tpu.memory_space<semaphore_mem>>) {add = true}
      %mul3A_177 = arith.constant 5 : i32
      %mul3A_178 = arith.muli %scan3A_96, %mul3A_177 : i32
      %add3A_179 = arith.constant 0 : i32
      %add3A_180 = arith.addi %mul3A_178, %add3A_179 : i32
      %dma_wait3A_181 = arith.constant 0 : i32
      %dma_wait3A_182 = tpu.memref_slice %arg6[%add3A_180, %dma_wait3A_181] : memref<250x40xi32, #tpu.memory_space<vmem>> -> memref<1x40xi32, #tpu.memory_space<vmem>>
      %dma_wait3A_183 = tpu.memref_squeeze %dma_wait3A_182 : memref<1x40xi32, #tpu.memory_space<vmem>> -> memref<40xi32, #tpu.memory_space<vmem>>
      %dma_wait3A_184 = arith.constant 0 : i32
      %dma_wait3A_185 = arith.constant 0 : i32
      %dma_wait3A_186 = tpu.memref_slice %arg12[%dma_wait3A_184, %dma_wait3A_185] : memref<10000x128xf32, #tpu.memory_space<vmem_shared>> -> memref<10000x128xf32, #tpu.memory_space<vmem_shared>>
      tpu.wait_indirect_dma semaphore(%arg18 : memref<!tpu.dma_semaphore, #tpu.memory_space<semaphore_mem>>) src(%arg7 : memref<40x128xf32, #tpu.memory_space<vmem>>) dst(%dma_wait3A_186 : memref<10000x128xf32, #tpu.memory_space<vmem_shared>>)
      %lt3A = arith.constant 49 : i32
      %lt3A_187 = arith.cmpi slt, %scan3A_96, %lt3A : i32
      %convert_element_type3A = arith.extui %lt3A_187 : i1 to i32
      %cond3A = arith.constant 0 : i32
      %cond3A_188 = arith.cmpi ne, %convert_element_type3A, %cond3A : i32
      scf.if %cond3A_188 {
        %add3A_249 = arith.constant 5 : i32
        %add3A_250 = arith.addi %add3A_180, %add3A_249 : i32
        %dma_start3A_251 = arith.constant 0 : i32
        %dma_start3A_252 = tpu.memref_slice %arg5[%add3A_250, %dma_start3A_251] : memref<250x40xi32, #tpu.memory_space<vmem>> -> memref<1x40xi32, #tpu.memory_space<vmem>>
        %dma_start3A_253 = tpu.memref_squeeze %dma_start3A_252 : memref<1x40xi32, #tpu.memory_space<vmem>> -> memref<40xi32, #tpu.memory_space<vmem>>
        %dma_start3A_254 = arith.constant 0 : i32
        %dma_start3A_255 = arith.constant 0 : i32
        %dma_start3A_256 = tpu.memref_slice %arg2[%dma_start3A_254, %dma_start3A_255] : memref<10000x128xf32, #tpu.memory_space<hbm>> -> memref<10000x128xf32, #tpu.memory_space<hbm>>
        tpu.enqueue_indirect_dma source(%dma_start3A_256 : memref<10000x128xf32, #tpu.memory_space<hbm>>) target(%arg7 : memref<40x128xf32, #tpu.memory_space<vmem>>) offsets(%dma_start3A_253 : memref<40xi32, #tpu.memory_space<vmem>>) semaphore(%arg13 : memref<!tpu.dma_semaphore, #tpu.memory_space<semaphore_mem>>)
      } else {
      }
      %mul3A_189 = arith.constant 5 : i32
      %mul3A_190 = arith.muli %scan3A_96, %mul3A_189 : i32
      %add3A_191 = arith.constant 1 : i32
      %add3A_192 = arith.addi %mul3A_190, %add3A_191 : i32
      %dma_wait3A_193 = arith.constant 0 : i32
      %dma_wait3A_194 = tpu.memref_slice %arg6[%add3A_192, %dma_wait3A_193] : memref<250x40xi32, #tpu.memory_space<vmem>> -> memref<1x40xi32, #tpu.memory_space<vmem>>
      %dma_wait3A_195 = tpu.memref_squeeze %dma_wait3A_194 : memref<1x40xi32, #tpu.memory_space<vmem>> -> memref<40xi32, #tpu.memory_space<vmem>>
      %dma_wait3A_196 = arith.constant 0 : i32
      %dma_wait3A_197 = arith.constant 0 : i32
      %dma_wait3A_198 = tpu.memref_slice %arg12[%dma_wait3A_196, %dma_wait3A_197] : memref<10000x128xf32, #tpu.memory_space<vmem_shared>> -> memref<10000x128xf32, #tpu.memory_space<vmem_shared>>
      tpu.wait_indirect_dma semaphore(%arg19 : memref<!tpu.dma_semaphore, #tpu.memory_space<semaphore_mem>>) src(%arg8 : memref<40x128xf32, #tpu.memory_space<vmem>>) dst(%dma_wait3A_198 : memref<10000x128xf32, #tpu.memory_space<vmem_shared>>)
      %lt3A_199 = arith.constant 49 : i32
      %lt3A_200 = arith.cmpi slt, %scan3A_96, %lt3A_199 : i32
      %convert_element_type3A_201 = arith.extui %lt3A_200 : i1 to i32
      %cond3A_202 = arith.constant 0 : i32
      %cond3A_203 = arith.cmpi ne, %convert_element_type3A_201, %cond3A_202 : i32
      scf.if %cond3A_203 {
        %add3A_249 = arith.constant 5 : i32
        %add3A_250 = arith.addi %add3A_192, %add3A_249 : i32
        %dma_start3A_251 = arith.constant 0 : i32
        %dma_start3A_252 = tpu.memref_slice %arg5[%add3A_250, %dma_start3A_251] : memref<250x40xi32, #tpu.memory_space<vmem>> -> memref<1x40xi32, #tpu.memory_space<vmem>>
        %dma_start3A_253 = tpu.memref_squeeze %dma_start3A_252 : memref<1x40xi32, #tpu.memory_space<vmem>> -> memref<40xi32, #tpu.memory_space<vmem>>
        %dma_start3A_254 = arith.constant 0 : i32
        %dma_start3A_255 = arith.constant 0 : i32
        %dma_start3A_256 = tpu.memref_slice %arg2[%dma_start3A_254, %dma_start3A_255] : memref<10000x128xf32, #tpu.memory_space<hbm>> -> memref<10000x128xf32, #tpu.memory_space<hbm>>
        tpu.enqueue_indirect_dma source(%dma_start3A_256 : memref<10000x128xf32, #tpu.memory_space<hbm>>) target(%arg8 : memref<40x128xf32, #tpu.memory_space<vmem>>) offsets(%dma_start3A_253 : memref<40xi32, #tpu.memory_space<vmem>>) semaphore(%arg14 : memref<!tpu.dma_semaphore, #tpu.memory_space<semaphore_mem>>)
      } else {
      }
      %mul3A_204 = arith.constant 5 : i32
      %mul3A_205 = arith.muli %scan3A_96, %mul3A_204 : i32
      %add3A_206 = arith.constant 2 : i32
      %add3A_207 = arith.addi %mul3A_205, %add3A_206 : i32
      %dma_wait3A_208 = arith.constant 0 : i32
      %dma_wait3A_209 = tpu.memref_slice %arg6[%add3A_207, %dma_wait3A_208] : memref<250x40xi32, #tpu.memory_space<vmem>> -> memref<1x40xi32, #tpu.memory_space<vmem>>
      %dma_wait3A_210 = tpu.memref_squeeze %dma_wait3A_209 : memref<1x40xi32, #tpu.memory_space<vmem>> -> memref<40xi32, #tpu.memory_space<vmem>>
      %dma_wait3A_211 = arith.constant 0 : i32
      %dma_wait3A_212 = arith.constant 0 : i32
      %dma_wait3A_213 = tpu.memref_slice %arg12[%dma_wait3A_211, %dma_wait3A_212] : memref<10000x128xf32, #tpu.memory_space<vmem_shared>> -> memref<10000x128xf32, #tpu.memory_space<vmem_shared>>
      tpu.wait_indirect_dma semaphore(%arg20 : memref<!tpu.dma_semaphore, #tpu.memory_space<semaphore_mem>>) src(%arg9 : memref<40x128xf32, #tpu.memory_space<vmem>>) dst(%dma_wait3A_213 : memref<10000x128xf32, #tpu.memory_space<vmem_shared>>)
      %lt3A_214 = arith.constant 49 : i32
      %lt3A_215 = arith.cmpi slt, %scan3A_96, %lt3A_214 : i32
      %convert_element_type3A_216 = arith.extui %lt3A_215 : i1 to i32
      %cond3A_217 = arith.constant 0 : i32
      %cond3A_218 = arith.cmpi ne, %convert_element_type3A_216, %cond3A_217 : i32
      scf.if %cond3A_218 {
        %add3A_249 = arith.constant 5 : i32
        %add3A_250 = arith.addi %add3A_207, %add3A_249 : i32
        %dma_start3A_251 = arith.constant 0 : i32
        %dma_start3A_252 = tpu.memref_slice %arg5[%add3A_250, %dma_start3A_251] : memref<250x40xi32, #tpu.memory_space<vmem>> -> memref<1x40xi32, #tpu.memory_space<vmem>>
        %dma_start3A_253 = tpu.memref_squeeze %dma_start3A_252 : memref<1x40xi32, #tpu.memory_space<vmem>> -> memref<40xi32, #tpu.memory_space<vmem>>
        %dma_start3A_254 = arith.constant 0 : i32
        %dma_start3A_255 = arith.constant 0 : i32
        %dma_start3A_256 = tpu.memref_slice %arg2[%dma_start3A_254, %dma_start3A_255] : memref<10000x128xf32, #tpu.memory_space<hbm>> -> memref<10000x128xf32, #tpu.memory_space<hbm>>
        tpu.enqueue_indirect_dma source(%dma_start3A_256 : memref<10000x128xf32, #tpu.memory_space<hbm>>) target(%arg9 : memref<40x128xf32, #tpu.memory_space<vmem>>) offsets(%dma_start3A_253 : memref<40xi32, #tpu.memory_space<vmem>>) semaphore(%arg15 : memref<!tpu.dma_semaphore, #tpu.memory_space<semaphore_mem>>)
      } else {
      }
      %mul3A_219 = arith.constant 5 : i32
      %mul3A_220 = arith.muli %scan3A_96, %mul3A_219 : i32
      %add3A_221 = arith.constant 3 : i32
      %add3A_222 = arith.addi %mul3A_220, %add3A_221 : i32
      %dma_wait3A_223 = arith.constant 0 : i32
      %dma_wait3A_224 = tpu.memref_slice %arg6[%add3A_222, %dma_wait3A_223] : memref<250x40xi32, #tpu.memory_space<vmem>> -> memref<1x40xi32, #tpu.memory_space<vmem>>
      %dma_wait3A_225 = tpu.memref_squeeze %dma_wait3A_224 : memref<1x40xi32, #tpu.memory_space<vmem>> -> memref<40xi32, #tpu.memory_space<vmem>>
      %dma_wait3A_226 = arith.constant 0 : i32
      %dma_wait3A_227 = arith.constant 0 : i32
      %dma_wait3A_228 = tpu.memref_slice %arg12[%dma_wait3A_226, %dma_wait3A_227] : memref<10000x128xf32, #tpu.memory_space<vmem_shared>> -> memref<10000x128xf32, #tpu.memory_space<vmem_shared>>
      tpu.wait_indirect_dma semaphore(%arg21 : memref<!tpu.dma_semaphore, #tpu.memory_space<semaphore_mem>>) src(%arg10 : memref<40x128xf32, #tpu.memory_space<vmem>>) dst(%dma_wait3A_228 : memref<10000x128xf32, #tpu.memory_space<vmem_shared>>)
      %lt3A_229 = arith.constant 49 : i32
      %lt3A_230 = arith.cmpi slt, %scan3A_96, %lt3A_229 : i32
      %convert_element_type3A_231 = arith.extui %lt3A_230 : i1 to i32
      %cond3A_232 = arith.constant 0 : i32
      %cond3A_233 = arith.cmpi ne, %convert_element_type3A_231, %cond3A_232 : i32
      scf.if %cond3A_233 {
        %add3A_249 = arith.constant 5 : i32
        %add3A_250 = arith.addi %add3A_222, %add3A_249 : i32
        %dma_start3A_251 = arith.constant 0 : i32
        %dma_start3A_252 = tpu.memref_slice %arg5[%add3A_250, %dma_start3A_251] : memref<250x40xi32, #tpu.memory_space<vmem>> -> memref<1x40xi32, #tpu.memory_space<vmem>>
        %dma_start3A_253 = tpu.memref_squeeze %dma_start3A_252 : memref<1x40xi32, #tpu.memory_space<vmem>> -> memref<40xi32, #tpu.memory_space<vmem>>
        %dma_start3A_254 = arith.constant 0 : i32
        %dma_start3A_255 = arith.constant 0 : i32
        %dma_start3A_256 = tpu.memref_slice %arg2[%dma_start3A_254, %dma_start3A_255] : memref<10000x128xf32, #tpu.memory_space<hbm>> -> memref<10000x128xf32, #tpu.memory_space<hbm>>
        tpu.enqueue_indirect_dma source(%dma_start3A_256 : memref<10000x128xf32, #tpu.memory_space<hbm>>) target(%arg10 : memref<40x128xf32, #tpu.memory_space<vmem>>) offsets(%dma_start3A_253 : memref<40xi32, #tpu.memory_space<vmem>>) semaphore(%arg16 : memref<!tpu.dma_semaphore, #tpu.memory_space<semaphore_mem>>)
      } else {
      }
      %mul3A_234 = arith.constant 5 : i32
      %mul3A_235 = arith.muli %scan3A_96, %mul3A_234 : i32
      %add3A_236 = arith.constant 4 : i32
      %add3A_237 = arith.addi %mul3A_235, %add3A_236 : i32
      %dma_wait3A_238 = arith.constant 0 : i32
      %dma_wait3A_239 = tpu.memref_slice %arg6[%add3A_237, %dma_wait3A_238] : memref<250x40xi32, #tpu.memory_space<vmem>> -> memref<1x40xi32, #tpu.memory_space<vmem>>
      %dma_wait3A_240 = tpu.memref_squeeze %dma_wait3A_239 : memref<1x40xi32, #tpu.memory_space<vmem>> -> memref<40xi32, #tpu.memory_space<vmem>>
      %dma_wait3A_241 = arith.constant 0 : i32
      %dma_wait3A_242 = arith.constant 0 : i32
      %dma_wait3A_243 = tpu.memref_slice %arg12[%dma_wait3A_241, %dma_wait3A_242] : memref<10000x128xf32, #tpu.memory_space<vmem_shared>> -> memref<10000x128xf32, #tpu.memory_space<vmem_shared>>
      tpu.wait_indirect_dma semaphore(%arg22 : memref<!tpu.dma_semaphore, #tpu.memory_space<semaphore_mem>>) src(%arg11 : memref<40x128xf32, #tpu.memory_space<vmem>>) dst(%dma_wait3A_243 : memref<10000x128xf32, #tpu.memory_space<vmem_shared>>)
      %lt3A_244 = arith.constant 49 : i32
      %lt3A_245 = arith.cmpi slt, %scan3A_96, %lt3A_244 : i32
      %convert_element_type3A_246 = arith.extui %lt3A_245 : i1 to i32
      %cond3A_247 = arith.constant 0 : i32
      %cond3A_248 = arith.cmpi ne, %convert_element_type3A_246, %cond3A_247 : i32
      scf.if %cond3A_248 {
        %add3A_249 = arith.constant 5 : i32
        %add3A_250 = arith.addi %add3A_237, %add3A_249 : i32
        %dma_start3A_251 = arith.constant 0 : i32
        %dma_start3A_252 = tpu.memref_slice %arg5[%add3A_250, %dma_start3A_251] : memref<250x40xi32, #tpu.memory_space<vmem>> -> memref<1x40xi32, #tpu.memory_space<vmem>>
        %dma_start3A_253 = tpu.memref_squeeze %dma_start3A_252 : memref<1x40xi32, #tpu.memory_space<vmem>> -> memref<40xi32, #tpu.memory_space<vmem>>
        %dma_start3A_254 = arith.constant 0 : i32
        %dma_start3A_255 = arith.constant 0 : i32
        %dma_start3A_256 = tpu.memref_slice %arg2[%dma_start3A_254, %dma_start3A_255] : memref<10000x128xf32, #tpu.memory_space<hbm>> -> memref<10000x128xf32, #tpu.memory_space<hbm>>
        tpu.enqueue_indirect_dma source(%dma_start3A_256 : memref<10000x128xf32, #tpu.memory_space<hbm>>) target(%arg11 : memref<40x128xf32, #tpu.memory_space<vmem>>) offsets(%dma_start3A_253 : memref<40xi32, #tpu.memory_space<vmem>>) semaphore(%arg17 : memref<!tpu.dma_semaphore, #tpu.memory_space<semaphore_mem>>)
      } else {
      }
    }
    %scan3A_90 = arith.constant 50 : i32
    %barrier3A_91 = arith.constant 0 : index
    tpu.barrier barrier_id(%barrier3A_91)
    %mul3A_92 = arith.constant 625 : i32
    %mul3A_93 = arith.muli %arg1, %mul3A_92 : i32
    %mul3A_94 = arith.constant 625 : i32
    %mul3A_95 = arith.muli %arg1, %mul3A_94 : i32
    "tpu.region"() ({
      %run_scoped3A = tpu.sem_alloc : memref<!tpu.dma_semaphore, #tpu.memory_space<semaphore_mem>>
      %dma_start3A_96 = arith.constant 0 : i32
      %dma_start3A_97 = tpu.memref_slice %arg4[%arg0, %mul3A_95, %dma_start3A_96] : memref<2x10000x128xf32, #tpu.memory_space<hbm>> -> memref<1x625x128xf32, #tpu.memory_space<hbm>>
      %dma_start3A_98 = tpu.memref_squeeze %dma_start3A_97 : memref<1x625x128xf32, #tpu.memory_space<hbm>> -> memref<625x128xf32, #tpu.memory_space<hbm>>
      %dma_start3A_99 = arith.constant 0 : i32
      %dma_start3A_100 = tpu.memref_slice %arg12[%mul3A_93, %dma_start3A_99] : memref<10000x128xf32, #tpu.memory_space<vmem_shared>> -> memref<625x128xf32, #tpu.memory_space<vmem_shared>>
      tpu.enqueue_dma source(%dma_start3A_100 : memref<625x128xf32, #tpu.memory_space<vmem_shared>>) target(%dma_start3A_98 : memref<625x128xf32, #tpu.memory_space<hbm>>) target_semaphore(%run_scoped3A : memref<!tpu.dma_semaphore, #tpu.memory_space<semaphore_mem>>)
      %dma_wait3A_101 = arith.constant 0 : i32
      %dma_wait3A_102 = tpu.memref_slice %arg4[%arg0, %mul3A_95, %dma_wait3A_101] : memref<2x10000x128xf32, #tpu.memory_space<hbm>> -> memref<1x625x128xf32, #tpu.memory_space<hbm>>
      %dma_wait3A_103 = tpu.memref_squeeze %dma_wait3A_102 : memref<1x625x128xf32, #tpu.memory_space<hbm>> -> memref<625x128xf32, #tpu.memory_space<hbm>>
      %dma_wait3A_104 = arith.constant 0 : i32
      %dma_wait3A_105 = tpu.memref_slice %arg12[%mul3A_93, %dma_wait3A_104] : memref<10000x128xf32, #tpu.memory_space<vmem_shared>> -> memref<625x128xf32, #tpu.memory_space<vmem_shared>>
      tpu.wait_dma2 semaphore(%run_scoped3A : memref<!tpu.dma_semaphore, #tpu.memory_space<semaphore_mem>>) src(%dma_wait3A_105 : memref<625x128xf32, #tpu.memory_space<vmem_shared>>) dst(%dma_wait3A_103 : memref<625x128xf32, #tpu.memory_space<hbm>>)
      tpu.yield
    }) : () -> ()
    return
  }
}

#map = affine_map<(d0, d1) -> (0, 0)>
#map1 = affine_map<(d0, d1) -> (0, 0, 0, 0)>
#map2 = affine_map<(d0, d1) -> (0, 0, 0)>
module attributes {stable_mosaic.version = 14 : i64} {
  func.func @_mp_body(%arg0: i32, %arg1: i32, %arg2: memref<10000x128xf32, #tpu.memory_space<hbm>>, %arg3: memref<2x32x250x40xi32, #tpu.memory_space<hbm>>, %arg4: memref<2x10000x128xf32, #tpu.memory_space<hbm>>, %arg5: memref<250x40xi32, #tpu.memory_space<vmem>>, %arg6: memref<250x40xi32, #tpu.memory_space<vmem>>, %arg7: memref<40x128xf32, #tpu.memory_space<vmem>>, %arg8: memref<40x128xf32, #tpu.memory_space<vmem>>, %arg9: memref<40x128xf32, #tpu.memory_space<vmem>>, %arg10: memref<40x128xf32, #tpu.memory_space<vmem>>, %arg11: memref<40x128xf32, #tpu.memory_space<vmem>>, %arg12: memref<10000x128xf32, #tpu.memory_space<vmem_shared>>, %arg13: memref<!tpu.dma_semaphore, #tpu.memory_space<semaphore_mem>>, %arg14: memref<!tpu.dma_semaphore, #tpu.memory_space<semaphore_mem>>, %arg15: memref<!tpu.dma_semaphore, #tpu.memory_space<semaphore_mem>>, %arg16: memref<!tpu.dma_semaphore, #tpu.memory_space<semaphore_mem>>, %arg17: memref<!tpu.dma_semaphore, #tpu.memory_space<semaphore_mem>>, %arg18: memref<!tpu.dma_semaphore, #tpu.memory_space<semaphore_mem>>, %arg19: memref<!tpu.dma_semaphore, #tpu.memory_space<semaphore_mem>>, %arg20: memref<!tpu.dma_semaphore, #tpu.memory_space<semaphore_mem>>, %arg21: memref<!tpu.dma_semaphore, #tpu.memory_space<semaphore_mem>>, %arg22: memref<!tpu.dma_semaphore, #tpu.memory_space<semaphore_mem>>) attributes {dimension_semantics = [#tpu.dimension_semantics<core_parallel>, #tpu.dimension_semantics<subcore_parallel>], iteration_bounds = array<i64: 2, 16>, scalar_prefetch = 0 : i64, scratch_operands = 18 : i64, tpu.core_type = #tpu.core_type<sc_vector_subcore>, window_params = [{transform_indices = #map}, {transform_indices = #map1}, {transform_indices = #map2}]} {
    %mul3A = arith.constant 16 : i32
    %mul3A_0 = arith.muli %arg0, %mul3A : i32
    %add3A = arith.addi %mul3A_0, %arg1 : i32
    %dma_start3A = arith.constant 0 : i32
    %dma_start3A_1 = arith.constant 0 : i32
    %dma_start3A_2 = arith.constant 0 : i32
    %dma_start3A_3 = tpu.memref_slice %arg3[%dma_start3A, %add3A, %dma_start3A_1, %dma_start3A_2] : memref<2x32x250x40xi32, #tpu.memory_space<hbm>> -> memref<1x1x250x40xi32, #tpu.memory_space<hbm>>
    %dma_start3A_4 = tpu.memref_squeeze %dma_start3A_3 : memref<1x1x250x40xi32, #tpu.memory_space<hbm>> -> memref<250x40xi32, #tpu.memory_space<hbm>>
    %dma_start3A_5 = arith.constant 0 : i32
    %dma_start3A_6 = arith.constant 0 : i32
    %dma_start3A_7 = tpu.memref_slice %arg3[%dma_start3A, %add3A, %dma_start3A_5, %dma_start3A_6] : memref<2x32x250x40xi32, #tpu.memory_space<hbm>> -> memref<1x1x250x40xi32, #tpu.memory_space<hbm>>
    %dma_start3A_8 = tpu.memref_squeeze %dma_start3A_7 : memref<1x1x250x40xi32, #tpu.memory_space<hbm>> -> memref<250x40xi32, #tpu.memory_space<hbm>>
    tpu.enqueue_dma source(%dma_start3A_8 : memref<250x40xi32, #tpu.memory_space<hbm>>) target(%arg5 : memref<250x40xi32, #tpu.memory_space<vmem>>) target_semaphore(%arg13 : memref<!tpu.dma_semaphore, #tpu.memory_space<semaphore_mem>>)
    %dma_start3A_9 = arith.constant 1 : i32
    %dma_start3A_10 = arith.constant 0 : i32
    %dma_start3A_11 = arith.constant 0 : i32
    %dma_start3A_12 = tpu.memref_slice %arg3[%dma_start3A_9, %add3A, %dma_start3A_10, %dma_start3A_11] : memref<2x32x250x40xi32, #tpu.memory_space<hbm>> -> memref<1x1x250x40xi32, #tpu.memory_space<hbm>>
    %dma_start3A_13 = tpu.memref_squeeze %dma_start3A_12 : memref<1x1x250x40xi32, #tpu.memory_space<hbm>> -> memref<250x40xi32, #tpu.memory_space<hbm>>
    %dma_start3A_14 = arith.constant 0 : i32
    %dma_start3A_15 = arith.constant 0 : i32
    %dma_start3A_16 = tpu.memref_slice %arg3[%dma_start3A_9, %add3A, %dma_start3A_14, %dma_start3A_15] : memref<2x32x250x40xi32, #tpu.memory_space<hbm>> -> memref<1x1x250x40xi32, #tpu.memory_space<hbm>>
    %dma_start3A_17 = tpu.memref_squeeze %dma_start3A_16 : memref<1x1x250x40xi32, #tpu.memory_space<hbm>> -> memref<250x40xi32, #tpu.memory_space<hbm>>
    tpu.enqueue_dma source(%dma_start3A_17 : memref<250x40xi32, #tpu.memory_space<hbm>>) target(%arg6 : memref<250x40xi32, #tpu.memory_space<vmem>>) target_semaphore(%arg14 : memref<!tpu.dma_semaphore, #tpu.memory_space<semaphore_mem>>)
    %mul3A_18 = arith.constant 625 : i32
    %mul3A_19 = arith.muli %arg1, %mul3A_18 : i32
    %mul3A_20 = arith.constant 625 : i32
    %mul3A_21 = arith.muli %arg1, %mul3A_20 : i32
    %dma_start3A_22 = arith.constant 0 : i32
    %dma_start3A_23 = tpu.memref_slice %arg12[%mul3A_21, %dma_start3A_22] : memref<10000x128xf32, #tpu.memory_space<vmem_shared>> -> memref<625x128xf32, #tpu.memory_space<vmem_shared>>
    %dma_start3A_24 = arith.constant 0 : i32
    %dma_start3A_25 = tpu.memref_slice %arg2[%mul3A_19, %dma_start3A_24] : memref<10000x128xf32, #tpu.memory_space<hbm>> -> memref<625x128xf32, #tpu.memory_space<hbm>>
    tpu.enqueue_dma source(%dma_start3A_25 : memref<625x128xf32, #tpu.memory_space<hbm>>) target(%dma_start3A_23 : memref<625x128xf32, #tpu.memory_space<vmem_shared>>) target_semaphore(%arg15 : memref<!tpu.dma_semaphore, #tpu.memory_space<semaphore_mem>>)
    %dma_wait3A = arith.constant 0 : i32
    %dma_wait3A_26 = arith.constant 0 : i32
    %dma_wait3A_27 = arith.constant 0 : i32
    %dma_wait3A_28 = tpu.memref_slice %arg3[%dma_wait3A, %add3A, %dma_wait3A_26, %dma_wait3A_27] : memref<2x32x250x40xi32, #tpu.memory_space<hbm>> -> memref<1x1x250x40xi32, #tpu.memory_space<hbm>>
    %dma_wait3A_29 = tpu.memref_squeeze %dma_wait3A_28 : memref<1x1x250x40xi32, #tpu.memory_space<hbm>> -> memref<250x40xi32, #tpu.memory_space<hbm>>
    %dma_wait3A_30 = arith.constant 0 : i32
    %dma_wait3A_31 = arith.constant 0 : i32
    %dma_wait3A_32 = tpu.memref_slice %arg3[%dma_wait3A, %add3A, %dma_wait3A_30, %dma_wait3A_31] : memref<2x32x250x40xi32, #tpu.memory_space<hbm>> -> memref<1x1x250x40xi32, #tpu.memory_space<hbm>>
    %dma_wait3A_33 = tpu.memref_squeeze %dma_wait3A_32 : memref<1x1x250x40xi32, #tpu.memory_space<hbm>> -> memref<250x40xi32, #tpu.memory_space<hbm>>
    tpu.wait_dma2 semaphore(%arg13 : memref<!tpu.dma_semaphore, #tpu.memory_space<semaphore_mem>>) src(%dma_wait3A_33 : memref<250x40xi32, #tpu.memory_space<hbm>>) dst(%arg5 : memref<250x40xi32, #tpu.memory_space<vmem>>)
    %dma_wait3A_34 = arith.constant 1 : i32
    %dma_wait3A_35 = arith.constant 0 : i32
    %dma_wait3A_36 = arith.constant 0 : i32
    %dma_wait3A_37 = tpu.memref_slice %arg3[%dma_wait3A_34, %add3A, %dma_wait3A_35, %dma_wait3A_36] : memref<2x32x250x40xi32, #tpu.memory_space<hbm>> -> memref<1x1x250x40xi32, #tpu.memory_space<hbm>>
    %dma_wait3A_38 = tpu.memref_squeeze %dma_wait3A_37 : memref<1x1x250x40xi32, #tpu.memory_space<hbm>> -> memref<250x40xi32, #tpu.memory_space<hbm>>
    %dma_wait3A_39 = arith.constant 0 : i32
    %dma_wait3A_40 = arith.constant 0 : i32
    %dma_wait3A_41 = tpu.memref_slice %arg3[%dma_wait3A_34, %add3A, %dma_wait3A_39, %dma_wait3A_40] : memref<2x32x250x40xi32, #tpu.memory_space<hbm>> -> memref<1x1x250x40xi32, #tpu.memory_space<hbm>>
    %dma_wait3A_42 = tpu.memref_squeeze %dma_wait3A_41 : memref<1x1x250x40xi32, #tpu.memory_space<hbm>> -> memref<250x40xi32, #tpu.memory_space<hbm>>
    tpu.wait_dma2 semaphore(%arg14 : memref<!tpu.dma_semaphore, #tpu.memory_space<semaphore_mem>>) src(%dma_wait3A_42 : memref<250x40xi32, #tpu.memory_space<hbm>>) dst(%arg6 : memref<250x40xi32, #tpu.memory_space<vmem>>)
    %mul3A_43 = arith.constant 625 : i32
    %mul3A_44 = arith.muli %arg1, %mul3A_43 : i32
    %mul3A_45 = arith.constant 625 : i32
    %mul3A_46 = arith.muli %arg1, %mul3A_45 : i32
    %dma_wait3A_47 = arith.constant 0 : i32
    %dma_wait3A_48 = tpu.memref_slice %arg12[%mul3A_46, %dma_wait3A_47] : memref<10000x128xf32, #tpu.memory_space<vmem_shared>> -> memref<625x128xf32, #tpu.memory_space<vmem_shared>>
    %dma_wait3A_49 = arith.constant 0 : i32
    %dma_wait3A_50 = tpu.memref_slice %arg2[%mul3A_44, %dma_wait3A_49] : memref<10000x128xf32, #tpu.memory_space<hbm>> -> memref<625x128xf32, #tpu.memory_space<hbm>>
    tpu.wait_dma2 semaphore(%arg15 : memref<!tpu.dma_semaphore, #tpu.memory_space<semaphore_mem>>) src(%dma_wait3A_50 : memref<625x128xf32, #tpu.memory_space<hbm>>) dst(%dma_wait3A_48 : memref<625x128xf32, #tpu.memory_space<vmem_shared>>)
    %barrier3A = arith.constant 0 : index
    tpu.barrier barrier_id(%barrier3A)
    %dma_start3A_51 = arith.constant 0 : i32
    %dma_start3A_52 = arith.constant 0 : i32
    %dma_start3A_53 = tpu.memref_slice %arg5[%dma_start3A_51, %dma_start3A_52] : memref<250x40xi32, #tpu.memory_space<vmem>> -> memref<1x40xi32, #tpu.memory_space<vmem>>
    %dma_start3A_54 = tpu.memref_squeeze %dma_start3A_53 : memref<1x40xi32, #tpu.memory_space<vmem>> -> memref<40xi32, #tpu.memory_space<vmem>>
    %dma_start3A_55 = arith.constant 0 : i32
    %dma_start3A_56 = arith.constant 0 : i32
    %dma_start3A_57 = tpu.memref_slice %arg2[%dma_start3A_55, %dma_start3A_56] : memref<10000x128xf32, #tpu.memory_space<hbm>> -> memref<10000x128xf32, #tpu.memory_space<hbm>>
    tpu.enqueue_indirect_dma source(%dma_start3A_57 : memref<10000x128xf32, #tpu.memory_space<hbm>>) target(%arg7 : memref<40x128xf32, #tpu.memory_space<vmem>>) offsets(%dma_start3A_54 : memref<40xi32, #tpu.memory_space<vmem>>) semaphore(%arg13 : memref<!tpu.dma_semaphore, #tpu.memory_space<semaphore_mem>>)
    %dma_start3A_58 = arith.constant 1 : i32
    %dma_start3A_59 = arith.constant 0 : i32
    %dma_start3A_60 = tpu.memref_slice %arg5[%dma_start3A_58, %dma_start3A_59] : memref<250x40xi32, #tpu.memory_space<vmem>> -> memref<1x40xi32, #tpu.memory_space<vmem>>
    %dma_start3A_61 = tpu.memref_squeeze %dma_start3A_60 : memref<1x40xi32, #tpu.memory_space<vmem>> -> memref<40xi32, #tpu.memory_space<vmem>>
    %dma_start3A_62 = arith.constant 0 : i32
    %dma_start3A_63 = arith.constant 0 : i32
    %dma_start3A_64 = tpu.memref_slice %arg2[%dma_start3A_62, %dma_start3A_63] : memref<10000x128xf32, #tpu.memory_space<hbm>> -> memref<10000x128xf32, #tpu.memory_space<hbm>>
    tpu.enqueue_indirect_dma source(%dma_start3A_64 : memref<10000x128xf32, #tpu.memory_space<hbm>>) target(%arg8 : memref<40x128xf32, #tpu.memory_space<vmem>>) offsets(%dma_start3A_61 : memref<40xi32, #tpu.memory_space<vmem>>) semaphore(%arg14 : memref<!tpu.dma_semaphore, #tpu.memory_space<semaphore_mem>>)
    %dma_start3A_65 = arith.constant 2 : i32
    %dma_start3A_66 = arith.constant 0 : i32
    %dma_start3A_67 = tpu.memref_slice %arg5[%dma_start3A_65, %dma_start3A_66] : memref<250x40xi32, #tpu.memory_space<vmem>> -> memref<1x40xi32, #tpu.memory_space<vmem>>
    %dma_start3A_68 = tpu.memref_squeeze %dma_start3A_67 : memref<1x40xi32, #tpu.memory_space<vmem>> -> memref<40xi32, #tpu.memory_space<vmem>>
    %dma_start3A_69 = arith.constant 0 : i32
    %dma_start3A_70 = arith.constant 0 : i32
    %dma_start3A_71 = tpu.memref_slice %arg2[%dma_start3A_69, %dma_start3A_70] : memref<10000x128xf32, #tpu.memory_space<hbm>> -> memref<10000x128xf32, #tpu.memory_space<hbm>>
    tpu.enqueue_indirect_dma source(%dma_start3A_71 : memref<10000x128xf32, #tpu.memory_space<hbm>>) target(%arg9 : memref<40x128xf32, #tpu.memory_space<vmem>>) offsets(%dma_start3A_68 : memref<40xi32, #tpu.memory_space<vmem>>) semaphore(%arg15 : memref<!tpu.dma_semaphore, #tpu.memory_space<semaphore_mem>>)
    %dma_start3A_72 = arith.constant 3 : i32
    %dma_start3A_73 = arith.constant 0 : i32
    %dma_start3A_74 = tpu.memref_slice %arg5[%dma_start3A_72, %dma_start3A_73] : memref<250x40xi32, #tpu.memory_space<vmem>> -> memref<1x40xi32, #tpu.memory_space<vmem>>
    %dma_start3A_75 = tpu.memref_squeeze %dma_start3A_74 : memref<1x40xi32, #tpu.memory_space<vmem>> -> memref<40xi32, #tpu.memory_space<vmem>>
    %dma_start3A_76 = arith.constant 0 : i32
    %dma_start3A_77 = arith.constant 0 : i32
    %dma_start3A_78 = tpu.memref_slice %arg2[%dma_start3A_76, %dma_start3A_77] : memref<10000x128xf32, #tpu.memory_space<hbm>> -> memref<10000x128xf32, #tpu.memory_space<hbm>>
    tpu.enqueue_indirect_dma source(%dma_start3A_78 : memref<10000x128xf32, #tpu.memory_space<hbm>>) target(%arg10 : memref<40x128xf32, #tpu.memory_space<vmem>>) offsets(%dma_start3A_75 : memref<40xi32, #tpu.memory_space<vmem>>) semaphore(%arg16 : memref<!tpu.dma_semaphore, #tpu.memory_space<semaphore_mem>>)
    %dma_start3A_79 = arith.constant 4 : i32
    %dma_start3A_80 = arith.constant 0 : i32
    %dma_start3A_81 = tpu.memref_slice %arg5[%dma_start3A_79, %dma_start3A_80] : memref<250x40xi32, #tpu.memory_space<vmem>> -> memref<1x40xi32, #tpu.memory_space<vmem>>
    %dma_start3A_82 = tpu.memref_squeeze %dma_start3A_81 : memref<1x40xi32, #tpu.memory_space<vmem>> -> memref<40xi32, #tpu.memory_space<vmem>>
    %dma_start3A_83 = arith.constant 0 : i32
    %dma_start3A_84 = arith.constant 0 : i32
    %dma_start3A_85 = tpu.memref_slice %arg2[%dma_start3A_83, %dma_start3A_84] : memref<10000x128xf32, #tpu.memory_space<hbm>> -> memref<10000x128xf32, #tpu.memory_space<hbm>>
    tpu.enqueue_indirect_dma source(%dma_start3A_85 : memref<10000x128xf32, #tpu.memory_space<hbm>>) target(%arg11 : memref<40x128xf32, #tpu.memory_space<vmem>>) offsets(%dma_start3A_82 : memref<40xi32, #tpu.memory_space<vmem>>) semaphore(%arg17 : memref<!tpu.dma_semaphore, #tpu.memory_space<semaphore_mem>>)
    %scan3A = arith.constant 0 : i32
    %scan3A_86 = arith.constant 0 : i32
    %scan3A_87 = arith.constant 50 : i32
    %scan3A_88 = arith.addi %scan3A_86, %scan3A_87 : i32
    %scan3A_89 = arith.constant 1 : i32
    scf.for %scan3A_96 = %scan3A_86 to %scan3A_88 step %scan3A_89  : i32 {
      %mul3A_97 = arith.constant 5 : i32
      %mul3A_98 = arith.muli %scan3A_96, %mul3A_97 : i32
      %add3A_99 = arith.constant 0 : i32
      %add3A_100 = arith.addi %mul3A_98, %add3A_99 : i32
      %dma_wait3A_101 = arith.constant 0 : i32
      %dma_wait3A_102 = tpu.memref_slice %arg5[%add3A_100, %dma_wait3A_101] : memref<250x40xi32, #tpu.memory_space<vmem>> -> memref<1x40xi32, #tpu.memory_space<vmem>>
      %dma_wait3A_103 = tpu.memref_squeeze %dma_wait3A_102 : memref<1x40xi32, #tpu.memory_space<vmem>> -> memref<40xi32, #tpu.memory_space<vmem>>
      %dma_wait3A_104 = arith.constant 0 : i32
      %dma_wait3A_105 = arith.constant 0 : i32
      %dma_wait3A_106 = tpu.memref_slice %arg2[%dma_wait3A_104, %dma_wait3A_105] : memref<10000x128xf32, #tpu.memory_space<hbm>> -> memref<10000x128xf32, #tpu.memory_space<hbm>>
      tpu.wait_indirect_dma semaphore(%arg13 : memref<!tpu.dma_semaphore, #tpu.memory_space<semaphore_mem>>) src(%dma_wait3A_106 : memref<10000x128xf32, #tpu.memory_space<hbm>>) dst(%arg7 : memref<40x128xf32, #tpu.memory_space<vmem>>)
      %dma_start3A_107 = arith.constant 0 : i32
      %dma_start3A_108 = tpu.memref_slice %arg6[%add3A_100, %dma_start3A_107] : memref<250x40xi32, #tpu.memory_space<vmem>> -> memref<1x40xi32, #tpu.memory_space<vmem>>
      %dma_start3A_109 = tpu.memref_squeeze %dma_start3A_108 : memref<1x40xi32, #tpu.memory_space<vmem>> -> memref<40xi32, #tpu.memory_space<vmem>>
      %dma_start3A_110 = arith.constant 0 : i32
      %dma_start3A_111 = arith.constant 0 : i32
      %dma_start3A_112 = tpu.memref_slice %arg12[%dma_start3A_110, %dma_start3A_111] : memref<10000x128xf32, #tpu.memory_space<vmem_shared>> -> memref<10000x128xf32, #tpu.memory_space<vmem_shared>>
      tpu.enqueue_indirect_dma source(%arg7 : memref<40x128xf32, #tpu.memory_space<vmem>>) target(%dma_start3A_112 : memref<10000x128xf32, #tpu.memory_space<vmem_shared>>) offsets(%dma_start3A_109 : memref<40xi32, #tpu.memory_space<vmem>>) semaphore(%arg18 : memref<!tpu.dma_semaphore, #tpu.memory_space<semaphore_mem>>) {add = true}
      %mul3A_113 = arith.constant 5 : i32
      %mul3A_114 = arith.muli %scan3A_96, %mul3A_113 : i32
      %add3A_115 = arith.constant 1 : i32
      %add3A_116 = arith.addi %mul3A_114, %add3A_115 : i32
      %dma_wait3A_117 = arith.constant 0 : i32
      %dma_wait3A_118 = tpu.memref_slice %arg5[%add3A_116, %dma_wait3A_117] : memref<250x40xi32, #tpu.memory_space<vmem>> -> memref<1x40xi32, #tpu.memory_space<vmem>>
      %dma_wait3A_119 = tpu.memref_squeeze %dma_wait3A_118 : memref<1x40xi32, #tpu.memory_space<vmem>> -> memref<40xi32, #tpu.memory_space<vmem>>
      %dma_wait3A_120 = arith.constant 0 : i32
      %dma_wait3A_121 = arith.constant 0 : i32
      %dma_wait3A_122 = tpu.memref_slice %arg2[%dma_wait3A_120, %dma_wait3A_121] : memref<10000x128xf32, #tpu.memory_space<hbm>> -> memref<10000x128xf32, #tpu.memory_space<hbm>>
      tpu.wait_indirect_dma semaphore(%arg14 : memref<!tpu.dma_semaphore, #tpu.memory_space<semaphore_mem>>) src(%dma_wait3A_122 : memref<10000x128xf32, #tpu.memory_space<hbm>>) dst(%arg8 : memref<40x128xf32, #tpu.memory_space<vmem>>)
      %dma_start3A_123 = arith.constant 0 : i32
      %dma_start3A_124 = tpu.memref_slice %arg6[%add3A_116, %dma_start3A_123] : memref<250x40xi32, #tpu.memory_space<vmem>> -> memref<1x40xi32, #tpu.memory_space<vmem>>
      %dma_start3A_125 = tpu.memref_squeeze %dma_start3A_124 : memref<1x40xi32, #tpu.memory_space<vmem>> -> memref<40xi32, #tpu.memory_space<vmem>>
      %dma_start3A_126 = arith.constant 0 : i32
      %dma_start3A_127 = arith.constant 0 : i32
      %dma_start3A_128 = tpu.memref_slice %arg12[%dma_start3A_126, %dma_start3A_127] : memref<10000x128xf32, #tpu.memory_space<vmem_shared>> -> memref<10000x128xf32, #tpu.memory_space<vmem_shared>>
      tpu.enqueue_indirect_dma source(%arg8 : memref<40x128xf32, #tpu.memory_space<vmem>>) target(%dma_start3A_128 : memref<10000x128xf32, #tpu.memory_space<vmem_shared>>) offsets(%dma_start3A_125 : memref<40xi32, #tpu.memory_space<vmem>>) semaphore(%arg19 : memref<!tpu.dma_semaphore, #tpu.memory_space<semaphore_mem>>) {add = true}
      %mul3A_129 = arith.constant 5 : i32
      %mul3A_130 = arith.muli %scan3A_96, %mul3A_129 : i32
      %add3A_131 = arith.constant 2 : i32
      %add3A_132 = arith.addi %mul3A_130, %add3A_131 : i32
      %dma_wait3A_133 = arith.constant 0 : i32
      %dma_wait3A_134 = tpu.memref_slice %arg5[%add3A_132, %dma_wait3A_133] : memref<250x40xi32, #tpu.memory_space<vmem>> -> memref<1x40xi32, #tpu.memory_space<vmem>>
      %dma_wait3A_135 = tpu.memref_squeeze %dma_wait3A_134 : memref<1x40xi32, #tpu.memory_space<vmem>> -> memref<40xi32, #tpu.memory_space<vmem>>
      %dma_wait3A_136 = arith.constant 0 : i32
      %dma_wait3A_137 = arith.constant 0 : i32
      %dma_wait3A_138 = tpu.memref_slice %arg2[%dma_wait3A_136, %dma_wait3A_137] : memref<10000x128xf32, #tpu.memory_space<hbm>> -> memref<10000x128xf32, #tpu.memory_space<hbm>>
      tpu.wait_indirect_dma semaphore(%arg15 : memref<!tpu.dma_semaphore, #tpu.memory_space<semaphore_mem>>) src(%dma_wait3A_138 : memref<10000x128xf32, #tpu.memory_space<hbm>>) dst(%arg9 : memref<40x128xf32, #tpu.memory_space<vmem>>)
      %dma_start3A_139 = arith.constant 0 : i32
      %dma_start3A_140 = tpu.memref_slice %arg6[%add3A_132, %dma_start3A_139] : memref<250x40xi32, #tpu.memory_space<vmem>> -> memref<1x40xi32, #tpu.memory_space<vmem>>
      %dma_start3A_141 = tpu.memref_squeeze %dma_start3A_140 : memref<1x40xi32, #tpu.memory_space<vmem>> -> memref<40xi32, #tpu.memory_space<vmem>>
      %dma_start3A_142 = arith.constant 0 : i32
      %dma_start3A_143 = arith.constant 0 : i32
      %dma_start3A_144 = tpu.memref_slice %arg12[%dma_start3A_142, %dma_start3A_143] : memref<10000x128xf32, #tpu.memory_space<vmem_shared>> -> memref<10000x128xf32, #tpu.memory_space<vmem_shared>>
      tpu.enqueue_indirect_dma source(%arg9 : memref<40x128xf32, #tpu.memory_space<vmem>>) target(%dma_start3A_144 : memref<10000x128xf32, #tpu.memory_space<vmem_shared>>) offsets(%dma_start3A_141 : memref<40xi32, #tpu.memory_space<vmem>>) semaphore(%arg20 : memref<!tpu.dma_semaphore, #tpu.memory_space<semaphore_mem>>) {add = true}
      %mul3A_145 = arith.constant 5 : i32
      %mul3A_146 = arith.muli %scan3A_96, %mul3A_145 : i32
      %add3A_147 = arith.constant 3 : i32
      %add3A_148 = arith.addi %mul3A_146, %add3A_147 : i32
      %dma_wait3A_149 = arith.constant 0 : i32
      %dma_wait3A_150 = tpu.memref_slice %arg5[%add3A_148, %dma_wait3A_149] : memref<250x40xi32, #tpu.memory_space<vmem>> -> memref<1x40xi32, #tpu.memory_space<vmem>>
      %dma_wait3A_151 = tpu.memref_squeeze %dma_wait3A_150 : memref<1x40xi32, #tpu.memory_space<vmem>> -> memref<40xi32, #tpu.memory_space<vmem>>
      %dma_wait3A_152 = arith.constant 0 : i32
      %dma_wait3A_153 = arith.constant 0 : i32
      %dma_wait3A_154 = tpu.memref_slice %arg2[%dma_wait3A_152, %dma_wait3A_153] : memref<10000x128xf32, #tpu.memory_space<hbm>> -> memref<10000x128xf32, #tpu.memory_space<hbm>>
      tpu.wait_indirect_dma semaphore(%arg16 : memref<!tpu.dma_semaphore, #tpu.memory_space<semaphore_mem>>) src(%dma_wait3A_154 : memref<10000x128xf32, #tpu.memory_space<hbm>>) dst(%arg10 : memref<40x128xf32, #tpu.memory_space<vmem>>)
      %dma_start3A_155 = arith.constant 0 : i32
      %dma_start3A_156 = tpu.memref_slice %arg6[%add3A_148, %dma_start3A_155] : memref<250x40xi32, #tpu.memory_space<vmem>> -> memref<1x40xi32, #tpu.memory_space<vmem>>
      %dma_start3A_157 = tpu.memref_squeeze %dma_start3A_156 : memref<1x40xi32, #tpu.memory_space<vmem>> -> memref<40xi32, #tpu.memory_space<vmem>>
      %dma_start3A_158 = arith.constant 0 : i32
      %dma_start3A_159 = arith.constant 0 : i32
      %dma_start3A_160 = tpu.memref_slice %arg12[%dma_start3A_158, %dma_start3A_159] : memref<10000x128xf32, #tpu.memory_space<vmem_shared>> -> memref<10000x128xf32, #tpu.memory_space<vmem_shared>>
      tpu.enqueue_indirect_dma source(%arg10 : memref<40x128xf32, #tpu.memory_space<vmem>>) target(%dma_start3A_160 : memref<10000x128xf32, #tpu.memory_space<vmem_shared>>) offsets(%dma_start3A_157 : memref<40xi32, #tpu.memory_space<vmem>>) semaphore(%arg21 : memref<!tpu.dma_semaphore, #tpu.memory_space<semaphore_mem>>) {add = true}
      %mul3A_161 = arith.constant 5 : i32
      %mul3A_162 = arith.muli %scan3A_96, %mul3A_161 : i32
      %add3A_163 = arith.constant 4 : i32
      %add3A_164 = arith.addi %mul3A_162, %add3A_163 : i32
      %dma_wait3A_165 = arith.constant 0 : i32
      %dma_wait3A_166 = tpu.memref_slice %arg5[%add3A_164, %dma_wait3A_165] : memref<250x40xi32, #tpu.memory_space<vmem>> -> memref<1x40xi32, #tpu.memory_space<vmem>>
      %dma_wait3A_167 = tpu.memref_squeeze %dma_wait3A_166 : memref<1x40xi32, #tpu.memory_space<vmem>> -> memref<40xi32, #tpu.memory_space<vmem>>
      %dma_wait3A_168 = arith.constant 0 : i32
      %dma_wait3A_169 = arith.constant 0 : i32
      %dma_wait3A_170 = tpu.memref_slice %arg2[%dma_wait3A_168, %dma_wait3A_169] : memref<10000x128xf32, #tpu.memory_space<hbm>> -> memref<10000x128xf32, #tpu.memory_space<hbm>>
      tpu.wait_indirect_dma semaphore(%arg17 : memref<!tpu.dma_semaphore, #tpu.memory_space<semaphore_mem>>) src(%dma_wait3A_170 : memref<10000x128xf32, #tpu.memory_space<hbm>>) dst(%arg11 : memref<40x128xf32, #tpu.memory_space<vmem>>)
      %dma_start3A_171 = arith.constant 0 : i32
      %dma_start3A_172 = tpu.memref_slice %arg6[%add3A_164, %dma_start3A_171] : memref<250x40xi32, #tpu.memory_space<vmem>> -> memref<1x40xi32, #tpu.memory_space<vmem>>
      %dma_start3A_173 = tpu.memref_squeeze %dma_start3A_172 : memref<1x40xi32, #tpu.memory_space<vmem>> -> memref<40xi32, #tpu.memory_space<vmem>>
      %dma_start3A_174 = arith.constant 0 : i32
      %dma_start3A_175 = arith.constant 0 : i32
      %dma_start3A_176 = tpu.memref_slice %arg12[%dma_start3A_174, %dma_start3A_175] : memref<10000x128xf32, #tpu.memory_space<vmem_shared>> -> memref<10000x128xf32, #tpu.memory_space<vmem_shared>>
      tpu.enqueue_indirect_dma source(%arg11 : memref<40x128xf32, #tpu.memory_space<vmem>>) target(%dma_start3A_176 : memref<10000x128xf32, #tpu.memory_space<vmem_shared>>) offsets(%dma_start3A_173 : memref<40xi32, #tpu.memory_space<vmem>>) semaphore(%arg22 : memref<!tpu.dma_semaphore, #tpu.memory_space<semaphore_mem>>) {add = true}
      %mul3A_177 = arith.constant 5 : i32
      %mul3A_178 = arith.muli %scan3A_96, %mul3A_177 : i32
      %add3A_179 = arith.constant 0 : i32
      %add3A_180 = arith.addi %mul3A_178, %add3A_179 : i32
      %dma_wait3A_181 = arith.constant 0 : i32
      %dma_wait3A_182 = tpu.memref_slice %arg6[%add3A_180, %dma_wait3A_181] : memref<250x40xi32, #tpu.memory_space<vmem>> -> memref<1x40xi32, #tpu.memory_space<vmem>>
      %dma_wait3A_183 = tpu.memref_squeeze %dma_wait3A_182 : memref<1x40xi32, #tpu.memory_space<vmem>> -> memref<40xi32, #tpu.memory_space<vmem>>
      %dma_wait3A_184 = arith.constant 0 : i32
      %dma_wait3A_185 = arith.constant 0 : i32
      %dma_wait3A_186 = tpu.memref_slice %arg12[%dma_wait3A_184, %dma_wait3A_185] : memref<10000x128xf32, #tpu.memory_space<vmem_shared>> -> memref<10000x128xf32, #tpu.memory_space<vmem_shared>>
      tpu.wait_indirect_dma semaphore(%arg18 : memref<!tpu.dma_semaphore, #tpu.memory_space<semaphore_mem>>) src(%arg7 : memref<40x128xf32, #tpu.memory_space<vmem>>) dst(%dma_wait3A_186 : memref<10000x128xf32, #tpu.memory_space<vmem_shared>>)
      %lt3A = arith.constant 49 : i32
      %lt3A_187 = arith.cmpi slt, %scan3A_96, %lt3A : i32
      %convert_element_type3A = arith.extui %lt3A_187 : i1 to i32
      %cond3A = arith.constant 0 : i32
      %cond3A_188 = arith.cmpi ne, %convert_element_type3A, %cond3A : i32
      scf.if %cond3A_188 {
        %add3A_249 = arith.constant 5 : i32
        %add3A_250 = arith.addi %add3A_180, %add3A_249 : i32
        %dma_start3A_251 = arith.constant 0 : i32
        %dma_start3A_252 = tpu.memref_slice %arg5[%add3A_250, %dma_start3A_251] : memref<250x40xi32, #tpu.memory_space<vmem>> -> memref<1x40xi32, #tpu.memory_space<vmem>>
        %dma_start3A_253 = tpu.memref_squeeze %dma_start3A_252 : memref<1x40xi32, #tpu.memory_space<vmem>> -> memref<40xi32, #tpu.memory_space<vmem>>
        %dma_start3A_254 = arith.constant 0 : i32
        %dma_start3A_255 = arith.constant 0 : i32
        %dma_start3A_256 = tpu.memref_slice %arg2[%dma_start3A_254, %dma_start3A_255] : memref<10000x128xf32, #tpu.memory_space<hbm>> -> memref<10000x128xf32, #tpu.memory_space<hbm>>
        tpu.enqueue_indirect_dma source(%dma_start3A_256 : memref<10000x128xf32, #tpu.memory_space<hbm>>) target(%arg7 : memref<40x128xf32, #tpu.memory_space<vmem>>) offsets(%dma_start3A_253 : memref<40xi32, #tpu.memory_space<vmem>>) semaphore(%arg13 : memref<!tpu.dma_semaphore, #tpu.memory_space<semaphore_mem>>)
      } else {
      }
      %mul3A_189 = arith.constant 5 : i32
      %mul3A_190 = arith.muli %scan3A_96, %mul3A_189 : i32
      %add3A_191 = arith.constant 1 : i32
      %add3A_192 = arith.addi %mul3A_190, %add3A_191 : i32
      %dma_wait3A_193 = arith.constant 0 : i32
      %dma_wait3A_194 = tpu.memref_slice %arg6[%add3A_192, %dma_wait3A_193] : memref<250x40xi32, #tpu.memory_space<vmem>> -> memref<1x40xi32, #tpu.memory_space<vmem>>
      %dma_wait3A_195 = tpu.memref_squeeze %dma_wait3A_194 : memref<1x40xi32, #tpu.memory_space<vmem>> -> memref<40xi32, #tpu.memory_space<vmem>>
      %dma_wait3A_196 = arith.constant 0 : i32
      %dma_wait3A_197 = arith.constant 0 : i32
      %dma_wait3A_198 = tpu.memref_slice %arg12[%dma_wait3A_196, %dma_wait3A_197] : memref<10000x128xf32, #tpu.memory_space<vmem_shared>> -> memref<10000x128xf32, #tpu.memory_space<vmem_shared>>
      tpu.wait_indirect_dma semaphore(%arg19 : memref<!tpu.dma_semaphore, #tpu.memory_space<semaphore_mem>>) src(%arg8 : memref<40x128xf32, #tpu.memory_space<vmem>>) dst(%dma_wait3A_198 : memref<10000x128xf32, #tpu.memory_space<vmem_shared>>)
      %lt3A_199 = arith.constant 49 : i32
      %lt3A_200 = arith.cmpi slt, %scan3A_96, %lt3A_199 : i32
      %convert_element_type3A_201 = arith.extui %lt3A_200 : i1 to i32
      %cond3A_202 = arith.constant 0 : i32
      %cond3A_203 = arith.cmpi ne, %convert_element_type3A_201, %cond3A_202 : i32
      scf.if %cond3A_203 {
        %add3A_249 = arith.constant 5 : i32
        %add3A_250 = arith.addi %add3A_192, %add3A_249 : i32
        %dma_start3A_251 = arith.constant 0 : i32
        %dma_start3A_252 = tpu.memref_slice %arg5[%add3A_250, %dma_start3A_251] : memref<250x40xi32, #tpu.memory_space<vmem>> -> memref<1x40xi32, #tpu.memory_space<vmem>>
        %dma_start3A_253 = tpu.memref_squeeze %dma_start3A_252 : memref<1x40xi32, #tpu.memory_space<vmem>> -> memref<40xi32, #tpu.memory_space<vmem>>
        %dma_start3A_254 = arith.constant 0 : i32
        %dma_start3A_255 = arith.constant 0 : i32
        %dma_start3A_256 = tpu.memref_slice %arg2[%dma_start3A_254, %dma_start3A_255] : memref<10000x128xf32, #tpu.memory_space<hbm>> -> memref<10000x128xf32, #tpu.memory_space<hbm>>
        tpu.enqueue_indirect_dma source(%dma_start3A_256 : memref<10000x128xf32, #tpu.memory_space<hbm>>) target(%arg8 : memref<40x128xf32, #tpu.memory_space<vmem>>) offsets(%dma_start3A_253 : memref<40xi32, #tpu.memory_space<vmem>>) semaphore(%arg14 : memref<!tpu.dma_semaphore, #tpu.memory_space<semaphore_mem>>)
      } else {
      }
      %mul3A_204 = arith.constant 5 : i32
      %mul3A_205 = arith.muli %scan3A_96, %mul3A_204 : i32
      %add3A_206 = arith.constant 2 : i32
      %add3A_207 = arith.addi %mul3A_205, %add3A_206 : i32
      %dma_wait3A_208 = arith.constant 0 : i32
      %dma_wait3A_209 = tpu.memref_slice %arg6[%add3A_207, %dma_wait3A_208] : memref<250x40xi32, #tpu.memory_space<vmem>> -> memref<1x40xi32, #tpu.memory_space<vmem>>
      %dma_wait3A_210 = tpu.memref_squeeze %dma_wait3A_209 : memref<1x40xi32, #tpu.memory_space<vmem>> -> memref<40xi32, #tpu.memory_space<vmem>>
      %dma_wait3A_211 = arith.constant 0 : i32
      %dma_wait3A_212 = arith.constant 0 : i32
      %dma_wait3A_213 = tpu.memref_slice %arg12[%dma_wait3A_211, %dma_wait3A_212] : memref<10000x128xf32, #tpu.memory_space<vmem_shared>> -> memref<10000x128xf32, #tpu.memory_space<vmem_shared>>
      tpu.wait_indirect_dma semaphore(%arg20 : memref<!tpu.dma_semaphore, #tpu.memory_space<semaphore_mem>>) src(%arg9 : memref<40x128xf32, #tpu.memory_space<vmem>>) dst(%dma_wait3A_213 : memref<10000x128xf32, #tpu.memory_space<vmem_shared>>)
      %lt3A_214 = arith.constant 49 : i32
      %lt3A_215 = arith.cmpi slt, %scan3A_96, %lt3A_214 : i32
      %convert_element_type3A_216 = arith.extui %lt3A_215 : i1 to i32
      %cond3A_217 = arith.constant 0 : i32
      %cond3A_218 = arith.cmpi ne, %convert_element_type3A_216, %cond3A_217 : i32
      scf.if %cond3A_218 {
        %add3A_249 = arith.constant 5 : i32
        %add3A_250 = arith.addi %add3A_207, %add3A_249 : i32
        %dma_start3A_251 = arith.constant 0 : i32
        %dma_start3A_252 = tpu.memref_slice %arg5[%add3A_250, %dma_start3A_251] : memref<250x40xi32, #tpu.memory_space<vmem>> -> memref<1x40xi32, #tpu.memory_space<vmem>>
        %dma_start3A_253 = tpu.memref_squeeze %dma_start3A_252 : memref<1x40xi32, #tpu.memory_space<vmem>> -> memref<40xi32, #tpu.memory_space<vmem>>
        %dma_start3A_254 = arith.constant 0 : i32
        %dma_start3A_255 = arith.constant 0 : i32
        %dma_start3A_256 = tpu.memref_slice %arg2[%dma_start3A_254, %dma_start3A_255] : memref<10000x128xf32, #tpu.memory_space<hbm>> -> memref<10000x128xf32, #tpu.memory_space<hbm>>
        tpu.enqueue_indirect_dma source(%dma_start3A_256 : memref<10000x128xf32, #tpu.memory_space<hbm>>) target(%arg9 : memref<40x128xf32, #tpu.memory_space<vmem>>) offsets(%dma_start3A_253 : memref<40xi32, #tpu.memory_space<vmem>>) semaphore(%arg15 : memref<!tpu.dma_semaphore, #tpu.memory_space<semaphore_mem>>)
      } else {
      }
      %mul3A_219 = arith.constant 5 : i32
      %mul3A_220 = arith.muli %scan3A_96, %mul3A_219 : i32
      %add3A_221 = arith.constant 3 : i32
      %add3A_222 = arith.addi %mul3A_220, %add3A_221 : i32
      %dma_wait3A_223 = arith.constant 0 : i32
      %dma_wait3A_224 = tpu.memref_slice %arg6[%add3A_222, %dma_wait3A_223] : memref<250x40xi32, #tpu.memory_space<vmem>> -> memref<1x40xi32, #tpu.memory_space<vmem>>
      %dma_wait3A_225 = tpu.memref_squeeze %dma_wait3A_224 : memref<1x40xi32, #tpu.memory_space<vmem>> -> memref<40xi32, #tpu.memory_space<vmem>>
      %dma_wait3A_226 = arith.constant 0 : i32
      %dma_wait3A_227 = arith.constant 0 : i32
      %dma_wait3A_228 = tpu.memref_slice %arg12[%dma_wait3A_226, %dma_wait3A_227] : memref<10000x128xf32, #tpu.memory_space<vmem_shared>> -> memref<10000x128xf32, #tpu.memory_space<vmem_shared>>
      tpu.wait_indirect_dma semaphore(%arg21 : memref<!tpu.dma_semaphore, #tpu.memory_space<semaphore_mem>>) src(%arg10 : memref<40x128xf32, #tpu.memory_space<vmem>>) dst(%dma_wait3A_228 : memref<10000x128xf32, #tpu.memory_space<vmem_shared>>)
      %lt3A_229 = arith.constant 49 : i32
      %lt3A_230 = arith.cmpi slt, %scan3A_96, %lt3A_229 : i32
      %convert_element_type3A_231 = arith.extui %lt3A_230 : i1 to i32
      %cond3A_232 = arith.constant 0 : i32
      %cond3A_233 = arith.cmpi ne, %convert_element_type3A_231, %cond3A_232 : i32
      scf.if %cond3A_233 {
        %add3A_249 = arith.constant 5 : i32
        %add3A_250 = arith.addi %add3A_222, %add3A_249 : i32
        %dma_start3A_251 = arith.constant 0 : i32
        %dma_start3A_252 = tpu.memref_slice %arg5[%add3A_250, %dma_start3A_251] : memref<250x40xi32, #tpu.memory_space<vmem>> -> memref<1x40xi32, #tpu.memory_space<vmem>>
        %dma_start3A_253 = tpu.memref_squeeze %dma_start3A_252 : memref<1x40xi32, #tpu.memory_space<vmem>> -> memref<40xi32, #tpu.memory_space<vmem>>
        %dma_start3A_254 = arith.constant 0 : i32
        %dma_start3A_255 = arith.constant 0 : i32
        %dma_start3A_256 = tpu.memref_slice %arg2[%dma_start3A_254, %dma_start3A_255] : memref<10000x128xf32, #tpu.memory_space<hbm>> -> memref<10000x128xf32, #tpu.memory_space<hbm>>
        tpu.enqueue_indirect_dma source(%dma_start3A_256 : memref<10000x128xf32, #tpu.memory_space<hbm>>) target(%arg10 : memref<40x128xf32, #tpu.memory_space<vmem>>) offsets(%dma_start3A_253 : memref<40xi32, #tpu.memory_space<vmem>>) semaphore(%arg16 : memref<!tpu.dma_semaphore, #tpu.memory_space<semaphore_mem>>)
      } else {
      }
      %mul3A_234 = arith.constant 5 : i32
      %mul3A_235 = arith.muli %scan3A_96, %mul3A_234 : i32
      %add3A_236 = arith.constant 4 : i32
      %add3A_237 = arith.addi %mul3A_235, %add3A_236 : i32
      %dma_wait3A_238 = arith.constant 0 : i32
      %dma_wait3A_239 = tpu.memref_slice %arg6[%add3A_237, %dma_wait3A_238] : memref<250x40xi32, #tpu.memory_space<vmem>> -> memref<1x40xi32, #tpu.memory_space<vmem>>
      %dma_wait3A_240 = tpu.memref_squeeze %dma_wait3A_239 : memref<1x40xi32, #tpu.memory_space<vmem>> -> memref<40xi32, #tpu.memory_space<vmem>>
      %dma_wait3A_241 = arith.constant 0 : i32
      %dma_wait3A_242 = arith.constant 0 : i32
      %dma_wait3A_243 = tpu.memref_slice %arg12[%dma_wait3A_241, %dma_wait3A_242] : memref<10000x128xf32, #tpu.memory_space<vmem_shared>> -> memref<10000x128xf32, #tpu.memory_space<vmem_shared>>
      tpu.wait_indirect_dma semaphore(%arg22 : memref<!tpu.dma_semaphore, #tpu.memory_space<semaphore_mem>>) src(%arg11 : memref<40x128xf32, #tpu.memory_space<vmem>>) dst(%dma_wait3A_243 : memref<10000x128xf32, #tpu.memory_space<vmem_shared>>)
      %lt3A_244 = arith.constant 49 : i32
      %lt3A_245 = arith.cmpi slt, %scan3A_96, %lt3A_244 : i32
      %convert_element_type3A_246 = arith.extui %lt3A_245 : i1 to i32
      %cond3A_247 = arith.constant 0 : i32
      %cond3A_248 = arith.cmpi ne, %convert_element_type3A_246, %cond3A_247 : i32
      scf.if %cond3A_248 {
        %add3A_249 = arith.constant 5 : i32
        %add3A_250 = arith.addi %add3A_237, %add3A_249 : i32
        %dma_start3A_251 = arith.constant 0 : i32
        %dma_start3A_252 = tpu.memref_slice %arg5[%add3A_250, %dma_start3A_251] : memref<250x40xi32, #tpu.memory_space<vmem>> -> memref<1x40xi32, #tpu.memory_space<vmem>>
        %dma_start3A_253 = tpu.memref_squeeze %dma_start3A_252 : memref<1x40xi32, #tpu.memory_space<vmem>> -> memref<40xi32, #tpu.memory_space<vmem>>
        %dma_start3A_254 = arith.constant 0 : i32
        %dma_start3A_255 = arith.constant 0 : i32
        %dma_start3A_256 = tpu.memref_slice %arg2[%dma_start3A_254, %dma_start3A_255] : memref<10000x128xf32, #tpu.memory_space<hbm>> -> memref<10000x128xf32, #tpu.memory_space<hbm>>
        tpu.enqueue_indirect_dma source(%dma_start3A_256 : memref<10000x128xf32, #tpu.memory_space<hbm>>) target(%arg11 : memref<40x128xf32, #tpu.memory_space<vmem>>) offsets(%dma_start3A_253 : memref<40xi32, #tpu.memory_space<vmem>>) semaphore(%arg17 : memref<!tpu.dma_semaphore, #tpu.memory_space<semaphore_mem>>)
      } else {
      }
    }
    %scan3A_90 = arith.constant 50 : i32
    %barrier3A_91 = arith.constant 0 : index
    tpu.barrier barrier_id(%barrier3A_91)
    %mul3A_92 = arith.constant 625 : i32
    %mul3A_93 = arith.muli %arg1, %mul3A_92 : i32
    %mul3A_94 = arith.constant 625 : i32
    %mul3A_95 = arith.muli %arg1, %mul3A_94 : i32
    "tpu.region"() ({
      %run_scoped3A = tpu.sem_alloc : memref<!tpu.dma_semaphore, #tpu.memory_space<semaphore_mem>>
      %dma_start3A_96 = arith.constant 0 : i32
      %dma_start3A_97 = tpu.memref_slice %arg4[%arg0, %mul3A_95, %dma_start3A_96] : memref<2x10000x128xf32, #tpu.memory_space<hbm>> -> memref<1x625x128xf32, #tpu.memory_space<hbm>>
      %dma_start3A_98 = tpu.memref_squeeze %dma_start3A_97 : memref<1x625x128xf32, #tpu.memory_space<hbm>> -> memref<625x128xf32, #tpu.memory_space<hbm>>
      %dma_start3A_99 = arith.constant 0 : i32
      %dma_start3A_100 = tpu.memref_slice %arg12[%mul3A_93, %dma_start3A_99] : memref<10000x128xf32, #tpu.memory_space<vmem_shared>> -> memref<625x128xf32, #tpu.memory_space<vmem_shared>>
      tpu.enqueue_dma source(%dma_start3A_100 : memref<625x128xf32, #tpu.memory_space<vmem_shared>>) target(%dma_start3A_98 : memref<625x128xf32, #tpu.memory_space<hbm>>) target_semaphore(%run_scoped3A : memref<!tpu.dma_semaphore, #tpu.memory_space<semaphore_mem>>)
      %dma_wait3A_101 = arith.constant 0 : i32
      %dma_wait3A_102 = tpu.memref_slice %arg4[%arg0, %mul3A_95, %dma_wait3A_101] : memref<2x10000x128xf32, #tpu.memory_space<hbm>> -> memref<1x625x128xf32, #tpu.memory_space<hbm>>
      %dma_wait3A_103 = tpu.memref_squeeze %dma_wait3A_102 : memref<1x625x128xf32, #tpu.memory_space<hbm>> -> memref<625x128xf32, #tpu.memory_space<hbm>>
      %dma_wait3A_104 = arith.constant 0 : i32
      %dma_wait3A_105 = tpu.memref_slice %arg12[%mul3A_93, %dma_wait3A_104] : memref<10000x128xf32, #tpu.memory_space<vmem_shared>> -> memref<625x128xf32, #tpu.memory_space<vmem_shared>>
      tpu.wait_dma2 semaphore(%run_scoped3A : memref<!tpu.dma_semaphore, #tpu.memory_space<semaphore_mem>>) src(%dma_wait3A_105 : memref<625x128xf32, #tpu.memory_space<vmem_shared>>) dst(%dma_wait3A_103 : memref<625x128xf32, #tpu.memory_space<hbm>>)
      tpu.yield
    }) : () -> ()
    return
  }
}

#map = affine_map<(d0, d1) -> (0, 0)>
#map1 = affine_map<(d0, d1) -> (0, 0, 0, 0)>
#map2 = affine_map<(d0, d1) -> (0, 0, 0)>
module attributes {stable_mosaic.version = 14 : i64} {
  func.func @_mp_body(%arg0: i32, %arg1: i32, %arg2: memref<10000x128xf32, #tpu.memory_space<hbm>>, %arg3: memref<2x32x250x40xi32, #tpu.memory_space<hbm>>, %arg4: memref<2x10000x128xf32, #tpu.memory_space<hbm>>, %arg5: memref<250x40xi32, #tpu.memory_space<vmem>>, %arg6: memref<250x40xi32, #tpu.memory_space<vmem>>, %arg7: memref<40x128xf32, #tpu.memory_space<vmem>>, %arg8: memref<40x128xf32, #tpu.memory_space<vmem>>, %arg9: memref<40x128xf32, #tpu.memory_space<vmem>>, %arg10: memref<40x128xf32, #tpu.memory_space<vmem>>, %arg11: memref<40x128xf32, #tpu.memory_space<vmem>>, %arg12: memref<10000x128xf32, #tpu.memory_space<vmem_shared>>, %arg13: memref<!tpu.dma_semaphore, #tpu.memory_space<semaphore_mem>>, %arg14: memref<!tpu.dma_semaphore, #tpu.memory_space<semaphore_mem>>, %arg15: memref<!tpu.dma_semaphore, #tpu.memory_space<semaphore_mem>>, %arg16: memref<!tpu.dma_semaphore, #tpu.memory_space<semaphore_mem>>, %arg17: memref<!tpu.dma_semaphore, #tpu.memory_space<semaphore_mem>>, %arg18: memref<!tpu.dma_semaphore, #tpu.memory_space<semaphore_mem>>, %arg19: memref<!tpu.dma_semaphore, #tpu.memory_space<semaphore_mem>>, %arg20: memref<!tpu.dma_semaphore, #tpu.memory_space<semaphore_mem>>, %arg21: memref<!tpu.dma_semaphore, #tpu.memory_space<semaphore_mem>>, %arg22: memref<!tpu.dma_semaphore, #tpu.memory_space<semaphore_mem>>) attributes {dimension_semantics = [#tpu.dimension_semantics<core_parallel>, #tpu.dimension_semantics<subcore_parallel>], iteration_bounds = array<i64: 2, 16>, scalar_prefetch = 0 : i64, scratch_operands = 18 : i64, tpu.core_type = #tpu.core_type<sc_vector_subcore>, window_params = [{transform_indices = #map}, {transform_indices = #map1}, {transform_indices = #map2}]} {
    %mul3A = arith.constant 16 : i32
    %mul3A_0 = arith.muli %arg0, %mul3A : i32
    %add3A = arith.addi %mul3A_0, %arg1 : i32
    %dma_start3A = arith.constant 0 : i32
    %dma_start3A_1 = arith.constant 0 : i32
    %dma_start3A_2 = arith.constant 0 : i32
    %dma_start3A_3 = tpu.memref_slice %arg3[%dma_start3A, %add3A, %dma_start3A_1, %dma_start3A_2] : memref<2x32x250x40xi32, #tpu.memory_space<hbm>> -> memref<1x1x250x40xi32, #tpu.memory_space<hbm>>
    %dma_start3A_4 = tpu.memref_squeeze %dma_start3A_3 : memref<1x1x250x40xi32, #tpu.memory_space<hbm>> -> memref<250x40xi32, #tpu.memory_space<hbm>>
    %dma_start3A_5 = arith.constant 0 : i32
    %dma_start3A_6 = arith.constant 0 : i32
    %dma_start3A_7 = tpu.memref_slice %arg3[%dma_start3A, %add3A, %dma_start3A_5, %dma_start3A_6] : memref<2x32x250x40xi32, #tpu.memory_space<hbm>> -> memref<1x1x250x40xi32, #tpu.memory_space<hbm>>
    %dma_start3A_8 = tpu.memref_squeeze %dma_start3A_7 : memref<1x1x250x40xi32, #tpu.memory_space<hbm>> -> memref<250x40xi32, #tpu.memory_space<hbm>>
    tpu.enqueue_dma source(%dma_start3A_8 : memref<250x40xi32, #tpu.memory_space<hbm>>) target(%arg5 : memref<250x40xi32, #tpu.memory_space<vmem>>) target_semaphore(%arg13 : memref<!tpu.dma_semaphore, #tpu.memory_space<semaphore_mem>>)
    %dma_start3A_9 = arith.constant 1 : i32
    %dma_start3A_10 = arith.constant 0 : i32
    %dma_start3A_11 = arith.constant 0 : i32
    %dma_start3A_12 = tpu.memref_slice %arg3[%dma_start3A_9, %add3A, %dma_start3A_10, %dma_start3A_11] : memref<2x32x250x40xi32, #tpu.memory_space<hbm>> -> memref<1x1x250x40xi32, #tpu.memory_space<hbm>>
    %dma_start3A_13 = tpu.memref_squeeze %dma_start3A_12 : memref<1x1x250x40xi32, #tpu.memory_space<hbm>> -> memref<250x40xi32, #tpu.memory_space<hbm>>
    %dma_start3A_14 = arith.constant 0 : i32
    %dma_start3A_15 = arith.constant 0 : i32
    %dma_start3A_16 = tpu.memref_slice %arg3[%dma_start3A_9, %add3A, %dma_start3A_14, %dma_start3A_15] : memref<2x32x250x40xi32, #tpu.memory_space<hbm>> -> memref<1x1x250x40xi32, #tpu.memory_space<hbm>>
    %dma_start3A_17 = tpu.memref_squeeze %dma_start3A_16 : memref<1x1x250x40xi32, #tpu.memory_space<hbm>> -> memref<250x40xi32, #tpu.memory_space<hbm>>
    tpu.enqueue_dma source(%dma_start3A_17 : memref<250x40xi32, #tpu.memory_space<hbm>>) target(%arg6 : memref<250x40xi32, #tpu.memory_space<vmem>>) target_semaphore(%arg14 : memref<!tpu.dma_semaphore, #tpu.memory_space<semaphore_mem>>)
    %mul3A_18 = arith.constant 625 : i32
    %mul3A_19 = arith.muli %arg1, %mul3A_18 : i32
    %mul3A_20 = arith.constant 625 : i32
    %mul3A_21 = arith.muli %arg1, %mul3A_20 : i32
    %dma_start3A_22 = arith.constant 0 : i32
    %dma_start3A_23 = tpu.memref_slice %arg12[%mul3A_21, %dma_start3A_22] : memref<10000x128xf32, #tpu.memory_space<vmem_shared>> -> memref<625x128xf32, #tpu.memory_space<vmem_shared>>
    %dma_start3A_24 = arith.constant 0 : i32
    %dma_start3A_25 = tpu.memref_slice %arg2[%mul3A_19, %dma_start3A_24] : memref<10000x128xf32, #tpu.memory_space<hbm>> -> memref<625x128xf32, #tpu.memory_space<hbm>>
    tpu.enqueue_dma source(%dma_start3A_25 : memref<625x128xf32, #tpu.memory_space<hbm>>) target(%dma_start3A_23 : memref<625x128xf32, #tpu.memory_space<vmem_shared>>) target_semaphore(%arg15 : memref<!tpu.dma_semaphore, #tpu.memory_space<semaphore_mem>>)
    %dma_wait3A = arith.constant 0 : i32
    %dma_wait3A_26 = arith.constant 0 : i32
    %dma_wait3A_27 = arith.constant 0 : i32
    %dma_wait3A_28 = tpu.memref_slice %arg3[%dma_wait3A, %add3A, %dma_wait3A_26, %dma_wait3A_27] : memref<2x32x250x40xi32, #tpu.memory_space<hbm>> -> memref<1x1x250x40xi32, #tpu.memory_space<hbm>>
    %dma_wait3A_29 = tpu.memref_squeeze %dma_wait3A_28 : memref<1x1x250x40xi32, #tpu.memory_space<hbm>> -> memref<250x40xi32, #tpu.memory_space<hbm>>
    %dma_wait3A_30 = arith.constant 0 : i32
    %dma_wait3A_31 = arith.constant 0 : i32
    %dma_wait3A_32 = tpu.memref_slice %arg3[%dma_wait3A, %add3A, %dma_wait3A_30, %dma_wait3A_31] : memref<2x32x250x40xi32, #tpu.memory_space<hbm>> -> memref<1x1x250x40xi32, #tpu.memory_space<hbm>>
    %dma_wait3A_33 = tpu.memref_squeeze %dma_wait3A_32 : memref<1x1x250x40xi32, #tpu.memory_space<hbm>> -> memref<250x40xi32, #tpu.memory_space<hbm>>
    tpu.wait_dma2 semaphore(%arg13 : memref<!tpu.dma_semaphore, #tpu.memory_space<semaphore_mem>>) src(%dma_wait3A_33 : memref<250x40xi32, #tpu.memory_space<hbm>>) dst(%arg5 : memref<250x40xi32, #tpu.memory_space<vmem>>)
    %dma_wait3A_34 = arith.constant 1 : i32
    %dma_wait3A_35 = arith.constant 0 : i32
    %dma_wait3A_36 = arith.constant 0 : i32
    %dma_wait3A_37 = tpu.memref_slice %arg3[%dma_wait3A_34, %add3A, %dma_wait3A_35, %dma_wait3A_36] : memref<2x32x250x40xi32, #tpu.memory_space<hbm>> -> memref<1x1x250x40xi32, #tpu.memory_space<hbm>>
    %dma_wait3A_38 = tpu.memref_squeeze %dma_wait3A_37 : memref<1x1x250x40xi32, #tpu.memory_space<hbm>> -> memref<250x40xi32, #tpu.memory_space<hbm>>
    %dma_wait3A_39 = arith.constant 0 : i32
    %dma_wait3A_40 = arith.constant 0 : i32
    %dma_wait3A_41 = tpu.memref_slice %arg3[%dma_wait3A_34, %add3A, %dma_wait3A_39, %dma_wait3A_40] : memref<2x32x250x40xi32, #tpu.memory_space<hbm>> -> memref<1x1x250x40xi32, #tpu.memory_space<hbm>>
    %dma_wait3A_42 = tpu.memref_squeeze %dma_wait3A_41 : memref<1x1x250x40xi32, #tpu.memory_space<hbm>> -> memref<250x40xi32, #tpu.memory_space<hbm>>
    tpu.wait_dma2 semaphore(%arg14 : memref<!tpu.dma_semaphore, #tpu.memory_space<semaphore_mem>>) src(%dma_wait3A_42 : memref<250x40xi32, #tpu.memory_space<hbm>>) dst(%arg6 : memref<250x40xi32, #tpu.memory_space<vmem>>)
    %mul3A_43 = arith.constant 625 : i32
    %mul3A_44 = arith.muli %arg1, %mul3A_43 : i32
    %mul3A_45 = arith.constant 625 : i32
    %mul3A_46 = arith.muli %arg1, %mul3A_45 : i32
    %dma_wait3A_47 = arith.constant 0 : i32
    %dma_wait3A_48 = tpu.memref_slice %arg12[%mul3A_46, %dma_wait3A_47] : memref<10000x128xf32, #tpu.memory_space<vmem_shared>> -> memref<625x128xf32, #tpu.memory_space<vmem_shared>>
    %dma_wait3A_49 = arith.constant 0 : i32
    %dma_wait3A_50 = tpu.memref_slice %arg2[%mul3A_44, %dma_wait3A_49] : memref<10000x128xf32, #tpu.memory_space<hbm>> -> memref<625x128xf32, #tpu.memory_space<hbm>>
    tpu.wait_dma2 semaphore(%arg15 : memref<!tpu.dma_semaphore, #tpu.memory_space<semaphore_mem>>) src(%dma_wait3A_50 : memref<625x128xf32, #tpu.memory_space<hbm>>) dst(%dma_wait3A_48 : memref<625x128xf32, #tpu.memory_space<vmem_shared>>)
    %barrier3A = arith.constant 0 : index
    tpu.barrier barrier_id(%barrier3A)
    %dma_start3A_51 = arith.constant 0 : i32
    %dma_start3A_52 = arith.constant 0 : i32
    %dma_start3A_53 = tpu.memref_slice %arg5[%dma_start3A_51, %dma_start3A_52] : memref<250x40xi32, #tpu.memory_space<vmem>> -> memref<1x40xi32, #tpu.memory_space<vmem>>
    %dma_start3A_54 = tpu.memref_squeeze %dma_start3A_53 : memref<1x40xi32, #tpu.memory_space<vmem>> -> memref<40xi32, #tpu.memory_space<vmem>>
    %dma_start3A_55 = arith.constant 0 : i32
    %dma_start3A_56 = arith.constant 0 : i32
    %dma_start3A_57 = tpu.memref_slice %arg2[%dma_start3A_55, %dma_start3A_56] : memref<10000x128xf32, #tpu.memory_space<hbm>> -> memref<10000x128xf32, #tpu.memory_space<hbm>>
    tpu.enqueue_indirect_dma source(%dma_start3A_57 : memref<10000x128xf32, #tpu.memory_space<hbm>>) target(%arg7 : memref<40x128xf32, #tpu.memory_space<vmem>>) offsets(%dma_start3A_54 : memref<40xi32, #tpu.memory_space<vmem>>) semaphore(%arg13 : memref<!tpu.dma_semaphore, #tpu.memory_space<semaphore_mem>>)
    %dma_start3A_58 = arith.constant 1 : i32
    %dma_start3A_59 = arith.constant 0 : i32
    %dma_start3A_60 = tpu.memref_slice %arg5[%dma_start3A_58, %dma_start3A_59] : memref<250x40xi32, #tpu.memory_space<vmem>> -> memref<1x40xi32, #tpu.memory_space<vmem>>
    %dma_start3A_61 = tpu.memref_squeeze %dma_start3A_60 : memref<1x40xi32, #tpu.memory_space<vmem>> -> memref<40xi32, #tpu.memory_space<vmem>>
    %dma_start3A_62 = arith.constant 0 : i32
    %dma_start3A_63 = arith.constant 0 : i32
    %dma_start3A_64 = tpu.memref_slice %arg2[%dma_start3A_62, %dma_start3A_63] : memref<10000x128xf32, #tpu.memory_space<hbm>> -> memref<10000x128xf32, #tpu.memory_space<hbm>>
    tpu.enqueue_indirect_dma source(%dma_start3A_64 : memref<10000x128xf32, #tpu.memory_space<hbm>>) target(%arg8 : memref<40x128xf32, #tpu.memory_space<vmem>>) offsets(%dma_start3A_61 : memref<40xi32, #tpu.memory_space<vmem>>) semaphore(%arg14 : memref<!tpu.dma_semaphore, #tpu.memory_space<semaphore_mem>>)
    %dma_start3A_65 = arith.constant 2 : i32
    %dma_start3A_66 = arith.constant 0 : i32
    %dma_start3A_67 = tpu.memref_slice %arg5[%dma_start3A_65, %dma_start3A_66] : memref<250x40xi32, #tpu.memory_space<vmem>> -> memref<1x40xi32, #tpu.memory_space<vmem>>
    %dma_start3A_68 = tpu.memref_squeeze %dma_start3A_67 : memref<1x40xi32, #tpu.memory_space<vmem>> -> memref<40xi32, #tpu.memory_space<vmem>>
    %dma_start3A_69 = arith.constant 0 : i32
    %dma_start3A_70 = arith.constant 0 : i32
    %dma_start3A_71 = tpu.memref_slice %arg2[%dma_start3A_69, %dma_start3A_70] : memref<10000x128xf32, #tpu.memory_space<hbm>> -> memref<10000x128xf32, #tpu.memory_space<hbm>>
    tpu.enqueue_indirect_dma source(%dma_start3A_71 : memref<10000x128xf32, #tpu.memory_space<hbm>>) target(%arg9 : memref<40x128xf32, #tpu.memory_space<vmem>>) offsets(%dma_start3A_68 : memref<40xi32, #tpu.memory_space<vmem>>) semaphore(%arg15 : memref<!tpu.dma_semaphore, #tpu.memory_space<semaphore_mem>>)
    %dma_start3A_72 = arith.constant 3 : i32
    %dma_start3A_73 = arith.constant 0 : i32
    %dma_start3A_74 = tpu.memref_slice %arg5[%dma_start3A_72, %dma_start3A_73] : memref<250x40xi32, #tpu.memory_space<vmem>> -> memref<1x40xi32, #tpu.memory_space<vmem>>
    %dma_start3A_75 = tpu.memref_squeeze %dma_start3A_74 : memref<1x40xi32, #tpu.memory_space<vmem>> -> memref<40xi32, #tpu.memory_space<vmem>>
    %dma_start3A_76 = arith.constant 0 : i32
    %dma_start3A_77 = arith.constant 0 : i32
    %dma_start3A_78 = tpu.memref_slice %arg2[%dma_start3A_76, %dma_start3A_77] : memref<10000x128xf32, #tpu.memory_space<hbm>> -> memref<10000x128xf32, #tpu.memory_space<hbm>>
    tpu.enqueue_indirect_dma source(%dma_start3A_78 : memref<10000x128xf32, #tpu.memory_space<hbm>>) target(%arg10 : memref<40x128xf32, #tpu.memory_space<vmem>>) offsets(%dma_start3A_75 : memref<40xi32, #tpu.memory_space<vmem>>) semaphore(%arg16 : memref<!tpu.dma_semaphore, #tpu.memory_space<semaphore_mem>>)
    %dma_start3A_79 = arith.constant 4 : i32
    %dma_start3A_80 = arith.constant 0 : i32
    %dma_start3A_81 = tpu.memref_slice %arg5[%dma_start3A_79, %dma_start3A_80] : memref<250x40xi32, #tpu.memory_space<vmem>> -> memref<1x40xi32, #tpu.memory_space<vmem>>
    %dma_start3A_82 = tpu.memref_squeeze %dma_start3A_81 : memref<1x40xi32, #tpu.memory_space<vmem>> -> memref<40xi32, #tpu.memory_space<vmem>>
    %dma_start3A_83 = arith.constant 0 : i32
    %dma_start3A_84 = arith.constant 0 : i32
    %dma_start3A_85 = tpu.memref_slice %arg2[%dma_start3A_83, %dma_start3A_84] : memref<10000x128xf32, #tpu.memory_space<hbm>> -> memref<10000x128xf32, #tpu.memory_space<hbm>>
    tpu.enqueue_indirect_dma source(%dma_start3A_85 : memref<10000x128xf32, #tpu.memory_space<hbm>>) target(%arg11 : memref<40x128xf32, #tpu.memory_space<vmem>>) offsets(%dma_start3A_82 : memref<40xi32, #tpu.memory_space<vmem>>) semaphore(%arg17 : memref<!tpu.dma_semaphore, #tpu.memory_space<semaphore_mem>>)
    %scan3A = arith.constant 0 : i32
    %scan3A_86 = arith.constant 0 : i32
    %scan3A_87 = arith.constant 50 : i32
    %scan3A_88 = arith.addi %scan3A_86, %scan3A_87 : i32
    %scan3A_89 = arith.constant 1 : i32
    scf.for %scan3A_96 = %scan3A_86 to %scan3A_88 step %scan3A_89  : i32 {
      %mul3A_97 = arith.constant 5 : i32
      %mul3A_98 = arith.muli %scan3A_96, %mul3A_97 : i32
      %add3A_99 = arith.constant 0 : i32
      %add3A_100 = arith.addi %mul3A_98, %add3A_99 : i32
      %dma_wait3A_101 = arith.constant 0 : i32
      %dma_wait3A_102 = tpu.memref_slice %arg5[%add3A_100, %dma_wait3A_101] : memref<250x40xi32, #tpu.memory_space<vmem>> -> memref<1x40xi32, #tpu.memory_space<vmem>>
      %dma_wait3A_103 = tpu.memref_squeeze %dma_wait3A_102 : memref<1x40xi32, #tpu.memory_space<vmem>> -> memref<40xi32, #tpu.memory_space<vmem>>
      %dma_wait3A_104 = arith.constant 0 : i32
      %dma_wait3A_105 = arith.constant 0 : i32
      %dma_wait3A_106 = tpu.memref_slice %arg2[%dma_wait3A_104, %dma_wait3A_105] : memref<10000x128xf32, #tpu.memory_space<hbm>> -> memref<10000x128xf32, #tpu.memory_space<hbm>>
      tpu.wait_indirect_dma semaphore(%arg13 : memref<!tpu.dma_semaphore, #tpu.memory_space<semaphore_mem>>) src(%dma_wait3A_106 : memref<10000x128xf32, #tpu.memory_space<hbm>>) dst(%arg7 : memref<40x128xf32, #tpu.memory_space<vmem>>)
      %dma_start3A_107 = arith.constant 0 : i32
      %dma_start3A_108 = tpu.memref_slice %arg6[%add3A_100, %dma_start3A_107] : memref<250x40xi32, #tpu.memory_space<vmem>> -> memref<1x40xi32, #tpu.memory_space<vmem>>
      %dma_start3A_109 = tpu.memref_squeeze %dma_start3A_108 : memref<1x40xi32, #tpu.memory_space<vmem>> -> memref<40xi32, #tpu.memory_space<vmem>>
      %dma_start3A_110 = arith.constant 0 : i32
      %dma_start3A_111 = arith.constant 0 : i32
      %dma_start3A_112 = tpu.memref_slice %arg12[%dma_start3A_110, %dma_start3A_111] : memref<10000x128xf32, #tpu.memory_space<vmem_shared>> -> memref<10000x128xf32, #tpu.memory_space<vmem_shared>>
      tpu.enqueue_indirect_dma source(%arg7 : memref<40x128xf32, #tpu.memory_space<vmem>>) target(%dma_start3A_112 : memref<10000x128xf32, #tpu.memory_space<vmem_shared>>) offsets(%dma_start3A_109 : memref<40xi32, #tpu.memory_space<vmem>>) semaphore(%arg18 : memref<!tpu.dma_semaphore, #tpu.memory_space<semaphore_mem>>) {add = true}
      %mul3A_113 = arith.constant 5 : i32
      %mul3A_114 = arith.muli %scan3A_96, %mul3A_113 : i32
      %add3A_115 = arith.constant 1 : i32
      %add3A_116 = arith.addi %mul3A_114, %add3A_115 : i32
      %dma_wait3A_117 = arith.constant 0 : i32
      %dma_wait3A_118 = tpu.memref_slice %arg5[%add3A_116, %dma_wait3A_117] : memref<250x40xi32, #tpu.memory_space<vmem>> -> memref<1x40xi32, #tpu.memory_space<vmem>>
      %dma_wait3A_119 = tpu.memref_squeeze %dma_wait3A_118 : memref<1x40xi32, #tpu.memory_space<vmem>> -> memref<40xi32, #tpu.memory_space<vmem>>
      %dma_wait3A_120 = arith.constant 0 : i32
      %dma_wait3A_121 = arith.constant 0 : i32
      %dma_wait3A_122 = tpu.memref_slice %arg2[%dma_wait3A_120, %dma_wait3A_121] : memref<10000x128xf32, #tpu.memory_space<hbm>> -> memref<10000x128xf32, #tpu.memory_space<hbm>>
      tpu.wait_indirect_dma semaphore(%arg14 : memref<!tpu.dma_semaphore, #tpu.memory_space<semaphore_mem>>) src(%dma_wait3A_122 : memref<10000x128xf32, #tpu.memory_space<hbm>>) dst(%arg8 : memref<40x128xf32, #tpu.memory_space<vmem>>)
      %dma_start3A_123 = arith.constant 0 : i32
      %dma_start3A_124 = tpu.memref_slice %arg6[%add3A_116, %dma_start3A_123] : memref<250x40xi32, #tpu.memory_space<vmem>> -> memref<1x40xi32, #tpu.memory_space<vmem>>
      %dma_start3A_125 = tpu.memref_squeeze %dma_start3A_124 : memref<1x40xi32, #tpu.memory_space<vmem>> -> memref<40xi32, #tpu.memory_space<vmem>>
      %dma_start3A_126 = arith.constant 0 : i32
      %dma_start3A_127 = arith.constant 0 : i32
      %dma_start3A_128 = tpu.memref_slice %arg12[%dma_start3A_126, %dma_start3A_127] : memref<10000x128xf32, #tpu.memory_space<vmem_shared>> -> memref<10000x128xf32, #tpu.memory_space<vmem_shared>>
      tpu.enqueue_indirect_dma source(%arg8 : memref<40x128xf32, #tpu.memory_space<vmem>>) target(%dma_start3A_128 : memref<10000x128xf32, #tpu.memory_space<vmem_shared>>) offsets(%dma_start3A_125 : memref<40xi32, #tpu.memory_space<vmem>>) semaphore(%arg19 : memref<!tpu.dma_semaphore, #tpu.memory_space<semaphore_mem>>) {add = true}
      %mul3A_129 = arith.constant 5 : i32
      %mul3A_130 = arith.muli %scan3A_96, %mul3A_129 : i32
      %add3A_131 = arith.constant 2 : i32
      %add3A_132 = arith.addi %mul3A_130, %add3A_131 : i32
      %dma_wait3A_133 = arith.constant 0 : i32
      %dma_wait3A_134 = tpu.memref_slice %arg5[%add3A_132, %dma_wait3A_133] : memref<250x40xi32, #tpu.memory_space<vmem>> -> memref<1x40xi32, #tpu.memory_space<vmem>>
      %dma_wait3A_135 = tpu.memref_squeeze %dma_wait3A_134 : memref<1x40xi32, #tpu.memory_space<vmem>> -> memref<40xi32, #tpu.memory_space<vmem>>
      %dma_wait3A_136 = arith.constant 0 : i32
      %dma_wait3A_137 = arith.constant 0 : i32
      %dma_wait3A_138 = tpu.memref_slice %arg2[%dma_wait3A_136, %dma_wait3A_137] : memref<10000x128xf32, #tpu.memory_space<hbm>> -> memref<10000x128xf32, #tpu.memory_space<hbm>>
      tpu.wait_indirect_dma semaphore(%arg15 : memref<!tpu.dma_semaphore, #tpu.memory_space<semaphore_mem>>) src(%dma_wait3A_138 : memref<10000x128xf32, #tpu.memory_space<hbm>>) dst(%arg9 : memref<40x128xf32, #tpu.memory_space<vmem>>)
      %dma_start3A_139 = arith.constant 0 : i32
      %dma_start3A_140 = tpu.memref_slice %arg6[%add3A_132, %dma_start3A_139] : memref<250x40xi32, #tpu.memory_space<vmem>> -> memref<1x40xi32, #tpu.memory_space<vmem>>
      %dma_start3A_141 = tpu.memref_squeeze %dma_start3A_140 : memref<1x40xi32, #tpu.memory_space<vmem>> -> memref<40xi32, #tpu.memory_space<vmem>>
      %dma_start3A_142 = arith.constant 0 : i32
      %dma_start3A_143 = arith.constant 0 : i32
      %dma_start3A_144 = tpu.memref_slice %arg12[%dma_start3A_142, %dma_start3A_143] : memref<10000x128xf32, #tpu.memory_space<vmem_shared>> -> memref<10000x128xf32, #tpu.memory_space<vmem_shared>>
      tpu.enqueue_indirect_dma source(%arg9 : memref<40x128xf32, #tpu.memory_space<vmem>>) target(%dma_start3A_144 : memref<10000x128xf32, #tpu.memory_space<vmem_shared>>) offsets(%dma_start3A_141 : memref<40xi32, #tpu.memory_space<vmem>>) semaphore(%arg20 : memref<!tpu.dma_semaphore, #tpu.memory_space<semaphore_mem>>) {add = true}
      %mul3A_145 = arith.constant 5 : i32
      %mul3A_146 = arith.muli %scan3A_96, %mul3A_145 : i32
      %add3A_147 = arith.constant 3 : i32
      %add3A_148 = arith.addi %mul3A_146, %add3A_147 : i32
      %dma_wait3A_149 = arith.constant 0 : i32
      %dma_wait3A_150 = tpu.memref_slice %arg5[%add3A_148, %dma_wait3A_149] : memref<250x40xi32, #tpu.memory_space<vmem>> -> memref<1x40xi32, #tpu.memory_space<vmem>>
      %dma_wait3A_151 = tpu.memref_squeeze %dma_wait3A_150 : memref<1x40xi32, #tpu.memory_space<vmem>> -> memref<40xi32, #tpu.memory_space<vmem>>
      %dma_wait3A_152 = arith.constant 0 : i32
      %dma_wait3A_153 = arith.constant 0 : i32
      %dma_wait3A_154 = tpu.memref_slice %arg2[%dma_wait3A_152, %dma_wait3A_153] : memref<10000x128xf32, #tpu.memory_space<hbm>> -> memref<10000x128xf32, #tpu.memory_space<hbm>>
      tpu.wait_indirect_dma semaphore(%arg16 : memref<!tpu.dma_semaphore, #tpu.memory_space<semaphore_mem>>) src(%dma_wait3A_154 : memref<10000x128xf32, #tpu.memory_space<hbm>>) dst(%arg10 : memref<40x128xf32, #tpu.memory_space<vmem>>)
      %dma_start3A_155 = arith.constant 0 : i32
      %dma_start3A_156 = tpu.memref_slice %arg6[%add3A_148, %dma_start3A_155] : memref<250x40xi32, #tpu.memory_space<vmem>> -> memref<1x40xi32, #tpu.memory_space<vmem>>
      %dma_start3A_157 = tpu.memref_squeeze %dma_start3A_156 : memref<1x40xi32, #tpu.memory_space<vmem>> -> memref<40xi32, #tpu.memory_space<vmem>>
      %dma_start3A_158 = arith.constant 0 : i32
      %dma_start3A_159 = arith.constant 0 : i32
      %dma_start3A_160 = tpu.memref_slice %arg12[%dma_start3A_158, %dma_start3A_159] : memref<10000x128xf32, #tpu.memory_space<vmem_shared>> -> memref<10000x128xf32, #tpu.memory_space<vmem_shared>>
      tpu.enqueue_indirect_dma source(%arg10 : memref<40x128xf32, #tpu.memory_space<vmem>>) target(%dma_start3A_160 : memref<10000x128xf32, #tpu.memory_space<vmem_shared>>) offsets(%dma_start3A_157 : memref<40xi32, #tpu.memory_space<vmem>>) semaphore(%arg21 : memref<!tpu.dma_semaphore, #tpu.memory_space<semaphore_mem>>) {add = true}
      %mul3A_161 = arith.constant 5 : i32
      %mul3A_162 = arith.muli %scan3A_96, %mul3A_161 : i32
      %add3A_163 = arith.constant 4 : i32
      %add3A_164 = arith.addi %mul3A_162, %add3A_163 : i32
      %dma_wait3A_165 = arith.constant 0 : i32
      %dma_wait3A_166 = tpu.memref_slice %arg5[%add3A_164, %dma_wait3A_165] : memref<250x40xi32, #tpu.memory_space<vmem>> -> memref<1x40xi32, #tpu.memory_space<vmem>>
      %dma_wait3A_167 = tpu.memref_squeeze %dma_wait3A_166 : memref<1x40xi32, #tpu.memory_space<vmem>> -> memref<40xi32, #tpu.memory_space<vmem>>
      %dma_wait3A_168 = arith.constant 0 : i32
      %dma_wait3A_169 = arith.constant 0 : i32
      %dma_wait3A_170 = tpu.memref_slice %arg2[%dma_wait3A_168, %dma_wait3A_169] : memref<10000x128xf32, #tpu.memory_space<hbm>> -> memref<10000x128xf32, #tpu.memory_space<hbm>>
      tpu.wait_indirect_dma semaphore(%arg17 : memref<!tpu.dma_semaphore, #tpu.memory_space<semaphore_mem>>) src(%dma_wait3A_170 : memref<10000x128xf32, #tpu.memory_space<hbm>>) dst(%arg11 : memref<40x128xf32, #tpu.memory_space<vmem>>)
      %dma_start3A_171 = arith.constant 0 : i32
      %dma_start3A_172 = tpu.memref_slice %arg6[%add3A_164, %dma_start3A_171] : memref<250x40xi32, #tpu.memory_space<vmem>> -> memref<1x40xi32, #tpu.memory_space<vmem>>
      %dma_start3A_173 = tpu.memref_squeeze %dma_start3A_172 : memref<1x40xi32, #tpu.memory_space<vmem>> -> memref<40xi32, #tpu.memory_space<vmem>>
      %dma_start3A_174 = arith.constant 0 : i32
      %dma_start3A_175 = arith.constant 0 : i32
      %dma_start3A_176 = tpu.memref_slice %arg12[%dma_start3A_174, %dma_start3A_175] : memref<10000x128xf32, #tpu.memory_space<vmem_shared>> -> memref<10000x128xf32, #tpu.memory_space<vmem_shared>>
      tpu.enqueue_indirect_dma source(%arg11 : memref<40x128xf32, #tpu.memory_space<vmem>>) target(%dma_start3A_176 : memref<10000x128xf32, #tpu.memory_space<vmem_shared>>) offsets(%dma_start3A_173 : memref<40xi32, #tpu.memory_space<vmem>>) semaphore(%arg22 : memref<!tpu.dma_semaphore, #tpu.memory_space<semaphore_mem>>) {add = true}
      %mul3A_177 = arith.constant 5 : i32
      %mul3A_178 = arith.muli %scan3A_96, %mul3A_177 : i32
      %add3A_179 = arith.constant 0 : i32
      %add3A_180 = arith.addi %mul3A_178, %add3A_179 : i32
      %dma_wait3A_181 = arith.constant 0 : i32
      %dma_wait3A_182 = tpu.memref_slice %arg6[%add3A_180, %dma_wait3A_181] : memref<250x40xi32, #tpu.memory_space<vmem>> -> memref<1x40xi32, #tpu.memory_space<vmem>>
      %dma_wait3A_183 = tpu.memref_squeeze %dma_wait3A_182 : memref<1x40xi32, #tpu.memory_space<vmem>> -> memref<40xi32, #tpu.memory_space<vmem>>
      %dma_wait3A_184 = arith.constant 0 : i32
      %dma_wait3A_185 = arith.constant 0 : i32
      %dma_wait3A_186 = tpu.memref_slice %arg12[%dma_wait3A_184, %dma_wait3A_185] : memref<10000x128xf32, #tpu.memory_space<vmem_shared>> -> memref<10000x128xf32, #tpu.memory_space<vmem_shared>>
      tpu.wait_indirect_dma semaphore(%arg18 : memref<!tpu.dma_semaphore, #tpu.memory_space<semaphore_mem>>) src(%arg7 : memref<40x128xf32, #tpu.memory_space<vmem>>) dst(%dma_wait3A_186 : memref<10000x128xf32, #tpu.memory_space<vmem_shared>>)
      %lt3A = arith.constant 49 : i32
      %lt3A_187 = arith.cmpi slt, %scan3A_96, %lt3A : i32
      %convert_element_type3A = arith.extui %lt3A_187 : i1 to i32
      %cond3A = arith.constant 0 : i32
      %cond3A_188 = arith.cmpi ne, %convert_element_type3A, %cond3A : i32
      scf.if %cond3A_188 {
        %add3A_249 = arith.constant 5 : i32
        %add3A_250 = arith.addi %add3A_180, %add3A_249 : i32
        %dma_start3A_251 = arith.constant 0 : i32
        %dma_start3A_252 = tpu.memref_slice %arg5[%add3A_250, %dma_start3A_251] : memref<250x40xi32, #tpu.memory_space<vmem>> -> memref<1x40xi32, #tpu.memory_space<vmem>>
        %dma_start3A_253 = tpu.memref_squeeze %dma_start3A_252 : memref<1x40xi32, #tpu.memory_space<vmem>> -> memref<40xi32, #tpu.memory_space<vmem>>
        %dma_start3A_254 = arith.constant 0 : i32
        %dma_start3A_255 = arith.constant 0 : i32
        %dma_start3A_256 = tpu.memref_slice %arg2[%dma_start3A_254, %dma_start3A_255] : memref<10000x128xf32, #tpu.memory_space<hbm>> -> memref<10000x128xf32, #tpu.memory_space<hbm>>
        tpu.enqueue_indirect_dma source(%dma_start3A_256 : memref<10000x128xf32, #tpu.memory_space<hbm>>) target(%arg7 : memref<40x128xf32, #tpu.memory_space<vmem>>) offsets(%dma_start3A_253 : memref<40xi32, #tpu.memory_space<vmem>>) semaphore(%arg13 : memref<!tpu.dma_semaphore, #tpu.memory_space<semaphore_mem>>)
      } else {
      }
      %mul3A_189 = arith.constant 5 : i32
      %mul3A_190 = arith.muli %scan3A_96, %mul3A_189 : i32
      %add3A_191 = arith.constant 1 : i32
      %add3A_192 = arith.addi %mul3A_190, %add3A_191 : i32
      %dma_wait3A_193 = arith.constant 0 : i32
      %dma_wait3A_194 = tpu.memref_slice %arg6[%add3A_192, %dma_wait3A_193] : memref<250x40xi32, #tpu.memory_space<vmem>> -> memref<1x40xi32, #tpu.memory_space<vmem>>
      %dma_wait3A_195 = tpu.memref_squeeze %dma_wait3A_194 : memref<1x40xi32, #tpu.memory_space<vmem>> -> memref<40xi32, #tpu.memory_space<vmem>>
      %dma_wait3A_196 = arith.constant 0 : i32
      %dma_wait3A_197 = arith.constant 0 : i32
      %dma_wait3A_198 = tpu.memref_slice %arg12[%dma_wait3A_196, %dma_wait3A_197] : memref<10000x128xf32, #tpu.memory_space<vmem_shared>> -> memref<10000x128xf32, #tpu.memory_space<vmem_shared>>
      tpu.wait_indirect_dma semaphore(%arg19 : memref<!tpu.dma_semaphore, #tpu.memory_space<semaphore_mem>>) src(%arg8 : memref<40x128xf32, #tpu.memory_space<vmem>>) dst(%dma_wait3A_198 : memref<10000x128xf32, #tpu.memory_space<vmem_shared>>)
      %lt3A_199 = arith.constant 49 : i32
      %lt3A_200 = arith.cmpi slt, %scan3A_96, %lt3A_199 : i32
      %convert_element_type3A_201 = arith.extui %lt3A_200 : i1 to i32
      %cond3A_202 = arith.constant 0 : i32
      %cond3A_203 = arith.cmpi ne, %convert_element_type3A_201, %cond3A_202 : i32
      scf.if %cond3A_203 {
        %add3A_249 = arith.constant 5 : i32
        %add3A_250 = arith.addi %add3A_192, %add3A_249 : i32
        %dma_start3A_251 = arith.constant 0 : i32
        %dma_start3A_252 = tpu.memref_slice %arg5[%add3A_250, %dma_start3A_251] : memref<250x40xi32, #tpu.memory_space<vmem>> -> memref<1x40xi32, #tpu.memory_space<vmem>>
        %dma_start3A_253 = tpu.memref_squeeze %dma_start3A_252 : memref<1x40xi32, #tpu.memory_space<vmem>> -> memref<40xi32, #tpu.memory_space<vmem>>
        %dma_start3A_254 = arith.constant 0 : i32
        %dma_start3A_255 = arith.constant 0 : i32
        %dma_start3A_256 = tpu.memref_slice %arg2[%dma_start3A_254, %dma_start3A_255] : memref<10000x128xf32, #tpu.memory_space<hbm>> -> memref<10000x128xf32, #tpu.memory_space<hbm>>
        tpu.enqueue_indirect_dma source(%dma_start3A_256 : memref<10000x128xf32, #tpu.memory_space<hbm>>) target(%arg8 : memref<40x128xf32, #tpu.memory_space<vmem>>) offsets(%dma_start3A_253 : memref<40xi32, #tpu.memory_space<vmem>>) semaphore(%arg14 : memref<!tpu.dma_semaphore, #tpu.memory_space<semaphore_mem>>)
      } else {
      }
      %mul3A_204 = arith.constant 5 : i32
      %mul3A_205 = arith.muli %scan3A_96, %mul3A_204 : i32
      %add3A_206 = arith.constant 2 : i32
      %add3A_207 = arith.addi %mul3A_205, %add3A_206 : i32
      %dma_wait3A_208 = arith.constant 0 : i32
      %dma_wait3A_209 = tpu.memref_slice %arg6[%add3A_207, %dma_wait3A_208] : memref<250x40xi32, #tpu.memory_space<vmem>> -> memref<1x40xi32, #tpu.memory_space<vmem>>
      %dma_wait3A_210 = tpu.memref_squeeze %dma_wait3A_209 : memref<1x40xi32, #tpu.memory_space<vmem>> -> memref<40xi32, #tpu.memory_space<vmem>>
      %dma_wait3A_211 = arith.constant 0 : i32
      %dma_wait3A_212 = arith.constant 0 : i32
      %dma_wait3A_213 = tpu.memref_slice %arg12[%dma_wait3A_211, %dma_wait3A_212] : memref<10000x128xf32, #tpu.memory_space<vmem_shared>> -> memref<10000x128xf32, #tpu.memory_space<vmem_shared>>
      tpu.wait_indirect_dma semaphore(%arg20 : memref<!tpu.dma_semaphore, #tpu.memory_space<semaphore_mem>>) src(%arg9 : memref<40x128xf32, #tpu.memory_space<vmem>>) dst(%dma_wait3A_213 : memref<10000x128xf32, #tpu.memory_space<vmem_shared>>)
      %lt3A_214 = arith.constant 49 : i32
      %lt3A_215 = arith.cmpi slt, %scan3A_96, %lt3A_214 : i32
      %convert_element_type3A_216 = arith.extui %lt3A_215 : i1 to i32
      %cond3A_217 = arith.constant 0 : i32
      %cond3A_218 = arith.cmpi ne, %convert_element_type3A_216, %cond3A_217 : i32
      scf.if %cond3A_218 {
        %add3A_249 = arith.constant 5 : i32
        %add3A_250 = arith.addi %add3A_207, %add3A_249 : i32
        %dma_start3A_251 = arith.constant 0 : i32
        %dma_start3A_252 = tpu.memref_slice %arg5[%add3A_250, %dma_start3A_251] : memref<250x40xi32, #tpu.memory_space<vmem>> -> memref<1x40xi32, #tpu.memory_space<vmem>>
        %dma_start3A_253 = tpu.memref_squeeze %dma_start3A_252 : memref<1x40xi32, #tpu.memory_space<vmem>> -> memref<40xi32, #tpu.memory_space<vmem>>
        %dma_start3A_254 = arith.constant 0 : i32
        %dma_start3A_255 = arith.constant 0 : i32
        %dma_start3A_256 = tpu.memref_slice %arg2[%dma_start3A_254, %dma_start3A_255] : memref<10000x128xf32, #tpu.memory_space<hbm>> -> memref<10000x128xf32, #tpu.memory_space<hbm>>
        tpu.enqueue_indirect_dma source(%dma_start3A_256 : memref<10000x128xf32, #tpu.memory_space<hbm>>) target(%arg9 : memref<40x128xf32, #tpu.memory_space<vmem>>) offsets(%dma_start3A_253 : memref<40xi32, #tpu.memory_space<vmem>>) semaphore(%arg15 : memref<!tpu.dma_semaphore, #tpu.memory_space<semaphore_mem>>)
      } else {
      }
      %mul3A_219 = arith.constant 5 : i32
      %mul3A_220 = arith.muli %scan3A_96, %mul3A_219 : i32
      %add3A_221 = arith.constant 3 : i32
      %add3A_222 = arith.addi %mul3A_220, %add3A_221 : i32
      %dma_wait3A_223 = arith.constant 0 : i32
      %dma_wait3A_224 = tpu.memref_slice %arg6[%add3A_222, %dma_wait3A_223] : memref<250x40xi32, #tpu.memory_space<vmem>> -> memref<1x40xi32, #tpu.memory_space<vmem>>
      %dma_wait3A_225 = tpu.memref_squeeze %dma_wait3A_224 : memref<1x40xi32, #tpu.memory_space<vmem>> -> memref<40xi32, #tpu.memory_space<vmem>>
      %dma_wait3A_226 = arith.constant 0 : i32
      %dma_wait3A_227 = arith.constant 0 : i32
      %dma_wait3A_228 = tpu.memref_slice %arg12[%dma_wait3A_226, %dma_wait3A_227] : memref<10000x128xf32, #tpu.memory_space<vmem_shared>> -> memref<10000x128xf32, #tpu.memory_space<vmem_shared>>
      tpu.wait_indirect_dma semaphore(%arg21 : memref<!tpu.dma_semaphore, #tpu.memory_space<semaphore_mem>>) src(%arg10 : memref<40x128xf32, #tpu.memory_space<vmem>>) dst(%dma_wait3A_228 : memref<10000x128xf32, #tpu.memory_space<vmem_shared>>)
      %lt3A_229 = arith.constant 49 : i32
      %lt3A_230 = arith.cmpi slt, %scan3A_96, %lt3A_229 : i32
      %convert_element_type3A_231 = arith.extui %lt3A_230 : i1 to i32
      %cond3A_232 = arith.constant 0 : i32
      %cond3A_233 = arith.cmpi ne, %convert_element_type3A_231, %cond3A_232 : i32
      scf.if %cond3A_233 {
        %add3A_249 = arith.constant 5 : i32
        %add3A_250 = arith.addi %add3A_222, %add3A_249 : i32
        %dma_start3A_251 = arith.constant 0 : i32
        %dma_start3A_252 = tpu.memref_slice %arg5[%add3A_250, %dma_start3A_251] : memref<250x40xi32, #tpu.memory_space<vmem>> -> memref<1x40xi32, #tpu.memory_space<vmem>>
        %dma_start3A_253 = tpu.memref_squeeze %dma_start3A_252 : memref<1x40xi32, #tpu.memory_space<vmem>> -> memref<40xi32, #tpu.memory_space<vmem>>
        %dma_start3A_254 = arith.constant 0 : i32
        %dma_start3A_255 = arith.constant 0 : i32
        %dma_start3A_256 = tpu.memref_slice %arg2[%dma_start3A_254, %dma_start3A_255] : memref<10000x128xf32, #tpu.memory_space<hbm>> -> memref<10000x128xf32, #tpu.memory_space<hbm>>
        tpu.enqueue_indirect_dma source(%dma_start3A_256 : memref<10000x128xf32, #tpu.memory_space<hbm>>) target(%arg10 : memref<40x128xf32, #tpu.memory_space<vmem>>) offsets(%dma_start3A_253 : memref<40xi32, #tpu.memory_space<vmem>>) semaphore(%arg16 : memref<!tpu.dma_semaphore, #tpu.memory_space<semaphore_mem>>)
      } else {
      }
      %mul3A_234 = arith.constant 5 : i32
      %mul3A_235 = arith.muli %scan3A_96, %mul3A_234 : i32
      %add3A_236 = arith.constant 4 : i32
      %add3A_237 = arith.addi %mul3A_235, %add3A_236 : i32
      %dma_wait3A_238 = arith.constant 0 : i32
      %dma_wait3A_239 = tpu.memref_slice %arg6[%add3A_237, %dma_wait3A_238] : memref<250x40xi32, #tpu.memory_space<vmem>> -> memref<1x40xi32, #tpu.memory_space<vmem>>
      %dma_wait3A_240 = tpu.memref_squeeze %dma_wait3A_239 : memref<1x40xi32, #tpu.memory_space<vmem>> -> memref<40xi32, #tpu.memory_space<vmem>>
      %dma_wait3A_241 = arith.constant 0 : i32
      %dma_wait3A_242 = arith.constant 0 : i32
      %dma_wait3A_243 = tpu.memref_slice %arg12[%dma_wait3A_241, %dma_wait3A_242] : memref<10000x128xf32, #tpu.memory_space<vmem_shared>> -> memref<10000x128xf32, #tpu.memory_space<vmem_shared>>
      tpu.wait_indirect_dma semaphore(%arg22 : memref<!tpu.dma_semaphore, #tpu.memory_space<semaphore_mem>>) src(%arg11 : memref<40x128xf32, #tpu.memory_space<vmem>>) dst(%dma_wait3A_243 : memref<10000x128xf32, #tpu.memory_space<vmem_shared>>)
      %lt3A_244 = arith.constant 49 : i32
      %lt3A_245 = arith.cmpi slt, %scan3A_96, %lt3A_244 : i32
      %convert_element_type3A_246 = arith.extui %lt3A_245 : i1 to i32
      %cond3A_247 = arith.constant 0 : i32
      %cond3A_248 = arith.cmpi ne, %convert_element_type3A_246, %cond3A_247 : i32
      scf.if %cond3A_248 {
        %add3A_249 = arith.constant 5 : i32
        %add3A_250 = arith.addi %add3A_237, %add3A_249 : i32
        %dma_start3A_251 = arith.constant 0 : i32
        %dma_start3A_252 = tpu.memref_slice %arg5[%add3A_250, %dma_start3A_251] : memref<250x40xi32, #tpu.memory_space<vmem>> -> memref<1x40xi32, #tpu.memory_space<vmem>>
        %dma_start3A_253 = tpu.memref_squeeze %dma_start3A_252 : memref<1x40xi32, #tpu.memory_space<vmem>> -> memref<40xi32, #tpu.memory_space<vmem>>
        %dma_start3A_254 = arith.constant 0 : i32
        %dma_start3A_255 = arith.constant 0 : i32
        %dma_start3A_256 = tpu.memref_slice %arg2[%dma_start3A_254, %dma_start3A_255] : memref<10000x128xf32, #tpu.memory_space<hbm>> -> memref<10000x128xf32, #tpu.memory_space<hbm>>
        tpu.enqueue_indirect_dma source(%dma_start3A_256 : memref<10000x128xf32, #tpu.memory_space<hbm>>) target(%arg11 : memref<40x128xf32, #tpu.memory_space<vmem>>) offsets(%dma_start3A_253 : memref<40xi32, #tpu.memory_space<vmem>>) semaphore(%arg17 : memref<!tpu.dma_semaphore, #tpu.memory_space<semaphore_mem>>)
      } else {
      }
    }
    %scan3A_90 = arith.constant 50 : i32
    %barrier3A_91 = arith.constant 0 : index
    tpu.barrier barrier_id(%barrier3A_91)
    %mul3A_92 = arith.constant 625 : i32
    %mul3A_93 = arith.muli %arg1, %mul3A_92 : i32
    %mul3A_94 = arith.constant 625 : i32
    %mul3A_95 = arith.muli %arg1, %mul3A_94 : i32
    "tpu.region"() ({
      %run_scoped3A = tpu.sem_alloc : memref<!tpu.dma_semaphore, #tpu.memory_space<semaphore_mem>>
      %dma_start3A_96 = arith.constant 0 : i32
      %dma_start3A_97 = tpu.memref_slice %arg4[%arg0, %mul3A_95, %dma_start3A_96] : memref<2x10000x128xf32, #tpu.memory_space<hbm>> -> memref<1x625x128xf32, #tpu.memory_space<hbm>>
      %dma_start3A_98 = tpu.memref_squeeze %dma_start3A_97 : memref<1x625x128xf32, #tpu.memory_space<hbm>> -> memref<625x128xf32, #tpu.memory_space<hbm>>
      %dma_start3A_99 = arith.constant 0 : i32
      %dma_start3A_100 = tpu.memref_slice %arg12[%mul3A_93, %dma_start3A_99] : memref<10000x128xf32, #tpu.memory_space<vmem_shared>> -> memref<625x128xf32, #tpu.memory_space<vmem_shared>>
      tpu.enqueue_dma source(%dma_start3A_100 : memref<625x128xf32, #tpu.memory_space<vmem_shared>>) target(%dma_start3A_98 : memref<625x128xf32, #tpu.memory_space<hbm>>) target_semaphore(%run_scoped3A : memref<!tpu.dma_semaphore, #tpu.memory_space<semaphore_mem>>)
      %dma_wait3A_101 = arith.constant 0 : i32
      %dma_wait3A_102 = tpu.memref_slice %arg4[%arg0, %mul3A_95, %dma_wait3A_101] : memref<2x10000x128xf32, #tpu.memory_space<hbm>> -> memref<1x625x128xf32, #tpu.memory_space<hbm>>
      %dma_wait3A_103 = tpu.memref_squeeze %dma_wait3A_102 : memref<1x625x128xf32, #tpu.memory_space<hbm>> -> memref<625x128xf32, #tpu.memory_space<hbm>>
      %dma_wait3A_104 = arith.constant 0 : i32
      %dma_wait3A_105 = tpu.memref_slice %arg12[%mul3A_93, %dma_wait3A_104] : memref<10000x128xf32, #tpu.memory_space<vmem_shared>> -> memref<625x128xf32, #tpu.memory_space<vmem_shared>>
      tpu.wait_dma2 semaphore(%run_scoped3A : memref<!tpu.dma_semaphore, #tpu.memory_space<semaphore_mem>>) src(%dma_wait3A_105 : memref<625x128xf32, #tpu.memory_space<vmem_shared>>) dst(%dma_wait3A_103 : memref<625x128xf32, #tpu.memory_space<hbm>>)
      tpu.yield
    }) : () -> ()
    return
  }
}

module attributes {stable_mosaic.version = 14 : i64} {
  func.func @_scale_body(%arg0: i32, %arg1: memref<1x32x5000xf32, #tpu.memory_space<vmem>>, %arg2: memref<5000x128xf32, #tpu.memory_space<vmem>>, %arg3: memref<1x1x5000xi32, #tpu.memory_space<vmem>>, %arg4: memref<64x1x768xf32, #tpu.memory_space<vmem>>, %arg5: memref<768x10xf32, #tpu.memory_space<vmem>>, %arg6: memref<1x10xf32, #tpu.memory_space<vmem>>, %arg7: memref<138x128xf32, #tpu.memory_space<vmem>>, %arg8: memref<5000x1xf32, #tpu.memory_space<vmem>>, %arg9: memref<5000x128xf32, #tpu.memory_space<vmem>>) attributes {dimension_semantics = [#tpu.dimension_semantics<arbitrary>], iteration_bounds = array<i64: 2>, scalar_prefetch = 0 : i64, scratch_operands = 0 : i64, tpu.core_type = #tpu.core_type<tc>, window_params = [{transform_indices = @transform_0, window_bounds = array<i64: 1, 32, 5000>}, {transform_indices = @transform_1, window_bounds = array<i64: 5000, 128>}, {transform_indices = @transform_2, window_bounds = array<i64: 1, 1, 5000>}, {pipeline_mode = #tpu.pipeline_mode<synchronous>, transform_indices = @transform_3, window_bounds = array<i64: 64, 1, 768>}, {pipeline_mode = #tpu.pipeline_mode<synchronous>, transform_indices = @transform_4, window_bounds = array<i64: 768, 10>}, {pipeline_mode = #tpu.pipeline_mode<synchronous>, transform_indices = @transform_5, window_bounds = array<i64: 1, 10>}, {pipeline_mode = #tpu.pipeline_mode<synchronous>, transform_indices = @transform_6, window_bounds = array<i64: 138, 128>}, {transform_indices = @transform_7, window_bounds = array<i64: 5000, 1>}, {transform_indices = @transform_8, window_bounds = array<i64: 5000, 128>}]} {
    %get3A = arith.constant 0 : index
    %get3A_0 = arith.constant 0 : index
    %get3A_1 = arith.constant 0 : index
    %get3A_2 = vector.load %arg1[%get3A, %get3A_0, %get3A_1] : memref<1x32x5000xf32, #tpu.memory_space<vmem>>, vector<1x32x5000xf32>
    %reshape3A = vector.shape_cast %get3A_2 : vector<1x32x5000xf32> to vector<32x5000xf32>
    %broadcast_in_dim3A = arith.constant 1.000000e+00 : f32
    %broadcast_in_dim3A_3 = vector.broadcast %broadcast_in_dim3A : f32 to vector<32x1xf32>
    %dot_general3A = arith.constant dense<0.000000e+00> : vector<5000x1xf32>
    %dot_general3A_4 = tpu.matmul %reshape3A, %broadcast_in_dim3A_3, %dot_general3A {dimension_numbers = #tpu.dot_dimension_numbers<[0], [0], [1], [1], [0, 1, 1, 1], [], []>, transpose_lhs_hint = false} : vector<32x5000xf32>, vector<32x1xf32>, vector<5000x1xf32> -> vector<5000x1xf32>
    %add3A = arith.constant 1.000000e+00 : f32
    %add3A_5 = vector.broadcast %add3A : f32 to vector<5000x1xf32>
    %add3A_6 = arith.addf %dot_general3A_4, %add3A_5 : vector<5000x1xf32>
    %rsqrt3A = math.rsqrt %add3A_6 : vector<5000x1xf32>
    %swap3A = arith.constant 0 : index
    %swap3A_7 = arith.constant 0 : index
    %swap3A_8 = vector.load %arg8[%swap3A, %swap3A_7] : memref<5000x1xf32, #tpu.memory_space<vmem>>, vector<5000x1xf32>
    tpu.vector_store %arg8[%swap3A, %swap3A_7], %rsqrt3A {strides = array<i32>} : memref<5000x1xf32, #tpu.memory_space<vmem>>, vector<5000x1xf32>,
    %get3A_9 = arith.constant 0 : index
    %get3A_10 = arith.constant 0 : index
    %get3A_11 = arith.constant 0 : index
    %get3A_12 = vector.load %arg4[%get3A_9, %get3A_10, %get3A_11] : memref<64x1x768xf32, #tpu.memory_space<vmem>>, vector<64x1x768xf32>
    %reshape3A_13 = vector.shape_cast %get3A_12 : vector<64x1x768xf32> to vector<64x768xf32>
    %get3A_14 = arith.constant 0 : index
    %get3A_15 = arith.constant 0 : index
    %get3A_16 = vector.load %arg5[%get3A_14, %get3A_15] : memref<768x10xf32, #tpu.memory_space<vmem>>, vector<768x10xf32>
    %dot_general3A_17 = arith.constant dense<0.000000e+00> : vector<64x10xf32>
    %dot_general3A_18 = tpu.matmul %reshape3A_13, %get3A_16, %dot_general3A_17 {dimension_numbers = #tpu.dot_dimension_numbers<[1], [0], [0], [1], [0, 0, 1, 1], [], []>, transpose_lhs_hint = false} : vector<64x768xf32>, vector<768x10xf32>, vector<64x10xf32> -> vector<64x10xf32>
    %get3A_19 = arith.constant 0 : index
    %get3A_20 = arith.constant 0 : index
    %get3A_21 = vector.load %arg6[%get3A_19, %get3A_20] : memref<1x10xf32, #tpu.memory_space<vmem>>, vector<1x10xf32>
    %add3A_22 = vector.broadcast %get3A_21 : vector<1x10xf32> to vector<64x10xf32>
    %add3A_23 = arith.addf %dot_general3A_18, %add3A_22 : vector<64x10xf32>
    %max3A = arith.constant 0.000000e+00 : f32
    %max3A_24 = vector.broadcast %max3A : f32 to vector<64x10xf32>
    %max3A_25 = arith.maximumf %add3A_23, %max3A_24 : vector<64x10xf32>
    %get3A_26 = arith.constant 128 : index
    %get3A_27 = arith.constant 0 : index
    %get3A_28 = vector.load %arg7[%get3A_26, %get3A_27] : memref<138x128xf32, #tpu.memory_space<vmem>>, vector<10x128xf32>
    %dot_general3A_29 = arith.constant dense<0.000000e+00> : vector<64x128xf32>
    %dot_general3A_30 = tpu.matmul %max3A_25, %get3A_28, %dot_general3A_29 {dimension_numbers = #tpu.dot_dimension_numbers<[1], [0], [0], [1], [0, 0, 1, 1], [], []>, transpose_lhs_hint = false} : vector<64x10xf32>, vector<10x128xf32>, vector<64x128xf32> -> vector<64x128xf32>
    %get3A_31 = arith.constant 0 : index
    %get3A_32 = arith.constant 0 : index
    %get3A_33 = vector.load %arg2[%get3A_31, %get3A_32] : memref<5000x128xf32, #tpu.memory_space<vmem>>, vector<5000x128xf32>
    %get3A_34 = arith.constant 0 : index
    %get3A_35 = arith.constant 0 : index
    %get3A_36 = arith.constant 0 : index
    %get3A_37 = vector.load %arg3[%get3A_34, %get3A_35, %get3A_36] : memref<1x1x5000xi32, #tpu.memory_space<vmem>>, vector<1x1x5000xi32>
    %reshape3A_38 = vector.shape_cast %get3A_37 : vector<1x1x5000xi32> to vector<1x5000xi32>
    %iota3A = tpu.iota {dimensions = array<i32: 0>} : vector<64x5000xi32>
    %eq3A = vector.broadcast %reshape3A_38 : vector<1x5000xi32> to vector<64x5000xi32>
    %eq3A_39 = arith.cmpi eq, %eq3A, %iota3A : vector<64x5000xi32>
    %convert_element_type3A = arith.extui %eq3A_39 : vector<64x5000xi1> to vector<64x5000xi32>
    %convert_element_type3A_40 = arith.sitofp %convert_element_type3A : vector<64x5000xi32> to vector<64x5000xf32>
    %get3A_41 = arith.constant 0 : index
    %get3A_42 = arith.constant 0 : index
    %get3A_43 = vector.load %arg7[%get3A_41, %get3A_42] : memref<138x128xf32, #tpu.memory_space<vmem>>, vector<128x128xf32>
    %dot_general3A_44 = arith.constant dense<0.000000e+00> : vector<5000x128xf32>
    %dot_general3A_45 = tpu.matmul %get3A_33, %get3A_43, %dot_general3A_44 {dimension_numbers = #tpu.dot_dimension_numbers<[1], [0], [0], [1], [0, 0, 1, 1], [], []>, transpose_lhs_hint = false} : vector<5000x128xf32>, vector<128x128xf32>, vector<5000x128xf32> -> vector<5000x128xf32>
    %dot_general3A_46 = arith.constant dense<0.000000e+00> : vector<5000x128xf32>
    %dot_general3A_47 = tpu.matmul %convert_element_type3A_40, %dot_general3A_30, %dot_general3A_46 {dimension_numbers = #tpu.dot_dimension_numbers<[0], [0], [1], [1], [0, 1, 1, 1], [], []>, transpose_lhs_hint = false} : vector<64x5000xf32>, vector<64x128xf32>, vector<5000x128xf32> -> vector<5000x128xf32>
    %add3A_48 = arith.addf %dot_general3A_45, %dot_general3A_47 : vector<5000x128xf32>
    %mul3A = vector.broadcast %rsqrt3A : vector<5000x1xf32> to vector<5000x128xf32>
    %mul3A_49 = arith.mulf %add3A_48, %mul3A : vector<5000x128xf32>
    %swap3A_50 = arith.constant 0 : index
    %swap3A_51 = arith.constant 0 : index
    %swap3A_52 = vector.load %arg9[%swap3A_50, %swap3A_51] : memref<5000x128xf32, #tpu.memory_space<vmem>>, vector<5000x128xf32>
    tpu.vector_store %arg9[%swap3A_50, %swap3A_51], %mul3A_49 {strides = array<i32>} : memref<5000x128xf32, #tpu.memory_space<vmem>>, vector<5000x128xf32>,
    return
  }
  func.func @transform_0(%arg0: i32) -> (i32, i32, i32) {
    %c0_i32 = arith.constant 0 : i32
    %c0_i32_0 = arith.constant 0 : i32
    %c0_i32_1 = arith.constant 0 : i32
    return %arg0, %c0_i32, %c0_i32_0 : i32, i32, i32
  }
  func.func @transform_1(%arg0: i32) -> (i32, i32) {
    %c0_i32 = arith.constant 0 : i32
    %c0_i32_0 = arith.constant 0 : i32
    return %arg0, %c0_i32 : i32, i32
  }
  func.func @transform_2(%arg0: i32) -> (i32, i32, i32) {
    %c0_i32 = arith.constant 0 : i32
    %c0_i32_0 = arith.constant 0 : i32
    %c0_i32_1 = arith.constant 0 : i32
    return %arg0, %c0_i32, %c0_i32_0 : i32, i32, i32
  }
  func.func @transform_3(%arg0: i32) -> (i32, i32, i32) {
    %c0_i32 = arith.constant 0 : i32
    %c0_i32_0 = arith.constant 0 : i32
    %c0_i32_1 = arith.constant 0 : i32
    %c0_i32_2 = arith.constant 0 : i32
    return %c0_i32, %c0_i32_0, %c0_i32_1 : i32, i32, i32
  }
  func.func @transform_4(%arg0: i32) -> (i32, i32) {
    %c0_i32 = arith.constant 0 : i32
    %c0_i32_0 = arith.constant 0 : i32
    %c0_i32_1 = arith.constant 0 : i32
    return %c0_i32, %c0_i32_0 : i32, i32
  }
  func.func @transform_5(%arg0: i32) -> (i32, i32) {
    %c0_i32 = arith.constant 0 : i32
    %c0_i32_0 = arith.constant 0 : i32
    %c0_i32_1 = arith.constant 0 : i32
    return %c0_i32, %c0_i32_0 : i32, i32
  }
  func.func @transform_6(%arg0: i32) -> (i32, i32) {
    %c0_i32 = arith.constant 0 : i32
    %c0_i32_0 = arith.constant 0 : i32
    %c0_i32_1 = arith.constant 0 : i32
    return %c0_i32, %c0_i32_0 : i32, i32
  }
  func.func @transform_7(%arg0: i32) -> (i32, i32) {
    %c0_i32 = arith.constant 0 : i32
    %c0_i32_0 = arith.constant 0 : i32
    return %arg0, %c0_i32 : i32, i32
  }
  func.func @transform_8(%arg0: i32) -> (i32, i32) {
    %c0_i32 = arith.constant 0 : i32
    %c0_i32_0 = arith.constant 0 : i32
    return %arg0, %c0_i32 : i32, i32
  }
}

module attributes {stable_mosaic.version = 14 : i64} {
  func.func @_mid_body(%arg0: i32, %arg1: memref<2x5000x128xf32, #tpu.memory_space<vmem>>, %arg2: memref<5000x128xf32, #tpu.memory_space<vmem>>, %arg3: memref<5000x1xf32, #tpu.memory_space<vmem>>, %arg4: memref<1x1x5000xi32, #tpu.memory_space<vmem>>, %arg5: memref<64x1x768xf32, #tpu.memory_space<vmem>>, %arg6: memref<768x10xf32, #tpu.memory_space<vmem>>, %arg7: memref<1x10xf32, #tpu.memory_space<vmem>>, %arg8: memref<138x128xf32, #tpu.memory_space<vmem>>, %arg9: memref<1x128xf32, #tpu.memory_space<vmem>>, %arg10: memref<1x128xf32, #tpu.memory_space<vmem>>, %arg11: memref<1x128xf32, #tpu.memory_space<vmem>>, %arg12: memref<5000x128xf32, #tpu.memory_space<vmem>>) attributes {dimension_semantics = [#tpu.dimension_semantics<arbitrary>], iteration_bounds = array<i64: 2>, scalar_prefetch = 0 : i64, scratch_operands = 0 : i64, tpu.core_type = #tpu.core_type<tc>, window_params = [{transform_indices = @transform_0, window_bounds = array<i64: 2, 5000, 128>}, {transform_indices = @transform_1, window_bounds = array<i64: 5000, 128>}, {transform_indices = @transform_2, window_bounds = array<i64: 5000, 1>}, {transform_indices = @transform_3, window_bounds = array<i64: 1, 1, 5000>}, {pipeline_mode = #tpu.pipeline_mode<synchronous>, transform_indices = @transform_4, window_bounds = array<i64: 64, 1, 768>}, {pipeline_mode = #tpu.pipeline_mode<synchronous>, transform_indices = @transform_5, window_bounds = array<i64: 768, 10>}, {pipeline_mode = #tpu.pipeline_mode<synchronous>, transform_indices = @transform_6, window_bounds = array<i64: 1, 10>}, {pipeline_mode = #tpu.pipeline_mode<synchronous>, transform_indices = @transform_7, window_bounds = array<i64: 138, 128>}, {pipeline_mode = #tpu.pipeline_mode<synchronous>, transform_indices = @transform_8, window_bounds = array<i64: 1, 128>}, {pipeline_mode = #tpu.pipeline_mode<synchronous>, transform_indices = @transform_9, window_bounds = array<i64: 1, 128>}, {pipeline_mode = #tpu.pipeline_mode<synchronous>, transform_indices = @transform_10, window_bounds = array<i64: 1, 128>}, {transform_indices = @transform_11, window_bounds = array<i64: 5000, 128>}]} {
    %get3A = arith.constant 0 : index
    %get3A_0 = arith.constant 0 : index
    %get3A_1 = arith.constant 0 : index
    %get3A_2 = vector.load %arg1[%get3A, %get3A_0, %get3A_1] : memref<2x5000x128xf32, #tpu.memory_space<vmem>>, vector<2x5000x128xf32>
    %slice3A = vector.extract_strided_slice %get3A_2 {offsets = [0, 0, 0], sizes = [1, 5000, 128], strides = [1, 1, 1]} : vector<2x5000x128xf32> to vector<1x5000x128xf32>
    %squeeze3A = vector.shape_cast %slice3A : vector<1x5000x128xf32> to vector<5000x128xf32>
    %slice3A_3 = vector.extract_strided_slice %get3A_2 {offsets = [1, 0, 0], sizes = [1, 5000, 128], strides = [1, 1, 1]} : vector<2x5000x128xf32> to vector<1x5000x128xf32>
    %squeeze3A_4 = vector.shape_cast %slice3A_3 : vector<1x5000x128xf32> to vector<5000x128xf32>
    %add3A = arith.addf %squeeze3A, %squeeze3A_4 : vector<5000x128xf32>
    %get3A_5 = arith.constant 0 : index
    %get3A_6 = arith.constant 0 : index
    %get3A_7 = vector.load %arg2[%get3A_5, %get3A_6] : memref<5000x128xf32, #tpu.memory_space<vmem>>, vector<5000x128xf32>
    %sub3A = arith.subf %add3A, %get3A_7 : vector<5000x128xf32>
    %get3A_8 = arith.constant 0 : index
    %get3A_9 = arith.constant 0 : index
    %get3A_10 = vector.load %arg3[%get3A_8, %get3A_9] : memref<5000x1xf32, #tpu.memory_space<vmem>>, vector<5000x1xf32>
    %mul3A = vector.broadcast %get3A_10 : vector<5000x1xf32> to vector<5000x128xf32>
    %mul3A_11 = arith.mulf %sub3A, %mul3A : vector<5000x128xf32>
    %get3A_12 = arith.constant 0 : index
    %get3A_13 = arith.constant 0 : index
    %get3A_14 = vector.load %arg9[%get3A_12, %get3A_13] : memref<1x128xf32, #tpu.memory_space<vmem>>, vector<1x128xf32>
    %add3A_15 = vector.broadcast %get3A_14 : vector<1x128xf32> to vector<5000x128xf32>
    %add3A_16 = arith.addf %mul3A_11, %add3A_15 : vector<5000x128xf32>
    %max3A = arith.constant 0.000000e+00 : f32
    %max3A_17 = vector.broadcast %max3A : f32 to vector<5000x128xf32>
    %max3A_18 = arith.maximumf %add3A_16, %max3A_17 : vector<5000x128xf32>
    %get3A_19 = arith.constant 0 : index
    %get3A_20 = arith.constant 0 : index
    %get3A_21 = vector.load %arg10[%get3A_19, %get3A_20] : memref<1x128xf32, #tpu.memory_space<vmem>>, vector<1x128xf32>
    %mul3A_22 = vector.broadcast %get3A_21 : vector<1x128xf32> to vector<5000x128xf32>
    %mul3A_23 = arith.mulf %max3A_18, %mul3A_22 : vector<5000x128xf32>
    %get3A_24 = arith.constant 0 : index
    %get3A_25 = arith.constant 0 : index
    %get3A_26 = vector.load %arg11[%get3A_24, %get3A_25] : memref<1x128xf32, #tpu.memory_space<vmem>>, vector<1x128xf32>
    %add3A_27 = vector.broadcast %get3A_26 : vector<1x128xf32> to vector<5000x128xf32>
    %add3A_28 = arith.addf %mul3A_23, %add3A_27 : vector<5000x128xf32>
    %get3A_29 = arith.constant 0 : index
    %get3A_30 = arith.constant 0 : index
    %get3A_31 = arith.constant 0 : index
    %get3A_32 = vector.load %arg5[%get3A_29, %get3A_30, %get3A_31] : memref<64x1x768xf32, #tpu.memory_space<vmem>>, vector<64x1x768xf32>
    %reshape3A = vector.shape_cast %get3A_32 : vector<64x1x768xf32> to vector<64x768xf32>
    %get3A_33 = arith.constant 0 : index
    %get3A_34 = arith.constant 0 : index
    %get3A_35 = vector.load %arg6[%get3A_33, %get3A_34] : memref<768x10xf32, #tpu.memory_space<vmem>>, vector<768x10xf32>
    %dot_general3A = arith.constant dense<0.000000e+00> : vector<64x10xf32>
    %dot_general3A_36 = tpu.matmul %reshape3A, %get3A_35, %dot_general3A {dimension_numbers = #tpu.dot_dimension_numbers<[1], [0], [0], [1], [0, 0, 1, 1], [], []>, transpose_lhs_hint = false} : vector<64x768xf32>, vector<768x10xf32>, vector<64x10xf32> -> vector<64x10xf32>
    %get3A_37 = arith.constant 0 : index
    %get3A_38 = arith.constant 0 : index
    %get3A_39 = vector.load %arg7[%get3A_37, %get3A_38] : memref<1x10xf32, #tpu.memory_space<vmem>>, vector<1x10xf32>
    %add3A_40 = vector.broadcast %get3A_39 : vector<1x10xf32> to vector<64x10xf32>
    %add3A_41 = arith.addf %dot_general3A_36, %add3A_40 : vector<64x10xf32>
    %max3A_42 = arith.constant 0.000000e+00 : f32
    %max3A_43 = vector.broadcast %max3A_42 : f32 to vector<64x10xf32>
    %max3A_44 = arith.maximumf %add3A_41, %max3A_43 : vector<64x10xf32>
    %get3A_45 = arith.constant 128 : index
    %get3A_46 = arith.constant 0 : index
    %get3A_47 = vector.load %arg8[%get3A_45, %get3A_46] : memref<138x128xf32, #tpu.memory_space<vmem>>, vector<10x128xf32>
    %dot_general3A_48 = arith.constant dense<0.000000e+00> : vector<64x128xf32>
    %dot_general3A_49 = tpu.matmul %max3A_44, %get3A_47, %dot_general3A_48 {dimension_numbers = #tpu.dot_dimension_numbers<[1], [0], [0], [1], [0, 0, 1, 1], [], []>, transpose_lhs_hint = false} : vector<64x10xf32>, vector<10x128xf32>, vector<64x128xf32> -> vector<64x128xf32>
    %get3A_50 = arith.constant 0 : index
    %get3A_51 = arith.constant 0 : index
    %get3A_52 = arith.constant 0 : index
    %get3A_53 = vector.load %arg4[%get3A_50, %get3A_51, %get3A_52] : memref<1x1x5000xi32, #tpu.memory_space<vmem>>, vector<1x1x5000xi32>
    %reshape3A_54 = vector.shape_cast %get3A_53 : vector<1x1x5000xi32> to vector<1x5000xi32>
    %iota3A = tpu.iota {dimensions = array<i32: 0>} : vector<64x5000xi32>
    %eq3A = vector.broadcast %reshape3A_54 : vector<1x5000xi32> to vector<64x5000xi32>
    %eq3A_55 = arith.cmpi eq, %eq3A, %iota3A : vector<64x5000xi32>
    %convert_element_type3A = arith.extui %eq3A_55 : vector<64x5000xi1> to vector<64x5000xi32>
    %convert_element_type3A_56 = arith.sitofp %convert_element_type3A : vector<64x5000xi32> to vector<64x5000xf32>
    %get3A_57 = arith.constant 0 : index
    %get3A_58 = arith.constant 0 : index
    %get3A_59 = vector.load %arg8[%get3A_57, %get3A_58] : memref<138x128xf32, #tpu.memory_space<vmem>>, vector<128x128xf32>
    %dot_general3A_60 = arith.constant dense<0.000000e+00> : vector<5000x128xf32>
    %dot_general3A_61 = tpu.matmul %add3A_28, %get3A_59, %dot_general3A_60 {dimension_numbers = #tpu.dot_dimension_numbers<[1], [0], [0], [1], [0, 0, 1, 1], [], []>, transpose_lhs_hint = false} : vector<5000x128xf32>, vector<128x128xf32>, vector<5000x128xf32> -> vector<5000x128xf32>
    %dot_general3A_62 = arith.constant dense<0.000000e+00> : vector<5000x128xf32>
    %dot_general3A_63 = tpu.matmul %convert_element_type3A_56, %dot_general3A_49, %dot_general3A_62 {dimension_numbers = #tpu.dot_dimension_numbers<[0], [0], [1], [1], [0, 1, 1, 1], [], []>, transpose_lhs_hint = false} : vector<64x5000xf32>, vector<64x128xf32>, vector<5000x128xf32> -> vector<5000x128xf32>
    %add3A_64 = arith.addf %dot_general3A_61, %dot_general3A_63 : vector<5000x128xf32>
    %get3A_65 = arith.constant 0 : index
    %get3A_66 = arith.constant 0 : index
    %get3A_67 = vector.load %arg3[%get3A_65, %get3A_66] : memref<5000x1xf32, #tpu.memory_space<vmem>>, vector<5000x1xf32>
    %mul3A_68 = vector.broadcast %get3A_67 : vector<5000x1xf32> to vector<5000x128xf32>
    %mul3A_69 = arith.mulf %add3A_64, %mul3A_68 : vector<5000x128xf32>
    %swap3A = arith.constant 0 : index
    %swap3A_70 = arith.constant 0 : index
    %swap3A_71 = vector.load %arg12[%swap3A, %swap3A_70] : memref<5000x128xf32, #tpu.memory_space<vmem>>, vector<5000x128xf32>
    tpu.vector_store %arg12[%swap3A, %swap3A_70], %mul3A_69 {strides = array<i32>} : memref<5000x128xf32, #tpu.memory_space<vmem>>, vector<5000x128xf32>,
    return
  }
  func.func @transform_0(%arg0: i32) -> (i32, i32, i32) {
    %c0_i32 = arith.constant 0 : i32
    %c0_i32_0 = arith.constant 0 : i32
    %c0_i32_1 = arith.constant 0 : i32
    return %c0_i32, %arg0, %c0_i32_0 : i32, i32, i32
  }
  func.func @transform_1(%arg0: i32) -> (i32, i32) {
    %c0_i32 = arith.constant 0 : i32
    %c0_i32_0 = arith.constant 0 : i32
    return %arg0, %c0_i32 : i32, i32
  }
  func.func @transform_2(%arg0: i32) -> (i32, i32) {
    %c0_i32 = arith.constant 0 : i32
    %c0_i32_0 = arith.constant 0 : i32
    return %arg0, %c0_i32 : i32, i32
  }
  func.func @transform_3(%arg0: i32) -> (i32, i32, i32) {
    %c0_i32 = arith.constant 0 : i32
    %c0_i32_0 = arith.constant 0 : i32
    %c0_i32_1 = arith.constant 0 : i32
    return %arg0, %c0_i32, %c0_i32_0 : i32, i32, i32
  }
  func.func @transform_4(%arg0: i32) -> (i32, i32, i32) {
    %c0_i32 = arith.constant 0 : i32
    %c0_i32_0 = arith.constant 0 : i32
    %c0_i32_1 = arith.constant 0 : i32
    %c0_i32_2 = arith.constant 0 : i32
    return %c0_i32, %c0_i32_0, %c0_i32_1 : i32, i32, i32
  }
  func.func @transform_5(%arg0: i32) -> (i32, i32) {
    %c0_i32 = arith.constant 0 : i32
    %c0_i32_0 = arith.constant 0 : i32
    %c0_i32_1 = arith.constant 0 : i32
    return %c0_i32, %c0_i32_0 : i32, i32
  }
  func.func @transform_6(%arg0: i32) -> (i32, i32) {
    %c0_i32 = arith.constant 0 : i32
    %c0_i32_0 = arith.constant 0 : i32
    %c0_i32_1 = arith.constant 0 : i32
    return %c0_i32, %c0_i32_0 : i32, i32
  }
  func.func @transform_7(%arg0: i32) -> (i32, i32) {
    %c0_i32 = arith.constant 0 : i32
    %c0_i32_0 = arith.constant 0 : i32
    %c0_i32_1 = arith.constant 0 : i32
    return %c0_i32, %c0_i32_0 : i32, i32
  }
  func.func @transform_8(%arg0: i32) -> (i32, i32) {
    %c0_i32 = arith.constant 0 : i32
    %c0_i32_0 = arith.constant 0 : i32
    %c0_i32_1 = arith.constant 0 : i32
    return %c0_i32, %c0_i32_0 : i32, i32
  }
  func.func @transform_9(%arg0: i32) -> (i32, i32) {
    %c0_i32 = arith.constant 0 : i32
    %c0_i32_0 = arith.constant 0 : i32
    %c0_i32_1 = arith.constant 0 : i32
    return %c0_i32, %c0_i32_0 : i32, i32
  }
  func.func @transform_10(%arg0: i32) -> (i32, i32) {
    %c0_i32 = arith.constant 0 : i32
    %c0_i32_0 = arith.constant 0 : i32
    %c0_i32_1 = arith.constant 0 : i32
    return %c0_i32, %c0_i32_0 : i32, i32
  }
  func.func @transform_11(%arg0: i32) -> (i32, i32) {
    %c0_i32 = arith.constant 0 : i32
    %c0_i32_0 = arith.constant 0 : i32
    return %arg0, %c0_i32 : i32, i32
  }
}

module attributes {stable_mosaic.version = 14 : i64} {
  func.func @_final_body(%arg0: i32, %arg1: memref<2x5000x128xf32, #tpu.memory_space<vmem>>, %arg2: memref<5000x128xf32, #tpu.memory_space<vmem>>, %arg3: memref<5000x1xf32, #tpu.memory_space<vmem>>, %arg4: memref<1x1x5000xi32, #tpu.memory_space<vmem>>, %arg5: memref<1x128xf32, #tpu.memory_space<vmem>>, %arg6: memref<1x128xf32, #tpu.memory_space<vmem>>, %arg7: memref<1x128xf32, #tpu.memory_space<vmem>>, %arg8: memref<128x128xf32, #tpu.memory_space<vmem>>, %arg9: memref<1x128xf32, #tpu.memory_space<vmem>>, %arg10: memref<128x10xf32, #tpu.memory_space<vmem>>, %arg11: memref<1x10xf32, #tpu.memory_space<vmem>>, %arg12: memref<64x10xf32, #tpu.memory_space<vmem>>, %arg13: memref<64x128xf32, #tpu.memory_space<vmem>>, %arg14: memref<64x128xf32, #tpu.memory_space<vmem>>) attributes {dimension_semantics = [#tpu.dimension_semantics<arbitrary>], iteration_bounds = array<i64: 2>, scalar_prefetch = 0 : i64, scratch_operands = 2 : i64, tpu.core_type = #tpu.core_type<tc>, window_params = [{transform_indices = @transform_0, window_bounds = array<i64: 2, 5000, 128>}, {transform_indices = @transform_1, window_bounds = array<i64: 5000, 128>}, {transform_indices = @transform_2, window_bounds = array<i64: 5000, 1>}, {transform_indices = @transform_3, window_bounds = array<i64: 1, 1, 5000>}, {pipeline_mode = #tpu.pipeline_mode<synchronous>, transform_indices = @transform_4, window_bounds = array<i64: 1, 128>}, {pipeline_mode = #tpu.pipeline_mode<synchronous>, transform_indices = @transform_5, window_bounds = array<i64: 1, 128>}, {pipeline_mode = #tpu.pipeline_mode<synchronous>, transform_indices = @transform_6, window_bounds = array<i64: 1, 128>}, {pipeline_mode = #tpu.pipeline_mode<synchronous>, transform_indices = @transform_7, window_bounds = array<i64: 128, 128>}, {pipeline_mode = #tpu.pipeline_mode<synchronous>, transform_indices = @transform_8, window_bounds = array<i64: 1, 128>}, {pipeline_mode = #tpu.pipeline_mode<synchronous>, transform_indices = @transform_9, window_bounds = array<i64: 128, 10>}, {pipeline_mode = #tpu.pipeline_mode<synchronous>, transform_indices = @transform_10, window_bounds = array<i64: 1, 10>}, {pipeline_mode = #tpu.pipeline_mode<synchronous>, transform_indices = @transform_11, window_bounds = array<i64: 64, 10>}]} {
    %get3A = arith.constant 0 : index
    %get3A_0 = arith.constant 0 : index
    %get3A_1 = arith.constant 0 : index
    %get3A_2 = vector.load %arg1[%get3A, %get3A_0, %get3A_1] : memref<2x5000x128xf32, #tpu.memory_space<vmem>>, vector<2x5000x128xf32>
    %slice3A = vector.extract_strided_slice %get3A_2 {offsets = [0, 0, 0], sizes = [1, 5000, 128], strides = [1, 1, 1]} : vector<2x5000x128xf32> to vector<1x5000x128xf32>
    %squeeze3A = vector.shape_cast %slice3A : vector<1x5000x128xf32> to vector<5000x128xf32>
    %slice3A_3 = vector.extract_strided_slice %get3A_2 {offsets = [1, 0, 0], sizes = [1, 5000, 128], strides = [1, 1, 1]} : vector<2x5000x128xf32> to vector<1x5000x128xf32>
    %squeeze3A_4 = vector.shape_cast %slice3A_3 : vector<1x5000x128xf32> to vector<5000x128xf32>
    %add3A = arith.addf %squeeze3A, %squeeze3A_4 : vector<5000x128xf32>
    %get3A_5 = arith.constant 0 : index
    %get3A_6 = arith.constant 0 : index
    %get3A_7 = vector.load %arg2[%get3A_5, %get3A_6] : memref<5000x128xf32, #tpu.memory_space<vmem>>, vector<5000x128xf32>
    %sub3A = arith.subf %add3A, %get3A_7 : vector<5000x128xf32>
    %get3A_8 = arith.constant 0 : index
    %get3A_9 = arith.constant 0 : index
    %get3A_10 = vector.load %arg3[%get3A_8, %get3A_9] : memref<5000x1xf32, #tpu.memory_space<vmem>>, vector<5000x1xf32>
    %mul3A = vector.broadcast %get3A_10 : vector<5000x1xf32> to vector<5000x128xf32>
    %mul3A_11 = arith.mulf %sub3A, %mul3A : vector<5000x128xf32>
    %get3A_12 = arith.constant 0 : index
    %get3A_13 = arith.constant 0 : index
    %get3A_14 = vector.load %arg5[%get3A_12, %get3A_13] : memref<1x128xf32, #tpu.memory_space<vmem>>, vector<1x128xf32>
    %add3A_15 = vector.broadcast %get3A_14 : vector<1x128xf32> to vector<5000x128xf32>
    %add3A_16 = arith.addf %mul3A_11, %add3A_15 : vector<5000x128xf32>
    %max3A = arith.constant 0.000000e+00 : f32
    %max3A_17 = vector.broadcast %max3A : f32 to vector<5000x128xf32>
    %max3A_18 = arith.maximumf %add3A_16, %max3A_17 : vector<5000x128xf32>
    %get3A_19 = arith.constant 0 : index
    %get3A_20 = arith.constant 0 : index
    %get3A_21 = vector.load %arg6[%get3A_19, %get3A_20] : memref<1x128xf32, #tpu.memory_space<vmem>>, vector<1x128xf32>
    %mul3A_22 = vector.broadcast %get3A_21 : vector<1x128xf32> to vector<5000x128xf32>
    %mul3A_23 = arith.mulf %max3A_18, %mul3A_22 : vector<5000x128xf32>
    %get3A_24 = arith.constant 0 : index
    %get3A_25 = arith.constant 0 : index
    %get3A_26 = vector.load %arg7[%get3A_24, %get3A_25] : memref<1x128xf32, #tpu.memory_space<vmem>>, vector<1x128xf32>
    %add3A_27 = vector.broadcast %get3A_26 : vector<1x128xf32> to vector<5000x128xf32>
    %add3A_28 = arith.addf %mul3A_23, %add3A_27 : vector<5000x128xf32>
    %get3A_29 = arith.constant 0 : index
    %get3A_30 = arith.constant 0 : index
    %get3A_31 = arith.constant 0 : index
    %get3A_32 = vector.load %arg4[%get3A_29, %get3A_30, %get3A_31] : memref<1x1x5000xi32, #tpu.memory_space<vmem>>, vector<1x1x5000xi32>
    %reshape3A = vector.shape_cast %get3A_32 : vector<1x1x5000xi32> to vector<1x5000xi32>
    %iota3A = tpu.iota {dimensions = array<i32: 0>} : vector<64x5000xi32>
    %eq3A = vector.broadcast %reshape3A : vector<1x5000xi32> to vector<64x5000xi32>
    %eq3A_33 = arith.cmpi eq, %eq3A, %iota3A : vector<64x5000xi32>
    %convert_element_type3A = arith.extui %eq3A_33 : vector<64x5000xi1> to vector<64x5000xi32>
    %convert_element_type3A_34 = arith.sitofp %convert_element_type3A : vector<64x5000xi32> to vector<64x5000xf32>
    %dot_general3A = arith.constant dense<0.000000e+00> : vector<64x128xf32>
    %dot_general3A_35 = tpu.matmul %convert_element_type3A_34, %add3A_28, %dot_general3A {dimension_numbers = #tpu.dot_dimension_numbers<[1], [0], [0], [1], [0, 0, 1, 1], [], []>, transpose_lhs_hint = false} : vector<64x5000xf32>, vector<5000x128xf32>, vector<64x128xf32> -> vector<64x128xf32>
    %broadcast_in_dim3A = arith.constant 1.000000e+00 : f32
    %broadcast_in_dim3A_36 = vector.broadcast %broadcast_in_dim3A : f32 to vector<5000x128xf32>
    %dot_general3A_37 = arith.constant dense<0.000000e+00> : vector<64x128xf32>
    %dot_general3A_38 = tpu.matmul %convert_element_type3A_34, %broadcast_in_dim3A_36, %dot_general3A_37 {dimension_numbers = #tpu.dot_dimension_numbers<[1], [0], [0], [1], [0, 0, 1, 1], [], []>, transpose_lhs_hint = false} : vector<64x5000xf32>, vector<5000x128xf32>, vector<64x128xf32> -> vector<64x128xf32>
    %eq3A_39 = arith.constant 0 : i32
    %eq3A_40 = arith.cmpi eq, %arg0, %eq3A_39 : i32
    %convert_element_type3A_41 = arith.extui %eq3A_40 : i1 to i32
    %cond3A = arith.constant 0 : i32
    %cond3A_42 = arith.cmpi ne, %convert_element_type3A_41, %cond3A : i32
    scf.if %cond3A_42 {
      %swap3A = arith.constant 0 : index
      %swap3A_52 = arith.constant 0 : index
      %swap3A_53 = vector.load %arg13[%swap3A, %swap3A_52] : memref<64x128xf32, #tpu.memory_space<vmem>>, vector<64x128xf32>
      tpu.vector_store %arg13[%swap3A, %swap3A_52], %dot_general3A_35 {strides = array<i32>} : memref<64x128xf32, #tpu.memory_space<vmem>>, vector<64x128xf32>,
      %swap3A_54 = arith.constant 0 : index
      %swap3A_55 = arith.constant 0 : index
      %swap3A_56 = vector.load %arg14[%swap3A_54, %swap3A_55] : memref<64x128xf32, #tpu.memory_space<vmem>>, vector<64x128xf32>
      tpu.vector_store %arg14[%swap3A_54, %swap3A_55], %dot_general3A_38 {strides = array<i32>} : memref<64x128xf32, #tpu.memory_space<vmem>>, vector<64x128xf32>,
    } else {
    }
    %gt3A = arith.constant 0 : i32
    %gt3A_43 = arith.cmpi sgt, %arg0, %gt3A : i32
    %convert_element_type3A_44 = arith.extui %gt3A_43 : i1 to i32
    %cond3A_45 = arith.constant 0 : i32
    %cond3A_46 = arith.cmpi ne, %convert_element_type3A_44, %cond3A_45 : i32
    scf.if %cond3A_46 {
      %get3A_52 = arith.constant 0 : index
      %get3A_53 = arith.constant 0 : index
      %get3A_54 = vector.load %arg13[%get3A_52, %get3A_53] : memref<64x128xf32, #tpu.memory_space<vmem>>, vector<64x128xf32>
      %add3A_55 = arith.addf %get3A_54, %dot_general3A_35 : vector<64x128xf32>
      %swap3A = arith.constant 0 : index
      %swap3A_56 = arith.constant 0 : index
      %swap3A_57 = vector.load %arg13[%swap3A, %swap3A_56] : memref<64x128xf32, #tpu.memory_space<vmem>>, vector<64x128xf32>
      tpu.vector_store %arg13[%swap3A, %swap3A_56], %add3A_55 {strides = array<i32>} : memref<64x128xf32, #tpu.memory_space<vmem>>, vector<64x128xf32>,
      %get3A_58 = arith.constant 0 : index
      %get3A_59 = arith.constant 0 : index
      %get3A_60 = vector.load %arg14[%get3A_58, %get3A_59] : memref<64x128xf32, #tpu.memory_space<vmem>>, vector<64x128xf32>
      %add3A_61 = arith.addf %get3A_60, %dot_general3A_38 : vector<64x128xf32>
      %swap3A_62 = arith.constant 0 : index
      %swap3A_63 = arith.constant 0 : index
      %swap3A_64 = vector.load %arg14[%swap3A_62, %swap3A_63] : memref<64x128xf32, #tpu.memory_space<vmem>>, vector<64x128xf32>
      tpu.vector_store %arg14[%swap3A_62, %swap3A_63], %add3A_61 {strides = array<i32>} : memref<64x128xf32, #tpu.memory_space<vmem>>, vector<64x128xf32>,
    } else {
    }
    %eq3A_47 = arith.constant 1 : i32
    %eq3A_48 = arith.cmpi eq, %arg0, %eq3A_47 : i32
    %convert_element_type3A_49 = arith.extui %eq3A_48 : i1 to i32
    %cond3A_50 = arith.constant 0 : i32
    %cond3A_51 = arith.cmpi ne, %convert_element_type3A_49, %cond3A_50 : i32
    scf.if %cond3A_51 {
      %get3A_52 = arith.constant 0 : index
      %get3A_53 = arith.constant 0 : index
      %get3A_54 = vector.load %arg13[%get3A_52, %get3A_53] : memref<64x128xf32, #tpu.memory_space<vmem>>, vector<64x128xf32>
      %get3A_55 = arith.constant 0 : index
      %get3A_56 = arith.constant 0 : index
      %get3A_57 = vector.load %arg14[%get3A_55, %get3A_56] : memref<64x128xf32, #tpu.memory_space<vmem>>, vector<64x128xf32>
      %max3A_58 = arith.constant 1.000000e+00 : f32
      %max3A_59 = vector.broadcast %max3A_58 : f32 to vector<64x128xf32>
      %max3A_60 = arith.maximumf %get3A_57, %max3A_59 : vector<64x128xf32>
      %div3A = arith.divf %get3A_54, %max3A_60 : vector<64x128xf32>
      %get3A_61 = arith.constant 0 : index
      %get3A_62 = arith.constant 0 : index
      %get3A_63 = vector.load %arg8[%get3A_61, %get3A_62] : memref<128x128xf32, #tpu.memory_space<vmem>>, vector<128x128xf32>
      %dot_general3A_64 = arith.constant dense<0.000000e+00> : vector<64x128xf32>
      %dot_general3A_65 = tpu.matmul %div3A, %get3A_63, %dot_general3A_64 {dimension_numbers = #tpu.dot_dimension_numbers<[1], [0], [0], [1], [0, 0, 1, 1], [], []>, transpose_lhs_hint = false} : vector<64x128xf32>, vector<128x128xf32>, vector<64x128xf32> -> vector<64x128xf32>
      %get3A_66 = arith.constant 0 : index
      %get3A_67 = arith.constant 0 : index
      %get3A_68 = vector.load %arg9[%get3A_66, %get3A_67] : memref<1x128xf32, #tpu.memory_space<vmem>>, vector<1x128xf32>
      %add3A_69 = vector.broadcast %get3A_68 : vector<1x128xf32> to vector<64x128xf32>
      %add3A_70 = arith.addf %dot_general3A_65, %add3A_69 : vector<64x128xf32>
      %max3A_71 = arith.constant 0.000000e+00 : f32
      %max3A_72 = vector.broadcast %max3A_71 : f32 to vector<64x128xf32>
      %max3A_73 = arith.maximumf %add3A_70, %max3A_72 : vector<64x128xf32>
      %get3A_74 = arith.constant 0 : index
      %get3A_75 = arith.constant 0 : index
      %get3A_76 = vector.load %arg10[%get3A_74, %get3A_75] : memref<128x10xf32, #tpu.memory_space<vmem>>, vector<128x10xf32>
      %dot_general3A_77 = arith.constant dense<0.000000e+00> : vector<64x10xf32>
      %dot_general3A_78 = tpu.matmul %max3A_73, %get3A_76, %dot_general3A_77 {dimension_numbers = #tpu.dot_dimension_numbers<[1], [0], [0], [1], [0, 0, 1, 1], [], []>, transpose_lhs_hint = false} : vector<64x128xf32>, vector<128x10xf32>, vector<64x10xf32> -> vector<64x10xf32>
      %get3A_79 = arith.constant 0 : index
      %get3A_80 = arith.constant 0 : index
      %get3A_81 = vector.load %arg11[%get3A_79, %get3A_80] : memref<1x10xf32, #tpu.memory_space<vmem>>, vector<1x10xf32>
      %add3A_82 = vector.broadcast %get3A_81 : vector<1x10xf32> to vector<64x10xf32>
      %add3A_83 = arith.addf %dot_general3A_78, %add3A_82 : vector<64x10xf32>
      %swap3A = arith.constant 0 : index
      %swap3A_84 = arith.constant 0 : index
      %swap3A_85 = vector.load %arg12[%swap3A, %swap3A_84] : memref<64x10xf32, #tpu.memory_space<vmem>>, vector<64x10xf32>
      tpu.vector_store %arg12[%swap3A, %swap3A_84], %add3A_83 {strides = array<i32>} : memref<64x10xf32, #tpu.memory_space<vmem>>, vector<64x10xf32>,
    } else {
    }
    return
  }
  func.func @transform_0(%arg0: i32) -> (i32, i32, i32) {
    %c0_i32 = arith.constant 0 : i32
    %c0_i32_0 = arith.constant 0 : i32
    %c0_i32_1 = arith.constant 0 : i32
    return %c0_i32, %arg0, %c0_i32_0 : i32, i32, i32
  }
  func.func @transform_1(%arg0: i32) -> (i32, i32) {
    %c0_i32 = arith.constant 0 : i32
    %c0_i32_0 = arith.constant 0 : i32
    return %arg0, %c0_i32 : i32, i32
  }
  func.func @transform_2(%arg0: i32) -> (i32, i32) {
    %c0_i32 = arith.constant 0 : i32
    %c0_i32_0 = arith.constant 0 : i32
    return %arg0, %c0_i32 : i32, i32
  }
  func.func @transform_3(%arg0: i32) -> (i32, i32, i32) {
    %c0_i32 = arith.constant 0 : i32
    %c0_i32_0 = arith.constant 0 : i32
    %c0_i32_1 = arith.constant 0 : i32
    return %arg0, %c0_i32, %c0_i32_0 : i32, i32, i32
  }
  func.func @transform_4(%arg0: i32) -> (i32, i32) {
    %c0_i32 = arith.constant 0 : i32
    %c0_i32_0 = arith.constant 0 : i32
    %c0_i32_1 = arith.constant 0 : i32
    return %c0_i32, %c0_i32_0 : i32, i32
  }
  func.func @transform_5(%arg0: i32) -> (i32, i32) {
    %c0_i32 = arith.constant 0 : i32
    %c0_i32_0 = arith.constant 0 : i32
    %c0_i32_1 = arith.constant 0 : i32
    return %c0_i32, %c0_i32_0 : i32, i32
  }
  func.func @transform_6(%arg0: i32) -> (i32, i32) {
    %c0_i32 = arith.constant 0 : i32
    %c0_i32_0 = arith.constant 0 : i32
    %c0_i32_1 = arith.constant 0 : i32
    return %c0_i32, %c0_i32_0 : i32, i32
  }
  func.func @transform_7(%arg0: i32) -> (i32, i32) {
    %c0_i32 = arith.constant 0 : i32
    %c0_i32_0 = arith.constant 0 : i32
    %c0_i32_1 = arith.constant 0 : i32
    return %c0_i32, %c0_i32_0 : i32, i32
  }
  func.func @transform_8(%arg0: i32) -> (i32, i32) {
    %c0_i32 = arith.constant 0 : i32
    %c0_i32_0 = arith.constant 0 : i32
    %c0_i32_1 = arith.constant 0 : i32
    return %c0_i32, %c0_i32_0 : i32, i32
  }
  func.func @transform_9(%arg0: i32) -> (i32, i32) {
    %c0_i32 = arith.constant 0 : i32
    %c0_i32_0 = arith.constant 0 : i32
    %c0_i32_1 = arith.constant 0 : i32
    return %c0_i32, %c0_i32_0 : i32, i32
  }
  func.func @transform_10(%arg0: i32) -> (i32, i32) {
    %c0_i32 = arith.constant 0 : i32
    %c0_i32_0 = arith.constant 0 : i32
    %c0_i32_1 = arith.constant 0 : i32
    return %c0_i32, %c0_i32_0 : i32, i32
  }
  func.func @transform_11(%arg0: i32) -> (i32, i32) {
    %c0_i32 = arith.constant 0 : i32
    %c0_i32_0 = arith.constant 0 : i32
    %c0_i32_1 = arith.constant 0 : i32
    return %c0_i32, %c0_i32_0 : i32, i32
  }
}

</mosaic_0001>

<sc_bundles>
// kernel: kernel.16.cloned.1.call-start
scs
__scs_entry_jumppad:
0x0: {  	(pc) =	sbr.rel $0x88, $3  }
0x1: {  	(tag) =	ssettag $0x0;
	lr =	simm.s32 $0x1  }
0x2: {  	[smem:$0x3F7F] =	sst lr;
	_ =	strace $0xD0000000  }
0x3: {  	_ = 	snop  }
0x4: {  	_ = 	snop  }
0x5: {  	_ = 	snop  }
0x6: {  	_ = 	snop  }
0x7: {  	_ = 	snop  }
__scs_overlays_trampoline_lowered:
0x8: {  	[smem:$0x3F8E] =	sst s0  }
0x9: {  	[smem:$0x3F8F] =	sst s1  }
0xa: {  	[smem:$0x3F90] =	sst s2  }
0xb: {  	[smem:$0x3F91] =	sst s3  }
0xc: {  	[smem:$0x3F92] =	sst s4  }
0xd: {  	[smem:$0x3F93] =	sst s5  }
0xe: {  	[smem:$0x3F94] =	sst s6  }
0xf: {  	[smem:$0x3F95] =	sst s7  }
0x10: {  	[smem:$0x3F96] =	sst s8  }
0x11: {  	[smem:$0x3F97] =	sst s9;
	s0 =	simm.s32 @!p0 $0x0  }
0x12: {  	s1 =	sld [smem:$0x3F7D];
	s0 =	simm.s32 @p0 $0x1  }
0x13: {  	[smem:$0x3F98] =	sst s0;
	s0 =	simm.s32 @!p1 $0x0  }
0x14: {  	s2 =	sld [smem:$0x3F7C];
	s0 =	simm.s32 @p1 $0x1  }
0x15: {  	[smem:$0x3F99] =	sst s0;
	s0 =	simm.s32 @!p2 $0x0  }
0x16: {  	s3 =	sld [smem:$0x3FDB];
	s0 =	simm.s32 @p2 $0x1  }
0x17: {  	s4 =	simm.s32 $0x1BF5;
	[smem:$0x3F9B] =	sst s0  }
0x18: {  	s0 =	sld [smem:$0x3F7E];
	_ =	swait.ge [sflag:s4], $0x0  }
0x19: {  	s7 =	sld [smem:$0x3F7F]  }
0x1a: {  	s8 =	sadd.s32 $0xFFFFE003, lr  }
0x1b: {  	s9 =	sadd.s32 $0xFFFFFEF7, lr;
	s5 =	simm.s32 $0xFFFFFFFF;
	p2 =	slt.u32 s8, $0xFFFFF086  }
0x1c: {  	p1 =	slt.u32 s9, $0xF7A;
	s5 =	simm.s32 @!p2 $0x0  }
0x1d: {  	s5 =	simm.s32 @p1 $0x1;
	p0 =	seq.s32 s7, s2  }
0x1e: {  	s7 =	smul.u32 @!p0 $0xF7A, s2;
	p2 =	seq.s32 @!p0 s5, $0x0  }
0x1f: {  	s9 =	smul.u32 $0xF7A, s1;
	s8 =	simm.s32 @!p0 $0x1BF5;
	p2 =	por !p2, p0  }
0x20: {  	[sflag:s8] =	ssyncset.s32 @!p0 $0xFFFFF086;
	s6 =	sadd.s32 @!p0 s3, s7;
	s7 =	simm.s32 @!p0 $0x108  }
0x21: {  	s3 =	sadd.s32 s3, s9;
	s6 =	sadd.s32 @!p0 $0x88, s6;
	s7 =	simm.s32 @p2 $0x1082  }
0x22: {  	[simem:s7], [sflag:s8] =	dma.local @!p0 [hbm:s6], $0xF7A  }
0x23: {  	s9 =	sor.u32 $0xD0000000, s2;
	s6 =	simm.s32 $0x108;
	_ =	swait.ge @!p0 [sflag:s8], $0x0  }
0x24: {  	s3 =	sadd.s32 $0x88, s3;
	s6 =	simm.s32 @!p1 $0x1082;
	[sflag:s4] =	ssyncset.s32 $0xFFFFF086  }
0x25: {  	[simem:s6], [sflag:s4] =	dma.local [hbm:s3], $0xF7A  }
0x26: {  	[smem:$0x3F7F] =	sst s1;
	(tag) =	ssettag s2;
	_ =	strace s9  }
0x27: {  	s1 =	sld [smem:$0x3F8F]  }
0x28: {  	s2 =	sld [smem:$0x3F90]  }
0x29: {  	s4 =	sld [smem:$0x3F92]  }
0x2a: {  	p0 =	seq.s32 s5, $0x0;
	s5 =	sld [smem:$0x3F93]  }
0x2b: {  	s6 =	sld [smem:$0x3F94]  }
0x2c: {  	s7 =	sld [smem:$0x3F95]  }
0x2d: {  	s3 =	simm.s32 $0x108;
	s8 =	sld [smem:$0x3F96]  }
0x2e: {  	s3 =	simm.s32 @!p0 $0x1082;
	s9 =	sld [smem:$0x3F97]  }
0x2f: {  	lr =	sadd.s32 s0, s3;
	s0 =	sld [smem:$0x3F8E]  }
0x30: {  	s3 =	sld [smem:$0x3F91]  }
0x31: {  	[smem:$0x3F9A] =	sst s10  }
0x32: {  	s10 =	sld [smem:$0x3F98];
	_ =	sdelay $0x3  }
0x33: {  	p0 =	seq.s32 s10, $0x1;
	s10 =	sld [smem:$0x3F9A];
	_ =	sdelay $0x3  }
0x34: {  	[smem:$0x3F9A] =	sst s10  }
0x35: {  	s10 =	sld [smem:$0x3F99];
	_ =	sdelay $0x3  }
0x36: {  	p1 =	seq.s32 s10, $0x1;
	s10 =	sld [smem:$0x3F9A];
	_ =	sdelay $0x3  }
0x37: {  	[smem:$0x3F9A] =	sst s10  }
0x38: {  	s10 =	sld [smem:$0x3F9B]  }
0x39: {  	_ = 	snop;
	(pc) =	sbr.ind lr, $3  }
0x3a: {  	_ = 	snop  }
0x3b: {  	_ = 	snop  }
0x3c: {  	p2 =	seq.s32 s10, $0x1;
	s10 =	sld [smem:$0x3F9A]  }
0x3d: {  	_ =	shalt  }
0x3e: {  	_ =	shalt  }
0x3f: {  	_ =	shalt  }
0x40: {  	_ =	shalt  }
0x41: {  	_ =	shalt  }
0x42: {  	_ =	shalt  }
0x43: {  	_ =	shalt  }
0x44: {  	_ =	shalt  }
0x45: {  	_ =	shalt  }
0x46: {  	_ =	shalt  }
0x47: {  	_ =	shalt  }
0x48: {  	_ =	shalt  }
0x49: {  	_ =	shalt  }
0x4a: {  	_ =	shalt  }
0x4b: {  	_ =	shalt  }
0x4c: {  	_ =	shalt  }
0x4d: {  	_ =	shalt  }
0x4e: {  	_ =	shalt  }
0x4f: {  	_ =	shalt  }
0x50: {  	_ =	shalt  }
0x51: {  	_ =	shalt  }
0x52: {  	_ =	shalt  }
0x53: {  	_ =	shalt  }
0x54: {  	_ =	shalt  }
0x55: {  	_ =	shalt  }
0x56: {  	_ =	shalt  }
0x57: {  	_ =	shalt  }
0x58: {  	_ =	shalt  }
0x59: {  	_ =	shalt  }
0x5a: {  	_ =	shalt  }
0x5b: {  	_ =	shalt  }
0x5c: {  	_ =	shalt  }
0x5d: {  	_ =	shalt  }
0x5e: {  	_ =	shalt  }
0x5f: {  	_ =	shalt  }
0x60: {  	_ =	shalt  }
0x61: {  	_ =	shalt  }
0x62: {  	_ =	shalt  }
0x63: {  	_ =	shalt  }
0x64: {  	_ =	shalt  }
0x65: {  	_ =	shalt  }
0x66: {  	_ =	shalt  }
0x67: {  	_ =	shalt  }
0x68: {  	_ =	shalt  }
0x69: {  	_ =	shalt  }
0x6a: {  	_ =	shalt  }
0x6b: {  	_ =	shalt  }
0x6c: {  	_ =	shalt  }
0x6d: {  	_ =	shalt  }
0x6e: {  	_ =	shalt  }
0x6f: {  	_ =	shalt  }
0x70: {  	_ =	shalt  }
0x71: {  	_ =	shalt  }
0x72: {  	_ =	shalt  }
0x73: {  	_ =	shalt  }
0x74: {  	_ =	shalt  }
0x75: {  	_ =	shalt  }
0x76: {  	_ =	shalt  }
0x77: {  	_ =	shalt  }
0x78: {  	_ =	shalt  }
0x79: {  	_ =	shalt  }
0x7a: {  	_ =	shalt  }
0x7b: {  	_ =	shalt  }
0x7c: {  	_ =	shalt  }
0x7d: {  	_ =	shalt  }
0x7e: {  	_ =	shalt  }
0x7f: {  	_ =	shalt  }
0x80: {  	_ =	shalt  }
0x81: {  	_ =	shalt  }
0x82: {  	_ =	shalt  }
0x83: {  	_ =	shalt  }
0x84: {  	_ =	shalt  }
0x85: {  	_ =	shalt  }
0x86: {  	_ =	shalt  }
0x87: {  	_ =	shalt  }
.Lfunc_end0:
.L_simem_size_0:
called_computation_lowered:
.L_overlay_start_0:
0x88: {  	s2 =	sld [smem:$0x3FD9]  }
0x89: {  	s3 =	sld [smem:$0x3FFE];
	_ =	sdelay $0x1  }
0x8a: {  	s1 =	srdreg.scid  }
0x8b: {  	s0 =	sand.u32 $0x1, s1  }
0x8c: {  	s16 =	sshll.u32 s0, $0xA;
	s2 =	sadd.s32 s3, s2  }
0x8d: {  	s2 =	sadd.s32 s2, s16  }
0x8e: {  	[smem:$0x3FA6] =	sst s2  }
0x8f: {  	_ = 	snop  }
0x90: {  	(tm) =	ssettm $0x1  }
0x91: {  	s17 =	sld [smem:$0x3FFB];
	_ =	sdelay $0x3  }
0x92: {  	_ =	strace s17  }
0x93: {  	s2 =	sld [smem:$0x3FFC];
	_ =	sdelay $0x3  }
0x94: {  	_ =	strace s2  }
0x95: {  	s2 =	sld [smem:$0x3FFD];
	_ =	sdelay $0x3  }
0x96: {  	_ =	strace s2  }
0x97: {  	_ =	strace $0x8FFFFFFF  }
0x98: {  	s18 =	sld [smem:$0x3FDB];
	_ =	sdelay $0x1  }
0x99: {  	s19 =	simm.s32 $_scs_section_size  }
0x9a: {  	s4 =	simm.s32 $_size__tile_overlayer_lowered;
	s5 =	simm.s32 $_tile_overlayer_lowered  }
0x9b: {  	s22 =	simm.s32 $0x1BFF;
	s21 =	sshll.u32 s5, $0x1;
	s2 =	sadd.s32 s19, s18  }
0x9c: {  	s6 =	simm.s32 $0x0;
	s20 =	sshll.u32 s4, $0x1;
	s4 =	sadd.s32 s21, s2  }
0x9d: {  	[timem:s6], [sflag:s22] =	dma.local [hbm:s4], s20  }
0x9e: {  	_ =	swait.ge [sflag:s22], s20  }
0x9f: {  	s3 =	ssub.s32 $0x0, s20;
	[sflag:s22] =	ssyncset.done $0x0  }
0xa0: {  	[sflag:s22] =	ssyncadd.s32 s3;
	_ =	sdelay $0x1  }
0xa1: {  	s23 =	simm.s32 $0x1B8B  }
0xa2: {  	_ =	swait.ge [sflag:s23], $0x1  }
0xa3: {  	[sflag:s23] =	ssyncset.done $0x0  }
0xa4: {  	s25 =	simm.s32 $0x1B8E;
	s24 =	sld [smem:$0x3FFE];
	[sflag:s23] =	ssyncadd.s32 $0xFFFFFFFF  }
0xa5: {  	s26 =	simm.s32 $execute0_lowered;
	[smem:$0x3FD2] =	sst s25  }
0xa6: {  	s4 =	sshll.u32 s26, $0x1;
	_ =	strace $0x80000046;
	[dreg:$0x1] =	wrdreg $0xFFFFFFFF  }
0xa7: {  	s28 =	simm.s32 $_size_execute0_lowered;
	s2 =	sadd.s32 s2, s4;
	[dreg:$0x0] =	wrdreg $0x0  }
0xa8: {  	s4 =	sshll.u32 s28, $0x1;
	[dreg:$0x2] =	wrdreg s2  }
0xa9: {  	[dreg:$0x3] =	wrdreg s4  }
0xaa: {  	[dreg:$0x4] =	wrdreg $0xC0  }
0xab: {  	_ =	task [dreg:s6], $0x5FFFF  }
0xac: {  	[dreg:$0x1] =	wrdreg $0xFFFFFFFF  }
0xad: {  	[dreg:$0x0] =	wrdreg $0x60  }
0xae: {  	[dreg:$0x2] =	wrdreg s24  }
0xaf: {  	[dreg:$0x3] =	wrdreg $0x9  }
0xb0: {  	_ =	task.clear_ibuf [dreg:s6], $0x4FFFF;
	_ =	strace $0x90000046  }
0xb1: {  	s29 =	simm.s32 $0x9;
	_ =	strace $0x80000048  }
0xb2: {  	_ =	swait.ge [sflag:s29], $0x1  }
0xb3: {  	[sflag:s29] =	ssyncadd.s32 $0xFFFFFFFF  }
0xb4: {  	_ =	strace $0x90000048  }
0xb5: {  	_ =	sfence  }
0xb6: {  	s30 =	sld [smem:$0x0];
	_ =	sdelay $0x2  }
0xb7: {  	s31 =	sshll.u32 s1, $0xD;
	s1 =	sshrl.u32 s1, $0x2  }
0xb8: {  	s3 =	sand.u32 $0x4000, s31;
	s1 =	sadd.s32 s1, s30  }
0xb9: {  	s0 =	sor.u32 s3, s0;
	s1 =	sshll.u32 s1, $0x11  }
0xba: {  	s0 =	sor.u32 s1, s0  }
0xbb: {  	s0 =	sadd.s32 $0x8F2B, s0  }
0xbc: {  	[sflag:s0] =	ssyncadd.remote.s32 $0x1  }
0xbd: {  	_ =	sfence.sel $0xFFFF  }
0xbe: {  	[dreg:$0x0] =	wrdreg $0xFFFFFFFF;
	(pc) =	sbr.abs _section_cstart, $3  }
0xbf: {  	[dreg:$0x1] =	wrdreg $0xFFFFFFFF  }
0xc0: {  	_ =	task.clear_ibuf [dreg:s6], $0x2FFFF;
	_ =	strace $0x9FFFFFFF  }
0xc1: {  	(tm) =	ssettm $0x7FFFFFFF  }
tec
execute0_lowered:
.L_overlay_start_1:
0x0: {  	(tag) =	ssettag $0x1  }
0x1: {  	s0 =	srdreg.scid  }
0x2: {  	s3 =	sand.u32 $0x1, s0  }
0x3: {  	s0 =	stileid.u32;
	s1 =	sshll.u32 s3, $0x4  }
0x4: {  	s4 =	rddreg [dreg:$0x0];
	s5 =	sor.u32 s0, s1  }
0x5: {  	s2 =	simm.s32 $0x0;
	s8 =	simm.s32 $0x2710;
	s6 =	smul.u32 $0x1388, s5  }
0x6: {  	s9 =	simm.s32 $0x3A98;
	[smem:$0x7FF] =	sst s2;
	s5 =	smul.u32 $0x2710, s5  }
0x7: {  	s10 =	simm.s32 $0x0;
	s3 =	ssub.s32 $0x2, s3;
	s1 =	rddreg [dreg:$0x1]  }
0x8: {  	_ =	strace $0x80000047;
	s6 =	sshrl.u32 s6, $0x3;
	s5 =	sshrl.u32 s5, $0x3  }
0x9: {  	s7 =	sshrl.u32 s3, $0x1;
	s6 =	sadd.s32 s6, s4;
	s4 =	sadd.s32 s4, s5  }
0xa: {  	s7 =	ssub.s32 s3, s7;
	s3 =	sadd.s32 $0x11C40, s4;
	s4 =	sadd.s32 $0x1BA00, s6  }
0xb: {  	v0 =	vimm.f32 $0.0e+00;
	v1 =	vimm.f32 $1.000000000e+00;
	s5 =	sadd.s32 $0x20820, s6;
	s6 =	smax.u32 s7, $0x1;
	s7 =	simm.s32 $0x1  }
.LBB2_1:
0xc: {  	[tilespmem:s2], [sflag:$0x1] =	stream.linear.gather [hbm4b:s3+s2], $0x2710, $0x38;
	[tilespmem:$0x4E20] =	vst v63  }
0xd: {  	_ =	swait.ge [sflag:s7], $0x2710  }
0xe: {  	[sflag:s7] =	ssyncset.done $0x0  }
0xf: {  	s12 =	simm.s32 $0x100;
	s11 =	simm.s32 $0x0;
	[sflag:s7] =	ssyncadd.s32 $0xFFFFD8F0  }
.LBB2_2:
0x10: {  	p0 =	sne.s32 s12, $0x9B00;
	[tilespmem:s11+$0x2740] =	vst v0;
	s13 =	smov.u32 s12;
	s12 =	sadd.s32 $0x100, s12  }
.Ltmp0:
0x11: {  	[tilespmem:s11+$0x2730] =	vst v0;
	(pc) =	sbr.rel @p0 .LBB2_2-.Ltmp0, $3  }
0x12: {  	[tilespmem:s11+$0x2710] =	vst v0  }
0x13: {  	[tilespmem:s11+$0x2720] =	vst v0;
	_ =	sdelay $0x1  }
0x14: {  	s11 =	sshra.s32 s13, $0x2  }
0x15: {  	[tilespmem:s11+$0x2740] =	vst v0  }
0x16: {  	[tilespmem:s11+$0x2730] =	vst v0  }
0x17: {  	[tilespmem:s11+$0x2710] =	vst v0  }
0x18: {  	[tilespmem:s11+$0x2720] =	vst v0  }
0x19: {  	s11 =	simm.s32 $0x0;
	[tilespmem:$0x4E10] =	vst v0  }
.LBB2_4:
0x1a: {  	s12 =	sshra.s32 s11, $0x2  }
0x1b: {  	v2 =	vld [tilespmem:s12+$0x0];
	_ =	sdelay $0x7  }
0x1c: {  	[tilespmem:v2+s8+$0x0] =	vst.idx.add.f32.msk $0xffff, v1  }
0x1d: {  	v2 =	vld [tilespmem:s12+$0x10];
	_ =	sdelay $0x7  }
0x1e: {  	[tilespmem:v2+s8+$0x0] =	vst.idx.add.f32.msk $0xffff, v1  }
0x1f: {  	v2 =	vld [tilespmem:s12+$0x20];
	_ =	sdelay $0x7  }
0x20: {  	[tilespmem:v2+s8+$0x0] =	vst.idx.add.f32.msk $0xffff, v1  }
0x21: {  	v2 =	vld [tilespmem:s12+$0x30];
	_ =	sdelay $0x2  }
0x22: {  	p0 =	sne.s32 s11, $0x9B00  }
.Ltmp1:
0x23: {  	_ = 	snop;
	(pc) =	sbr.rel @p0 .LBB2_4-.Ltmp1, $2  }
0x24: {  	_ =	sdelay $0x2  }
0x25: {  	s11 =	sadd.s32 $0x100, s11;
	[tilespmem:v2+s8+$0x0] =	vst.idx.add.f32.msk $0xffff, v1  }
0x26: {  	v2 =	vld [tilespmem:$0x2700];
	_ =	sdelay $0x7  }
0x27: {  	[tilespmem:v2+s8+$0x0] =	vst.idx.add.f32.msk $0xffff, v1  }
0x28: {  	[hbm4b:s4+s2] =	stream.linear.scatter [tilespmem:s8], [sflag:$0x1], $0x1388, $0x38;
	[tilespmem:$0x4E20] =	vst v63  }
0x29: {  	s10 =	sadd.s32 $0x1, s10;
	_ =	swait.ge [sflag:s7], $0x1388  }
0x2a: {  	p0 =	sne.s32 s10, s6;
	[sflag:s7] =	ssyncset.done $0x0  }
.Ltmp2:
0x2b: {  	[sflag:s7] =	ssyncadd.s32 $0xFFFFEC78;
	(pc) =	sbr.rel @p0 .LBB2_1-.Ltmp2, $4  }
0x2c: {  	[hbm4b:s5+s2] =	stream.linear.scatter [tilespmem:s9], [sflag:$0x1], $0x1388, $0x38;
	[tilespmem:$0x4E20] =	vst v63  }
0x2d: {  	_ =	swait.ge [sflag:s7], $0x1388  }
0x2e: {  	[sflag:s7] =	ssyncset.done $0x0  }
0x2f: {  	[sflag:s7] =	ssyncadd.s32 $0xFFFFEC78  }
0x30: {  	_ =	sfence.sel $0x180000  }
0x31: {  	[bflag:$0x0] =	sbarrier.arrive $0xFFFF  }
0x32: {  	p0 =	sne.s32 s0, $0x0;
	_ =	strace $0x90000047  }
0x33: {  	s0 =	sadd.s32 @!p0 $0x100000, s1;
	[bflag:$0x2] =	sbarrier.arrive $0xFFFF  }
0x34: {  	[sflag:s0] =	ssyncadd.tile.s32 @!p0 $0x1;
	_ =	shalt  }
.Lfunc_end2:
_tile_overlayer_lowered:
.L_overlay_start_2:
0x35: {  	(tag) =	ssettag $0x2  }
0x36: {  	s0 =	rddreg [dreg:$0x0];
	s2 =	stileid.u32  }
0x37: {  	s1 =	rddreg [dreg:$0x1];
	p0 =	sne.s32 s2, $0x0  }
0x38: {  	s3 =	rddreg [dreg:$0x2];
	[bflag:$0x3] =	sbarrier.arrive $0xFFFF;
	s2 =	simm.s32 @!p0 $0x1C01  }
0x39: {  	[timem:s3], [sflag:s2] =	dma.local @!p0 [hbm:s0], s1  }
0x3a: {  	s0 =	simm.s32 @!p0 $0x1  }
0x3b: {  	_ =	swait.ge @!p0 [sflag:s0], s1  }
0x3c: {  	s1 =	ssub.s32 @!p0 $0x0, s1;
	[sflag:s0] =	ssyncset.done @!p0 $0x0  }
0x3d: {  	[sflag:s0] =	ssyncadd.s32 @!p0 s1  }
0x3e: {  	[bflag:$0x3] =	sbarrier.arrive $0xFFFF  }
0x3f: {  	_ =	shalt  }

// kernel: kernel.19.cloned.1.call-start
scs
__scs_entry_jumppad:
0x0: {  	(pc) =	sbr.rel $0x88, $3  }
0x1: {  	(tag) =	ssettag $0x0;
	lr =	simm.s32 $0x1  }
0x2: {  	[smem:$0x3F7F] =	sst lr;
	_ =	strace $0xD0000000  }
0x3: {  	_ = 	snop  }
0x4: {  	_ = 	snop  }
0x5: {  	_ = 	snop  }
0x6: {  	_ = 	snop  }
0x7: {  	_ = 	snop  }
__scs_overlays_trampoline_lowered:
0x8: {  	[smem:$0x3F8E] =	sst s0  }
0x9: {  	[smem:$0x3F8F] =	sst s1  }
0xa: {  	[smem:$0x3F90] =	sst s2  }
0xb: {  	[smem:$0x3F91] =	sst s3  }
0xc: {  	[smem:$0x3F92] =	sst s4  }
0xd: {  	[smem:$0x3F93] =	sst s5  }
0xe: {  	[smem:$0x3F94] =	sst s6  }
0xf: {  	[smem:$0x3F95] =	sst s7  }
0x10: {  	[smem:$0x3F96] =	sst s8  }
0x11: {  	[smem:$0x3F97] =	sst s9;
	s0 =	simm.s32 @!p0 $0x0  }
0x12: {  	s1 =	sld [smem:$0x3F7D];
	s0 =	simm.s32 @p0 $0x1  }
0x13: {  	[smem:$0x3F98] =	sst s0;
	s0 =	simm.s32 @!p1 $0x0  }
0x14: {  	s2 =	sld [smem:$0x3F7C];
	s0 =	simm.s32 @p1 $0x1  }
0x15: {  	[smem:$0x3F99] =	sst s0;
	s0 =	simm.s32 @!p2 $0x0  }
0x16: {  	s3 =	sld [smem:$0x3FDB];
	s0 =	simm.s32 @p2 $0x1  }
0x17: {  	s4 =	simm.s32 $0x1BF5;
	[smem:$0x3F9B] =	sst s0  }
0x18: {  	s0 =	sld [smem:$0x3F7E];
	_ =	swait.ge [sflag:s4], $0x0  }
0x19: {  	s7 =	sld [smem:$0x3F7F]  }
0x1a: {  	s8 =	sadd.s32 $0xFFFFE003, lr  }
0x1b: {  	s9 =	sadd.s32 $0xFFFFFEF7, lr;
	s5 =	simm.s32 $0xFFFFFFFF;
	p2 =	slt.u32 s8, $0xFFFFF086  }
0x1c: {  	p1 =	slt.u32 s9, $0xF7A;
	s5 =	simm.s32 @!p2 $0x0  }
0x1d: {  	s5 =	simm.s32 @p1 $0x1;
	p0 =	seq.s32 s7, s2  }
0x1e: {  	s7 =	smul.u32 @!p0 $0xF7A, s2;
	p2 =	seq.s32 @!p0 s5, $0x0  }
0x1f: {  	s9 =	smul.u32 $0xF7A, s1;
	s8 =	simm.s32 @!p0 $0x1BF5;
	p2 =	por !p2, p0  }
0x20: {  	[sflag:s8] =	ssyncset.s32 @!p0 $0xFFFFF086;
	s6 =	sadd.s32 @!p0 s3, s7;
	s7 =	simm.s32 @!p0 $0x108  }
0x21: {  	s3 =	sadd.s32 s3, s9;
	s6 =	sadd.s32 @!p0 $0x88, s6;
	s7 =	simm.s32 @p2 $0x1082  }
0x22: {  	[simem:s7], [sflag:s8] =	dma.local @!p0 [hbm:s6], $0xF7A  }
0x23: {  	s9 =	sor.u32 $0xD0000000, s2;
	s6 =	simm.s32 $0x108;
	_ =	swait.ge @!p0 [sflag:s8], $0x0  }
0x24: {  	s3 =	sadd.s32 $0x88, s3;
	s6 =	simm.s32 @!p1 $0x1082;
	[sflag:s4] =	ssyncset.s32 $0xFFFFF086  }
0x25: {  	[simem:s6], [sflag:s4] =	dma.local [hbm:s3], $0xF7A  }
0x26: {  	[smem:$0x3F7F] =	sst s1;
	(tag) =	ssettag s2;
	_ =	strace s9  }
0x27: {  	s1 =	sld [smem:$0x3F8F]  }
0x28: {  	s2 =	sld [smem:$0x3F90]  }
0x29: {  	s4 =	sld [smem:$0x3F92]  }
0x2a: {  	p0 =	seq.s32 s5, $0x0;
	s5 =	sld [smem:$0x3F93]  }
0x2b: {  	s6 =	sld [smem:$0x3F94]  }
0x2c: {  	s7 =	sld [smem:$0x3F95]  }
0x2d: {  	s3 =	simm.s32 $0x108;
	s8 =	sld [smem:$0x3F96]  }
0x2e: {  	s3 =	simm.s32 @!p0 $0x1082;
	s9 =	sld [smem:$0x3F97]  }
0x2f: {  	lr =	sadd.s32 s0, s3;
	s0 =	sld [smem:$0x3F8E]  }
0x30: {  	s3 =	sld [smem:$0x3F91]  }
0x31: {  	[smem:$0x3F9A] =	sst s10  }
0x32: {  	s10 =	sld [smem:$0x3F98];
	_ =	sdelay $0x3  }
0x33: {  	p0 =	seq.s32 s10, $0x1;
	s10 =	sld [smem:$0x3F9A];
	_ =	sdelay $0x3  }
0x34: {  	[smem:$0x3F9A] =	sst s10  }
0x35: {  	s10 =	sld [smem:$0x3F99];
	_ =	sdelay $0x3  }
0x36: {  	p1 =	seq.s32 s10, $0x1;
	s10 =	sld [smem:$0x3F9A];
	_ =	sdelay $0x3  }
0x37: {  	[smem:$0x3F9A] =	sst s10  }
0x38: {  	s10 =	sld [smem:$0x3F9B]  }
0x39: {  	_ = 	snop;
	(pc) =	sbr.ind lr, $3  }
0x3a: {  	_ = 	snop  }
0x3b: {  	_ = 	snop  }
0x3c: {  	p2 =	seq.s32 s10, $0x1;
	s10 =	sld [smem:$0x3F9A]  }
0x3d: {  	_ =	shalt  }
0x3e: {  	_ =	shalt  }
0x3f: {  	_ =	shalt  }
0x40: {  	_ =	shalt  }
0x41: {  	_ =	shalt  }
0x42: {  	_ =	shalt  }
0x43: {  	_ =	shalt  }
0x44: {  	_ =	shalt  }
0x45: {  	_ =	shalt  }
0x46: {  	_ =	shalt  }
0x47: {  	_ =	shalt  }
0x48: {  	_ =	shalt  }
0x49: {  	_ =	shalt  }
0x4a: {  	_ =	shalt  }
0x4b: {  	_ =	shalt  }
0x4c: {  	_ =	shalt  }
0x4d: {  	_ =	shalt  }
0x4e: {  	_ =	shalt  }
0x4f: {  	_ =	shalt  }
0x50: {  	_ =	shalt  }
0x51: {  	_ =	shalt  }
0x52: {  	_ =	shalt  }
0x53: {  	_ =	shalt  }
0x54: {  	_ =	shalt  }
0x55: {  	_ =	shalt  }
0x56: {  	_ =	shalt  }
0x57: {  	_ =	shalt  }
0x58: {  	_ =	shalt  }
0x59: {  	_ =	shalt  }
0x5a: {  	_ =	shalt  }
0x5b: {  	_ =	shalt  }
0x5c: {  	_ =	shalt  }
0x5d: {  	_ =	shalt  }
0x5e: {  	_ =	shalt  }
0x5f: {  	_ =	shalt  }
0x60: {  	_ =	shalt  }
0x61: {  	_ =	shalt  }
0x62: {  	_ =	shalt  }
0x63: {  	_ =	shalt  }
0x64: {  	_ =	shalt  }
0x65: {  	_ =	shalt  }
0x66: {  	_ =	shalt  }
0x67: {  	_ =	shalt  }
0x68: {  	_ =	shalt  }
0x69: {  	_ =	shalt  }
0x6a: {  	_ =	shalt  }
0x6b: {  	_ =	shalt  }
0x6c: {  	_ =	shalt  }
0x6d: {  	_ =	shalt  }
0x6e: {  	_ =	shalt  }
0x6f: {  	_ =	shalt  }
0x70: {  	_ =	shalt  }
0x71: {  	_ =	shalt  }
0x72: {  	_ =	shalt  }
0x73: {  	_ =	shalt  }
0x74: {  	_ =	shalt  }
0x75: {  	_ =	shalt  }
0x76: {  	_ =	shalt  }
0x77: {  	_ =	shalt  }
0x78: {  	_ =	shalt  }
0x79: {  	_ =	shalt  }
0x7a: {  	_ =	shalt  }
0x7b: {  	_ =	shalt  }
0x7c: {  	_ =	shalt  }
0x7d: {  	_ =	shalt  }
0x7e: {  	_ =	shalt  }
0x7f: {  	_ =	shalt  }
0x80: {  	_ =	shalt  }
0x81: {  	_ =	shalt  }
0x82: {  	_ =	shalt  }
0x83: {  	_ =	shalt  }
0x84: {  	_ =	shalt  }
0x85: {  	_ =	shalt  }
0x86: {  	_ =	shalt  }
0x87: {  	_ =	shalt  }
.Lfunc_end0:
.L_simem_size_0:
called_computation.1_lowered:
.L_overlay_start_0:
0x88: {  	s2 =	sld [smem:$0x3FD9]  }
0x89: {  	s3 =	sld [smem:$0x3FFE];
	_ =	sdelay $0x1  }
0x8a: {  	s1 =	srdreg.scid  }
0x8b: {  	s0 =	sand.u32 $0x1, s1  }
0x8c: {  	s16 =	sshll.u32 s0, $0xA;
	s2 =	sadd.s32 s3, s2  }
0x8d: {  	s2 =	sadd.s32 s2, s16  }
0x8e: {  	[smem:$0x3FA6] =	sst s2  }
0x8f: {  	_ = 	snop  }
0x90: {  	(tm) =	ssettm $0x1  }
0x91: {  	s17 =	sld [smem:$0x3FFB];
	_ =	sdelay $0x3  }
0x92: {  	_ =	strace s17  }
0x93: {  	s2 =	sld [smem:$0x3FFC];
	_ =	sdelay $0x3  }
0x94: {  	_ =	strace s2  }
0x95: {  	s2 =	sld [smem:$0x3FFD];
	_ =	sdelay $0x3  }
0x96: {  	_ =	strace s2  }
0x97: {  	_ =	strace $0x8FFFFFFF  }
0x98: {  	s18 =	sld [smem:$0x3FDB];
	_ =	sdelay $0x1  }
0x99: {  	s19 =	simm.s32 $_scs_section_size  }
0x9a: {  	s4 =	simm.s32 $_size__tile_overlayer_lowered;
	s5 =	simm.s32 $_tile_overlayer_lowered  }
0x9b: {  	s22 =	simm.s32 $0x1BFF;
	s21 =	sshll.u32 s5, $0x1;
	s2 =	sadd.s32 s19, s18  }
0x9c: {  	s6 =	simm.s32 $0x0;
	s20 =	sshll.u32 s4, $0x1;
	s4 =	sadd.s32 s21, s2  }
0x9d: {  	[timem:s6], [sflag:s22] =	dma.local [hbm:s4], s20  }
0x9e: {  	_ =	swait.ge [sflag:s22], s20  }
0x9f: {  	s3 =	ssub.s32 $0x0, s20;
	[sflag:s22] =	ssyncset.done $0x0  }
0xa0: {  	[sflag:s22] =	ssyncadd.s32 s3;
	_ =	sdelay $0x1  }
0xa1: {  	s23 =	simm.s32 $0x1B8B  }
0xa2: {  	_ =	swait.ge [sflag:s23], $0x1  }
0xa3: {  	[sflag:s23] =	ssyncset.done $0x0  }
0xa4: {  	s25 =	simm.s32 $0x1B8E;
	s24 =	sld [smem:$0x3FFE];
	[sflag:s23] =	ssyncadd.s32 $0xFFFFFFFF  }
0xa5: {  	s26 =	simm.s32 $execute0_lowered;
	[smem:$0x3FD2] =	sst s25  }
0xa6: {  	s4 =	sshll.u32 s26, $0x1;
	_ =	strace $0x80000049;
	[dreg:$0x1] =	wrdreg $0xFFFFFFFF  }
0xa7: {  	s28 =	simm.s32 $_size_execute0_lowered;
	s2 =	sadd.s32 s2, s4;
	[dreg:$0x0] =	wrdreg $0x0  }
0xa8: {  	s4 =	sshll.u32 s28, $0x1;
	[dreg:$0x2] =	wrdreg s2  }
0xa9: {  	[dreg:$0x3] =	wrdreg s4  }
0xaa: {  	[dreg:$0x4] =	wrdreg $0xC0  }
0xab: {  	_ =	task [dreg:s6], $0x5FFFF  }
0xac: {  	[dreg:$0x1] =	wrdreg $0xFFFFFFFF  }
0xad: {  	[dreg:$0x0] =	wrdreg $0x60  }
0xae: {  	[dreg:$0x2] =	wrdreg s24  }
0xaf: {  	[dreg:$0x3] =	wrdreg $0xB2200  }
0xb0: {  	[dreg:$0x4] =	wrdreg $0x9  }
0xb1: {  	_ =	task.clear_ibuf [dreg:s6], $0x5FFFF;
	_ =	strace $0x90000049  }
0xb2: {  	s29 =	simm.s32 $0x9;
	_ =	strace $0x8000004B  }
0xb3: {  	_ =	swait.ge [sflag:s29], $0x1  }
0xb4: {  	[sflag:s29] =	ssyncadd.s32 $0xFFFFFFFF  }
0xb5: {  	_ =	strace $0x9000004B  }
0xb6: {  	_ =	sfence  }
0xb7: {  	s30 =	sld [smem:$0x0];
	_ =	sdelay $0x2  }
0xb8: {  	s31 =	sshll.u32 s1, $0xD;
	s1 =	sshrl.u32 s1, $0x2  }
0xb9: {  	s3 =	sand.u32 $0x4000, s31;
	s1 =	sadd.s32 s1, s30  }
0xba: {  	s0 =	sor.u32 s3, s0;
	s1 =	sshll.u32 s1, $0x11  }
0xbb: {  	s0 =	sor.u32 s1, s0  }
0xbc: {  	s0 =	sadd.s32 $0x8F2B, s0  }
0xbd: {  	[sflag:s0] =	ssyncadd.remote.s32 $0x1  }
0xbe: {  	_ =	sfence.sel $0xFFFF  }
0xbf: {  	[dreg:$0x0] =	wrdreg $0xFFFFFFFF;
	(pc) =	sbr.abs _section_cstart, $3  }
0xc0: {  	[dreg:$0x1] =	wrdreg $0xFFFFFFFF  }
0xc1: {  	_ =	task.clear_ibuf [dreg:s6], $0x2FFFF;
	_ =	strace $0x9FFFFFFF  }
0xc2: {  	(tm) =	ssettm $0x7FFFFFFF  }
0xc3: {  	_ =	shalt  }
tec
execute0_lowered:
.L_overlay_start_1:
0x0: {  	(tag) =	ssettag $0x1  }
0x1: {  	s0 =	srdreg.scid  }
0x2: {  	s9 =	stileid.u32;
	s5 =	rddreg [dreg:$0x0]  }
0x3: {  	s2 =	rddreg [dreg:$0x1];
	s3 =	simm.s32 $0x0;
	s14 =	simm.s32 $0x1  }
0x4: {  	s15 =	simm.s32 $0x2;
	s16 =	simm.s32 $0x3;
	s17 =	simm.s32 $0x28  }
0x5: {  	s18 =	simm.s32 $0x4E20;
	s19 =	simm.s32 $0x6220;
	s21 =	simm.s32 $0x7620  }
0x6: {  	s23 =	simm.s32 $0x8A20;
	s28 =	simm.s32 $0x5;
	s29 =	simm.s32 $0x6  }
0x7: {  	s30 =	simm.s32 $0x7;
	s31 =	simm.s32 $0x8;
	s20 =	simm.s32 $0xB  }
0x8: {  	s22 =	simm.s32 $0x0;
	s0 =	sand.u32 $0x1, s0;
	s8 =	smul.u32 $0x13880, s9  }
0x9: {  	[smem:$0x7FF] =	sst s3;
	s4 =	sadd.s32 $0x1BA00, s5;
	s1 =	sshll.u32 s0, $0x4  }
0xa: {  	s6 =	smul.u32 $0x138800, s0;
	_ =	strace $0x8000004A;
	s0 =	ssub.s32 $0x2, s0  }
0xb: {  	s1 =	sor.u32 s9, s1;
	s7 =	sshrl.u32 s0, $0x1;
	s26 =	sshrl.u32 s8, $0x3  }
0xc: {  	s12 =	sadd.s32 s8, s2;
	s1 =	smul.u32 $0x2710, s1;
	s6 =	sadd.s32 s8, s6  }
0xd: {  	s0 =	ssub.s32 s0, s7;
	s7 =	sshll.u32 s9, $0x6;
	s8 =	sadd.s32 s4, s26  }
0xe: {  	s13 =	sshrl.u32 s12, $0x3;
	s26 =	simm.s32 $0x4;
	s6 =	sshrl.u32 s6, $0x3  }
0xf: {  	s9 =	sor.u32 $0x1C03, s7;
	s11 =	smax.u32 s0, $0x1;
	s1 =	sshrl.u32 s1, $0x3  }
0x10: {  	s0 =	simm.s32 $0xA;
	s10 =	sadd.s32 s6, s5;
	s1 =	sadd.s32 s1, s5  }
0x11: {  	s10 =	sadd.s32 $0x42C00, s10;
	s25 =	sadd.s32 $0x8000, s1;
	s6 =	sadd.s32 $0x11C40, s1  }
0x12: {  	s1 =	simm.s32 $0x9;
	[dreg:$0x3] =	wrdreg s25;
	s25 =	simm.s32 $0x9E20  }
.LBB2_1:
0x13: {  	s5 =	rddreg [dreg:$0x3]  }
0x14: {  	[tilespmem:s3], [sflag:$0x1] =	stream.linear.gather [hbm4b:s5+s3], $0x2710, $0x38;
	[tilespmem:$0x1EAA0] =	vst v63  }
0x15: {  	s12 =	simm.s32 $0x2710  }
0x16: {  	[tilespmem:s12], [sflag:$0x2] =	stream.linear.gather [hbm4b:s6+s3], $0x2710, $0x38;
	[tilespmem:$0x1EAA0] =	vst v63  }
0x17: {  	[spmem:s13], [sflag:s9] =	dma.local [hbm:s8], $0x2710  }
0x18: {  	_ =	swait.ge [sflag:s14], $0x2710  }
0x19: {  	[sflag:s14] =	ssyncset.done $0x0  }
0x1a: {  	[sflag:s14] =	ssyncadd.s32 $0xFFFFD8F0  }
0x1b: {  	_ =	swait.ge [sflag:s15], $0x2710  }
0x1c: {  	[sflag:s15] =	ssyncset.done $0x0  }
0x1d: {  	[sflag:s15] =	ssyncadd.s32 $0xFFFFD8F0  }
0x1e: {  	_ =	swait.ge [sflag:s16], $0x2710  }
0x1f: {  	[sflag:s16] =	ssyncset.done $0x0  }
0x20: {  	[sflag:s16] =	ssyncadd.s32 $0xFFFFD8F0  }
0x21: {  	[bflag:$0x0] =	sbarrier.arrive $0xFFFF  }
0x22: {  	[tilespmem:s18], [sflag:$0x1] =	stream.indirect.gather [hbm4b:s4+s17], $0x80, s3, s17, $0xb8;
	[tilespmem:$0x1EAA0] =	vst v63  }
0x23: {  	_ = 	snop  }
0x24: {  	[tilespmem:s19], [sflag:$0x2] =	stream.indirect.gather [hbm4b:s4+s17], $0x80, s17, s17, $0xb8;
	[tilespmem:$0x1EAA0] =	vst v63  }
0x25: {  	s24 =	simm.s32 $0x50  }
0x26: {  	[tilespmem:s21], [sflag:$0x3] =	stream.indirect.gather [hbm4b:s4+s17], $0x80, s24, s17, $0xb8;
	[tilespmem:$0x1EAA0] =	vst v63  }
0x27: {  	s12 =	simm.s32 $0x78  }
0x28: {  	[tilespmem:s23], [sflag:$0x4] =	stream.indirect.gather [hbm4b:s4+s17], $0x80, s12, s17, $0xb8;
	[tilespmem:$0x1EAA0] =	vst v63  }
0x29: {  	s24 =	simm.s32 $0xA0  }
0x2a: {  	[tilespmem:s25], [sflag:$0x5] =	stream.indirect.gather [hbm4b:s4+s17], $0x80, s24, s17, $0xb8;
	[tilespmem:$0x1EAA0] =	vst v63  }
0x2b: {  	_ =	swait.ge [sflag:s14], $0x1400  }
0x2c: {  	[sflag:s14] =	ssyncset.done $0x0  }
0x2d: {  	s12 =	simm.s32 $0x2710;
	[sflag:s14] =	ssyncadd.s32 $0xFFFFEC00  }
0x2e: {  	[spmem:s2] =	stream.indirect.scatter.add.f32 [tilespmem:s18], [sflag:$0x6], $0x80, s12, s17, $0xb8;
	[tilespmem:$0x1EAA0] =	vst v63  }
0x2f: {  	_ =	swait.ge [sflag:s15], $0x1400  }
0x30: {  	[sflag:s15] =	ssyncset.done $0x0  }
0x31: {  	s5 =	simm.s32 $0x2738;
	[sflag:s15] =	ssyncadd.s32 $0xFFFFEC00  }
0x32: {  	[spmem:s2] =	stream.indirect.scatter.add.f32 [tilespmem:s19], [sflag:$0x7], $0x80, s5, s17, $0xb8;
	[tilespmem:$0x1EAA0] =	vst v63  }
0x33: {  	_ =	swait.ge [sflag:s16], $0x1400  }
0x34: {  	[sflag:s16] =	ssyncset.done $0x0  }
0x35: {  	s24 =	simm.s32 $0x2760;
	[sflag:s16] =	ssyncadd.s32 $0xFFFFEC00  }
0x36: {  	[spmem:s2] =	stream.indirect.scatter.add.f32 [tilespmem:s21], [sflag:$0x8], $0x80, s24, s17, $0xb8;
	[tilespmem:$0x1EAA0] =	vst v63  }
0x37: {  	_ =	swait.ge [sflag:s26], $0x1400  }
0x38: {  	[sflag:s26] =	ssyncset.done $0x0  }
0x39: {  	s5 =	simm.s32 $0x2788;
	[sflag:s26] =	ssyncadd.s32 $0xFFFFEC00  }
0x3a: {  	[spmem:s2] =	stream.indirect.scatter.add.f32 [tilespmem:s23], [sflag:$0x9], $0x80, s5, s17, $0xb8;
	[tilespmem:$0x1EAA0] =	vst v63  }
0x3b: {  	_ =	swait.ge [sflag:s28], $0x1400  }
0x3c: {  	[sflag:s28] =	ssyncset.done $0x0  }
0x3d: {  	s24 =	simm.s32 $0x27B0;
	[sflag:s28] =	ssyncadd.s32 $0xFFFFEC00  }
0x3e: {  	[spmem:s2] =	stream.indirect.scatter.add.f32 [tilespmem:s25], [sflag:$0xA], $0x80, s24, s17, $0xb8;
	[tilespmem:$0x1EAA0] =	vst v63  }
0x3f: {  	_ =	swait.ge [sflag:s29], $0x1400  }
0x40: {  	[sflag:s29] =	ssyncset.done $0x0  }
0x41: {  	s5 =	simm.s32 $0xC8;
	[sflag:s29] =	ssyncadd.s32 $0xFFFFEC00  }
0x42: {  	[tilespmem:s18], [sflag:$0x1] =	stream.indirect.gather [hbm4b:s4+s17], $0x80, s5, s17, $0xb8;
	[tilespmem:$0x1EAA0] =	vst v63  }
0x43: {  	_ =	swait.ge [sflag:s30], $0x1400  }
0x44: {  	[sflag:s30] =	ssyncset.done $0x0  }
0x45: {  	s24 =	simm.s32 $0xF0;
	[sflag:s30] =	ssyncadd.s32 $0xFFFFEC00  }
0x46: {  	[tilespmem:s19], [sflag:$0x2] =	stream.indirect.gather [hbm4b:s4+s17], $0x80, s24, s17, $0xb8;
	[tilespmem:$0x1EAA0] =	vst v63  }
0x47: {  	_ =	swait.ge [sflag:s31], $0x1400  }
0x48: {  	[sflag:s31] =	ssyncset.done $0x0  }
0x49: {  	s5 =	simm.s32 $0x118;
	[sflag:s31] =	ssyncadd.s32 $0xFFFFEC00  }
0x4a: {  	[tilespmem:s21], [sflag:$0x3] =	stream.indirect.gather [hbm4b:s4+s17], $0x80, s5, s17, $0xb8;
	[tilespmem:$0x1EAA0] =	vst v63  }
0x4b: {  	_ =	swait.ge [sflag:s1], $0x1400  }
0x4c: {  	[sflag:s1] =	ssyncset.done $0x0  }
0x4d: {  	s24 =	simm.s32 $0x140;
	[sflag:s1] =	ssyncadd.s32 $0xFFFFEC00  }
0x4e: {  	[tilespmem:s23], [sflag:$0x4] =	stream.indirect.gather [hbm4b:s4+s17], $0x80, s24, s17, $0xb8;
	[tilespmem:$0x1EAA0] =	vst v63  }
0x4f: {  	_ =	swait.ge [sflag:s0], $0x1400  }
0x50: {  	[sflag:s0] =	ssyncset.done $0x0  }
0x51: {  	s12 =	simm.s32 $0x168;
	s24 =	simm.s32 $0x320;
	[sflag:s0] =	ssyncadd.s32 $0xFFFFEC00  }
.LBB2_2:
0x52: {  	[tilespmem:s25], [sflag:$0x5] =	stream.indirect.gather [hbm4b:s4+s17], $0x80, s12, s17, $0xb8;
	[tilespmem:$0x1EAA0] =	vst v63  }
0x53: {  	s12 =	smov.u32 s24  }
0x54: {  	p0 =	sne.s32 s24, $0x9600;
	s24 =	sadd.s32 $0x320, s24;
	_ =	swait.ge [sflag:s14], $0x1400  }
0x55: {  	s12 =	sshra.s32 s12, $0x2;
	[sflag:s14] =	ssyncset.done $0x0  }
0x56: {  	s5 =	sadd.s32 $0x2710, s12;
	[sflag:s14] =	ssyncadd.s32 $0xFFFFEC00  }
0x57: {  	[spmem:s2] =	stream.indirect.scatter.add.f32 [tilespmem:s18], [sflag:$0x6], $0x80, s5, s17, $0xb8;
	[tilespmem:$0x1EAA0] =	vst v63  }
0x58: {  	_ =	swait.ge [sflag:s15], $0x1400  }
0x59: {  	[sflag:s15] =	ssyncset.done $0x0  }
0x5a: {  	s5 =	sadd.s32 $0x2738, s12;
	[sflag:s15] =	ssyncadd.s32 $0xFFFFEC00  }
0x5b: {  	[spmem:s2] =	stream.indirect.scatter.add.f32 [tilespmem:s19], [sflag:$0x7], $0x80, s5, s17, $0xb8;
	[tilespmem:$0x1EAA0] =	vst v63  }
0x5c: {  	_ =	swait.ge [sflag:s16], $0x1400  }
0x5d: {  	[sflag:s16] =	ssyncset.done $0x0  }
0x5e: {  	s5 =	sadd.s32 $0x2760, s12;
	[sflag:s16] =	ssyncadd.s32 $0xFFFFEC00  }
0x5f: {  	[spmem:s2] =	stream.indirect.scatter.add.f32 [tilespmem:s21], [sflag:$0x8], $0x80, s5, s17, $0xb8;
	[tilespmem:$0x1EAA0] =	vst v63  }
0x60: {  	_ =	swait.ge [sflag:s26], $0x1400  }
0x61: {  	[sflag:s26] =	ssyncset.done $0x0  }
0x62: {  	s5 =	sadd.s32 $0x2788, s12;
	[sflag:s26] =	ssyncadd.s32 $0xFFFFEC00  }
0x63: {  	[spmem:s2] =	stream.indirect.scatter.add.f32 [tilespmem:s23], [sflag:$0x9], $0x80, s5, s17, $0xb8;
	[tilespmem:$0x1EAA0] =	vst v63  }
0x64: {  	_ =	swait.ge [sflag:s28], $0x1400  }
0x65: {  	[sflag:s28] =	ssyncset.done $0x0  }
0x66: {  	s5 =	sadd.s32 $0x27B0, s12;
	[sflag:s28] =	ssyncadd.s32 $0xFFFFEC00  }
0x67: {  	[spmem:s2] =	stream.indirect.scatter.add.f32 [tilespmem:s25], [sflag:$0xA], $0x80, s5, s17, $0xb8;
	[tilespmem:$0x1EAA0] =	vst v63  }
0x68: {  	_ =	swait.ge [sflag:s29], $0x1400  }
0x69: {  	[sflag:s29] =	ssyncset.done $0x0  }
0x6a: {  	s5 =	sadd.s32 $0xC8, s12;
	[sflag:s29] =	ssyncadd.s32 $0xFFFFEC00  }
0x6b: {  	[tilespmem:s18], [sflag:$0x1] =	stream.indirect.gather [hbm4b:s4+s17], $0x80, s5, s17, $0xb8;
	[tilespmem:$0x1EAA0] =	vst v63  }
0x6c: {  	_ =	swait.ge [sflag:s30], $0x1400  }
0x6d: {  	[sflag:s30] =	ssyncset.done $0x0  }
0x6e: {  	s5 =	sadd.s32 $0xF0, s12;
	[sflag:s30] =	ssyncadd.s32 $0xFFFFEC00  }
0x6f: {  	[tilespmem:s19], [sflag:$0x2] =	stream.indirect.gather [hbm4b:s4+s17], $0x80, s5, s17, $0xb8;
	[tilespmem:$0x1EAA0] =	vst v63  }
0x70: {  	_ =	swait.ge [sflag:s31], $0x1400  }
0x71: {  	[sflag:s31] =	ssyncset.done $0x0  }
0x72: {  	s5 =	sadd.s32 $0x118, s12;
	[sflag:s31] =	ssyncadd.s32 $0xFFFFEC00  }
0x73: {  	[tilespmem:s21], [sflag:$0x3] =	stream.indirect.gather [hbm4b:s4+s17], $0x80, s5, s17, $0xb8;
	[tilespmem:$0x1EAA0] =	vst v63  }
0x74: {  	_ =	swait.ge [sflag:s1], $0x1400  }
0x75: {  	[sflag:s1] =	ssyncset.done $0x0  }
.Ltmp0:
0x76: {  	s5 =	sadd.s32 $0x140, s12;
	[sflag:s1] =	ssyncadd.s32 $0xFFFFEC00;
	(pc) =	sbr.rel @p0 .LBB2_2-.Ltmp0, $4  }
0x77: {  	[tilespmem:s23], [sflag:$0x4] =	stream.indirect.gather [hbm4b:s4+s17], $0x80, s5, s17, $0xb8;
	[tilespmem:$0x1EAA0] =	vst v63  }
0x78: {  	_ =	swait.ge [sflag:s0], $0x1400  }
0x79: {  	[sflag:s0] =	ssyncset.done $0x0  }
0x7a: {  	s12 =	sadd.s32 $0x168, s12;
	[sflag:s0] =	ssyncadd.s32 $0xFFFFEC00  }
0x7b: {  	[tilespmem:s25], [sflag:$0x5] =	stream.indirect.gather [hbm4b:s4+s17], $0x80, s12, s17, $0xb8;
	[tilespmem:$0x1EAA0] =	vst v63  }
0x7c: {  	_ =	swait.ge [sflag:s14], $0x1400  }
0x7d: {  	[sflag:s14] =	ssyncset.done $0x0  }
0x7e: {  	s5 =	simm.s32 $0x4D58;
	[sflag:s14] =	ssyncadd.s32 $0xFFFFEC00  }
0x7f: {  	[spmem:s2] =	stream.indirect.scatter.add.f32 [tilespmem:s18], [sflag:$0x6], $0x80, s5, s17, $0xb8;
	[tilespmem:$0x1EAA0] =	vst v63  }
0x80: {  	_ =	swait.ge [sflag:s15], $0x1400  }
0x81: {  	[sflag:s15] =	ssyncset.done $0x0  }
0x82: {  	s24 =	simm.s32 $0x4D80;
	[sflag:s15] =	ssyncadd.s32 $0xFFFFEC00  }
0x83: {  	[spmem:s2] =	stream.indirect.scatter.add.f32 [tilespmem:s19], [sflag:$0x7], $0x80, s24, s17, $0xb8;
	[tilespmem:$0x1EAA0] =	vst v63  }
0x84: {  	_ =	swait.ge [sflag:s16], $0x1400  }
0x85: {  	[sflag:s16] =	ssyncset.done $0x0  }
0x86: {  	s12 =	simm.s32 $0x4DA8;
	[sflag:s16] =	ssyncadd.s32 $0xFFFFEC00  }
0x87: {  	[spmem:s2] =	stream.indirect.scatter.add.f32 [tilespmem:s21], [sflag:$0x8], $0x80, s12, s17, $0xb8;
	[tilespmem:$0x1EAA0] =	vst v63  }
0x88: {  	_ =	swait.ge [sflag:s26], $0x1400  }
0x89: {  	[sflag:s26] =	ssyncset.done $0x0  }
0x8a: {  	s24 =	simm.s32 $0x4DD0;
	[sflag:s26] =	ssyncadd.s32 $0xFFFFEC00  }
0x8b: {  	[spmem:s2] =	stream.indirect.scatter.add.f32 [tilespmem:s23], [sflag:$0x9], $0x80, s24, s17, $0xb8;
	[tilespmem:$0x1EAA0] =	vst v63  }
0x8c: {  	_ =	swait.ge [sflag:s28], $0x1400  }
0x8d: {  	[sflag:s28] =	ssyncset.done $0x0  }
0x8e: {  	s12 =	simm.s32 $0x4DF8;
	[sflag:s28] =	ssyncadd.s32 $0xFFFFEC00  }
0x8f: {  	[spmem:s2] =	stream.indirect.scatter.add.f32 [tilespmem:s25], [sflag:$0xA], $0x80, s12, s17, $0xb8;
	[tilespmem:$0x1EAA0] =	vst v63  }
0x90: {  	_ =	swait.ge [sflag:s29], $0x1400  }
0x91: {  	[sflag:s29] =	ssyncset.done $0x0  }
0x92: {  	[sflag:s29] =	ssyncadd.s32 $0xFFFFEC00  }
0x93: {  	_ =	swait.ge [sflag:s30], $0x1400  }
0x94: {  	[sflag:s30] =	ssyncset.done $0x0  }
0x95: {  	[sflag:s30] =	ssyncadd.s32 $0xFFFFEC00  }
0x96: {  	_ =	swait.ge [sflag:s31], $0x1400  }
0x97: {  	[sflag:s31] =	ssyncset.done $0x0  }
0x98: {  	[sflag:s31] =	ssyncadd.s32 $0xFFFFEC00  }
0x99: {  	_ =	swait.ge [sflag:s1], $0x1400  }
0x9a: {  	[sflag:s1] =	ssyncset.done $0x0  }
0x9b: {  	[sflag:s1] =	ssyncadd.s32 $0xFFFFEC00  }
0x9c: {  	_ =	swait.ge [sflag:s0], $0x1400  }
0x9d: {  	s22 =	sadd.s32 $0x1, s22;
	[sflag:s0] =	ssyncset.done $0x0  }
0x9e: {  	p0 =	sne.s32 s22, s11;
	[sflag:s0] =	ssyncadd.s32 $0xFFFFEC00  }
.Ltmp1:
0x9f: {  	s24 =	sor.u32 $0x1C0B, s7;
	[bflag:$0x0] =	sbarrier.arrive $0xFFFF;
	(pc) =	sbr.rel @p0 .LBB2_1-.Ltmp1, $4  }
0xa0: {  	[hbm:s10], [sflag:s24] =	dma.local [spmem:s13], $0x2710  }
0xa1: {  	_ =	swait.ge [sflag:s20], $0x2710  }
0xa2: {  	[sflag:s20] =	ssyncset.done $0x0  }
0xa3: {  	[sflag:s20] =	ssyncadd.s32 $0xFFFFD8F0  }
0xa4: {  	_ =	sfence.sel $0x180000  }
0xa5: {  	[bflag:$0x0] =	sbarrier.arrive $0xFFFF  }
0xa6: {  	_ =	strace $0x9000004A  }
0xa7: {  	s0 =	stileid.u32;
	[bflag:$0x2] =	sbarrier.arrive $0xFFFF  }
0xa8: {  	p0 =	sne.s32 s0, $0x0;
	s0 =	rddreg [dreg:$0x2]  }
0xa9: {  	s0 =	sadd.s32 @!p0 $0x100000, s0  }
0xaa: {  	[sflag:s0] =	ssyncadd.tile.s32 @!p0 $0x1;
	_ =	shalt  }
.Lfunc_end2:
_tile_overlayer_lowered:
.L_overlay_start_2:
0xab: {  	(tag) =	ssettag $0x2  }
0xac: {  	s0 =	rddreg [dreg:$0x0];
	s2 =	stileid.u32  }
0xad: {  	s1 =	rddreg [dreg:$0x1];
	p0 =	sne.s32 s2, $0x0  }
0xae: {  	s3 =	rddreg [dreg:$0x2];
	[bflag:$0x3] =	sbarrier.arrive $0xFFFF;
	s2 =	simm.s32 @!p0 $0x1C0B  }
0xaf: {  	[timem:s3], [sflag:s2] =	dma.local @!p0 [hbm:s0], s1  }
0xb0: {  	s0 =	simm.s32 @!p0 $0xB  }
0xb1: {  	_ =	swait.ge @!p0 [sflag:s0], s1  }
0xb2: {  	s1 =	ssub.s32 @!p0 $0x0, s1;
	[sflag:s0] =	ssyncset.done @!p0 $0x0  }
0xb3: {  	[sflag:s0] =	ssyncadd.s32 @!p0 s1  }
0xb4: {  	[bflag:$0x3] =	sbarrier.arrive $0xFFFF  }
0xb5: {  	_ =	shalt  }

// kernel: kernel.22.cloned.1.call-start
scs
__scs_entry_jumppad:
0x0: {  	(pc) =	sbr.rel $0x88, $3  }
0x1: {  	(tag) =	ssettag $0x0;
	lr =	simm.s32 $0x1  }
0x2: {  	[smem:$0x3F7F] =	sst lr;
	_ =	strace $0xD0000000  }
0x3: {  	_ = 	snop  }
0x4: {  	_ = 	snop  }
0x5: {  	_ = 	snop  }
0x6: {  	_ = 	snop  }
0x7: {  	_ = 	snop  }
__scs_overlays_trampoline_lowered:
0x8: {  	[smem:$0x3F8E] =	sst s0  }
0x9: {  	[smem:$0x3F8F] =	sst s1  }
0xa: {  	[smem:$0x3F90] =	sst s2  }
0xb: {  	[smem:$0x3F91] =	sst s3  }
0xc: {  	[smem:$0x3F92] =	sst s4  }
0xd: {  	[smem:$0x3F93] =	sst s5  }
0xe: {  	[smem:$0x3F94] =	sst s6  }
0xf: {  	[smem:$0x3F95] =	sst s7  }
0x10: {  	[smem:$0x3F96] =	sst s8  }
0x11: {  	[smem:$0x3F97] =	sst s9;
	s0 =	simm.s32 @!p0 $0x0  }
0x12: {  	s1 =	sld [smem:$0x3F7D];
	s0 =	simm.s32 @p0 $0x1  }
0x13: {  	[smem:$0x3F98] =	sst s0;
	s0 =	simm.s32 @!p1 $0x0  }
0x14: {  	s2 =	sld [smem:$0x3F7C];
	s0 =	simm.s32 @p1 $0x1  }
0x15: {  	[smem:$0x3F99] =	sst s0;
	s0 =	simm.s32 @!p2 $0x0  }
0x16: {  	s3 =	sld [smem:$0x3FDB];
	s0 =	simm.s32 @p2 $0x1  }
0x17: {  	s4 =	simm.s32 $0x1BF5;
	[smem:$0x3F9B] =	sst s0  }
0x18: {  	s0 =	sld [smem:$0x3F7E];
	_ =	swait.ge [sflag:s4], $0x0  }
0x19: {  	s7 =	sld [smem:$0x3F7F]  }
0x1a: {  	s8 =	sadd.s32 $0xFFFFE003, lr  }
0x1b: {  	s9 =	sadd.s32 $0xFFFFFEF7, lr;
	s5 =	simm.s32 $0xFFFFFFFF;
	p2 =	slt.u32 s8, $0xFFFFF086  }
0x1c: {  	p1 =	slt.u32 s9, $0xF7A;
	s5 =	simm.s32 @!p2 $0x0  }
0x1d: {  	s5 =	simm.s32 @p1 $0x1;
	p0 =	seq.s32 s7, s2  }
0x1e: {  	s7 =	smul.u32 @!p0 $0xF7A, s2;
	p2 =	seq.s32 @!p0 s5, $0x0  }
0x1f: {  	s9 =	smul.u32 $0xF7A, s1;
	s8 =	simm.s32 @!p0 $0x1BF5;
	p2 =	por !p2, p0  }
0x20: {  	[sflag:s8] =	ssyncset.s32 @!p0 $0xFFFFF086;
	s6 =	sadd.s32 @!p0 s3, s7;
	s7 =	simm.s32 @!p0 $0x108  }
0x21: {  	s3 =	sadd.s32 s3, s9;
	s6 =	sadd.s32 @!p0 $0x88, s6;
	s7 =	simm.s32 @p2 $0x1082  }
0x22: {  	[simem:s7], [sflag:s8] =	dma.local @!p0 [hbm:s6], $0xF7A  }
0x23: {  	s9 =	sor.u32 $0xD0000000, s2;
	s6 =	simm.s32 $0x108;
	_ =	swait.ge @!p0 [sflag:s8], $0x0  }
0x24: {  	s3 =	sadd.s32 $0x88, s3;
	s6 =	simm.s32 @!p1 $0x1082;
	[sflag:s4] =	ssyncset.s32 $0xFFFFF086  }
0x25: {  	[simem:s6], [sflag:s4] =	dma.local [hbm:s3], $0xF7A  }
0x26: {  	[smem:$0x3F7F] =	sst s1;
	(tag) =	ssettag s2;
	_ =	strace s9  }
0x27: {  	s1 =	sld [smem:$0x3F8F]  }
0x28: {  	s2 =	sld [smem:$0x3F90]  }
0x29: {  	s4 =	sld [smem:$0x3F92]  }
0x2a: {  	p0 =	seq.s32 s5, $0x0;
	s5 =	sld [smem:$0x3F93]  }
0x2b: {  	s6 =	sld [smem:$0x3F94]  }
0x2c: {  	s7 =	sld [smem:$0x3F95]  }
0x2d: {  	s3 =	simm.s32 $0x108;
	s8 =	sld [smem:$0x3F96]  }
0x2e: {  	s3 =	simm.s32 @!p0 $0x1082;
	s9 =	sld [smem:$0x3F97]  }
0x2f: {  	lr =	sadd.s32 s0, s3;
	s0 =	sld [smem:$0x3F8E]  }
0x30: {  	s3 =	sld [smem:$0x3F91]  }
0x31: {  	[smem:$0x3F9A] =	sst s10  }
0x32: {  	s10 =	sld [smem:$0x3F98];
	_ =	sdelay $0x3  }
0x33: {  	p0 =	seq.s32 s10, $0x1;
	s10 =	sld [smem:$0x3F9A];
	_ =	sdelay $0x3  }
0x34: {  	[smem:$0x3F9A] =	sst s10  }
0x35: {  	s10 =	sld [smem:$0x3F99];
	_ =	sdelay $0x3  }
0x36: {  	p1 =	seq.s32 s10, $0x1;
	s10 =	sld [smem:$0x3F9A];
	_ =	sdelay $0x3  }
0x37: {  	[smem:$0x3F9A] =	sst s10  }
0x38: {  	s10 =	sld [smem:$0x3F9B]  }
0x39: {  	_ = 	snop;
	(pc) =	sbr.ind lr, $3  }
0x3a: {  	_ = 	snop  }
0x3b: {  	_ = 	snop  }
0x3c: {  	p2 =	seq.s32 s10, $0x1;
	s10 =	sld [smem:$0x3F9A]  }
0x3d: {  	_ =	shalt  }
0x3e: {  	_ =	shalt  }
0x3f: {  	_ =	shalt  }
0x40: {  	_ =	shalt  }
0x41: {  	_ =	shalt  }
0x42: {  	_ =	shalt  }
0x43: {  	_ =	shalt  }
0x44: {  	_ =	shalt  }
0x45: {  	_ =	shalt  }
0x46: {  	_ =	shalt  }
0x47: {  	_ =	shalt  }
0x48: {  	_ =	shalt  }
0x49: {  	_ =	shalt  }
0x4a: {  	_ =	shalt  }
0x4b: {  	_ =	shalt  }
0x4c: {  	_ =	shalt  }
0x4d: {  	_ =	shalt  }
0x4e: {  	_ =	shalt  }
0x4f: {  	_ =	shalt  }
0x50: {  	_ =	shalt  }
0x51: {  	_ =	shalt  }
0x52: {  	_ =	shalt  }
0x53: {  	_ =	shalt  }
0x54: {  	_ =	shalt  }
0x55: {  	_ =	shalt  }
0x56: {  	_ =	shalt  }
0x57: {  	_ =	shalt  }
0x58: {  	_ =	shalt  }
0x59: {  	_ =	shalt  }
0x5a: {  	_ =	shalt  }
0x5b: {  	_ =	shalt  }
0x5c: {  	_ =	shalt  }
0x5d: {  	_ =	shalt  }
0x5e: {  	_ =	shalt  }
0x5f: {  	_ =	shalt  }
0x60: {  	_ =	shalt  }
0x61: {  	_ =	shalt  }
0x62: {  	_ =	shalt  }
0x63: {  	_ =	shalt  }
0x64: {  	_ =	shalt  }
0x65: {  	_ =	shalt  }
0x66: {  	_ =	shalt  }
0x67: {  	_ =	shalt  }
0x68: {  	_ =	shalt  }
0x69: {  	_ =	shalt  }
0x6a: {  	_ =	shalt  }
0x6b: {  	_ =	shalt  }
0x6c: {  	_ =	shalt  }
0x6d: {  	_ =	shalt  }
0x6e: {  	_ =	shalt  }
0x6f: {  	_ =	shalt  }
0x70: {  	_ =	shalt  }
0x71: {  	_ =	shalt  }
0x72: {  	_ =	shalt  }
0x73: {  	_ =	shalt  }
0x74: {  	_ =	shalt  }
0x75: {  	_ =	shalt  }
0x76: {  	_ =	shalt  }
0x77: {  	_ =	shalt  }
0x78: {  	_ =	shalt  }
0x79: {  	_ =	shalt  }
0x7a: {  	_ =	shalt  }
0x7b: {  	_ =	shalt  }
0x7c: {  	_ =	shalt  }
0x7d: {  	_ =	shalt  }
0x7e: {  	_ =	shalt  }
0x7f: {  	_ =	shalt  }
0x80: {  	_ =	shalt  }
0x81: {  	_ =	shalt  }
0x82: {  	_ =	shalt  }
0x83: {  	_ =	shalt  }
0x84: {  	_ =	shalt  }
0x85: {  	_ =	shalt  }
0x86: {  	_ =	shalt  }
0x87: {  	_ =	shalt  }
.Lfunc_end0:
.L_simem_size_0:
called_computation.2_lowered:
.L_overlay_start_0:
0x88: {  	s2 =	sld [smem:$0x3FD9]  }
0x89: {  	s3 =	sld [smem:$0x3FFE];
	_ =	sdelay $0x1  }
0x8a: {  	s1 =	srdreg.scid  }
0x8b: {  	s0 =	sand.u32 $0x1, s1  }
0x8c: {  	s16 =	sshll.u32 s0, $0xA;
	s2 =	sadd.s32 s3, s2  }
0x8d: {  	s2 =	sadd.s32 s2, s16  }
0x8e: {  	[smem:$0x3FA6] =	sst s2  }
0x8f: {  	_ = 	snop  }
0x90: {  	(tm) =	ssettm $0x1  }
0x91: {  	s17 =	sld [smem:$0x3FFB];
	_ =	sdelay $0x3  }
0x92: {  	_ =	strace s17  }
0x93: {  	s2 =	sld [smem:$0x3FFC];
	_ =	sdelay $0x3  }
0x94: {  	_ =	strace s2  }
0x95: {  	s2 =	sld [smem:$0x3FFD];
	_ =	sdelay $0x3  }
0x96: {  	_ =	strace s2  }
0x97: {  	_ =	strace $0x8FFFFFFF  }
0x98: {  	s18 =	sld [smem:$0x3FDB];
	_ =	sdelay $0x1  }
0x99: {  	s19 =	simm.s32 $_scs_section_size  }
0x9a: {  	s4 =	simm.s32 $_size__tile_overlayer_lowered;
	s5 =	simm.s32 $_tile_overlayer_lowered  }
0x9b: {  	s22 =	simm.s32 $0x1BFF;
	s21 =	sshll.u32 s5, $0x1;
	s2 =	sadd.s32 s19, s18  }
0x9c: {  	s6 =	simm.s32 $0x0;
	s20 =	sshll.u32 s4, $0x1;
	s4 =	sadd.s32 s21, s2  }
0x9d: {  	[timem:s6], [sflag:s22] =	dma.local [hbm:s4], s20  }
0x9e: {  	_ =	swait.ge [sflag:s22], s20  }
0x9f: {  	s3 =	ssub.s32 $0x0, s20;
	[sflag:s22] =	ssyncset.done $0x0  }
0xa0: {  	[sflag:s22] =	ssyncadd.s32 s3;
	_ =	sdelay $0x1  }
0xa1: {  	s23 =	simm.s32 $0x1B8B  }
0xa2: {  	_ =	swait.ge [sflag:s23], $0x1  }
0xa3: {  	[sflag:s23] =	ssyncset.done $0x0  }
0xa4: {  	s25 =	simm.s32 $0x1B8E;
	s24 =	sld [smem:$0x3FFE];
	[sflag:s23] =	ssyncadd.s32 $0xFFFFFFFF  }
0xa5: {  	s26 =	simm.s32 $execute0_lowered;
	[smem:$0x3FD2] =	sst s25  }
0xa6: {  	s4 =	sshll.u32 s26, $0x1;
	_ =	strace $0x8000004C;
	[dreg:$0x1] =	wrdreg $0xFFFFFFFF  }
0xa7: {  	s28 =	simm.s32 $_size_execute0_lowered;
	s2 =	sadd.s32 s2, s4;
	[dreg:$0x0] =	wrdreg $0x0  }
0xa8: {  	s4 =	sshll.u32 s28, $0x1;
	[dreg:$0x2] =	wrdreg s2  }
0xa9: {  	[dreg:$0x3] =	wrdreg s4  }
0xaa: {  	[dreg:$0x4] =	wrdreg $0xC0  }
0xab: {  	_ =	task [dreg:s6], $0x5FFFF  }
0xac: {  	[dreg:$0x1] =	wrdreg $0xFFFFFFFF  }
0xad: {  	[dreg:$0x0] =	wrdreg $0x60  }
0xae: {  	[dreg:$0x2] =	wrdreg s24  }
0xaf: {  	[dreg:$0x3] =	wrdreg $0xB2200  }
0xb0: {  	[dreg:$0x4] =	wrdreg $0x9  }
0xb1: {  	_ =	task.clear_ibuf [dreg:s6], $0x5FFFF;
	_ =	strace $0x9000004C  }
0xb2: {  	s29 =	simm.s32 $0x9;
	_ =	strace $0x8000004E  }
0xb3: {  	_ =	swait.ge [sflag:s29], $0x1  }
0xb4: {  	[sflag:s29] =	ssyncadd.s32 $0xFFFFFFFF  }
0xb5: {  	_ =	strace $0x9000004E  }
0xb6: {  	_ =	sfence  }
0xb7: {  	s30 =	sld [smem:$0x0];
	_ =	sdelay $0x2  }
0xb8: {  	s31 =	sshll.u32 s1, $0xD;
	s1 =	sshrl.u32 s1, $0x2  }
0xb9: {  	s3 =	sand.u32 $0x4000, s31;
	s1 =	sadd.s32 s1, s30  }
0xba: {  	s0 =	sor.u32 s3, s0;
	s1 =	sshll.u32 s1, $0x11  }
0xbb: {  	s0 =	sor.u32 s1, s0  }
0xbc: {  	s0 =	sadd.s32 $0x8F2B, s0  }
0xbd: {  	[sflag:s0] =	ssyncadd.remote.s32 $0x1  }
0xbe: {  	_ =	sfence.sel $0xFFFF  }
0xbf: {  	[dreg:$0x0] =	wrdreg $0xFFFFFFFF;
	(pc) =	sbr.abs _section_cstart, $3  }
0xc0: {  	[dreg:$0x1] =	wrdreg $0xFFFFFFFF  }
0xc1: {  	_ =	task.clear_ibuf [dreg:s6], $0x2FFFF;
	_ =	strace $0x9FFFFFFF  }
0xc2: {  	(tm) =	ssettm $0x7FFFFFFF  }
0xc3: {  	_ =	shalt  }
tec
execute0_lowered:
.L_overlay_start_1:
0x0: {  	(tag) =	ssettag $0x1  }
0x1: {  	s0 =	srdreg.scid  }
0x2: {  	s9 =	stileid.u32;
	s5 =	rddreg [dreg:$0x0]  }
0x3: {  	s2 =	rddreg [dreg:$0x1];
	s3 =	simm.s32 $0x0;
	s14 =	simm.s32 $0x1  }
0x4: {  	s15 =	simm.s32 $0x2;
	s16 =	simm.s32 $0x3;
	s17 =	simm.s32 $0x28  }
0x5: {  	s18 =	simm.s32 $0x4E20;
	s19 =	simm.s32 $0x6220;
	s21 =	simm.s32 $0x7620  }
0x6: {  	s23 =	simm.s32 $0x8A20;
	s28 =	simm.s32 $0x5;
	s29 =	simm.s32 $0x6  }
0x7: {  	s30 =	simm.s32 $0x7;
	s31 =	simm.s32 $0x8;
	s20 =	simm.s32 $0xB  }
0x8: {  	s22 =	simm.s32 $0x0;
	s0 =	sand.u32 $0x1, s0;
	s8 =	smul.u32 $0x13880, s9  }
0x9: {  	[smem:$0x7FF] =	sst s3;
	s4 =	sadd.s32 $0x1BA00, s5;
	s1 =	sshll.u32 s0, $0x4  }
0xa: {  	s6 =	smul.u32 $0x138800, s0;
	_ =	strace $0x8000004D;
	s0 =	ssub.s32 $0x2, s0  }
0xb: {  	s1 =	sor.u32 s9, s1;
	s7 =	sshrl.u32 s0, $0x1;
	s26 =	sshrl.u32 s8, $0x3  }
0xc: {  	s12 =	sadd.s32 s8, s2;
	s1 =	smul.u32 $0x2710, s1;
	s6 =	sadd.s32 s8, s6  }
0xd: {  	s0 =	ssub.s32 s0, s7;
	s7 =	sshll.u32 s9, $0x6;
	s8 =	sadd.s32 s4, s26  }
0xe: {  	s13 =	sshrl.u32 s12, $0x3;
	s26 =	simm.s32 $0x4;
	s6 =	sshrl.u32 s6, $0x3  }
0xf: {  	s9 =	sor.u32 $0x1C03, s7;
	s11 =	smax.u32 s0, $0x1;
	s1 =	sshrl.u32 s1, $0x3  }
0x10: {  	s0 =	simm.s32 $0xA;
	s10 =	sadd.s32 s6, s5;
	s1 =	sadd.s32 s1, s5  }
0x11: {  	s10 =	sadd.s32 $0x42C00, s10;
	s25 =	sadd.s32 $0x8000, s1;
	s6 =	sadd.s32 $0x11C40, s1  }
0x12: {  	s1 =	simm.s32 $0x9;
	[dreg:$0x3] =	wrdreg s25;
	s25 =	simm.s32 $0x9E20  }
.LBB2_1:
0x13: {  	s5 =	rddreg [dreg:$0x3]  }
0x14: {  	[tilespmem:s3], [sflag:$0x1] =	stream.linear.gather [hbm4b:s5+s3], $0x2710, $0x38;
	[tilespmem:$0x1EAA0] =	vst v63  }
0x15: {  	s12 =	simm.s32 $0x2710  }
0x16: {  	[tilespmem:s12], [sflag:$0x2] =	stream.linear.gather [hbm4b:s6+s3], $0x2710, $0x38;
	[tilespmem:$0x1EAA0] =	vst v63  }
0x17: {  	[spmem:s13], [sflag:s9] =	dma.local [hbm:s8], $0x2710  }
0x18: {  	_ =	swait.ge [sflag:s14], $0x2710  }
0x19: {  	[sflag:s14] =	ssyncset.done $0x0  }
0x1a: {  	[sflag:s14] =	ssyncadd.s32 $0xFFFFD8F0  }
0x1b: {  	_ =	swait.ge [sflag:s15], $0x2710  }
0x1c: {  	[sflag:s15] =	ssyncset.done $0x0  }
0x1d: {  	[sflag:s15] =	ssyncadd.s32 $0xFFFFD8F0  }
0x1e: {  	_ =	swait.ge [sflag:s16], $0x2710  }
0x1f: {  	[sflag:s16] =	ssyncset.done $0x0  }
0x20: {  	[sflag:s16] =	ssyncadd.s32 $0xFFFFD8F0  }
0x21: {  	[bflag:$0x0] =	sbarrier.arrive $0xFFFF  }
0x22: {  	[tilespmem:s18], [sflag:$0x1] =	stream.indirect.gather [hbm4b:s4+s17], $0x80, s3, s17, $0xb8;
	[tilespmem:$0x1EAA0] =	vst v63  }
0x23: {  	_ = 	snop  }
0x24: {  	[tilespmem:s19], [sflag:$0x2] =	stream.indirect.gather [hbm4b:s4+s17], $0x80, s17, s17, $0xb8;
	[tilespmem:$0x1EAA0] =	vst v63  }
0x25: {  	s24 =	simm.s32 $0x50  }
0x26: {  	[tilespmem:s21], [sflag:$0x3] =	stream.indirect.gather [hbm4b:s4+s17], $0x80, s24, s17, $0xb8;
	[tilespmem:$0x1EAA0] =	vst v63  }
0x27: {  	s12 =	simm.s32 $0x78  }
0x28: {  	[tilespmem:s23], [sflag:$0x4] =	stream.indirect.gather [hbm4b:s4+s17], $0x80, s12, s17, $0xb8;
	[tilespmem:$0x1EAA0] =	vst v63  }
0x29: {  	s24 =	simm.s32 $0xA0  }
0x2a: {  	[tilespmem:s25], [sflag:$0x5] =	stream.indirect.gather [hbm4b:s4+s17], $0x80, s24, s17, $0xb8;
	[tilespmem:$0x1EAA0] =	vst v63  }
0x2b: {  	_ =	swait.ge [sflag:s14], $0x1400  }
0x2c: {  	[sflag:s14] =	ssyncset.done $0x0  }
0x2d: {  	s12 =	simm.s32 $0x2710;
	[sflag:s14] =	ssyncadd.s32 $0xFFFFEC00  }
0x2e: {  	[spmem:s2] =	stream.indirect.scatter.add.f32 [tilespmem:s18], [sflag:$0x6], $0x80, s12, s17, $0xb8;
	[tilespmem:$0x1EAA0] =	vst v63  }
0x2f: {  	_ =	swait.ge [sflag:s15], $0x1400  }
0x30: {  	[sflag:s15] =	ssyncset.done $0x0  }
0x31: {  	s5 =	simm.s32 $0x2738;
	[sflag:s15] =	ssyncadd.s32 $0xFFFFEC00  }
0x32: {  	[spmem:s2] =	stream.indirect.scatter.add.f32 [tilespmem:s19], [sflag:$0x7], $0x80, s5, s17, $0xb8;
	[tilespmem:$0x1EAA0] =	vst v63  }
0x33: {  	_ =	swait.ge [sflag:s16], $0x1400  }
0x34: {  	[sflag:s16] =	ssyncset.done $0x0  }
0x35: {  	s24 =	simm.s32 $0x2760;
	[sflag:s16] =	ssyncadd.s32 $0xFFFFEC00  }
0x36: {  	[spmem:s2] =	stream.indirect.scatter.add.f32 [tilespmem:s21], [sflag:$0x8], $0x80, s24, s17, $0xb8;
	[tilespmem:$0x1EAA0] =	vst v63  }
0x37: {  	_ =	swait.ge [sflag:s26], $0x1400  }
0x38: {  	[sflag:s26] =	ssyncset.done $0x0  }
0x39: {  	s5 =	simm.s32 $0x2788;
	[sflag:s26] =	ssyncadd.s32 $0xFFFFEC00  }
0x3a: {  	[spmem:s2] =	stream.indirect.scatter.add.f32 [tilespmem:s23], [sflag:$0x9], $0x80, s5, s17, $0xb8;
	[tilespmem:$0x1EAA0] =	vst v63  }
0x3b: {  	_ =	swait.ge [sflag:s28], $0x1400  }
0x3c: {  	[sflag:s28] =	ssyncset.done $0x0  }
0x3d: {  	s24 =	simm.s32 $0x27B0;
	[sflag:s28] =	ssyncadd.s32 $0xFFFFEC00  }
0x3e: {  	[spmem:s2] =	stream.indirect.scatter.add.f32 [tilespmem:s25], [sflag:$0xA], $0x80, s24, s17, $0xb8;
	[tilespmem:$0x1EAA0] =	vst v63  }
0x3f: {  	_ =	swait.ge [sflag:s29], $0x1400  }
0x40: {  	[sflag:s29] =	ssyncset.done $0x0  }
0x41: {  	s5 =	simm.s32 $0xC8;
	[sflag:s29] =	ssyncadd.s32 $0xFFFFEC00  }
0x42: {  	[tilespmem:s18], [sflag:$0x1] =	stream.indirect.gather [hbm4b:s4+s17], $0x80, s5, s17, $0xb8;
	[tilespmem:$0x1EAA0] =	vst v63  }
0x43: {  	_ =	swait.ge [sflag:s30], $0x1400  }
0x44: {  	[sflag:s30] =	ssyncset.done $0x0  }
0x45: {  	s24 =	simm.s32 $0xF0;
	[sflag:s30] =	ssyncadd.s32 $0xFFFFEC00  }
0x46: {  	[tilespmem:s19], [sflag:$0x2] =	stream.indirect.gather [hbm4b:s4+s17], $0x80, s24, s17, $0xb8;
	[tilespmem:$0x1EAA0] =	vst v63  }
0x47: {  	_ =	swait.ge [sflag:s31], $0x1400  }
0x48: {  	[sflag:s31] =	ssyncset.done $0x0  }
0x49: {  	s5 =	simm.s32 $0x118;
	[sflag:s31] =	ssyncadd.s32 $0xFFFFEC00  }
0x4a: {  	[tilespmem:s21], [sflag:$0x3] =	stream.indirect.gather [hbm4b:s4+s17], $0x80, s5, s17, $0xb8;
	[tilespmem:$0x1EAA0] =	vst v63  }
0x4b: {  	_ =	swait.ge [sflag:s1], $0x1400  }
0x4c: {  	[sflag:s1] =	ssyncset.done $0x0  }
0x4d: {  	s24 =	simm.s32 $0x140;
	[sflag:s1] =	ssyncadd.s32 $0xFFFFEC00  }
0x4e: {  	[tilespmem:s23], [sflag:$0x4] =	stream.indirect.gather [hbm4b:s4+s17], $0x80, s24, s17, $0xb8;
	[tilespmem:$0x1EAA0] =	vst v63  }
0x4f: {  	_ =	swait.ge [sflag:s0], $0x1400  }
0x50: {  	[sflag:s0] =	ssyncset.done $0x0  }
0x51: {  	s12 =	simm.s32 $0x168;
	s24 =	simm.s32 $0x320;
	[sflag:s0] =	ssyncadd.s32 $0xFFFFEC00  }
.LBB2_2:
0x52: {  	[tilespmem:s25], [sflag:$0x5] =	stream.indirect.gather [hbm4b:s4+s17], $0x80, s12, s17, $0xb8;
	[tilespmem:$0x1EAA0] =	vst v63  }
0x53: {  	s12 =	smov.u32 s24  }
0x54: {  	p0 =	sne.s32 s24, $0x9600;
	s24 =	sadd.s32 $0x320, s24;
	_ =	swait.ge [sflag:s14], $0x1400  }
0x55: {  	s12 =	sshra.s32 s12, $0x2;
	[sflag:s14] =	ssyncset.done $0x0  }
0x56: {  	s5 =	sadd.s32 $0x2710, s12;
	[sflag:s14] =	ssyncadd.s32 $0xFFFFEC00  }
0x57: {  	[spmem:s2] =	stream.indirect.scatter.add.f32 [tilespmem:s18], [sflag:$0x6], $0x80, s5, s17, $0xb8;
	[tilespmem:$0x1EAA0] =	vst v63  }
0x58: {  	_ =	swait.ge [sflag:s15], $0x1400  }
0x59: {  	[sflag:s15] =	ssyncset.done $0x0  }
0x5a: {  	s5 =	sadd.s32 $0x2738, s12;
	[sflag:s15] =	ssyncadd.s32 $0xFFFFEC00  }
0x5b: {  	[spmem:s2] =	stream.indirect.scatter.add.f32 [tilespmem:s19], [sflag:$0x7], $0x80, s5, s17, $0xb8;
	[tilespmem:$0x1EAA0] =	vst v63  }
0x5c: {  	_ =	swait.ge [sflag:s16], $0x1400  }
0x5d: {  	[sflag:s16] =	ssyncset.done $0x0  }
0x5e: {  	s5 =	sadd.s32 $0x2760, s12;
	[sflag:s16] =	ssyncadd.s32 $0xFFFFEC00  }
0x5f: {  	[spmem:s2] =	stream.indirect.scatter.add.f32 [tilespmem:s21], [sflag:$0x8], $0x80, s5, s17, $0xb8;
	[tilespmem:$0x1EAA0] =	vst v63  }
0x60: {  	_ =	swait.ge [sflag:s26], $0x1400  }
0x61: {  	[sflag:s26] =	ssyncset.done $0x0  }
0x62: {  	s5 =	sadd.s32 $0x2788, s12;
	[sflag:s26] =	ssyncadd.s32 $0xFFFFEC00  }
0x63: {  	[spmem:s2] =	stream.indirect.scatter.add.f32 [tilespmem:s23], [sflag:$0x9], $0x80, s5, s17, $0xb8;
	[tilespmem:$0x1EAA0] =	vst v63  }
0x64: {  	_ =	swait.ge [sflag:s28], $0x1400  }
0x65: {  	[sflag:s28] =	ssyncset.done $0x0  }
0x66: {  	s5 =	sadd.s32 $0x27B0, s12;
	[sflag:s28] =	ssyncadd.s32 $0xFFFFEC00  }
0x67: {  	[spmem:s2] =	stream.indirect.scatter.add.f32 [tilespmem:s25], [sflag:$0xA], $0x80, s5, s17, $0xb8;
	[tilespmem:$0x1EAA0] =	vst v63  }
0x68: {  	_ =	swait.ge [sflag:s29], $0x1400  }
0x69: {  	[sflag:s29] =	ssyncset.done $0x0  }
0x6a: {  	s5 =	sadd.s32 $0xC8, s12;
	[sflag:s29] =	ssyncadd.s32 $0xFFFFEC00  }
0x6b: {  	[tilespmem:s18], [sflag:$0x1] =	stream.indirect.gather [hbm4b:s4+s17], $0x80, s5, s17, $0xb8;
	[tilespmem:$0x1EAA0] =	vst v63  }
0x6c: {  	_ =	swait.ge [sflag:s30], $0x1400  }
0x6d: {  	[sflag:s30] =	ssyncset.done $0x0  }
0x6e: {  	s5 =	sadd.s32 $0xF0, s12;
	[sflag:s30] =	ssyncadd.s32 $0xFFFFEC00  }
0x6f: {  	[tilespmem:s19], [sflag:$0x2] =	stream.indirect.gather [hbm4b:s4+s17], $0x80, s5, s17, $0xb8;
	[tilespmem:$0x1EAA0] =	vst v63  }
0x70: {  	_ =	swait.ge [sflag:s31], $0x1400  }
0x71: {  	[sflag:s31] =	ssyncset.done $0x0  }
0x72: {  	s5 =	sadd.s32 $0x118, s12;
	[sflag:s31] =	ssyncadd.s32 $0xFFFFEC00  }
0x73: {  	[tilespmem:s21], [sflag:$0x3] =	stream.indirect.gather [hbm4b:s4+s17], $0x80, s5, s17, $0xb8;
	[tilespmem:$0x1EAA0] =	vst v63  }
0x74: {  	_ =	swait.ge [sflag:s1], $0x1400  }
0x75: {  	[sflag:s1] =	ssyncset.done $0x0  }
.Ltmp0:
0x76: {  	s5 =	sadd.s32 $0x140, s12;
	[sflag:s1] =	ssyncadd.s32 $0xFFFFEC00;
	(pc) =	sbr.rel @p0 .LBB2_2-.Ltmp0, $4  }
0x77: {  	[tilespmem:s23], [sflag:$0x4] =	stream.indirect.gather [hbm4b:s4+s17], $0x80, s5, s17, $0xb8;
	[tilespmem:$0x1EAA0] =	vst v63  }
0x78: {  	_ =	swait.ge [sflag:s0], $0x1400  }
0x79: {  	[sflag:s0] =	ssyncset.done $0x0  }
0x7a: {  	s12 =	sadd.s32 $0x168, s12;
	[sflag:s0] =	ssyncadd.s32 $0xFFFFEC00  }
0x7b: {  	[tilespmem:s25], [sflag:$0x5] =	stream.indirect.gather [hbm4b:s4+s17], $0x80, s12, s17, $0xb8;
	[tilespmem:$0x1EAA0] =	vst v63  }
0x7c: {  	_ =	swait.ge [sflag:s14], $0x1400  }
0x7d: {  	[sflag:s14] =	ssyncset.done $0x0  }
0x7e: {  	s5 =	simm.s32 $0x4D58;
	[sflag:s14] =	ssyncadd.s32 $0xFFFFEC00  }
0x7f: {  	[spmem:s2] =	stream.indirect.scatter.add.f32 [tilespmem:s18], [sflag:$0x6], $0x80, s5, s17, $0xb8;
	[tilespmem:$0x1EAA0] =	vst v63  }
0x80: {  	_ =	swait.ge [sflag:s15], $0x1400  }
0x81: {  	[sflag:s15] =	ssyncset.done $0x0  }
0x82: {  	s24 =	simm.s32 $0x4D80;
	[sflag:s15] =	ssyncadd.s32 $0xFFFFEC00  }
0x83: {  	[spmem:s2] =	stream.indirect.scatter.add.f32 [tilespmem:s19], [sflag:$0x7], $0x80, s24, s17, $0xb8;
	[tilespmem:$0x1EAA0] =	vst v63  }
0x84: {  	_ =	swait.ge [sflag:s16], $0x1400  }
0x85: {  	[sflag:s16] =	ssyncset.done $0x0  }
0x86: {  	s12 =	simm.s32 $0x4DA8;
	[sflag:s16] =	ssyncadd.s32 $0xFFFFEC00  }
0x87: {  	[spmem:s2] =	stream.indirect.scatter.add.f32 [tilespmem:s21], [sflag:$0x8], $0x80, s12, s17, $0xb8;
	[tilespmem:$0x1EAA0] =	vst v63  }
0x88: {  	_ =	swait.ge [sflag:s26], $0x1400  }
0x89: {  	[sflag:s26] =	ssyncset.done $0x0  }
0x8a: {  	s24 =	simm.s32 $0x4DD0;
	[sflag:s26] =	ssyncadd.s32 $0xFFFFEC00  }
0x8b: {  	[spmem:s2] =	stream.indirect.scatter.add.f32 [tilespmem:s23], [sflag:$0x9], $0x80, s24, s17, $0xb8;
	[tilespmem:$0x1EAA0] =	vst v63  }
0x8c: {  	_ =	swait.ge [sflag:s28], $0x1400  }
0x8d: {  	[sflag:s28] =	ssyncset.done $0x0  }
0x8e: {  	s12 =	simm.s32 $0x4DF8;
	[sflag:s28] =	ssyncadd.s32 $0xFFFFEC00  }
0x8f: {  	[spmem:s2] =	stream.indirect.scatter.add.f32 [tilespmem:s25], [sflag:$0xA], $0x80, s12, s17, $0xb8;
	[tilespmem:$0x1EAA0] =	vst v63  }
0x90: {  	_ =	swait.ge [sflag:s29], $0x1400  }
0x91: {  	[sflag:s29] =	ssyncset.done $0x0  }
0x92: {  	[sflag:s29] =	ssyncadd.s32 $0xFFFFEC00  }
0x93: {  	_ =	swait.ge [sflag:s30], $0x1400  }
0x94: {  	[sflag:s30] =	ssyncset.done $0x0  }
0x95: {  	[sflag:s30] =	ssyncadd.s32 $0xFFFFEC00  }
0x96: {  	_ =	swait.ge [sflag:s31], $0x1400  }
0x97: {  	[sflag:s31] =	ssyncset.done $0x0  }
0x98: {  	[sflag:s31] =	ssyncadd.s32 $0xFFFFEC00  }
0x99: {  	_ =	swait.ge [sflag:s1], $0x1400  }
0x9a: {  	[sflag:s1] =	ssyncset.done $0x0  }
0x9b: {  	[sflag:s1] =	ssyncadd.s32 $0xFFFFEC00  }
0x9c: {  	_ =	swait.ge [sflag:s0], $0x1400  }
0x9d: {  	s22 =	sadd.s32 $0x1, s22;
	[sflag:s0] =	ssyncset.done $0x0  }
0x9e: {  	p0 =	sne.s32 s22, s11;
	[sflag:s0] =	ssyncadd.s32 $0xFFFFEC00  }
.Ltmp1:
0x9f: {  	s24 =	sor.u32 $0x1C0B, s7;
	[bflag:$0x0] =	sbarrier.arrive $0xFFFF;
	(pc) =	sbr.rel @p0 .LBB2_1-.Ltmp1, $4  }
0xa0: {  	[hbm:s10], [sflag:s24] =	dma.local [spmem:s13], $0x2710  }
0xa1: {  	_ =	swait.ge [sflag:s20], $0x2710  }
0xa2: {  	[sflag:s20] =	ssyncset.done $0x0  }
0xa3: {  	[sflag:s20] =	ssyncadd.s32 $0xFFFFD8F0  }
0xa4: {  	_ =	sfence.sel $0x180000  }
0xa5: {  	[bflag:$0x0] =	sbarrier.arrive $0xFFFF  }
0xa6: {  	_ =	strace $0x9000004D  }
0xa7: {  	s0 =	stileid.u32;
	[bflag:$0x2] =	sbarrier.arrive $0xFFFF  }
0xa8: {  	p0 =	sne.s32 s0, $0x0;
	s0 =	rddreg [dreg:$0x2]  }
0xa9: {  	s0 =	sadd.s32 @!p0 $0x100000, s0  }
0xaa: {  	[sflag:s0] =	ssyncadd.tile.s32 @!p0 $0x1;
	_ =	shalt  }
.Lfunc_end2:
_tile_overlayer_lowered:
.L_overlay_start_2:
0xab: {  	(tag) =	ssettag $0x2  }
0xac: {  	s0 =	rddreg [dreg:$0x0];
	s2 =	stileid.u32  }
0xad: {  	s1 =	rddreg [dreg:$0x1];
	p0 =	sne.s32 s2, $0x0  }
0xae: {  	s3 =	rddreg [dreg:$0x2];
	[bflag:$0x3] =	sbarrier.arrive $0xFFFF;
	s2 =	simm.s32 @!p0 $0x1C0B  }
0xaf: {  	[timem:s3], [sflag:s2] =	dma.local @!p0 [hbm:s0], s1  }
0xb0: {  	s0 =	simm.s32 @!p0 $0xB  }
0xb1: {  	_ =	swait.ge @!p0 [sflag:s0], s1  }
0xb2: {  	s1 =	ssub.s32 @!p0 $0x0, s1;
	[sflag:s0] =	ssyncset.done @!p0 $0x0  }
0xb3: {  	[sflag:s0] =	ssyncadd.s32 @!p0 s1  }
0xb4: {  	[bflag:$0x3] =	sbarrier.arrive $0xFFFF  }
0xb5: {  	_ =	shalt  }

// kernel: kernel.25.cloned.1.call-start
scs
__scs_entry_jumppad:
0x0: {  	(pc) =	sbr.rel $0x88, $3  }
0x1: {  	(tag) =	ssettag $0x0;
	lr =	simm.s32 $0x1  }
0x2: {  	[smem:$0x3F7F] =	sst lr;
	_ =	strace $0xD0000000  }
0x3: {  	_ = 	snop  }
0x4: {  	_ = 	snop  }
0x5: {  	_ = 	snop  }
0x6: {  	_ = 	snop  }
0x7: {  	_ = 	snop  }
__scs_overlays_trampoline_lowered:
0x8: {  	[smem:$0x3F8E] =	sst s0  }
0x9: {  	[smem:$0x3F8F] =	sst s1  }
0xa: {  	[smem:$0x3F90] =	sst s2  }
0xb: {  	[smem:$0x3F91] =	sst s3  }
0xc: {  	[smem:$0x3F92] =	sst s4  }
0xd: {  	[smem:$0x3F93] =	sst s5  }
0xe: {  	[smem:$0x3F94] =	sst s6  }
0xf: {  	[smem:$0x3F95] =	sst s7  }
0x10: {  	[smem:$0x3F96] =	sst s8  }
0x11: {  	[smem:$0x3F97] =	sst s9;
	s0 =	simm.s32 @!p0 $0x0  }
0x12: {  	s1 =	sld [smem:$0x3F7D];
	s0 =	simm.s32 @p0 $0x1  }
0x13: {  	[smem:$0x3F98] =	sst s0;
	s0 =	simm.s32 @!p1 $0x0  }
0x14: {  	s2 =	sld [smem:$0x3F7C];
	s0 =	simm.s32 @p1 $0x1  }
0x15: {  	[smem:$0x3F99] =	sst s0;
	s0 =	simm.s32 @!p2 $0x0  }
0x16: {  	s3 =	sld [smem:$0x3FDB];
	s0 =	simm.s32 @p2 $0x1  }
0x17: {  	s4 =	simm.s32 $0x1BF5;
	[smem:$0x3F9B] =	sst s0  }
0x18: {  	s0 =	sld [smem:$0x3F7E];
	_ =	swait.ge [sflag:s4], $0x0  }
0x19: {  	s7 =	sld [smem:$0x3F7F]  }
0x1a: {  	s8 =	sadd.s32 $0xFFFFE003, lr  }
0x1b: {  	s9 =	sadd.s32 $0xFFFFFEF7, lr;
	s5 =	simm.s32 $0xFFFFFFFF;
	p2 =	slt.u32 s8, $0xFFFFF086  }
0x1c: {  	p1 =	slt.u32 s9, $0xF7A;
	s5 =	simm.s32 @!p2 $0x0  }
0x1d: {  	s5 =	simm.s32 @p1 $0x1;
	p0 =	seq.s32 s7, s2  }
0x1e: {  	s7 =	smul.u32 @!p0 $0xF7A, s2;
	p2 =	seq.s32 @!p0 s5, $0x0  }
0x1f: {  	s9 =	smul.u32 $0xF7A, s1;
	s8 =	simm.s32 @!p0 $0x1BF5;
	p2 =	por !p2, p0  }
0x20: {  	[sflag:s8] =	ssyncset.s32 @!p0 $0xFFFFF086;
	s6 =	sadd.s32 @!p0 s3, s7;
	s7 =	simm.s32 @!p0 $0x108  }
0x21: {  	s3 =	sadd.s32 s3, s9;
	s6 =	sadd.s32 @!p0 $0x88, s6;
	s7 =	simm.s32 @p2 $0x1082  }
0x22: {  	[simem:s7], [sflag:s8] =	dma.local @!p0 [hbm:s6], $0xF7A  }
0x23: {  	s9 =	sor.u32 $0xD0000000, s2;
	s6 =	simm.s32 $0x108;
	_ =	swait.ge @!p0 [sflag:s8], $0x0  }
0x24: {  	s3 =	sadd.s32 $0x88, s3;
	s6 =	simm.s32 @!p1 $0x1082;
	[sflag:s4] =	ssyncset.s32 $0xFFFFF086  }
0x25: {  	[simem:s6], [sflag:s4] =	dma.local [hbm:s3], $0xF7A  }
0x26: {  	[smem:$0x3F7F] =	sst s1;
	(tag) =	ssettag s2;
	_ =	strace s9  }
0x27: {  	s1 =	sld [smem:$0x3F8F]  }
0x28: {  	s2 =	sld [smem:$0x3F90]  }
0x29: {  	s4 =	sld [smem:$0x3F92]  }
0x2a: {  	p0 =	seq.s32 s5, $0x0;
	s5 =	sld [smem:$0x3F93]  }
0x2b: {  	s6 =	sld [smem:$0x3F94]  }
0x2c: {  	s7 =	sld [smem:$0x3F95]  }
0x2d: {  	s3 =	simm.s32 $0x108;
	s8 =	sld [smem:$0x3F96]  }
0x2e: {  	s3 =	simm.s32 @!p0 $0x1082;
	s9 =	sld [smem:$0x3F97]  }
0x2f: {  	lr =	sadd.s32 s0, s3;
	s0 =	sld [smem:$0x3F8E]  }
0x30: {  	s3 =	sld [smem:$0x3F91]  }
0x31: {  	[smem:$0x3F9A] =	sst s10  }
0x32: {  	s10 =	sld [smem:$0x3F98];
	_ =	sdelay $0x3  }
0x33: {  	p0 =	seq.s32 s10, $0x1;
	s10 =	sld [smem:$0x3F9A];
	_ =	sdelay $0x3  }
0x34: {  	[smem:$0x3F9A] =	sst s10  }
0x35: {  	s10 =	sld [smem:$0x3F99];
	_ =	sdelay $0x3  }
0x36: {  	p1 =	seq.s32 s10, $0x1;
	s10 =	sld [smem:$0x3F9A];
	_ =	sdelay $0x3  }
0x37: {  	[smem:$0x3F9A] =	sst s10  }
0x38: {  	s10 =	sld [smem:$0x3F9B]  }
0x39: {  	_ = 	snop;
	(pc) =	sbr.ind lr, $3  }
0x3a: {  	_ = 	snop  }
0x3b: {  	_ = 	snop  }
0x3c: {  	p2 =	seq.s32 s10, $0x1;
	s10 =	sld [smem:$0x3F9A]  }
0x3d: {  	_ =	shalt  }
0x3e: {  	_ =	shalt  }
0x3f: {  	_ =	shalt  }
0x40: {  	_ =	shalt  }
0x41: {  	_ =	shalt  }
0x42: {  	_ =	shalt  }
0x43: {  	_ =	shalt  }
0x44: {  	_ =	shalt  }
0x45: {  	_ =	shalt  }
0x46: {  	_ =	shalt  }
0x47: {  	_ =	shalt  }
0x48: {  	_ =	shalt  }
0x49: {  	_ =	shalt  }
0x4a: {  	_ =	shalt  }
0x4b: {  	_ =	shalt  }
0x4c: {  	_ =	shalt  }
0x4d: {  	_ =	shalt  }
0x4e: {  	_ =	shalt  }
0x4f: {  	_ =	shalt  }
0x50: {  	_ =	shalt  }
0x51: {  	_ =	shalt  }
0x52: {  	_ =	shalt  }
0x53: {  	_ =	shalt  }
0x54: {  	_ =	shalt  }
0x55: {  	_ =	shalt  }
0x56: {  	_ =	shalt  }
0x57: {  	_ =	shalt  }
0x58: {  	_ =	shalt  }
0x59: {  	_ =	shalt  }
0x5a: {  	_ =	shalt  }
0x5b: {  	_ =	shalt  }
0x5c: {  	_ =	shalt  }
0x5d: {  	_ =	shalt  }
0x5e: {  	_ =	shalt  }
0x5f: {  	_ =	shalt  }
0x60: {  	_ =	shalt  }
0x61: {  	_ =	shalt  }
0x62: {  	_ =	shalt  }
0x63: {  	_ =	shalt  }
0x64: {  	_ =	shalt  }
0x65: {  	_ =	shalt  }
0x66: {  	_ =	shalt  }
0x67: {  	_ =	shalt  }
0x68: {  	_ =	shalt  }
0x69: {  	_ =	shalt  }
0x6a: {  	_ =	shalt  }
0x6b: {  	_ =	shalt  }
0x6c: {  	_ =	shalt  }
0x6d: {  	_ =	shalt  }
0x6e: {  	_ =	shalt  }
0x6f: {  	_ =	shalt  }
0x70: {  	_ =	shalt  }
0x71: {  	_ =	shalt  }
0x72: {  	_ =	shalt  }
0x73: {  	_ =	shalt  }
0x74: {  	_ =	shalt  }
0x75: {  	_ =	shalt  }
0x76: {  	_ =	shalt  }
0x77: {  	_ =	shalt  }
0x78: {  	_ =	shalt  }
0x79: {  	_ =	shalt  }
0x7a: {  	_ =	shalt  }
0x7b: {  	_ =	shalt  }
0x7c: {  	_ =	shalt  }
0x7d: {  	_ =	shalt  }
0x7e: {  	_ =	shalt  }
0x7f: {  	_ =	shalt  }
0x80: {  	_ =	shalt  }
0x81: {  	_ =	shalt  }
0x82: {  	_ =	shalt  }
0x83: {  	_ =	shalt  }
0x84: {  	_ =	shalt  }
0x85: {  	_ =	shalt  }
0x86: {  	_ =	shalt  }
0x87: {  	_ =	shalt  }
.Lfunc_end0:
.L_simem_size_0:
called_computation.3_lowered:
.L_overlay_start_0:
0x88: {  	s2 =	sld [smem:$0x3FD9]  }
0x89: {  	s3 =	sld [smem:$0x3FFE];
	_ =	sdelay $0x1  }
0x8a: {  	s1 =	srdreg.scid  }
0x8b: {  	s0 =	sand.u32 $0x1, s1  }
0x8c: {  	s16 =	sshll.u32 s0, $0xA;
	s2 =	sadd.s32 s3, s2  }
0x8d: {  	s2 =	sadd.s32 s2, s16  }
0x8e: {  	[smem:$0x3FA6] =	sst s2  }
0x8f: {  	_ = 	snop  }
0x90: {  	(tm) =	ssettm $0x1  }
0x91: {  	s17 =	sld [smem:$0x3FFB];
	_ =	sdelay $0x3  }
0x92: {  	_ =	strace s17  }
0x93: {  	s2 =	sld [smem:$0x3FFC];
	_ =	sdelay $0x3  }
0x94: {  	_ =	strace s2  }
0x95: {  	s2 =	sld [smem:$0x3FFD];
	_ =	sdelay $0x3  }
0x96: {  	_ =	strace s2  }
0x97: {  	_ =	strace $0x8FFFFFFF  }
0x98: {  	s18 =	sld [smem:$0x3FDB];
	_ =	sdelay $0x1  }
0x99: {  	s19 =	simm.s32 $_scs_section_size  }
0x9a: {  	s4 =	simm.s32 $_size__tile_overlayer_lowered;
	s5 =	simm.s32 $_tile_overlayer_lowered  }
0x9b: {  	s22 =	simm.s32 $0x1BFF;
	s21 =	sshll.u32 s5, $0x1;
	s2 =	sadd.s32 s19, s18  }
0x9c: {  	s6 =	simm.s32 $0x0;
	s20 =	sshll.u32 s4, $0x1;
	s4 =	sadd.s32 s21, s2  }
0x9d: {  	[timem:s6], [sflag:s22] =	dma.local [hbm:s4], s20  }
0x9e: {  	_ =	swait.ge [sflag:s22], s20  }
0x9f: {  	s3 =	ssub.s32 $0x0, s20;
	[sflag:s22] =	ssyncset.done $0x0  }
0xa0: {  	[sflag:s22] =	ssyncadd.s32 s3;
	_ =	sdelay $0x1  }
0xa1: {  	s23 =	simm.s32 $0x1B8B  }
0xa2: {  	_ =	swait.ge [sflag:s23], $0x1  }
0xa3: {  	[sflag:s23] =	ssyncset.done $0x0  }
0xa4: {  	s25 =	simm.s32 $0x1B8E;
	s24 =	sld [smem:$0x3FFE];
	[sflag:s23] =	ssyncadd.s32 $0xFFFFFFFF  }
0xa5: {  	s26 =	simm.s32 $execute0_lowered;
	[smem:$0x3FD2] =	sst s25  }
0xa6: {  	s4 =	sshll.u32 s26, $0x1;
	_ =	strace $0x8000004F;
	[dreg:$0x1] =	wrdreg $0xFFFFFFFF  }
0xa7: {  	s28 =	simm.s32 $_size_execute0_lowered;
	s2 =	sadd.s32 s2, s4;
	[dreg:$0x0] =	wrdreg $0x0  }
0xa8: {  	s4 =	sshll.u32 s28, $0x1;
	[dreg:$0x2] =	wrdreg s2  }
0xa9: {  	[dreg:$0x3] =	wrdreg s4  }
0xaa: {  	[dreg:$0x4] =	wrdreg $0xC0  }
0xab: {  	_ =	task [dreg:s6], $0x5FFFF  }
0xac: {  	[dreg:$0x1] =	wrdreg $0xFFFFFFFF  }
0xad: {  	[dreg:$0x0] =	wrdreg $0x60  }
0xae: {  	[dreg:$0x2] =	wrdreg s24  }
0xaf: {  	[dreg:$0x3] =	wrdreg $0xB2200  }
0xb0: {  	[dreg:$0x4] =	wrdreg $0x9  }
0xb1: {  	_ =	task.clear_ibuf [dreg:s6], $0x5FFFF;
	_ =	strace $0x9000004F  }
0xb2: {  	s29 =	simm.s32 $0x9;
	_ =	strace $0x80000051  }
0xb3: {  	_ =	swait.ge [sflag:s29], $0x1  }
0xb4: {  	[sflag:s29] =	ssyncadd.s32 $0xFFFFFFFF  }
0xb5: {  	_ =	strace $0x90000051  }
0xb6: {  	_ =	sfence  }
0xb7: {  	s30 =	sld [smem:$0x0];
	_ =	sdelay $0x2  }
0xb8: {  	s31 =	sshll.u32 s1, $0xD;
	s1 =	sshrl.u32 s1, $0x2  }
0xb9: {  	s3 =	sand.u32 $0x4000, s31;
	s1 =	sadd.s32 s1, s30  }
0xba: {  	s0 =	sor.u32 s3, s0;
	s1 =	sshll.u32 s1, $0x11  }
0xbb: {  	s0 =	sor.u32 s1, s0  }
0xbc: {  	s0 =	sadd.s32 $0x8F2B, s0  }
0xbd: {  	[sflag:s0] =	ssyncadd.remote.s32 $0x1  }
0xbe: {  	_ =	sfence.sel $0xFFFF  }
0xbf: {  	[dreg:$0x0] =	wrdreg $0xFFFFFFFF;
	(pc) =	sbr.abs _section_cstart, $3  }
0xc0: {  	[dreg:$0x1] =	wrdreg $0xFFFFFFFF  }
0xc1: {  	_ =	task.clear_ibuf [dreg:s6], $0x2FFFF;
	_ =	strace $0x9FFFFFFF  }
0xc2: {  	(tm) =	ssettm $0x7FFFFFFF  }
0xc3: {  	_ =	shalt  }
tec
execute0_lowered:
.L_overlay_start_1:
0x0: {  	(tag) =	ssettag $0x1  }
0x1: {  	s0 =	srdreg.scid  }
0x2: {  	s9 =	stileid.u32;
	s5 =	rddreg [dreg:$0x0]  }
0x3: {  	s2 =	rddreg [dreg:$0x1];
	s3 =	simm.s32 $0x0;
	s14 =	simm.s32 $0x1  }
0x4: {  	s15 =	simm.s32 $0x2;
	s16 =	simm.s32 $0x3;
	s17 =	simm.s32 $0x28  }
0x5: {  	s18 =	simm.s32 $0x4E20;
	s19 =	simm.s32 $0x6220;
	s21 =	simm.s32 $0x7620  }
0x6: {  	s23 =	simm.s32 $0x8A20;
	s28 =	simm.s32 $0x5;
	s29 =	simm.s32 $0x6  }
0x7: {  	s30 =	simm.s32 $0x7;
	s31 =	simm.s32 $0x8;
	s20 =	simm.s32 $0xB  }
0x8: {  	s22 =	simm.s32 $0x0;
	s0 =	sand.u32 $0x1, s0;
	s8 =	smul.u32 $0x13880, s9  }
0x9: {  	[smem:$0x7FF] =	sst s3;
	s4 =	sadd.s32 $0x1BA00, s5;
	s1 =	sshll.u32 s0, $0x4  }
0xa: {  	s6 =	smul.u32 $0x138800, s0;
	_ =	strace $0x80000050;
	s0 =	ssub.s32 $0x2, s0  }
0xb: {  	s1 =	sor.u32 s9, s1;
	s7 =	sshrl.u32 s0, $0x1;
	s26 =	sshrl.u32 s8, $0x3  }
0xc: {  	s12 =	sadd.s32 s8, s2;
	s1 =	smul.u32 $0x2710, s1;
	s6 =	sadd.s32 s8, s6  }
0xd: {  	s0 =	ssub.s32 s0, s7;
	s7 =	sshll.u32 s9, $0x6;
	s8 =	sadd.s32 s4, s26  }
0xe: {  	s13 =	sshrl.u32 s12, $0x3;
	s26 =	simm.s32 $0x4;
	s6 =	sshrl.u32 s6, $0x3  }
0xf: {  	s9 =	sor.u32 $0x1C03, s7;
	s11 =	smax.u32 s0, $0x1;
	s1 =	sshrl.u32 s1, $0x3  }
0x10: {  	s0 =	simm.s32 $0xA;
	s10 =	sadd.s32 s6, s5;
	s1 =	sadd.s32 s1, s5  }
0x11: {  	s10 =	sadd.s32 $0x42C00, s10;
	s25 =	sadd.s32 $0x8000, s1;
	s6 =	sadd.s32 $0x11C40, s1  }
0x12: {  	s1 =	simm.s32 $0x9;
	[dreg:$0x3] =	wrdreg s25;
	s25 =	simm.s32 $0x9E20  }
.LBB2_1:
0x13: {  	s5 =	rddreg [dreg:$0x3]  }
0x14: {  	[tilespmem:s3], [sflag:$0x1] =	stream.linear.gather [hbm4b:s5+s3], $0x2710, $0x38;
	[tilespmem:$0x1EAA0] =	vst v63  }
0x15: {  	s12 =	simm.s32 $0x2710  }
0x16: {  	[tilespmem:s12], [sflag:$0x2] =	stream.linear.gather [hbm4b:s6+s3], $0x2710, $0x38;
	[tilespmem:$0x1EAA0] =	vst v63  }
0x17: {  	[spmem:s13], [sflag:s9] =	dma.local [hbm:s8], $0x2710  }
0x18: {  	_ =	swait.ge [sflag:s14], $0x2710  }
0x19: {  	[sflag:s14] =	ssyncset.done $0x0  }
0x1a: {  	[sflag:s14] =	ssyncadd.s32 $0xFFFFD8F0  }
0x1b: {  	_ =	swait.ge [sflag:s15], $0x2710  }
0x1c: {  	[sflag:s15] =	ssyncset.done $0x0  }
0x1d: {  	[sflag:s15] =	ssyncadd.s32 $0xFFFFD8F0  }
0x1e: {  	_ =	swait.ge [sflag:s16], $0x2710  }
0x1f: {  	[sflag:s16] =	ssyncset.done $0x0  }
0x20: {  	[sflag:s16] =	ssyncadd.s32 $0xFFFFD8F0  }
0x21: {  	[bflag:$0x0] =	sbarrier.arrive $0xFFFF  }
0x22: {  	[tilespmem:s18], [sflag:$0x1] =	stream.indirect.gather [hbm4b:s4+s17], $0x80, s3, s17, $0xb8;
	[tilespmem:$0x1EAA0] =	vst v63  }
0x23: {  	_ = 	snop  }
0x24: {  	[tilespmem:s19], [sflag:$0x2] =	stream.indirect.gather [hbm4b:s4+s17], $0x80, s17, s17, $0xb8;
	[tilespmem:$0x1EAA0] =	vst v63  }
0x25: {  	s24 =	simm.s32 $0x50  }
0x26: {  	[tilespmem:s21], [sflag:$0x3] =	stream.indirect.gather [hbm4b:s4+s17], $0x80, s24, s17, $0xb8;
	[tilespmem:$0x1EAA0] =	vst v63  }
0x27: {  	s12 =	simm.s32 $0x78  }
0x28: {  	[tilespmem:s23], [sflag:$0x4] =	stream.indirect.gather [hbm4b:s4+s17], $0x80, s12, s17, $0xb8;
	[tilespmem:$0x1EAA0] =	vst v63  }
0x29: {  	s24 =	simm.s32 $0xA0  }
0x2a: {  	[tilespmem:s25], [sflag:$0x5] =	stream.indirect.gather [hbm4b:s4+s17], $0x80, s24, s17, $0xb8;
	[tilespmem:$0x1EAA0] =	vst v63  }
0x2b: {  	_ =	swait.ge [sflag:s14], $0x1400  }
0x2c: {  	[sflag:s14] =	ssyncset.done $0x0  }
0x2d: {  	s12 =	simm.s32 $0x2710;
	[sflag:s14] =	ssyncadd.s32 $0xFFFFEC00  }
0x2e: {  	[spmem:s2] =	stream.indirect.scatter.add.f32 [tilespmem:s18], [sflag:$0x6], $0x80, s12, s17, $0xb8;
	[tilespmem:$0x1EAA0] =	vst v63  }
0x2f: {  	_ =	swait.ge [sflag:s15], $0x1400  }
0x30: {  	[sflag:s15] =	ssyncset.done $0x0  }
0x31: {  	s5 =	simm.s32 $0x2738;
	[sflag:s15] =	ssyncadd.s32 $0xFFFFEC00  }
0x32: {  	[spmem:s2] =	stream.indirect.scatter.add.f32 [tilespmem:s19], [sflag:$0x7], $0x80, s5, s17, $0xb8;
	[tilespmem:$0x1EAA0] =	vst v63  }
0x33: {  	_ =	swait.ge [sflag:s16], $0x1400  }
0x34: {  	[sflag:s16] =	ssyncset.done $0x0  }
0x35: {  	s24 =	simm.s32 $0x2760;
	[sflag:s16] =	ssyncadd.s32 $0xFFFFEC00  }
0x36: {  	[spmem:s2] =	stream.indirect.scatter.add.f32 [tilespmem:s21], [sflag:$0x8], $0x80, s24, s17, $0xb8;
	[tilespmem:$0x1EAA0] =	vst v63  }
0x37: {  	_ =	swait.ge [sflag:s26], $0x1400  }
0x38: {  	[sflag:s26] =	ssyncset.done $0x0  }
0x39: {  	s5 =	simm.s32 $0x2788;
	[sflag:s26] =	ssyncadd.s32 $0xFFFFEC00  }
0x3a: {  	[spmem:s2] =	stream.indirect.scatter.add.f32 [tilespmem:s23], [sflag:$0x9], $0x80, s5, s17, $0xb8;
	[tilespmem:$0x1EAA0] =	vst v63  }
0x3b: {  	_ =	swait.ge [sflag:s28], $0x1400  }
0x3c: {  	[sflag:s28] =	ssyncset.done $0x0  }
0x3d: {  	s24 =	simm.s32 $0x27B0;
	[sflag:s28] =	ssyncadd.s32 $0xFFFFEC00  }
0x3e: {  	[spmem:s2] =	stream.indirect.scatter.add.f32 [tilespmem:s25], [sflag:$0xA], $0x80, s24, s17, $0xb8;
	[tilespmem:$0x1EAA0] =	vst v63  }
0x3f: {  	_ =	swait.ge [sflag:s29], $0x1400  }
0x40: {  	[sflag:s29] =	ssyncset.done $0x0  }
0x41: {  	s5 =	simm.s32 $0xC8;
	[sflag:s29] =	ssyncadd.s32 $0xFFFFEC00  }
0x42: {  	[tilespmem:s18], [sflag:$0x1] =	stream.indirect.gather [hbm4b:s4+s17], $0x80, s5, s17, $0xb8;
	[tilespmem:$0x1EAA0] =	vst v63  }
0x43: {  	_ =	swait.ge [sflag:s30], $0x1400  }
0x44: {  	[sflag:s30] =	ssyncset.done $0x0  }
0x45: {  	s24 =	simm.s32 $0xF0;
	[sflag:s30] =	ssyncadd.s32 $0xFFFFEC00  }
0x46: {  	[tilespmem:s19], [sflag:$0x2] =	stream.indirect.gather [hbm4b:s4+s17], $0x80, s24, s17, $0xb8;
	[tilespmem:$0x1EAA0] =	vst v63  }
0x47: {  	_ =	swait.ge [sflag:s31], $0x1400  }
0x48: {  	[sflag:s31] =	ssyncset.done $0x0  }
0x49: {  	s5 =	simm.s32 $0x118;
	[sflag:s31] =	ssyncadd.s32 $0xFFFFEC00  }
0x4a: {  	[tilespmem:s21], [sflag:$0x3] =	stream.indirect.gather [hbm4b:s4+s17], $0x80, s5, s17, $0xb8;
	[tilespmem:$0x1EAA0] =	vst v63  }
0x4b: {  	_ =	swait.ge [sflag:s1], $0x1400  }
0x4c: {  	[sflag:s1] =	ssyncset.done $0x0  }
0x4d: {  	s24 =	simm.s32 $0x140;
	[sflag:s1] =	ssyncadd.s32 $0xFFFFEC00  }
0x4e: {  	[tilespmem:s23], [sflag:$0x4] =	stream.indirect.gather [hbm4b:s4+s17], $0x80, s24, s17, $0xb8;
	[tilespmem:$0x1EAA0] =	vst v63  }
0x4f: {  	_ =	swait.ge [sflag:s0], $0x1400  }
0x50: {  	[sflag:s0] =	ssyncset.done $0x0  }
0x51: {  	s12 =	simm.s32 $0x168;
	s24 =	simm.s32 $0x320;
	[sflag:s0] =	ssyncadd.s32 $0xFFFFEC00  }
.LBB2_2:
0x52: {  	[tilespmem:s25], [sflag:$0x5] =	stream.indirect.gather [hbm4b:s4+s17], $0x80, s12, s17, $0xb8;
	[tilespmem:$0x1EAA0] =	vst v63  }
0x53: {  	s12 =	smov.u32 s24  }
0x54: {  	p0 =	sne.s32 s24, $0x9600;
	s24 =	sadd.s32 $0x320, s24;
	_ =	swait.ge [sflag:s14], $0x1400  }
0x55: {  	s12 =	sshra.s32 s12, $0x2;
	[sflag:s14] =	ssyncset.done $0x0  }
0x56: {  	s5 =	sadd.s32 $0x2710, s12;
	[sflag:s14] =	ssyncadd.s32 $0xFFFFEC00  }
0x57: {  	[spmem:s2] =	stream.indirect.scatter.add.f32 [tilespmem:s18], [sflag:$0x6], $0x80, s5, s17, $0xb8;
	[tilespmem:$0x1EAA0] =	vst v63  }
0x58: {  	_ =	swait.ge [sflag:s15], $0x1400  }
0x59: {  	[sflag:s15] =	ssyncset.done $0x0  }
0x5a: {  	s5 =	sadd.s32 $0x2738, s12;
	[sflag:s15] =	ssyncadd.s32 $0xFFFFEC00  }
0x5b: {  	[spmem:s2] =	stream.indirect.scatter.add.f32 [tilespmem:s19], [sflag:$0x7], $0x80, s5, s17, $0xb8;
	[tilespmem:$0x1EAA0] =	vst v63  }
0x5c: {  	_ =	swait.ge [sflag:s16], $0x1400  }
0x5d: {  	[sflag:s16] =	ssyncset.done $0x0  }
0x5e: {  	s5 =	sadd.s32 $0x2760, s12;
	[sflag:s16] =	ssyncadd.s32 $0xFFFFEC00  }
0x5f: {  	[spmem:s2] =	stream.indirect.scatter.add.f32 [tilespmem:s21], [sflag:$0x8], $0x80, s5, s17, $0xb8;
	[tilespmem:$0x1EAA0] =	vst v63  }
0x60: {  	_ =	swait.ge [sflag:s26], $0x1400  }
0x61: {  	[sflag:s26] =	ssyncset.done $0x0  }
0x62: {  	s5 =	sadd.s32 $0x2788, s12;
	[sflag:s26] =	ssyncadd.s32 $0xFFFFEC00  }
0x63: {  	[spmem:s2] =	stream.indirect.scatter.add.f32 [tilespmem:s23], [sflag:$0x9], $0x80, s5, s17, $0xb8;
	[tilespmem:$0x1EAA0] =	vst v63  }
0x64: {  	_ =	swait.ge [sflag:s28], $0x1400  }
0x65: {  	[sflag:s28] =	ssyncset.done $0x0  }
0x66: {  	s5 =	sadd.s32 $0x27B0, s12;
	[sflag:s28] =	ssyncadd.s32 $0xFFFFEC00  }
0x67: {  	[spmem:s2] =	stream.indirect.scatter.add.f32 [tilespmem:s25], [sflag:$0xA], $0x80, s5, s17, $0xb8;
	[tilespmem:$0x1EAA0] =	vst v63  }
0x68: {  	_ =	swait.ge [sflag:s29], $0x1400  }
0x69: {  	[sflag:s29] =	ssyncset.done $0x0  }
0x6a: {  	s5 =	sadd.s32 $0xC8, s12;
	[sflag:s29] =	ssyncadd.s32 $0xFFFFEC00  }
0x6b: {  	[tilespmem:s18], [sflag:$0x1] =	stream.indirect.gather [hbm4b:s4+s17], $0x80, s5, s17, $0xb8;
	[tilespmem:$0x1EAA0] =	vst v63  }
0x6c: {  	_ =	swait.ge [sflag:s30], $0x1400  }
0x6d: {  	[sflag:s30] =	ssyncset.done $0x0  }
0x6e: {  	s5 =	sadd.s32 $0xF0, s12;
	[sflag:s30] =	ssyncadd.s32 $0xFFFFEC00  }
0x6f: {  	[tilespmem:s19], [sflag:$0x2] =	stream.indirect.gather [hbm4b:s4+s17], $0x80, s5, s17, $0xb8;
	[tilespmem:$0x1EAA0] =	vst v63  }
0x70: {  	_ =	swait.ge [sflag:s31], $0x1400  }
0x71: {  	[sflag:s31] =	ssyncset.done $0x0  }
0x72: {  	s5 =	sadd.s32 $0x118, s12;
	[sflag:s31] =	ssyncadd.s32 $0xFFFFEC00  }
0x73: {  	[tilespmem:s21], [sflag:$0x3] =	stream.indirect.gather [hbm4b:s4+s17], $0x80, s5, s17, $0xb8;
	[tilespmem:$0x1EAA0] =	vst v63  }
0x74: {  	_ =	swait.ge [sflag:s1], $0x1400  }
0x75: {  	[sflag:s1] =	ssyncset.done $0x0  }
.Ltmp0:
0x76: {  	s5 =	sadd.s32 $0x140, s12;
	[sflag:s1] =	ssyncadd.s32 $0xFFFFEC00;
	(pc) =	sbr.rel @p0 .LBB2_2-.Ltmp0, $4  }
0x77: {  	[tilespmem:s23], [sflag:$0x4] =	stream.indirect.gather [hbm4b:s4+s17], $0x80, s5, s17, $0xb8;
	[tilespmem:$0x1EAA0] =	vst v63  }
0x78: {  	_ =	swait.ge [sflag:s0], $0x1400  }
0x79: {  	[sflag:s0] =	ssyncset.done $0x0  }
0x7a: {  	s12 =	sadd.s32 $0x168, s12;
	[sflag:s0] =	ssyncadd.s32 $0xFFFFEC00  }
0x7b: {  	[tilespmem:s25], [sflag:$0x5] =	stream.indirect.gather [hbm4b:s4+s17], $0x80, s12, s17, $0xb8;
	[tilespmem:$0x1EAA0] =	vst v63  }
0x7c: {  	_ =	swait.ge [sflag:s14], $0x1400  }
0x7d: {  	[sflag:s14] =	ssyncset.done $0x0  }
0x7e: {  	s5 =	simm.s32 $0x4D58;
	[sflag:s14] =	ssyncadd.s32 $0xFFFFEC00  }
0x7f: {  	[spmem:s2] =	stream.indirect.scatter.add.f32 [tilespmem:s18], [sflag:$0x6], $0x80, s5, s17, $0xb8;
	[tilespmem:$0x1EAA0] =	vst v63  }
0x80: {  	_ =	swait.ge [sflag:s15], $0x1400  }
0x81: {  	[sflag:s15] =	ssyncset.done $0x0  }
0x82: {  	s24 =	simm.s32 $0x4D80;
	[sflag:s15] =	ssyncadd.s32 $0xFFFFEC00  }
0x83: {  	[spmem:s2] =	stream.indirect.scatter.add.f32 [tilespmem:s19], [sflag:$0x7], $0x80, s24, s17, $0xb8;
	[tilespmem:$0x1EAA0] =	vst v63  }
0x84: {  	_ =	swait.ge [sflag:s16], $0x1400  }
0x85: {  	[sflag:s16] =	ssyncset.done $0x0  }
0x86: {  	s12 =	simm.s32 $0x4DA8;
	[sflag:s16] =	ssyncadd.s32 $0xFFFFEC00  }
0x87: {  	[spmem:s2] =	stream.indirect.scatter.add.f32 [tilespmem:s21], [sflag:$0x8], $0x80, s12, s17, $0xb8;
	[tilespmem:$0x1EAA0] =	vst v63  }
0x88: {  	_ =	swait.ge [sflag:s26], $0x1400  }
0x89: {  	[sflag:s26] =	ssyncset.done $0x0  }
0x8a: {  	s24 =	simm.s32 $0x4DD0;
	[sflag:s26] =	ssyncadd.s32 $0xFFFFEC00  }
0x8b: {  	[spmem:s2] =	stream.indirect.scatter.add.f32 [tilespmem:s23], [sflag:$0x9], $0x80, s24, s17, $0xb8;
	[tilespmem:$0x1EAA0] =	vst v63  }
0x8c: {  	_ =	swait.ge [sflag:s28], $0x1400  }
0x8d: {  	[sflag:s28] =	ssyncset.done $0x0  }
0x8e: {  	s12 =	simm.s32 $0x4DF8;
	[sflag:s28] =	ssyncadd.s32 $0xFFFFEC00  }
0x8f: {  	[spmem:s2] =	stream.indirect.scatter.add.f32 [tilespmem:s25], [sflag:$0xA], $0x80, s12, s17, $0xb8;
	[tilespmem:$0x1EAA0] =	vst v63  }
0x90: {  	_ =	swait.ge [sflag:s29], $0x1400  }
0x91: {  	[sflag:s29] =	ssyncset.done $0x0  }
0x92: {  	[sflag:s29] =	ssyncadd.s32 $0xFFFFEC00  }
0x93: {  	_ =	swait.ge [sflag:s30], $0x1400  }
0x94: {  	[sflag:s30] =	ssyncset.done $0x0  }
0x95: {  	[sflag:s30] =	ssyncadd.s32 $0xFFFFEC00  }
0x96: {  	_ =	swait.ge [sflag:s31], $0x1400  }
0x97: {  	[sflag:s31] =	ssyncset.done $0x0  }
0x98: {  	[sflag:s31] =	ssyncadd.s32 $0xFFFFEC00  }
0x99: {  	_ =	swait.ge [sflag:s1], $0x1400  }
0x9a: {  	[sflag:s1] =	ssyncset.done $0x0  }
0x9b: {  	[sflag:s1] =	ssyncadd.s32 $0xFFFFEC00  }
0x9c: {  	_ =	swait.ge [sflag:s0], $0x1400  }
0x9d: {  	s22 =	sadd.s32 $0x1, s22;
	[sflag:s0] =	ssyncset.done $0x0  }
0x9e: {  	p0 =	sne.s32 s22, s11;
	[sflag:s0] =	ssyncadd.s32 $0xFFFFEC00  }
.Ltmp1:
0x9f: {  	s24 =	sor.u32 $0x1C0B, s7;
	[bflag:$0x0] =	sbarrier.arrive $0xFFFF;
	(pc) =	sbr.rel @p0 .LBB2_1-.Ltmp1, $4  }
0xa0: {  	[hbm:s10], [sflag:s24] =	dma.local [spmem:s13], $0x2710  }
0xa1: {  	_ =	swait.ge [sflag:s20], $0x2710  }
0xa2: {  	[sflag:s20] =	ssyncset.done $0x0  }
0xa3: {  	[sflag:s20] =	ssyncadd.s32 $0xFFFFD8F0  }
0xa4: {  	_ =	sfence.sel $0x180000  }
0xa5: {  	[bflag:$0x0] =	sbarrier.arrive $0xFFFF  }
0xa6: {  	_ =	strace $0x90000050  }
0xa7: {  	s0 =	stileid.u32;
	[bflag:$0x2] =	sbarrier.arrive $0xFFFF  }
0xa8: {  	p0 =	sne.s32 s0, $0x0;
	s0 =	rddreg [dreg:$0x2]  }
0xa9: {  	s0 =	sadd.s32 @!p0 $0x100000, s0  }
0xaa: {  	[sflag:s0] =	ssyncadd.tile.s32 @!p0 $0x1;
	_ =	shalt  }
.Lfunc_end2:
_tile_overlayer_lowered:
.L_overlay_start_2:
0xab: {  	(tag) =	ssettag $0x2  }
0xac: {  	s0 =	rddreg [dreg:$0x0];
	s2 =	stileid.u32  }
0xad: {  	s1 =	rddreg [dreg:$0x1];
	p0 =	sne.s32 s2, $0x0  }
0xae: {  	s3 =	rddreg [dreg:$0x2];
	[bflag:$0x3] =	sbarrier.arrive $0xFFFF;
	s2 =	simm.s32 @!p0 $0x1C0B  }
0xaf: {  	[timem:s3], [sflag:s2] =	dma.local @!p0 [hbm:s0], s1  }
0xb0: {  	s0 =	simm.s32 @!p0 $0xB  }
0xb1: {  	_ =	swait.ge @!p0 [sflag:s0], s1  }
0xb2: {  	s1 =	ssub.s32 @!p0 $0x0, s1;
	[sflag:s0] =	ssyncset.done @!p0 $0x0  }
0xb3: {  	[sflag:s0] =	ssyncadd.s32 @!p0 s1  }
0xb4: {  	[bflag:$0x3] =	sbarrier.arrive $0xFFFF  }
0xb5: {  	_ =	shalt  }

// kernel: kernel.28.cloned.1.call-start
scs
__scs_entry_jumppad:
0x0: {  	(pc) =	sbr.rel $0x88, $3  }
0x1: {  	(tag) =	ssettag $0x0;
	lr =	simm.s32 $0x1  }
0x2: {  	[smem:$0x3F7F] =	sst lr;
	_ =	strace $0xD0000000  }
0x3: {  	_ = 	snop  }
0x4: {  	_ = 	snop  }
0x5: {  	_ = 	snop  }
0x6: {  	_ = 	snop  }
0x7: {  	_ = 	snop  }
__scs_overlays_trampoline_lowered:
0x8: {  	[smem:$0x3F8E] =	sst s0  }
0x9: {  	[smem:$0x3F8F] =	sst s1  }
0xa: {  	[smem:$0x3F90] =	sst s2  }
0xb: {  	[smem:$0x3F91] =	sst s3  }
0xc: {  	[smem:$0x3F92] =	sst s4  }
0xd: {  	[smem:$0x3F93] =	sst s5  }
0xe: {  	[smem:$0x3F94] =	sst s6  }
0xf: {  	[smem:$0x3F95] =	sst s7  }
0x10: {  	[smem:$0x3F96] =	sst s8  }
0x11: {  	[smem:$0x3F97] =	sst s9;
	s0 =	simm.s32 @!p0 $0x0  }
0x12: {  	s1 =	sld [smem:$0x3F7D];
	s0 =	simm.s32 @p0 $0x1  }
0x13: {  	[smem:$0x3F98] =	sst s0;
	s0 =	simm.s32 @!p1 $0x0  }
0x14: {  	s2 =	sld [smem:$0x3F7C];
	s0 =	simm.s32 @p1 $0x1  }
0x15: {  	[smem:$0x3F99] =	sst s0;
	s0 =	simm.s32 @!p2 $0x0  }
0x16: {  	s3 =	sld [smem:$0x3FDB];
	s0 =	simm.s32 @p2 $0x1  }
0x17: {  	s4 =	simm.s32 $0x1BF5;
	[smem:$0x3F9B] =	sst s0  }
0x18: {  	s0 =	sld [smem:$0x3F7E];
	_ =	swait.ge [sflag:s4], $0x0  }
0x19: {  	s7 =	sld [smem:$0x3F7F]  }
0x1a: {  	s8 =	sadd.s32 $0xFFFFE003, lr  }
0x1b: {  	s9 =	sadd.s32 $0xFFFFFEF7, lr;
	s5 =	simm.s32 $0xFFFFFFFF;
	p2 =	slt.u32 s8, $0xFFFFF086  }
0x1c: {  	p1 =	slt.u32 s9, $0xF7A;
	s5 =	simm.s32 @!p2 $0x0  }
0x1d: {  	s5 =	simm.s32 @p1 $0x1;
	p0 =	seq.s32 s7, s2  }
0x1e: {  	s7 =	smul.u32 @!p0 $0xF7A, s2;
	p2 =	seq.s32 @!p0 s5, $0x0  }
0x1f: {  	s9 =	smul.u32 $0xF7A, s1;
	s8 =	simm.s32 @!p0 $0x1BF5;
	p2 =	por !p2, p0  }
0x20: {  	[sflag:s8] =	ssyncset.s32 @!p0 $0xFFFFF086;
	s6 =	sadd.s32 @!p0 s3, s7;
	s7 =	simm.s32 @!p0 $0x108  }
0x21: {  	s3 =	sadd.s32 s3, s9;
	s6 =	sadd.s32 @!p0 $0x88, s6;
	s7 =	simm.s32 @p2 $0x1082  }
0x22: {  	[simem:s7], [sflag:s8] =	dma.local @!p0 [hbm:s6], $0xF7A  }
0x23: {  	s9 =	sor.u32 $0xD0000000, s2;
	s6 =	simm.s32 $0x108;
	_ =	swait.ge @!p0 [sflag:s8], $0x0  }
0x24: {  	s3 =	sadd.s32 $0x88, s3;
	s6 =	simm.s32 @!p1 $0x1082;
	[sflag:s4] =	ssyncset.s32 $0xFFFFF086  }
0x25: {  	[simem:s6], [sflag:s4] =	dma.local [hbm:s3], $0xF7A  }
0x26: {  	[smem:$0x3F7F] =	sst s1;
	(tag) =	ssettag s2;
	_ =	strace s9  }
0x27: {  	s1 =	sld [smem:$0x3F8F]  }
0x28: {  	s2 =	sld [smem:$0x3F90]  }
0x29: {  	s4 =	sld [smem:$0x3F92]  }
0x2a: {  	p0 =	seq.s32 s5, $0x0;
	s5 =	sld [smem:$0x3F93]  }
0x2b: {  	s6 =	sld [smem:$0x3F94]  }
0x2c: {  	s7 =	sld [smem:$0x3F95]  }
0x2d: {  	s3 =	simm.s32 $0x108;
	s8 =	sld [smem:$0x3F96]  }
0x2e: {  	s3 =	simm.s32 @!p0 $0x1082;
	s9 =	sld [smem:$0x3F97]  }
0x2f: {  	lr =	sadd.s32 s0, s3;
	s0 =	sld [smem:$0x3F8E]  }
0x30: {  	s3 =	sld [smem:$0x3F91]  }
0x31: {  	[smem:$0x3F9A] =	sst s10  }
0x32: {  	s10 =	sld [smem:$0x3F98];
	_ =	sdelay $0x3  }
0x33: {  	p0 =	seq.s32 s10, $0x1;
	s10 =	sld [smem:$0x3F9A];
	_ =	sdelay $0x3  }
0x34: {  	[smem:$0x3F9A] =	sst s10  }
0x35: {  	s10 =	sld [smem:$0x3F99];
	_ =	sdelay $0x3  }
0x36: {  	p1 =	seq.s32 s10, $0x1;
	s10 =	sld [smem:$0x3F9A];
	_ =	sdelay $0x3  }
0x37: {  	[smem:$0x3F9A] =	sst s10  }
0x38: {  	s10 =	sld [smem:$0x3F9B]  }
0x39: {  	_ = 	snop;
	(pc) =	sbr.ind lr, $3  }
0x3a: {  	_ = 	snop  }
0x3b: {  	_ = 	snop  }
0x3c: {  	p2 =	seq.s32 s10, $0x1;
	s10 =	sld [smem:$0x3F9A]  }
0x3d: {  	_ =	shalt  }
0x3e: {  	_ =	shalt  }
0x3f: {  	_ =	shalt  }
0x40: {  	_ =	shalt  }
0x41: {  	_ =	shalt  }
0x42: {  	_ =	shalt  }
0x43: {  	_ =	shalt  }
0x44: {  	_ =	shalt  }
0x45: {  	_ =	shalt  }
0x46: {  	_ =	shalt  }
0x47: {  	_ =	shalt  }
0x48: {  	_ =	shalt  }
0x49: {  	_ =	shalt  }
0x4a: {  	_ =	shalt  }
0x4b: {  	_ =	shalt  }
0x4c: {  	_ =	shalt  }
0x4d: {  	_ =	shalt  }
0x4e: {  	_ =	shalt  }
0x4f: {  	_ =	shalt  }
0x50: {  	_ =	shalt  }
0x51: {  	_ =	shalt  }
0x52: {  	_ =	shalt  }
0x53: {  	_ =	shalt  }
0x54: {  	_ =	shalt  }
0x55: {  	_ =	shalt  }
0x56: {  	_ =	shalt  }
0x57: {  	_ =	shalt  }
0x58: {  	_ =	shalt  }
0x59: {  	_ =	shalt  }
0x5a: {  	_ =	shalt  }
0x5b: {  	_ =	shalt  }
0x5c: {  	_ =	shalt  }
0x5d: {  	_ =	shalt  }
0x5e: {  	_ =	shalt  }
0x5f: {  	_ =	shalt  }
0x60: {  	_ =	shalt  }
0x61: {  	_ =	shalt  }
0x62: {  	_ =	shalt  }
0x63: {  	_ =	shalt  }
0x64: {  	_ =	shalt  }
0x65: {  	_ =	shalt  }
0x66: {  	_ =	shalt  }
0x67: {  	_ =	shalt  }
0x68: {  	_ =	shalt  }
0x69: {  	_ =	shalt  }
0x6a: {  	_ =	shalt  }
0x6b: {  	_ =	shalt  }
0x6c: {  	_ =	shalt  }
0x6d: {  	_ =	shalt  }
0x6e: {  	_ =	shalt  }
0x6f: {  	_ =	shalt  }
0x70: {  	_ =	shalt  }
0x71: {  	_ =	shalt  }
0x72: {  	_ =	shalt  }
0x73: {  	_ =	shalt  }
0x74: {  	_ =	shalt  }
0x75: {  	_ =	shalt  }
0x76: {  	_ =	shalt  }
0x77: {  	_ =	shalt  }
0x78: {  	_ =	shalt  }
0x79: {  	_ =	shalt  }
0x7a: {  	_ =	shalt  }
0x7b: {  	_ =	shalt  }
0x7c: {  	_ =	shalt  }
0x7d: {  	_ =	shalt  }
0x7e: {  	_ =	shalt  }
0x7f: {  	_ =	shalt  }
0x80: {  	_ =	shalt  }
0x81: {  	_ =	shalt  }
0x82: {  	_ =	shalt  }
0x83: {  	_ =	shalt  }
0x84: {  	_ =	shalt  }
0x85: {  	_ =	shalt  }
0x86: {  	_ =	shalt  }
0x87: {  	_ =	shalt  }
.Lfunc_end0:
.L_simem_size_0:
called_computation.4_lowered:
.L_overlay_start_0:
0x88: {  	s2 =	sld [smem:$0x3FD9]  }
0x89: {  	s3 =	sld [smem:$0x3FFE];
	_ =	sdelay $0x1  }
0x8a: {  	s1 =	srdreg.scid  }
0x8b: {  	s0 =	sand.u32 $0x1, s1  }
0x8c: {  	s16 =	sshll.u32 s0, $0xA;
	s2 =	sadd.s32 s3, s2  }
0x8d: {  	s2 =	sadd.s32 s2, s16  }
0x8e: {  	[smem:$0x3FA6] =	sst s2  }
0x8f: {  	_ = 	snop  }
0x90: {  	(tm) =	ssettm $0x1  }
0x91: {  	s17 =	sld [smem:$0x3FFB];
	_ =	sdelay $0x3  }
0x92: {  	_ =	strace s17  }
0x93: {  	s2 =	sld [smem:$0x3FFC];
	_ =	sdelay $0x3  }
0x94: {  	_ =	strace s2  }
0x95: {  	s2 =	sld [smem:$0x3FFD];
	_ =	sdelay $0x3  }
0x96: {  	_ =	strace s2  }
0x97: {  	_ =	strace $0x8FFFFFFF  }
0x98: {  	s18 =	sld [smem:$0x3FDB];
	_ =	sdelay $0x1  }
0x99: {  	s19 =	simm.s32 $_scs_section_size  }
0x9a: {  	s4 =	simm.s32 $_size__tile_overlayer_lowered;
	s5 =	simm.s32 $_tile_overlayer_lowered  }
0x9b: {  	s22 =	simm.s32 $0x1BFF;
	s21 =	sshll.u32 s5, $0x1;
	s2 =	sadd.s32 s19, s18  }
0x9c: {  	s6 =	simm.s32 $0x0;
	s20 =	sshll.u32 s4, $0x1;
	s4 =	sadd.s32 s21, s2  }
0x9d: {  	[timem:s6], [sflag:s22] =	dma.local [hbm:s4], s20  }
0x9e: {  	_ =	swait.ge [sflag:s22], s20  }
0x9f: {  	s3 =	ssub.s32 $0x0, s20;
	[sflag:s22] =	ssyncset.done $0x0  }
0xa0: {  	[sflag:s22] =	ssyncadd.s32 s3;
	_ =	sdelay $0x1  }
0xa1: {  	s23 =	simm.s32 $0x1B8B  }
0xa2: {  	_ =	swait.ge [sflag:s23], $0x1  }
0xa3: {  	[sflag:s23] =	ssyncset.done $0x0  }
0xa4: {  	s25 =	simm.s32 $0x1B8E;
	s24 =	sld [smem:$0x3FFE];
	[sflag:s23] =	ssyncadd.s32 $0xFFFFFFFF  }
0xa5: {  	s26 =	simm.s32 $execute0_lowered;
	[smem:$0x3FD2] =	sst s25  }
0xa6: {  	s4 =	sshll.u32 s26, $0x1;
	_ =	strace $0x80000052;
	[dreg:$0x1] =	wrdreg $0xFFFFFFFF  }
0xa7: {  	s28 =	simm.s32 $_size_execute0_lowered;
	s2 =	sadd.s32 s2, s4;
	[dreg:$0x0] =	wrdreg $0x0  }
0xa8: {  	s4 =	sshll.u32 s28, $0x1;
	[dreg:$0x2] =	wrdreg s2  }
0xa9: {  	[dreg:$0x3] =	wrdreg s4  }
0xaa: {  	[dreg:$0x4] =	wrdreg $0xC0  }
0xab: {  	_ =	task [dreg:s6], $0x5FFFF  }
0xac: {  	[dreg:$0x1] =	wrdreg $0xFFFFFFFF  }
0xad: {  	[dreg:$0x0] =	wrdreg $0x60  }
0xae: {  	[dreg:$0x2] =	wrdreg s24  }
0xaf: {  	[dreg:$0x3] =	wrdreg $0xB2200  }
0xb0: {  	[dreg:$0x4] =	wrdreg $0x9  }
0xb1: {  	_ =	task.clear_ibuf [dreg:s6], $0x5FFFF;
	_ =	strace $0x90000052  }
0xb2: {  	s29 =	simm.s32 $0x9;
	_ =	strace $0x80000054  }
0xb3: {  	_ =	swait.ge [sflag:s29], $0x1  }
0xb4: {  	[sflag:s29] =	ssyncadd.s32 $0xFFFFFFFF  }
0xb5: {  	_ =	strace $0x90000054  }
0xb6: {  	_ =	sfence  }
0xb7: {  	s30 =	sld [smem:$0x0];
	_ =	sdelay $0x2  }
0xb8: {  	s31 =	sshll.u32 s1, $0xD;
	s1 =	sshrl.u32 s1, $0x2  }
0xb9: {  	s3 =	sand.u32 $0x4000, s31;
	s1 =	sadd.s32 s1, s30  }
0xba: {  	s0 =	sor.u32 s3, s0;
	s1 =	sshll.u32 s1, $0x11  }
0xbb: {  	s0 =	sor.u32 s1, s0  }
0xbc: {  	s0 =	sadd.s32 $0x8F2B, s0  }
0xbd: {  	[sflag:s0] =	ssyncadd.remote.s32 $0x1  }
0xbe: {  	_ =	sfence.sel $0xFFFF  }
0xbf: {  	[dreg:$0x0] =	wrdreg $0xFFFFFFFF;
	(pc) =	sbr.abs _section_cstart, $3  }
0xc0: {  	[dreg:$0x1] =	wrdreg $0xFFFFFFFF  }
0xc1: {  	_ =	task.clear_ibuf [dreg:s6], $0x2FFFF;
	_ =	strace $0x9FFFFFFF  }
0xc2: {  	(tm) =	ssettm $0x7FFFFFFF  }
0xc3: {  	_ =	shalt  }
tec
execute0_lowered:
.L_overlay_start_1:
0x0: {  	(tag) =	ssettag $0x1  }
0x1: {  	s0 =	srdreg.scid  }
0x2: {  	s9 =	stileid.u32;
	s5 =	rddreg [dreg:$0x0]  }
0x3: {  	s2 =	rddreg [dreg:$0x1];
	s3 =	simm.s32 $0x0;
	s14 =	simm.s32 $0x1  }
0x4: {  	s15 =	simm.s32 $0x2;
	s16 =	simm.s32 $0x3;
	s17 =	simm.s32 $0x28  }
0x5: {  	s18 =	simm.s32 $0x4E20;
	s19 =	simm.s32 $0x6220;
	s21 =	simm.s32 $0x7620  }
0x6: {  	s23 =	simm.s32 $0x8A20;
	s28 =	simm.s32 $0x5;
	s29 =	simm.s32 $0x6  }
0x7: {  	s30 =	simm.s32 $0x7;
	s31 =	simm.s32 $0x8;
	s20 =	simm.s32 $0xB  }
0x8: {  	s22 =	simm.s32 $0x0;
	s0 =	sand.u32 $0x1, s0;
	s8 =	smul.u32 $0x13880, s9  }
0x9: {  	[smem:$0x7FF] =	sst s3;
	s4 =	sadd.s32 $0x1BA00, s5;
	s1 =	sshll.u32 s0, $0x4  }
0xa: {  	s6 =	smul.u32 $0x138800, s0;
	_ =	strace $0x80000053;
	s0 =	ssub.s32 $0x2, s0  }
0xb: {  	s1 =	sor.u32 s9, s1;
	s7 =	sshrl.u32 s0, $0x1;
	s26 =	sshrl.u32 s8, $0x3  }
0xc: {  	s12 =	sadd.s32 s8, s2;
	s1 =	smul.u32 $0x2710, s1;
	s6 =	sadd.s32 s8, s6  }
0xd: {  	s0 =	ssub.s32 s0, s7;
	s7 =	sshll.u32 s9, $0x6;
	s8 =	sadd.s32 s4, s26  }
0xe: {  	s13 =	sshrl.u32 s12, $0x3;
	s26 =	simm.s32 $0x4;
	s6 =	sshrl.u32 s6, $0x3  }
0xf: {  	s9 =	sor.u32 $0x1C03, s7;
	s11 =	smax.u32 s0, $0x1;
	s1 =	sshrl.u32 s1, $0x3  }
0x10: {  	s0 =	simm.s32 $0xA;
	s10 =	sadd.s32 s6, s5;
	s1 =	sadd.s32 s1, s5  }
0x11: {  	s10 =	sadd.s32 $0x42C00, s10;
	s25 =	sadd.s32 $0x8000, s1;
	s6 =	sadd.s32 $0x11C40, s1  }
0x12: {  	s1 =	simm.s32 $0x9;
	[dreg:$0x3] =	wrdreg s25;
	s25 =	simm.s32 $0x9E20  }
.LBB2_1:
0x13: {  	s5 =	rddreg [dreg:$0x3]  }
0x14: {  	[tilespmem:s3], [sflag:$0x1] =	stream.linear.gather [hbm4b:s5+s3], $0x2710, $0x38;
	[tilespmem:$0x1EAA0] =	vst v63  }
0x15: {  	s12 =	simm.s32 $0x2710  }
0x16: {  	[tilespmem:s12], [sflag:$0x2] =	stream.linear.gather [hbm4b:s6+s3], $0x2710, $0x38;
	[tilespmem:$0x1EAA0] =	vst v63  }
0x17: {  	[spmem:s13], [sflag:s9] =	dma.local [hbm:s8], $0x2710  }
0x18: {  	_ =	swait.ge [sflag:s14], $0x2710  }
0x19: {  	[sflag:s14] =	ssyncset.done $0x0  }
0x1a: {  	[sflag:s14] =	ssyncadd.s32 $0xFFFFD8F0  }
0x1b: {  	_ =	swait.ge [sflag:s15], $0x2710  }
0x1c: {  	[sflag:s15] =	ssyncset.done $0x0  }
0x1d: {  	[sflag:s15] =	ssyncadd.s32 $0xFFFFD8F0  }
0x1e: {  	_ =	swait.ge [sflag:s16], $0x2710  }
0x1f: {  	[sflag:s16] =	ssyncset.done $0x0  }
0x20: {  	[sflag:s16] =	ssyncadd.s32 $0xFFFFD8F0  }
0x21: {  	[bflag:$0x0] =	sbarrier.arrive $0xFFFF  }
0x22: {  	[tilespmem:s18], [sflag:$0x1] =	stream.indirect.gather [hbm4b:s4+s17], $0x80, s3, s17, $0xb8;
	[tilespmem:$0x1EAA0] =	vst v63  }
0x23: {  	_ = 	snop  }
0x24: {  	[tilespmem:s19], [sflag:$0x2] =	stream.indirect.gather [hbm4b:s4+s17], $0x80, s17, s17, $0xb8;
	[tilespmem:$0x1EAA0] =	vst v63  }
0x25: {  	s24 =	simm.s32 $0x50  }
0x26: {  	[tilespmem:s21], [sflag:$0x3] =	stream.indirect.gather [hbm4b:s4+s17], $0x80, s24, s17, $0xb8;
	[tilespmem:$0x1EAA0] =	vst v63  }
0x27: {  	s12 =	simm.s32 $0x78  }
0x28: {  	[tilespmem:s23], [sflag:$0x4] =	stream.indirect.gather [hbm4b:s4+s17], $0x80, s12, s17, $0xb8;
	[tilespmem:$0x1EAA0] =	vst v63  }
0x29: {  	s24 =	simm.s32 $0xA0  }
0x2a: {  	[tilespmem:s25], [sflag:$0x5] =	stream.indirect.gather [hbm4b:s4+s17], $0x80, s24, s17, $0xb8;
	[tilespmem:$0x1EAA0] =	vst v63  }
0x2b: {  	_ =	swait.ge [sflag:s14], $0x1400  }
0x2c: {  	[sflag:s14] =	ssyncset.done $0x0  }
0x2d: {  	s12 =	simm.s32 $0x2710;
	[sflag:s14] =	ssyncadd.s32 $0xFFFFEC00  }
0x2e: {  	[spmem:s2] =	stream.indirect.scatter.add.f32 [tilespmem:s18], [sflag:$0x6], $0x80, s12, s17, $0xb8;
	[tilespmem:$0x1EAA0] =	vst v63  }
0x2f: {  	_ =	swait.ge [sflag:s15], $0x1400  }
0x30: {  	[sflag:s15] =	ssyncset.done $0x0  }
0x31: {  	s5 =	simm.s32 $0x2738;
	[sflag:s15] =	ssyncadd.s32 $0xFFFFEC00  }
0x32: {  	[spmem:s2] =	stream.indirect.scatter.add.f32 [tilespmem:s19], [sflag:$0x7], $0x80, s5, s17, $0xb8;
	[tilespmem:$0x1EAA0] =	vst v63  }
0x33: {  	_ =	swait.ge [sflag:s16], $0x1400  }
0x34: {  	[sflag:s16] =	ssyncset.done $0x0  }
0x35: {  	s24 =	simm.s32 $0x2760;
	[sflag:s16] =	ssyncadd.s32 $0xFFFFEC00  }
0x36: {  	[spmem:s2] =	stream.indirect.scatter.add.f32 [tilespmem:s21], [sflag:$0x8], $0x80, s24, s17, $0xb8;
	[tilespmem:$0x1EAA0] =	vst v63  }
0x37: {  	_ =	swait.ge [sflag:s26], $0x1400  }
0x38: {  	[sflag:s26] =	ssyncset.done $0x0  }
0x39: {  	s5 =	simm.s32 $0x2788;
	[sflag:s26] =	ssyncadd.s32 $0xFFFFEC00  }
0x3a: {  	[spmem:s2] =	stream.indirect.scatter.add.f32 [tilespmem:s23], [sflag:$0x9], $0x80, s5, s17, $0xb8;
	[tilespmem:$0x1EAA0] =	vst v63  }
0x3b: {  	_ =	swait.ge [sflag:s28], $0x1400  }
0x3c: {  	[sflag:s28] =	ssyncset.done $0x0  }
0x3d: {  	s24 =	simm.s32 $0x27B0;
	[sflag:s28] =	ssyncadd.s32 $0xFFFFEC00  }
0x3e: {  	[spmem:s2] =	stream.indirect.scatter.add.f32 [tilespmem:s25], [sflag:$0xA], $0x80, s24, s17, $0xb8;
	[tilespmem:$0x1EAA0] =	vst v63  }
0x3f: {  	_ =	swait.ge [sflag:s29], $0x1400  }
0x40: {  	[sflag:s29] =	ssyncset.done $0x0  }
0x41: {  	s5 =	simm.s32 $0xC8;
	[sflag:s29] =	ssyncadd.s32 $0xFFFFEC00  }
0x42: {  	[tilespmem:s18], [sflag:$0x1] =	stream.indirect.gather [hbm4b:s4+s17], $0x80, s5, s17, $0xb8;
	[tilespmem:$0x1EAA0] =	vst v63  }
0x43: {  	_ =	swait.ge [sflag:s30], $0x1400  }
0x44: {  	[sflag:s30] =	ssyncset.done $0x0  }
0x45: {  	s24 =	simm.s32 $0xF0;
	[sflag:s30] =	ssyncadd.s32 $0xFFFFEC00  }
0x46: {  	[tilespmem:s19], [sflag:$0x2] =	stream.indirect.gather [hbm4b:s4+s17], $0x80, s24, s17, $0xb8;
	[tilespmem:$0x1EAA0] =	vst v63  }
0x47: {  	_ =	swait.ge [sflag:s31], $0x1400  }
0x48: {  	[sflag:s31] =	ssyncset.done $0x0  }
0x49: {  	s5 =	simm.s32 $0x118;
	[sflag:s31] =	ssyncadd.s32 $0xFFFFEC00  }
0x4a: {  	[tilespmem:s21], [sflag:$0x3] =	stream.indirect.gather [hbm4b:s4+s17], $0x80, s5, s17, $0xb8;
	[tilespmem:$0x1EAA0] =	vst v63  }
0x4b: {  	_ =	swait.ge [sflag:s1], $0x1400  }
0x4c: {  	[sflag:s1] =	ssyncset.done $0x0  }
0x4d: {  	s24 =	simm.s32 $0x140;
	[sflag:s1] =	ssyncadd.s32 $0xFFFFEC00  }
0x4e: {  	[tilespmem:s23], [sflag:$0x4] =	stream.indirect.gather [hbm4b:s4+s17], $0x80, s24, s17, $0xb8;
	[tilespmem:$0x1EAA0] =	vst v63  }
0x4f: {  	_ =	swait.ge [sflag:s0], $0x1400  }
0x50: {  	[sflag:s0] =	ssyncset.done $0x0  }
0x51: {  	s12 =	simm.s32 $0x168;
	s24 =	simm.s32 $0x320;
	[sflag:s0] =	ssyncadd.s32 $0xFFFFEC00  }
.LBB2_2:
0x52: {  	[tilespmem:s25], [sflag:$0x5] =	stream.indirect.gather [hbm4b:s4+s17], $0x80, s12, s17, $0xb8;
	[tilespmem:$0x1EAA0] =	vst v63  }
0x53: {  	s12 =	smov.u32 s24  }
0x54: {  	p0 =	sne.s32 s24, $0x9600;
	s24 =	sadd.s32 $0x320, s24;
	_ =	swait.ge [sflag:s14], $0x1400  }
0x55: {  	s12 =	sshra.s32 s12, $0x2;
	[sflag:s14] =	ssyncset.done $0x0  }
0x56: {  	s5 =	sadd.s32 $0x2710, s12;
	[sflag:s14] =	ssyncadd.s32 $0xFFFFEC00  }
0x57: {  	[spmem:s2] =	stream.indirect.scatter.add.f32 [tilespmem:s18], [sflag:$0x6], $0x80, s5, s17, $0xb8;
	[tilespmem:$0x1EAA0] =	vst v63  }
0x58: {  	_ =	swait.ge [sflag:s15], $0x1400  }
0x59: {  	[sflag:s15] =	ssyncset.done $0x0  }
0x5a: {  	s5 =	sadd.s32 $0x2738, s12;
	[sflag:s15] =	ssyncadd.s32 $0xFFFFEC00  }
0x5b: {  	[spmem:s2] =	stream.indirect.scatter.add.f32 [tilespmem:s19], [sflag:$0x7], $0x80, s5, s17, $0xb8;
	[tilespmem:$0x1EAA0] =	vst v63  }
0x5c: {  	_ =	swait.ge [sflag:s16], $0x1400  }
0x5d: {  	[sflag:s16] =	ssyncset.done $0x0  }
0x5e: {  	s5 =	sadd.s32 $0x2760, s12;
	[sflag:s16] =	ssyncadd.s32 $0xFFFFEC00  }
0x5f: {  	[spmem:s2] =	stream.indirect.scatter.add.f32 [tilespmem:s21], [sflag:$0x8], $0x80, s5, s17, $0xb8;
	[tilespmem:$0x1EAA0] =	vst v63  }
0x60: {  	_ =	swait.ge [sflag:s26], $0x1400  }
0x61: {  	[sflag:s26] =	ssyncset.done $0x0  }
0x62: {  	s5 =	sadd.s32 $0x2788, s12;
	[sflag:s26] =	ssyncadd.s32 $0xFFFFEC00  }
0x63: {  	[spmem:s2] =	stream.indirect.scatter.add.f32 [tilespmem:s23], [sflag:$0x9], $0x80, s5, s17, $0xb8;
	[tilespmem:$0x1EAA0] =	vst v63  }
0x64: {  	_ =	swait.ge [sflag:s28], $0x1400  }
0x65: {  	[sflag:s28] =	ssyncset.done $0x0  }
0x66: {  	s5 =	sadd.s32 $0x27B0, s12;
	[sflag:s28] =	ssyncadd.s32 $0xFFFFEC00  }
0x67: {  	[spmem:s2] =	stream.indirect.scatter.add.f32 [tilespmem:s25], [sflag:$0xA], $0x80, s5, s17, $0xb8;
	[tilespmem:$0x1EAA0] =	vst v63  }
0x68: {  	_ =	swait.ge [sflag:s29], $0x1400  }
0x69: {  	[sflag:s29] =	ssyncset.done $0x0  }
0x6a: {  	s5 =	sadd.s32 $0xC8, s12;
	[sflag:s29] =	ssyncadd.s32 $0xFFFFEC00  }
0x6b: {  	[tilespmem:s18], [sflag:$0x1] =	stream.indirect.gather [hbm4b:s4+s17], $0x80, s5, s17, $0xb8;
	[tilespmem:$0x1EAA0] =	vst v63  }
0x6c: {  	_ =	swait.ge [sflag:s30], $0x1400  }
0x6d: {  	[sflag:s30] =	ssyncset.done $0x0  }
0x6e: {  	s5 =	sadd.s32 $0xF0, s12;
	[sflag:s30] =	ssyncadd.s32 $0xFFFFEC00  }
0x6f: {  	[tilespmem:s19], [sflag:$0x2] =	stream.indirect.gather [hbm4b:s4+s17], $0x80, s5, s17, $0xb8;
	[tilespmem:$0x1EAA0] =	vst v63  }
0x70: {  	_ =	swait.ge [sflag:s31], $0x1400  }
0x71: {  	[sflag:s31] =	ssyncset.done $0x0  }
0x72: {  	s5 =	sadd.s32 $0x118, s12;
	[sflag:s31] =	ssyncadd.s32 $0xFFFFEC00  }
0x73: {  	[tilespmem:s21], [sflag:$0x3] =	stream.indirect.gather [hbm4b:s4+s17], $0x80, s5, s17, $0xb8;
	[tilespmem:$0x1EAA0] =	vst v63  }
0x74: {  	_ =	swait.ge [sflag:s1], $0x1400  }
0x75: {  	[sflag:s1] =	ssyncset.done $0x0  }
.Ltmp0:
0x76: {  	s5 =	sadd.s32 $0x140, s12;
	[sflag:s1] =	ssyncadd.s32 $0xFFFFEC00;
	(pc) =	sbr.rel @p0 .LBB2_2-.Ltmp0, $4  }
0x77: {  	[tilespmem:s23], [sflag:$0x4] =	stream.indirect.gather [hbm4b:s4+s17], $0x80, s5, s17, $0xb8;
	[tilespmem:$0x1EAA0] =	vst v63  }
0x78: {  	_ =	swait.ge [sflag:s0], $0x1400  }
0x79: {  	[sflag:s0] =	ssyncset.done $0x0  }
0x7a: {  	s12 =	sadd.s32 $0x168, s12;
	[sflag:s0] =	ssyncadd.s32 $0xFFFFEC00  }
0x7b: {  	[tilespmem:s25], [sflag:$0x5] =	stream.indirect.gather [hbm4b:s4+s17], $0x80, s12, s17, $0xb8;
	[tilespmem:$0x1EAA0] =	vst v63  }
0x7c: {  	_ =	swait.ge [sflag:s14], $0x1400  }
0x7d: {  	[sflag:s14] =	ssyncset.done $0x0  }
0x7e: {  	s5 =	simm.s32 $0x4D58;
	[sflag:s14] =	ssyncadd.s32 $0xFFFFEC00  }
0x7f: {  	[spmem:s2] =	stream.indirect.scatter.add.f32 [tilespmem:s18], [sflag:$0x6], $0x80, s5, s17, $0xb8;
	[tilespmem:$0x1EAA0] =	vst v63  }
0x80: {  	_ =	swait.ge [sflag:s15], $0x1400  }
0x81: {  	[sflag:s15] =	ssyncset.done $0x0  }
0x82: {  	s24 =	simm.s32 $0x4D80;
	[sflag:s15] =	ssyncadd.s32 $0xFFFFEC00  }
0x83: {  	[spmem:s2] =	stream.indirect.scatter.add.f32 [tilespmem:s19], [sflag:$0x7], $0x80, s24, s17, $0xb8;
	[tilespmem:$0x1EAA0] =	vst v63  }
0x84: {  	_ =	swait.ge [sflag:s16], $0x1400  }
0x85: {  	[sflag:s16] =	ssyncset.done $0x0  }
0x86: {  	s12 =	simm.s32 $0x4DA8;
	[sflag:s16] =	ssyncadd.s32 $0xFFFFEC00  }
0x87: {  	[spmem:s2] =	stream.indirect.scatter.add.f32 [tilespmem:s21], [sflag:$0x8], $0x80, s12, s17, $0xb8;
	[tilespmem:$0x1EAA0] =	vst v63  }
0x88: {  	_ =	swait.ge [sflag:s26], $0x1400  }
0x89: {  	[sflag:s26] =	ssyncset.done $0x0  }
0x8a: {  	s24 =	simm.s32 $0x4DD0;
	[sflag:s26] =	ssyncadd.s32 $0xFFFFEC00  }
0x8b: {  	[spmem:s2] =	stream.indirect.scatter.add.f32 [tilespmem:s23], [sflag:$0x9], $0x80, s24, s17, $0xb8;
	[tilespmem:$0x1EAA0] =	vst v63  }
0x8c: {  	_ =	swait.ge [sflag:s28], $0x1400  }
0x8d: {  	[sflag:s28] =	ssyncset.done $0x0  }
0x8e: {  	s12 =	simm.s32 $0x4DF8;
	[sflag:s28] =	ssyncadd.s32 $0xFFFFEC00  }
0x8f: {  	[spmem:s2] =	stream.indirect.scatter.add.f32 [tilespmem:s25], [sflag:$0xA], $0x80, s12, s17, $0xb8;
	[tilespmem:$0x1EAA0] =	vst v63  }
0x90: {  	_ =	swait.ge [sflag:s29], $0x1400  }
0x91: {  	[sflag:s29] =	ssyncset.done $0x0  }
0x92: {  	[sflag:s29] =	ssyncadd.s32 $0xFFFFEC00  }
0x93: {  	_ =	swait.ge [sflag:s30], $0x1400  }
0x94: {  	[sflag:s30] =	ssyncset.done $0x0  }
0x95: {  	[sflag:s30] =	ssyncadd.s32 $0xFFFFEC00  }
0x96: {  	_ =	swait.ge [sflag:s31], $0x1400  }
0x97: {  	[sflag:s31] =	ssyncset.done $0x0  }
0x98: {  	[sflag:s31] =	ssyncadd.s32 $0xFFFFEC00  }
0x99: {  	_ =	swait.ge [sflag:s1], $0x1400  }
0x9a: {  	[sflag:s1] =	ssyncset.done $0x0  }
0x9b: {  	[sflag:s1] =	ssyncadd.s32 $0xFFFFEC00  }
0x9c: {  	_ =	swait.ge [sflag:s0], $0x1400  }
0x9d: {  	s22 =	sadd.s32 $0x1, s22;
	[sflag:s0] =	ssyncset.done $0x0  }
0x9e: {  	p0 =	sne.s32 s22, s11;
	[sflag:s0] =	ssyncadd.s32 $0xFFFFEC00  }
.Ltmp1:
0x9f: {  	s24 =	sor.u32 $0x1C0B, s7;
	[bflag:$0x0] =	sbarrier.arrive $0xFFFF;
	(pc) =	sbr.rel @p0 .LBB2_1-.Ltmp1, $4  }
0xa0: {  	[hbm:s10], [sflag:s24] =	dma.local [spmem:s13], $0x2710  }
0xa1: {  	_ =	swait.ge [sflag:s20], $0x2710  }
0xa2: {  	[sflag:s20] =	ssyncset.done $0x0  }
0xa3: {  	[sflag:s20] =	ssyncadd.s32 $0xFFFFD8F0  }
0xa4: {  	_ =	sfence.sel $0x180000  }
0xa5: {  	[bflag:$0x0] =	sbarrier.arrive $0xFFFF  }
0xa6: {  	_ =	strace $0x90000053  }
0xa7: {  	s0 =	stileid.u32;
	[bflag:$0x2] =	sbarrier.arrive $0xFFFF  }
0xa8: {  	p0 =	sne.s32 s0, $0x0;
	s0 =	rddreg [dreg:$0x2]  }
0xa9: {  	s0 =	sadd.s32 @!p0 $0x100000, s0  }
0xaa: {  	[sflag:s0] =	ssyncadd.tile.s32 @!p0 $0x1;
	_ =	shalt  }
.Lfunc_end2:
_tile_overlayer_lowered:
.L_overlay_start_2:
0xab: {  	(tag) =	ssettag $0x2  }
0xac: {  	s0 =	rddreg [dreg:$0x0];
	s2 =	stileid.u32  }
0xad: {  	s1 =	rddreg [dreg:$0x1];
	p0 =	sne.s32 s2, $0x0  }
0xae: {  	s3 =	rddreg [dreg:$0x2];
	[bflag:$0x3] =	sbarrier.arrive $0xFFFF;
	s2 =	simm.s32 @!p0 $0x1C0B  }
0xaf: {  	[timem:s3], [sflag:s2] =	dma.local @!p0 [hbm:s0], s1  }
0xb0: {  	s0 =	simm.s32 @!p0 $0xB  }
0xb1: {  	_ =	swait.ge @!p0 [sflag:s0], s1  }
0xb2: {  	s1 =	ssub.s32 @!p0 $0x0, s1;
	[sflag:s0] =	ssyncset.done @!p0 $0x0  }
0xb3: {  	[sflag:s0] =	ssyncadd.s32 @!p0 s1  }
0xb4: {  	[bflag:$0x3] =	sbarrier.arrive $0xFFFF  }
0xb5: {  	_ =	shalt  }

// kernel: kernel.31.cloned.1.call-start
scs
__scs_entry_jumppad:
0x0: {  	(pc) =	sbr.rel $0x88, $3  }
0x1: {  	(tag) =	ssettag $0x0;
	lr =	simm.s32 $0x1  }
0x2: {  	[smem:$0x3F7F] =	sst lr;
	_ =	strace $0xD0000000  }
0x3: {  	_ = 	snop  }
0x4: {  	_ = 	snop  }
0x5: {  	_ = 	snop  }
0x6: {  	_ = 	snop  }
0x7: {  	_ = 	snop  }
__scs_overlays_trampoline_lowered:
0x8: {  	[smem:$0x3F8E] =	sst s0  }
0x9: {  	[smem:$0x3F8F] =	sst s1  }
0xa: {  	[smem:$0x3F90] =	sst s2  }
0xb: {  	[smem:$0x3F91] =	sst s3  }
0xc: {  	[smem:$0x3F92] =	sst s4  }
0xd: {  	[smem:$0x3F93] =	sst s5  }
0xe: {  	[smem:$0x3F94] =	sst s6  }
0xf: {  	[smem:$0x3F95] =	sst s7  }
0x10: {  	[smem:$0x3F96] =	sst s8  }
0x11: {  	[smem:$0x3F97] =	sst s9;
	s0 =	simm.s32 @!p0 $0x0  }
0x12: {  	s1 =	sld [smem:$0x3F7D];
	s0 =	simm.s32 @p0 $0x1  }
0x13: {  	[smem:$0x3F98] =	sst s0;
	s0 =	simm.s32 @!p1 $0x0  }
0x14: {  	s2 =	sld [smem:$0x3F7C];
	s0 =	simm.s32 @p1 $0x1  }
0x15: {  	[smem:$0x3F99] =	sst s0;
	s0 =	simm.s32 @!p2 $0x0  }
0x16: {  	s3 =	sld [smem:$0x3FDB];
	s0 =	simm.s32 @p2 $0x1  }
0x17: {  	s4 =	simm.s32 $0x1BF5;
	[smem:$0x3F9B] =	sst s0  }
0x18: {  	s0 =	sld [smem:$0x3F7E];
	_ =	swait.ge [sflag:s4], $0x0  }
0x19: {  	s7 =	sld [smem:$0x3F7F]  }
0x1a: {  	s8 =	sadd.s32 $0xFFFFE003, lr  }
0x1b: {  	s9 =	sadd.s32 $0xFFFFFEF7, lr;
	s5 =	simm.s32 $0xFFFFFFFF;
	p2 =	slt.u32 s8, $0xFFFFF086  }
0x1c: {  	p1 =	slt.u32 s9, $0xF7A;
	s5 =	simm.s32 @!p2 $0x0  }
0x1d: {  	s5 =	simm.s32 @p1 $0x1;
	p0 =	seq.s32 s7, s2  }
0x1e: {  	s7 =	smul.u32 @!p0 $0xF7A, s2;
	p2 =	seq.s32 @!p0 s5, $0x0  }
0x1f: {  	s9 =	smul.u32 $0xF7A, s1;
	s8 =	simm.s32 @!p0 $0x1BF5;
	p2 =	por !p2, p0  }
0x20: {  	[sflag:s8] =	ssyncset.s32 @!p0 $0xFFFFF086;
	s6 =	sadd.s32 @!p0 s3, s7;
	s7 =	simm.s32 @!p0 $0x108  }
0x21: {  	s3 =	sadd.s32 s3, s9;
	s6 =	sadd.s32 @!p0 $0x88, s6;
	s7 =	simm.s32 @p2 $0x1082  }
0x22: {  	[simem:s7], [sflag:s8] =	dma.local @!p0 [hbm:s6], $0xF7A  }
0x23: {  	s9 =	sor.u32 $0xD0000000, s2;
	s6 =	simm.s32 $0x108;
	_ =	swait.ge @!p0 [sflag:s8], $0x0  }
0x24: {  	s3 =	sadd.s32 $0x88, s3;
	s6 =	simm.s32 @!p1 $0x1082;
	[sflag:s4] =	ssyncset.s32 $0xFFFFF086  }
0x25: {  	[simem:s6], [sflag:s4] =	dma.local [hbm:s3], $0xF7A  }
0x26: {  	[smem:$0x3F7F] =	sst s1;
	(tag) =	ssettag s2;
	_ =	strace s9  }
0x27: {  	s1 =	sld [smem:$0x3F8F]  }
0x28: {  	s2 =	sld [smem:$0x3F90]  }
0x29: {  	s4 =	sld [smem:$0x3F92]  }
0x2a: {  	p0 =	seq.s32 s5, $0x0;
	s5 =	sld [smem:$0x3F93]  }
0x2b: {  	s6 =	sld [smem:$0x3F94]  }
0x2c: {  	s7 =	sld [smem:$0x3F95]  }
0x2d: {  	s3 =	simm.s32 $0x108;
	s8 =	sld [smem:$0x3F96]  }
0x2e: {  	s3 =	simm.s32 @!p0 $0x1082;
	s9 =	sld [smem:$0x3F97]  }
0x2f: {  	lr =	sadd.s32 s0, s3;
	s0 =	sld [smem:$0x3F8E]  }
0x30: {  	s3 =	sld [smem:$0x3F91]  }
0x31: {  	[smem:$0x3F9A] =	sst s10  }
0x32: {  	s10 =	sld [smem:$0x3F98];
	_ =	sdelay $0x3  }
0x33: {  	p0 =	seq.s32 s10, $0x1;
	s10 =	sld [smem:$0x3F9A];
	_ =	sdelay $0x3  }
0x34: {  	[smem:$0x3F9A] =	sst s10  }
0x35: {  	s10 =	sld [smem:$0x3F99];
	_ =	sdelay $0x3  }
0x36: {  	p1 =	seq.s32 s10, $0x1;
	s10 =	sld [smem:$0x3F9A];
	_ =	sdelay $0x3  }
0x37: {  	[smem:$0x3F9A] =	sst s10  }
0x38: {  	s10 =	sld [smem:$0x3F9B]  }
0x39: {  	_ = 	snop;
	(pc) =	sbr.ind lr, $3  }
0x3a: {  	_ = 	snop  }
0x3b: {  	_ = 	snop  }
0x3c: {  	p2 =	seq.s32 s10, $0x1;
	s10 =	sld [smem:$0x3F9A]  }
0x3d: {  	_ =	shalt  }
0x3e: {  	_ =	shalt  }
0x3f: {  	_ =	shalt  }
0x40: {  	_ =	shalt  }
0x41: {  	_ =	shalt  }
0x42: {  	_ =	shalt  }
0x43: {  	_ =	shalt  }
0x44: {  	_ =	shalt  }
0x45: {  	_ =	shalt  }
0x46: {  	_ =	shalt  }
0x47: {  	_ =	shalt  }
0x48: {  	_ =	shalt  }
0x49: {  	_ =	shalt  }
0x4a: {  	_ =	shalt  }
0x4b: {  	_ =	shalt  }
0x4c: {  	_ =	shalt  }
0x4d: {  	_ =	shalt  }
0x4e: {  	_ =	shalt  }
0x4f: {  	_ =	shalt  }
0x50: {  	_ =	shalt  }
0x51: {  	_ =	shalt  }
0x52: {  	_ =	shalt  }
0x53: {  	_ =	shalt  }
0x54: {  	_ =	shalt  }
0x55: {  	_ =	shalt  }
0x56: {  	_ =	shalt  }
0x57: {  	_ =	shalt  }
0x58: {  	_ =	shalt  }
0x59: {  	_ =	shalt  }
0x5a: {  	_ =	shalt  }
0x5b: {  	_ =	shalt  }
0x5c: {  	_ =	shalt  }
0x5d: {  	_ =	shalt  }
0x5e: {  	_ =	shalt  }
0x5f: {  	_ =	shalt  }
0x60: {  	_ =	shalt  }
0x61: {  	_ =	shalt  }
0x62: {  	_ =	shalt  }
0x63: {  	_ =	shalt  }
0x64: {  	_ =	shalt  }
0x65: {  	_ =	shalt  }
0x66: {  	_ =	shalt  }
0x67: {  	_ =	shalt  }
0x68: {  	_ =	shalt  }
0x69: {  	_ =	shalt  }
0x6a: {  	_ =	shalt  }
0x6b: {  	_ =	shalt  }
0x6c: {  	_ =	shalt  }
0x6d: {  	_ =	shalt  }
0x6e: {  	_ =	shalt  }
0x6f: {  	_ =	shalt  }
0x70: {  	_ =	shalt  }
0x71: {  	_ =	shalt  }
0x72: {  	_ =	shalt  }
0x73: {  	_ =	shalt  }
0x74: {  	_ =	shalt  }
0x75: {  	_ =	shalt  }
0x76: {  	_ =	shalt  }
0x77: {  	_ =	shalt  }
0x78: {  	_ =	shalt  }
0x79: {  	_ =	shalt  }
0x7a: {  	_ =	shalt  }
0x7b: {  	_ =	shalt  }
0x7c: {  	_ =	shalt  }
0x7d: {  	_ =	shalt  }
0x7e: {  	_ =	shalt  }
0x7f: {  	_ =	shalt  }
0x80: {  	_ =	shalt  }
0x81: {  	_ =	shalt  }
0x82: {  	_ =	shalt  }
0x83: {  	_ =	shalt  }
0x84: {  	_ =	shalt  }
0x85: {  	_ =	shalt  }
0x86: {  	_ =	shalt  }
0x87: {  	_ =	shalt  }
.Lfunc_end0:
.L_simem_size_0:
called_computation.5_lowered:
.L_overlay_start_0:
0x88: {  	s2 =	sld [smem:$0x3FD9]  }
0x89: {  	s3 =	sld [smem:$0x3FFE];
	_ =	sdelay $0x1  }
0x8a: {  	s1 =	srdreg.scid  }
0x8b: {  	s0 =	sand.u32 $0x1, s1  }
0x8c: {  	s16 =	sshll.u32 s0, $0xA;
	s2 =	sadd.s32 s3, s2  }
0x8d: {  	s2 =	sadd.s32 s2, s16  }
0x8e: {  	[smem:$0x3FA6] =	sst s2  }
0x8f: {  	_ = 	snop  }
0x90: {  	(tm) =	ssettm $0x1  }
0x91: {  	s17 =	sld [smem:$0x3FFB];
	_ =	sdelay $0x3  }
0x92: {  	_ =	strace s17  }
0x93: {  	s2 =	sld [smem:$0x3FFC];
	_ =	sdelay $0x3  }
0x94: {  	_ =	strace s2  }
0x95: {  	s2 =	sld [smem:$0x3FFD];
	_ =	sdelay $0x3  }
0x96: {  	_ =	strace s2  }
0x97: {  	_ =	strace $0x8FFFFFFF  }
0x98: {  	s18 =	sld [smem:$0x3FDB];
	_ =	sdelay $0x1  }
0x99: {  	s19 =	simm.s32 $_scs_section_size  }
0x9a: {  	s4 =	simm.s32 $_size__tile_overlayer_lowered;
	s5 =	simm.s32 $_tile_overlayer_lowered  }
0x9b: {  	s22 =	simm.s32 $0x1BFF;
	s21 =	sshll.u32 s5, $0x1;
	s2 =	sadd.s32 s19, s18  }
0x9c: {  	s6 =	simm.s32 $0x0;
	s20 =	sshll.u32 s4, $0x1;
	s4 =	sadd.s32 s21, s2  }
0x9d: {  	[timem:s6], [sflag:s22] =	dma.local [hbm:s4], s20  }
0x9e: {  	_ =	swait.ge [sflag:s22], s20  }
0x9f: {  	s3 =	ssub.s32 $0x0, s20;
	[sflag:s22] =	ssyncset.done $0x0  }
0xa0: {  	[sflag:s22] =	ssyncadd.s32 s3;
	_ =	sdelay $0x1  }
0xa1: {  	s23 =	simm.s32 $0x1B8B  }
0xa2: {  	_ =	swait.ge [sflag:s23], $0x1  }
0xa3: {  	[sflag:s23] =	ssyncset.done $0x0  }
0xa4: {  	s25 =	simm.s32 $0x1B8E;
	s24 =	sld [smem:$0x3FFE];
	[sflag:s23] =	ssyncadd.s32 $0xFFFFFFFF  }
0xa5: {  	s26 =	simm.s32 $execute0_lowered;
	[smem:$0x3FD2] =	sst s25  }
0xa6: {  	s4 =	sshll.u32 s26, $0x1;
	_ =	strace $0x80000055;
	[dreg:$0x1] =	wrdreg $0xFFFFFFFF  }
0xa7: {  	s28 =	simm.s32 $_size_execute0_lowered;
	s2 =	sadd.s32 s2, s4;
	[dreg:$0x0] =	wrdreg $0x0  }
0xa8: {  	s4 =	sshll.u32 s28, $0x1;
	[dreg:$0x2] =	wrdreg s2  }
0xa9: {  	[dreg:$0x3] =	wrdreg s4  }
0xaa: {  	[dreg:$0x4] =	wrdreg $0xC0  }
0xab: {  	_ =	task [dreg:s6], $0x5FFFF  }
0xac: {  	[dreg:$0x1] =	wrdreg $0xFFFFFFFF  }
0xad: {  	[dreg:$0x0] =	wrdreg $0x60  }
0xae: {  	[dreg:$0x2] =	wrdreg s24  }
0xaf: {  	[dreg:$0x3] =	wrdreg $0xB2200  }
0xb0: {  	[dreg:$0x4] =	wrdreg $0x9  }
0xb1: {  	_ =	task.clear_ibuf [dreg:s6], $0x5FFFF;
	_ =	strace $0x90000055  }
0xb2: {  	s29 =	simm.s32 $0x9;
	_ =	strace $0x80000057  }
0xb3: {  	_ =	swait.ge [sflag:s29], $0x1  }
0xb4: {  	[sflag:s29] =	ssyncadd.s32 $0xFFFFFFFF  }
0xb5: {  	_ =	strace $0x90000057  }
0xb6: {  	_ =	sfence  }
0xb7: {  	s30 =	sld [smem:$0x0];
	_ =	sdelay $0x2  }
0xb8: {  	s31 =	sshll.u32 s1, $0xD;
	s1 =	sshrl.u32 s1, $0x2  }
0xb9: {  	s3 =	sand.u32 $0x4000, s31;
	s1 =	sadd.s32 s1, s30  }
0xba: {  	s0 =	sor.u32 s3, s0;
	s1 =	sshll.u32 s1, $0x11  }
0xbb: {  	s0 =	sor.u32 s1, s0  }
0xbc: {  	s0 =	sadd.s32 $0x8F2B, s0  }
0xbd: {  	[sflag:s0] =	ssyncadd.remote.s32 $0x1  }
0xbe: {  	_ =	sfence.sel $0xFFFF  }
0xbf: {  	[dreg:$0x0] =	wrdreg $0xFFFFFFFF;
	(pc) =	sbr.abs _section_cstart, $3  }
0xc0: {  	[dreg:$0x1] =	wrdreg $0xFFFFFFFF  }
0xc1: {  	_ =	task.clear_ibuf [dreg:s6], $0x2FFFF;
	_ =	strace $0x9FFFFFFF  }
0xc2: {  	(tm) =	ssettm $0x7FFFFFFF  }
0xc3: {  	_ =	shalt  }
tec
execute0_lowered:
.L_overlay_start_1:
0x0: {  	(tag) =	ssettag $0x1  }
0x1: {  	s0 =	srdreg.scid  }
0x2: {  	s9 =	stileid.u32;
	s5 =	rddreg [dreg:$0x0]  }
0x3: {  	s2 =	rddreg [dreg:$0x1];
	s3 =	simm.s32 $0x0;
	s14 =	simm.s32 $0x1  }
0x4: {  	s15 =	simm.s32 $0x2;
	s16 =	simm.s32 $0x3;
	s17 =	simm.s32 $0x28  }
0x5: {  	s18 =	simm.s32 $0x4E20;
	s19 =	simm.s32 $0x6220;
	s21 =	simm.s32 $0x7620  }
0x6: {  	s23 =	simm.s32 $0x8A20;
	s28 =	simm.s32 $0x5;
	s29 =	simm.s32 $0x6  }
0x7: {  	s30 =	simm.s32 $0x7;
	s31 =	simm.s32 $0x8;
	s20 =	simm.s32 $0xB  }
0x8: {  	s22 =	simm.s32 $0x0;
	s0 =	sand.u32 $0x1, s0;
	s8 =	smul.u32 $0x13880, s9  }
0x9: {  	[smem:$0x7FF] =	sst s3;
	s4 =	sadd.s32 $0x1BA00, s5;
	s1 =	sshll.u32 s0, $0x4  }
0xa: {  	s6 =	smul.u32 $0x138800, s0;
	_ =	strace $0x80000056;
	s0 =	ssub.s32 $0x2, s0  }
0xb: {  	s1 =	sor.u32 s9, s1;
	s7 =	sshrl.u32 s0, $0x1;
	s26 =	sshrl.u32 s8, $0x3  }
0xc: {  	s12 =	sadd.s32 s8, s2;
	s1 =	smul.u32 $0x2710, s1;
	s6 =	sadd.s32 s8, s6  }
0xd: {  	s0 =	ssub.s32 s0, s7;
	s7 =	sshll.u32 s9, $0x6;
	s8 =	sadd.s32 s4, s26  }
0xe: {  	s13 =	sshrl.u32 s12, $0x3;
	s26 =	simm.s32 $0x4;
	s6 =	sshrl.u32 s6, $0x3  }
0xf: {  	s9 =	sor.u32 $0x1C03, s7;
	s11 =	smax.u32 s0, $0x1;
	s1 =	sshrl.u32 s1, $0x3  }
0x10: {  	s0 =	simm.s32 $0xA;
	s10 =	sadd.s32 s6, s5;
	s1 =	sadd.s32 s1, s5  }
0x11: {  	s10 =	sadd.s32 $0x42C00, s10;
	s25 =	sadd.s32 $0x8000, s1;
	s6 =	sadd.s32 $0x11C40, s1  }
0x12: {  	s1 =	simm.s32 $0x9;
	[dreg:$0x3] =	wrdreg s25;
	s25 =	simm.s32 $0x9E20  }
.LBB2_1:
0x13: {  	s5 =	rddreg [dreg:$0x3]  }
0x14: {  	[tilespmem:s3], [sflag:$0x1] =	stream.linear.gather [hbm4b:s5+s3], $0x2710, $0x38;
	[tilespmem:$0x1EAA0] =	vst v63  }
0x15: {  	s12 =	simm.s32 $0x2710  }
0x16: {  	[tilespmem:s12], [sflag:$0x2] =	stream.linear.gather [hbm4b:s6+s3], $0x2710, $0x38;
	[tilespmem:$0x1EAA0] =	vst v63  }
0x17: {  	[spmem:s13], [sflag:s9] =	dma.local [hbm:s8], $0x2710  }
0x18: {  	_ =	swait.ge [sflag:s14], $0x2710  }
0x19: {  	[sflag:s14] =	ssyncset.done $0x0  }
0x1a: {  	[sflag:s14] =	ssyncadd.s32 $0xFFFFD8F0  }
0x1b: {  	_ =	swait.ge [sflag:s15], $0x2710  }
0x1c: {  	[sflag:s15] =	ssyncset.done $0x0  }
0x1d: {  	[sflag:s15] =	ssyncadd.s32 $0xFFFFD8F0  }
0x1e: {  	_ =	swait.ge [sflag:s16], $0x2710  }
0x1f: {  	[sflag:s16] =	ssyncset.done $0x0  }
0x20: {  	[sflag:s16] =	ssyncadd.s32 $0xFFFFD8F0  }
0x21: {  	[bflag:$0x0] =	sbarrier.arrive $0xFFFF  }
0x22: {  	[tilespmem:s18], [sflag:$0x1] =	stream.indirect.gather [hbm4b:s4+s17], $0x80, s3, s17, $0xb8;
	[tilespmem:$0x1EAA0] =	vst v63  }
0x23: {  	_ = 	snop  }
0x24: {  	[tilespmem:s19], [sflag:$0x2] =	stream.indirect.gather [hbm4b:s4+s17], $0x80, s17, s17, $0xb8;
	[tilespmem:$0x1EAA0] =	vst v63  }
0x25: {  	s24 =	simm.s32 $0x50  }
0x26: {  	[tilespmem:s21], [sflag:$0x3] =	stream.indirect.gather [hbm4b:s4+s17], $0x80, s24, s17, $0xb8;
	[tilespmem:$0x1EAA0] =	vst v63  }
0x27: {  	s12 =	simm.s32 $0x78  }
0x28: {  	[tilespmem:s23], [sflag:$0x4] =	stream.indirect.gather [hbm4b:s4+s17], $0x80, s12, s17, $0xb8;
	[tilespmem:$0x1EAA0] =	vst v63  }
0x29: {  	s24 =	simm.s32 $0xA0  }
0x2a: {  	[tilespmem:s25], [sflag:$0x5] =	stream.indirect.gather [hbm4b:s4+s17], $0x80, s24, s17, $0xb8;
	[tilespmem:$0x1EAA0] =	vst v63  }
0x2b: {  	_ =	swait.ge [sflag:s14], $0x1400  }
0x2c: {  	[sflag:s14] =	ssyncset.done $0x0  }
0x2d: {  	s12 =	simm.s32 $0x2710;
	[sflag:s14] =	ssyncadd.s32 $0xFFFFEC00  }
0x2e: {  	[spmem:s2] =	stream.indirect.scatter.add.f32 [tilespmem:s18], [sflag:$0x6], $0x80, s12, s17, $0xb8;
	[tilespmem:$0x1EAA0] =	vst v63  }
0x2f: {  	_ =	swait.ge [sflag:s15], $0x1400  }
0x30: {  	[sflag:s15] =	ssyncset.done $0x0  }
0x31: {  	s5 =	simm.s32 $0x2738;
	[sflag:s15] =	ssyncadd.s32 $0xFFFFEC00  }
0x32: {  	[spmem:s2] =	stream.indirect.scatter.add.f32 [tilespmem:s19], [sflag:$0x7], $0x80, s5, s17, $0xb8;
	[tilespmem:$0x1EAA0] =	vst v63  }
0x33: {  	_ =	swait.ge [sflag:s16], $0x1400  }
0x34: {  	[sflag:s16] =	ssyncset.done $0x0  }
0x35: {  	s24 =	simm.s32 $0x2760;
	[sflag:s16] =	ssyncadd.s32 $0xFFFFEC00  }
0x36: {  	[spmem:s2] =	stream.indirect.scatter.add.f32 [tilespmem:s21], [sflag:$0x8], $0x80, s24, s17, $0xb8;
	[tilespmem:$0x1EAA0] =	vst v63  }
0x37: {  	_ =	swait.ge [sflag:s26], $0x1400  }
0x38: {  	[sflag:s26] =	ssyncset.done $0x0  }
0x39: {  	s5 =	simm.s32 $0x2788;
	[sflag:s26] =	ssyncadd.s32 $0xFFFFEC00  }
0x3a: {  	[spmem:s2] =	stream.indirect.scatter.add.f32 [tilespmem:s23], [sflag:$0x9], $0x80, s5, s17, $0xb8;
	[tilespmem:$0x1EAA0] =	vst v63  }
0x3b: {  	_ =	swait.ge [sflag:s28], $0x1400  }
0x3c: {  	[sflag:s28] =	ssyncset.done $0x0  }
0x3d: {  	s24 =	simm.s32 $0x27B0;
	[sflag:s28] =	ssyncadd.s32 $0xFFFFEC00  }
0x3e: {  	[spmem:s2] =	stream.indirect.scatter.add.f32 [tilespmem:s25], [sflag:$0xA], $0x80, s24, s17, $0xb8;
	[tilespmem:$0x1EAA0] =	vst v63  }
0x3f: {  	_ =	swait.ge [sflag:s29], $0x1400  }
0x40: {  	[sflag:s29] =	ssyncset.done $0x0  }
0x41: {  	s5 =	simm.s32 $0xC8;
	[sflag:s29] =	ssyncadd.s32 $0xFFFFEC00  }
0x42: {  	[tilespmem:s18], [sflag:$0x1] =	stream.indirect.gather [hbm4b:s4+s17], $0x80, s5, s17, $0xb8;
	[tilespmem:$0x1EAA0] =	vst v63  }
0x43: {  	_ =	swait.ge [sflag:s30], $0x1400  }
0x44: {  	[sflag:s30] =	ssyncset.done $0x0  }
0x45: {  	s24 =	simm.s32 $0xF0;
	[sflag:s30] =	ssyncadd.s32 $0xFFFFEC00  }
0x46: {  	[tilespmem:s19], [sflag:$0x2] =	stream.indirect.gather [hbm4b:s4+s17], $0x80, s24, s17, $0xb8;
	[tilespmem:$0x1EAA0] =	vst v63  }
0x47: {  	_ =	swait.ge [sflag:s31], $0x1400  }
0x48: {  	[sflag:s31] =	ssyncset.done $0x0  }
0x49: {  	s5 =	simm.s32 $0x118;
	[sflag:s31] =	ssyncadd.s32 $0xFFFFEC00  }
0x4a: {  	[tilespmem:s21], [sflag:$0x3] =	stream.indirect.gather [hbm4b:s4+s17], $0x80, s5, s17, $0xb8;
	[tilespmem:$0x1EAA0] =	vst v63  }
0x4b: {  	_ =	swait.ge [sflag:s1], $0x1400  }
0x4c: {  	[sflag:s1] =	ssyncset.done $0x0  }
0x4d: {  	s24 =	simm.s32 $0x140;
	[sflag:s1] =	ssyncadd.s32 $0xFFFFEC00  }
0x4e: {  	[tilespmem:s23], [sflag:$0x4] =	stream.indirect.gather [hbm4b:s4+s17], $0x80, s24, s17, $0xb8;
	[tilespmem:$0x1EAA0] =	vst v63  }
0x4f: {  	_ =	swait.ge [sflag:s0], $0x1400  }
0x50: {  	[sflag:s0] =	ssyncset.done $0x0  }
0x51: {  	s12 =	simm.s32 $0x168;
	s24 =	simm.s32 $0x320;
	[sflag:s0] =	ssyncadd.s32 $0xFFFFEC00  }
.LBB2_2:
0x52: {  	[tilespmem:s25], [sflag:$0x5] =	stream.indirect.gather [hbm4b:s4+s17], $0x80, s12, s17, $0xb8;
	[tilespmem:$0x1EAA0] =	vst v63  }
0x53: {  	s12 =	smov.u32 s24  }
0x54: {  	p0 =	sne.s32 s24, $0x9600;
	s24 =	sadd.s32 $0x320, s24;
	_ =	swait.ge [sflag:s14], $0x1400  }
0x55: {  	s12 =	sshra.s32 s12, $0x2;
	[sflag:s14] =	ssyncset.done $0x0  }
0x56: {  	s5 =	sadd.s32 $0x2710, s12;
	[sflag:s14] =	ssyncadd.s32 $0xFFFFEC00  }
0x57: {  	[spmem:s2] =	stream.indirect.scatter.add.f32 [tilespmem:s18], [sflag:$0x6], $0x80, s5, s17, $0xb8;
	[tilespmem:$0x1EAA0] =	vst v63  }
0x58: {  	_ =	swait.ge [sflag:s15], $0x1400  }
0x59: {  	[sflag:s15] =	ssyncset.done $0x0  }
0x5a: {  	s5 =	sadd.s32 $0x2738, s12;
	[sflag:s15] =	ssyncadd.s32 $0xFFFFEC00  }
0x5b: {  	[spmem:s2] =	stream.indirect.scatter.add.f32 [tilespmem:s19], [sflag:$0x7], $0x80, s5, s17, $0xb8;
	[tilespmem:$0x1EAA0] =	vst v63  }
0x5c: {  	_ =	swait.ge [sflag:s16], $0x1400  }
0x5d: {  	[sflag:s16] =	ssyncset.done $0x0  }
0x5e: {  	s5 =	sadd.s32 $0x2760, s12;
	[sflag:s16] =	ssyncadd.s32 $0xFFFFEC00  }
0x5f: {  	[spmem:s2] =	stream.indirect.scatter.add.f32 [tilespmem:s21], [sflag:$0x8], $0x80, s5, s17, $0xb8;
	[tilespmem:$0x1EAA0] =	vst v63  }
0x60: {  	_ =	swait.ge [sflag:s26], $0x1400  }
0x61: {  	[sflag:s26] =	ssyncset.done $0x0  }
0x62: {  	s5 =	sadd.s32 $0x2788, s12;
	[sflag:s26] =	ssyncadd.s32 $0xFFFFEC00  }
0x63: {  	[spmem:s2] =	stream.indirect.scatter.add.f32 [tilespmem:s23], [sflag:$0x9], $0x80, s5, s17, $0xb8;
	[tilespmem:$0x1EAA0] =	vst v63  }
0x64: {  	_ =	swait.ge [sflag:s28], $0x1400  }
0x65: {  	[sflag:s28] =	ssyncset.done $0x0  }
0x66: {  	s5 =	sadd.s32 $0x27B0, s12;
	[sflag:s28] =	ssyncadd.s32 $0xFFFFEC00  }
0x67: {  	[spmem:s2] =	stream.indirect.scatter.add.f32 [tilespmem:s25], [sflag:$0xA], $0x80, s5, s17, $0xb8;
	[tilespmem:$0x1EAA0] =	vst v63  }
0x68: {  	_ =	swait.ge [sflag:s29], $0x1400  }
0x69: {  	[sflag:s29] =	ssyncset.done $0x0  }
0x6a: {  	s5 =	sadd.s32 $0xC8, s12;
	[sflag:s29] =	ssyncadd.s32 $0xFFFFEC00  }
0x6b: {  	[tilespmem:s18], [sflag:$0x1] =	stream.indirect.gather [hbm4b:s4+s17], $0x80, s5, s17, $0xb8;
	[tilespmem:$0x1EAA0] =	vst v63  }
0x6c: {  	_ =	swait.ge [sflag:s30], $0x1400  }
0x6d: {  	[sflag:s30] =	ssyncset.done $0x0  }
0x6e: {  	s5 =	sadd.s32 $0xF0, s12;
	[sflag:s30] =	ssyncadd.s32 $0xFFFFEC00  }
0x6f: {  	[tilespmem:s19], [sflag:$0x2] =	stream.indirect.gather [hbm4b:s4+s17], $0x80, s5, s17, $0xb8;
	[tilespmem:$0x1EAA0] =	vst v63  }
0x70: {  	_ =	swait.ge [sflag:s31], $0x1400  }
0x71: {  	[sflag:s31] =	ssyncset.done $0x0  }
0x72: {  	s5 =	sadd.s32 $0x118, s12;
	[sflag:s31] =	ssyncadd.s32 $0xFFFFEC00  }
0x73: {  	[tilespmem:s21], [sflag:$0x3] =	stream.indirect.gather [hbm4b:s4+s17], $0x80, s5, s17, $0xb8;
	[tilespmem:$0x1EAA0] =	vst v63  }
0x74: {  	_ =	swait.ge [sflag:s1], $0x1400  }
0x75: {  	[sflag:s1] =	ssyncset.done $0x0  }
.Ltmp0:
0x76: {  	s5 =	sadd.s32 $0x140, s12;
	[sflag:s1] =	ssyncadd.s32 $0xFFFFEC00;
	(pc) =	sbr.rel @p0 .LBB2_2-.Ltmp0, $4  }
0x77: {  	[tilespmem:s23], [sflag:$0x4] =	stream.indirect.gather [hbm4b:s4+s17], $0x80, s5, s17, $0xb8;
	[tilespmem:$0x1EAA0] =	vst v63  }
0x78: {  	_ =	swait.ge [sflag:s0], $0x1400  }
0x79: {  	[sflag:s0] =	ssyncset.done $0x0  }
0x7a: {  	s12 =	sadd.s32 $0x168, s12;
	[sflag:s0] =	ssyncadd.s32 $0xFFFFEC00  }
0x7b: {  	[tilespmem:s25], [sflag:$0x5] =	stream.indirect.gather [hbm4b:s4+s17], $0x80, s12, s17, $0xb8;
	[tilespmem:$0x1EAA0] =	vst v63  }
0x7c: {  	_ =	swait.ge [sflag:s14], $0x1400  }
0x7d: {  	[sflag:s14] =	ssyncset.done $0x0  }
0x7e: {  	s5 =	simm.s32 $0x4D58;
	[sflag:s14] =	ssyncadd.s32 $0xFFFFEC00  }
0x7f: {  	[spmem:s2] =	stream.indirect.scatter.add.f32 [tilespmem:s18], [sflag:$0x6], $0x80, s5, s17, $0xb8;
	[tilespmem:$0x1EAA0] =	vst v63  }
0x80: {  	_ =	swait.ge [sflag:s15], $0x1400  }
0x81: {  	[sflag:s15] =	ssyncset.done $0x0  }
0x82: {  	s24 =	simm.s32 $0x4D80;
	[sflag:s15] =	ssyncadd.s32 $0xFFFFEC00  }
0x83: {  	[spmem:s2] =	stream.indirect.scatter.add.f32 [tilespmem:s19], [sflag:$0x7], $0x80, s24, s17, $0xb8;
	[tilespmem:$0x1EAA0] =	vst v63  }
0x84: {  	_ =	swait.ge [sflag:s16], $0x1400  }
0x85: {  	[sflag:s16] =	ssyncset.done $0x0  }
0x86: {  	s12 =	simm.s32 $0x4DA8;
	[sflag:s16] =	ssyncadd.s32 $0xFFFFEC00  }
0x87: {  	[spmem:s2] =	stream.indirect.scatter.add.f32 [tilespmem:s21], [sflag:$0x8], $0x80, s12, s17, $0xb8;
	[tilespmem:$0x1EAA0] =	vst v63  }
0x88: {  	_ =	swait.ge [sflag:s26], $0x1400  }
0x89: {  	[sflag:s26] =	ssyncset.done $0x0  }
0x8a: {  	s24 =	simm.s32 $0x4DD0;
	[sflag:s26] =	ssyncadd.s32 $0xFFFFEC00  }
0x8b: {  	[spmem:s2] =	stream.indirect.scatter.add.f32 [tilespmem:s23], [sflag:$0x9], $0x80, s24, s17, $0xb8;
	[tilespmem:$0x1EAA0] =	vst v63  }
0x8c: {  	_ =	swait.ge [sflag:s28], $0x1400  }
0x8d: {  	[sflag:s28] =	ssyncset.done $0x0  }
0x8e: {  	s12 =	simm.s32 $0x4DF8;
	[sflag:s28] =	ssyncadd.s32 $0xFFFFEC00  }
0x8f: {  	[spmem:s2] =	stream.indirect.scatter.add.f32 [tilespmem:s25], [sflag:$0xA], $0x80, s12, s17, $0xb8;
	[tilespmem:$0x1EAA0] =	vst v63  }
0x90: {  	_ =	swait.ge [sflag:s29], $0x1400  }
0x91: {  	[sflag:s29] =	ssyncset.done $0x0  }
0x92: {  	[sflag:s29] =	ssyncadd.s32 $0xFFFFEC00  }
0x93: {  	_ =	swait.ge [sflag:s30], $0x1400  }
0x94: {  	[sflag:s30] =	ssyncset.done $0x0  }
0x95: {  	[sflag:s30] =	ssyncadd.s32 $0xFFFFEC00  }
0x96: {  	_ =	swait.ge [sflag:s31], $0x1400  }
0x97: {  	[sflag:s31] =	ssyncset.done $0x0  }
0x98: {  	[sflag:s31] =	ssyncadd.s32 $0xFFFFEC00  }
0x99: {  	_ =	swait.ge [sflag:s1], $0x1400  }
0x9a: {  	[sflag:s1] =	ssyncset.done $0x0  }
0x9b: {  	[sflag:s1] =	ssyncadd.s32 $0xFFFFEC00  }
0x9c: {  	_ =	swait.ge [sflag:s0], $0x1400  }
0x9d: {  	s22 =	sadd.s32 $0x1, s22;
	[sflag:s0] =	ssyncset.done $0x0  }
0x9e: {  	p0 =	sne.s32 s22, s11;
	[sflag:s0] =	ssyncadd.s32 $0xFFFFEC00  }
.Ltmp1:
0x9f: {  	s24 =	sor.u32 $0x1C0B, s7;
	[bflag:$0x0] =	sbarrier.arrive $0xFFFF;
	(pc) =	sbr.rel @p0 .LBB2_1-.Ltmp1, $4  }
0xa0: {  	[hbm:s10], [sflag:s24] =	dma.local [spmem:s13], $0x2710  }
0xa1: {  	_ =	swait.ge [sflag:s20], $0x2710  }
0xa2: {  	[sflag:s20] =	ssyncset.done $0x0  }
0xa3: {  	[sflag:s20] =	ssyncadd.s32 $0xFFFFD8F0  }
0xa4: {  	_ =	sfence.sel $0x180000  }
0xa5: {  	[bflag:$0x0] =	sbarrier.arrive $0xFFFF  }
0xa6: {  	_ =	strace $0x90000056  }
0xa7: {  	s0 =	stileid.u32;
	[bflag:$0x2] =	sbarrier.arrive $0xFFFF  }
0xa8: {  	p0 =	sne.s32 s0, $0x0;
	s0 =	rddreg [dreg:$0x2]  }
0xa9: {  	s0 =	sadd.s32 @!p0 $0x100000, s0  }
0xaa: {  	[sflag:s0] =	ssyncadd.tile.s32 @!p0 $0x1;
	_ =	shalt  }
.Lfunc_end2:
_tile_overlayer_lowered:
.L_overlay_start_2:
0xab: {  	(tag) =	ssettag $0x2  }
0xac: {  	s0 =	rddreg [dreg:$0x0];
	s2 =	stileid.u32  }
0xad: {  	s1 =	rddreg [dreg:$0x1];
	p0 =	sne.s32 s2, $0x0  }
0xae: {  	s3 =	rddreg [dreg:$0x2];
	[bflag:$0x3] =	sbarrier.arrive $0xFFFF;
	s2 =	simm.s32 @!p0 $0x1C0B  }
0xaf: {  	[timem:s3], [sflag:s2] =	dma.local @!p0 [hbm:s0], s1  }
0xb0: {  	s0 =	simm.s32 @!p0 $0xB  }
0xb1: {  	_ =	swait.ge @!p0 [sflag:s0], s1  }
0xb2: {  	s1 =	ssub.s32 @!p0 $0x0, s1;
	[sflag:s0] =	ssyncset.done @!p0 $0x0  }
0xb3: {  	[sflag:s0] =	ssyncadd.s32 @!p0 s1  }
0xb4: {  	[bflag:$0x3] =	sbarrier.arrive $0xFFFF  }
0xb5: {  	_ =	shalt  }

// kernel: kernel.34.cloned.1.call-start
scs
__scs_entry_jumppad:
0x0: {  	(pc) =	sbr.rel $0x88, $3  }
0x1: {  	(tag) =	ssettag $0x0;
	lr =	simm.s32 $0x1  }
0x2: {  	[smem:$0x3F7F] =	sst lr;
	_ =	strace $0xD0000000  }
0x3: {  	_ = 	snop  }
0x4: {  	_ = 	snop  }
0x5: {  	_ = 	snop  }
0x6: {  	_ = 	snop  }
0x7: {  	_ = 	snop  }
__scs_overlays_trampoline_lowered:
0x8: {  	[smem:$0x3F8E] =	sst s0  }
0x9: {  	[smem:$0x3F8F] =	sst s1  }
0xa: {  	[smem:$0x3F90] =	sst s2  }
0xb: {  	[smem:$0x3F91] =	sst s3  }
0xc: {  	[smem:$0x3F92] =	sst s4  }
0xd: {  	[smem:$0x3F93] =	sst s5  }
0xe: {  	[smem:$0x3F94] =	sst s6  }
0xf: {  	[smem:$0x3F95] =	sst s7  }
0x10: {  	[smem:$0x3F96] =	sst s8  }
0x11: {  	[smem:$0x3F97] =	sst s9;
	s0 =	simm.s32 @!p0 $0x0  }
0x12: {  	s1 =	sld [smem:$0x3F7D];
	s0 =	simm.s32 @p0 $0x1  }
0x13: {  	[smem:$0x3F98] =	sst s0;
	s0 =	simm.s32 @!p1 $0x0  }
0x14: {  	s2 =	sld [smem:$0x3F7C];
	s0 =	simm.s32 @p1 $0x1  }
0x15: {  	[smem:$0x3F99] =	sst s0;
	s0 =	simm.s32 @!p2 $0x0  }
0x16: {  	s3 =	sld [smem:$0x3FDB];
	s0 =	simm.s32 @p2 $0x1  }
0x17: {  	s4 =	simm.s32 $0x1BF5;
	[smem:$0x3F9B] =	sst s0  }
0x18: {  	s0 =	sld [smem:$0x3F7E];
	_ =	swait.ge [sflag:s4], $0x0  }
0x19: {  	s7 =	sld [smem:$0x3F7F]  }
0x1a: {  	s8 =	sadd.s32 $0xFFFFE003, lr  }
0x1b: {  	s9 =	sadd.s32 $0xFFFFFEF7, lr;
	s5 =	simm.s32 $0xFFFFFFFF;
	p2 =	slt.u32 s8, $0xFFFFF086  }
0x1c: {  	p1 =	slt.u32 s9, $0xF7A;
	s5 =	simm.s32 @!p2 $0x0  }
0x1d: {  	s5 =	simm.s32 @p1 $0x1;
	p0 =	seq.s32 s7, s2  }
0x1e: {  	s7 =	smul.u32 @!p0 $0xF7A, s2;
	p2 =	seq.s32 @!p0 s5, $0x0  }
0x1f: {  	s9 =	smul.u32 $0xF7A, s1;
	s8 =	simm.s32 @!p0 $0x1BF5;
	p2 =	por !p2, p0  }
0x20: {  	[sflag:s8] =	ssyncset.s32 @!p0 $0xFFFFF086;
	s6 =	sadd.s32 @!p0 s3, s7;
	s7 =	simm.s32 @!p0 $0x108  }
0x21: {  	s3 =	sadd.s32 s3, s9;
	s6 =	sadd.s32 @!p0 $0x88, s6;
	s7 =	simm.s32 @p2 $0x1082  }
0x22: {  	[simem:s7], [sflag:s8] =	dma.local @!p0 [hbm:s6], $0xF7A  }
0x23: {  	s9 =	sor.u32 $0xD0000000, s2;
	s6 =	simm.s32 $0x108;
	_ =	swait.ge @!p0 [sflag:s8], $0x0  }
0x24: {  	s3 =	sadd.s32 $0x88, s3;
	s6 =	simm.s32 @!p1 $0x1082;
	[sflag:s4] =	ssyncset.s32 $0xFFFFF086  }
0x25: {  	[simem:s6], [sflag:s4] =	dma.local [hbm:s3], $0xF7A  }
0x26: {  	[smem:$0x3F7F] =	sst s1;
	(tag) =	ssettag s2;
	_ =	strace s9  }
0x27: {  	s1 =	sld [smem:$0x3F8F]  }
0x28: {  	s2 =	sld [smem:$0x3F90]  }
0x29: {  	s4 =	sld [smem:$0x3F92]  }
0x2a: {  	p0 =	seq.s32 s5, $0x0;
	s5 =	sld [smem:$0x3F93]  }
0x2b: {  	s6 =	sld [smem:$0x3F94]  }
0x2c: {  	s7 =	sld [smem:$0x3F95]  }
0x2d: {  	s3 =	simm.s32 $0x108;
	s8 =	sld [smem:$0x3F96]  }
0x2e: {  	s3 =	simm.s32 @!p0 $0x1082;
	s9 =	sld [smem:$0x3F97]  }
0x2f: {  	lr =	sadd.s32 s0, s3;
	s0 =	sld [smem:$0x3F8E]  }
0x30: {  	s3 =	sld [smem:$0x3F91]  }
0x31: {  	[smem:$0x3F9A] =	sst s10  }
0x32: {  	s10 =	sld [smem:$0x3F98];
	_ =	sdelay $0x3  }
0x33: {  	p0 =	seq.s32 s10, $0x1;
	s10 =	sld [smem:$0x3F9A];
	_ =	sdelay $0x3  }
0x34: {  	[smem:$0x3F9A] =	sst s10  }
0x35: {  	s10 =	sld [smem:$0x3F99];
	_ =	sdelay $0x3  }
0x36: {  	p1 =	seq.s32 s10, $0x1;
	s10 =	sld [smem:$0x3F9A];
	_ =	sdelay $0x3  }
0x37: {  	[smem:$0x3F9A] =	sst s10  }
0x38: {  	s10 =	sld [smem:$0x3F9B]  }
0x39: {  	_ = 	snop;
	(pc) =	sbr.ind lr, $3  }
0x3a: {  	_ = 	snop  }
0x3b: {  	_ = 	snop  }
0x3c: {  	p2 =	seq.s32 s10, $0x1;
	s10 =	sld [smem:$0x3F9A]  }
0x3d: {  	_ =	shalt  }
0x3e: {  	_ =	shalt  }
0x3f: {  	_ =	shalt  }
0x40: {  	_ =	shalt  }
0x41: {  	_ =	shalt  }
0x42: {  	_ =	shalt  }
0x43: {  	_ =	shalt  }
0x44: {  	_ =	shalt  }
0x45: {  	_ =	shalt  }
0x46: {  	_ =	shalt  }
0x47: {  	_ =	shalt  }
0x48: {  	_ =	shalt  }
0x49: {  	_ =	shalt  }
0x4a: {  	_ =	shalt  }
0x4b: {  	_ =	shalt  }
0x4c: {  	_ =	shalt  }
0x4d: {  	_ =	shalt  }
0x4e: {  	_ =	shalt  }
0x4f: {  	_ =	shalt  }
0x50: {  	_ =	shalt  }
0x51: {  	_ =	shalt  }
0x52: {  	_ =	shalt  }
0x53: {  	_ =	shalt  }
0x54: {  	_ =	shalt  }
0x55: {  	_ =	shalt  }
0x56: {  	_ =	shalt  }
0x57: {  	_ =	shalt  }
0x58: {  	_ =	shalt  }
0x59: {  	_ =	shalt  }
0x5a: {  	_ =	shalt  }
0x5b: {  	_ =	shalt  }
0x5c: {  	_ =	shalt  }
0x5d: {  	_ =	shalt  }
0x5e: {  	_ =	shalt  }
0x5f: {  	_ =	shalt  }
0x60: {  	_ =	shalt  }
0x61: {  	_ =	shalt  }
0x62: {  	_ =	shalt  }
0x63: {  	_ =	shalt  }
0x64: {  	_ =	shalt  }
0x65: {  	_ =	shalt  }
0x66: {  	_ =	shalt  }
0x67: {  	_ =	shalt  }
0x68: {  	_ =	shalt  }
0x69: {  	_ =	shalt  }
0x6a: {  	_ =	shalt  }
0x6b: {  	_ =	shalt  }
0x6c: {  	_ =	shalt  }
0x6d: {  	_ =	shalt  }
0x6e: {  	_ =	shalt  }
0x6f: {  	_ =	shalt  }
0x70: {  	_ =	shalt  }
0x71: {  	_ =	shalt  }
0x72: {  	_ =	shalt  }
0x73: {  	_ =	shalt  }
0x74: {  	_ =	shalt  }
0x75: {  	_ =	shalt  }
0x76: {  	_ =	shalt  }
0x77: {  	_ =	shalt  }
0x78: {  	_ =	shalt  }
0x79: {  	_ =	shalt  }
0x7a: {  	_ =	shalt  }
0x7b: {  	_ =	shalt  }
0x7c: {  	_ =	shalt  }
0x7d: {  	_ =	shalt  }
0x7e: {  	_ =	shalt  }
0x7f: {  	_ =	shalt  }
0x80: {  	_ =	shalt  }
0x81: {  	_ =	shalt  }
0x82: {  	_ =	shalt  }
0x83: {  	_ =	shalt  }
0x84: {  	_ =	shalt  }
0x85: {  	_ =	shalt  }
0x86: {  	_ =	shalt  }
0x87: {  	_ =	shalt  }
.Lfunc_end0:
.L_simem_size_0:
called_computation.6_lowered:
.L_overlay_start_0:
0x88: {  	s2 =	sld [smem:$0x3FD9]  }
0x89: {  	s3 =	sld [smem:$0x3FFE];
	_ =	sdelay $0x1  }
0x8a: {  	s1 =	srdreg.scid  }
0x8b: {  	s0 =	sand.u32 $0x1, s1  }
0x8c: {  	s16 =	sshll.u32 s0, $0xA;
	s2 =	sadd.s32 s3, s2  }
0x8d: {  	s2 =	sadd.s32 s2, s16  }
0x8e: {  	[smem:$0x3FA6] =	sst s2  }
0x8f: {  	_ = 	snop  }
0x90: {  	(tm) =	ssettm $0x1  }
0x91: {  	s17 =	sld [smem:$0x3FFB];
	_ =	sdelay $0x3  }
0x92: {  	_ =	strace s17  }
0x93: {  	s2 =	sld [smem:$0x3FFC];
	_ =	sdelay $0x3  }
0x94: {  	_ =	strace s2  }
0x95: {  	s2 =	sld [smem:$0x3FFD];
	_ =	sdelay $0x3  }
0x96: {  	_ =	strace s2  }
0x97: {  	_ =	strace $0x8FFFFFFF  }
0x98: {  	s18 =	sld [smem:$0x3FDB];
	_ =	sdelay $0x1  }
0x99: {  	s19 =	simm.s32 $_scs_section_size  }
0x9a: {  	s4 =	simm.s32 $_size__tile_overlayer_lowered;
	s5 =	simm.s32 $_tile_overlayer_lowered  }
0x9b: {  	s22 =	simm.s32 $0x1BFF;
	s21 =	sshll.u32 s5, $0x1;
	s2 =	sadd.s32 s19, s18  }
0x9c: {  	s6 =	simm.s32 $0x0;
	s20 =	sshll.u32 s4, $0x1;
	s4 =	sadd.s32 s21, s2  }
0x9d: {  	[timem:s6], [sflag:s22] =	dma.local [hbm:s4], s20  }
0x9e: {  	_ =	swait.ge [sflag:s22], s20  }
0x9f: {  	s3 =	ssub.s32 $0x0, s20;
	[sflag:s22] =	ssyncset.done $0x0  }
0xa0: {  	[sflag:s22] =	ssyncadd.s32 s3;
	_ =	sdelay $0x1  }
0xa1: {  	s23 =	simm.s32 $0x1B8B  }
0xa2: {  	_ =	swait.ge [sflag:s23], $0x1  }
0xa3: {  	[sflag:s23] =	ssyncset.done $0x0  }
0xa4: {  	s25 =	simm.s32 $0x1B8E;
	s24 =	sld [smem:$0x3FFE];
	[sflag:s23] =	ssyncadd.s32 $0xFFFFFFFF  }
0xa5: {  	s26 =	simm.s32 $execute0_lowered;
	[smem:$0x3FD2] =	sst s25  }
0xa6: {  	s4 =	sshll.u32 s26, $0x1;
	_ =	strace $0x80000058;
	[dreg:$0x1] =	wrdreg $0xFFFFFFFF  }
0xa7: {  	s28 =	simm.s32 $_size_execute0_lowered;
	s2 =	sadd.s32 s2, s4;
	[dreg:$0x0] =	wrdreg $0x0  }
0xa8: {  	s4 =	sshll.u32 s28, $0x1;
	[dreg:$0x2] =	wrdreg s2  }
0xa9: {  	[dreg:$0x3] =	wrdreg s4  }
0xaa: {  	[dreg:$0x4] =	wrdreg $0xC0  }
0xab: {  	_ =	task [dreg:s6], $0x5FFFF  }
0xac: {  	[dreg:$0x1] =	wrdreg $0xFFFFFFFF  }
0xad: {  	[dreg:$0x0] =	wrdreg $0x60  }
0xae: {  	[dreg:$0x2] =	wrdreg s24  }
0xaf: {  	[dreg:$0x3] =	wrdreg $0xB2200  }
0xb0: {  	[dreg:$0x4] =	wrdreg $0x9  }
0xb1: {  	_ =	task.clear_ibuf [dreg:s6], $0x5FFFF;
	_ =	strace $0x90000058  }
0xb2: {  	s29 =	simm.s32 $0x9;
	_ =	strace $0x8000005A  }
0xb3: {  	_ =	swait.ge [sflag:s29], $0x1  }
0xb4: {  	[sflag:s29] =	ssyncadd.s32 $0xFFFFFFFF  }
0xb5: {  	_ =	strace $0x9000005A  }
0xb6: {  	_ =	sfence  }
0xb7: {  	s30 =	sld [smem:$0x0];
	_ =	sdelay $0x2  }
0xb8: {  	s31 =	sshll.u32 s1, $0xD;
	s1 =	sshrl.u32 s1, $0x2  }
0xb9: {  	s3 =	sand.u32 $0x4000, s31;
	s1 =	sadd.s32 s1, s30  }
0xba: {  	s0 =	sor.u32 s3, s0;
	s1 =	sshll.u32 s1, $0x11  }
0xbb: {  	s0 =	sor.u32 s1, s0  }
0xbc: {  	s0 =	sadd.s32 $0x8F2B, s0  }
0xbd: {  	[sflag:s0] =	ssyncadd.remote.s32 $0x1  }
0xbe: {  	_ =	sfence.sel $0xFFFF  }
0xbf: {  	[dreg:$0x0] =	wrdreg $0xFFFFFFFF;
	(pc) =	sbr.abs _section_cstart, $3  }
0xc0: {  	[dreg:$0x1] =	wrdreg $0xFFFFFFFF  }
0xc1: {  	_ =	task.clear_ibuf [dreg:s6], $0x2FFFF;
	_ =	strace $0x9FFFFFFF  }
0xc2: {  	(tm) =	ssettm $0x7FFFFFFF  }
0xc3: {  	_ =	shalt  }
tec
execute0_lowered:
.L_overlay_start_1:
0x0: {  	(tag) =	ssettag $0x1  }
0x1: {  	s0 =	srdreg.scid  }
0x2: {  	s9 =	stileid.u32;
	s5 =	rddreg [dreg:$0x0]  }
0x3: {  	s2 =	rddreg [dreg:$0x1];
	s3 =	simm.s32 $0x0;
	s14 =	simm.s32 $0x1  }
0x4: {  	s15 =	simm.s32 $0x2;
	s16 =	simm.s32 $0x3;
	s17 =	simm.s32 $0x28  }
0x5: {  	s18 =	simm.s32 $0x4E20;
	s19 =	simm.s32 $0x6220;
	s21 =	simm.s32 $0x7620  }
0x6: {  	s23 =	simm.s32 $0x8A20;
	s28 =	simm.s32 $0x5;
	s29 =	simm.s32 $0x6  }
0x7: {  	s30 =	simm.s32 $0x7;
	s31 =	simm.s32 $0x8;
	s20 =	simm.s32 $0xB  }
0x8: {  	s22 =	simm.s32 $0x0;
	s0 =	sand.u32 $0x1, s0;
	s8 =	smul.u32 $0x13880, s9  }
0x9: {  	[smem:$0x7FF] =	sst s3;
	s4 =	sadd.s32 $0x1BA00, s5;
	s1 =	sshll.u32 s0, $0x4  }
0xa: {  	s6 =	smul.u32 $0x138800, s0;
	_ =	strace $0x80000059;
	s0 =	ssub.s32 $0x2, s0  }
0xb: {  	s1 =	sor.u32 s9, s1;
	s7 =	sshrl.u32 s0, $0x1;
	s26 =	sshrl.u32 s8, $0x3  }
0xc: {  	s12 =	sadd.s32 s8, s2;
	s1 =	smul.u32 $0x2710, s1;
	s6 =	sadd.s32 s8, s6  }
0xd: {  	s0 =	ssub.s32 s0, s7;
	s7 =	sshll.u32 s9, $0x6;
	s8 =	sadd.s32 s4, s26  }
0xe: {  	s13 =	sshrl.u32 s12, $0x3;
	s26 =	simm.s32 $0x4;
	s6 =	sshrl.u32 s6, $0x3  }
0xf: {  	s9 =	sor.u32 $0x1C03, s7;
	s11 =	smax.u32 s0, $0x1;
	s1 =	sshrl.u32 s1, $0x3  }
0x10: {  	s0 =	simm.s32 $0xA;
	s10 =	sadd.s32 s6, s5;
	s1 =	sadd.s32 s1, s5  }
0x11: {  	s10 =	sadd.s32 $0x42C00, s10;
	s25 =	sadd.s32 $0x8000, s1;
	s6 =	sadd.s32 $0x11C40, s1  }
0x12: {  	s1 =	simm.s32 $0x9;
	[dreg:$0x3] =	wrdreg s25;
	s25 =	simm.s32 $0x9E20  }
.LBB2_1:
0x13: {  	s5 =	rddreg [dreg:$0x3]  }
0x14: {  	[tilespmem:s3], [sflag:$0x1] =	stream.linear.gather [hbm4b:s5+s3], $0x2710, $0x38;
	[tilespmem:$0x1EAA0] =	vst v63  }
0x15: {  	s12 =	simm.s32 $0x2710  }
0x16: {  	[tilespmem:s12], [sflag:$0x2] =	stream.linear.gather [hbm4b:s6+s3], $0x2710, $0x38;
	[tilespmem:$0x1EAA0] =	vst v63  }
0x17: {  	[spmem:s13], [sflag:s9] =	dma.local [hbm:s8], $0x2710  }
0x18: {  	_ =	swait.ge [sflag:s14], $0x2710  }
0x19: {  	[sflag:s14] =	ssyncset.done $0x0  }
0x1a: {  	[sflag:s14] =	ssyncadd.s32 $0xFFFFD8F0  }
0x1b: {  	_ =	swait.ge [sflag:s15], $0x2710  }
0x1c: {  	[sflag:s15] =	ssyncset.done $0x0  }
0x1d: {  	[sflag:s15] =	ssyncadd.s32 $0xFFFFD8F0  }
0x1e: {  	_ =	swait.ge [sflag:s16], $0x2710  }
0x1f: {  	[sflag:s16] =	ssyncset.done $0x0  }
0x20: {  	[sflag:s16] =	ssyncadd.s32 $0xFFFFD8F0  }
0x21: {  	[bflag:$0x0] =	sbarrier.arrive $0xFFFF  }
0x22: {  	[tilespmem:s18], [sflag:$0x1] =	stream.indirect.gather [hbm4b:s4+s17], $0x80, s3, s17, $0xb8;
	[tilespmem:$0x1EAA0] =	vst v63  }
0x23: {  	_ = 	snop  }
0x24: {  	[tilespmem:s19], [sflag:$0x2] =	stream.indirect.gather [hbm4b:s4+s17], $0x80, s17, s17, $0xb8;
	[tilespmem:$0x1EAA0] =	vst v63  }
0x25: {  	s24 =	simm.s32 $0x50  }
0x26: {  	[tilespmem:s21], [sflag:$0x3] =	stream.indirect.gather [hbm4b:s4+s17], $0x80, s24, s17, $0xb8;
	[tilespmem:$0x1EAA0] =	vst v63  }
0x27: {  	s12 =	simm.s32 $0x78  }
0x28: {  	[tilespmem:s23], [sflag:$0x4] =	stream.indirect.gather [hbm4b:s4+s17], $0x80, s12, s17, $0xb8;
	[tilespmem:$0x1EAA0] =	vst v63  }
0x29: {  	s24 =	simm.s32 $0xA0  }
0x2a: {  	[tilespmem:s25], [sflag:$0x5] =	stream.indirect.gather [hbm4b:s4+s17], $0x80, s24, s17, $0xb8;
	[tilespmem:$0x1EAA0] =	vst v63  }
0x2b: {  	_ =	swait.ge [sflag:s14], $0x1400  }
0x2c: {  	[sflag:s14] =	ssyncset.done $0x0  }
0x2d: {  	s12 =	simm.s32 $0x2710;
	[sflag:s14] =	ssyncadd.s32 $0xFFFFEC00  }
0x2e: {  	[spmem:s2] =	stream.indirect.scatter.add.f32 [tilespmem:s18], [sflag:$0x6], $0x80, s12, s17, $0xb8;
	[tilespmem:$0x1EAA0] =	vst v63  }
0x2f: {  	_ =	swait.ge [sflag:s15], $0x1400  }
0x30: {  	[sflag:s15] =	ssyncset.done $0x0  }
0x31: {  	s5 =	simm.s32 $0x2738;
	[sflag:s15] =	ssyncadd.s32 $0xFFFFEC00  }
0x32: {  	[spmem:s2] =	stream.indirect.scatter.add.f32 [tilespmem:s19], [sflag:$0x7], $0x80, s5, s17, $0xb8;
	[tilespmem:$0x1EAA0] =	vst v63  }
0x33: {  	_ =	swait.ge [sflag:s16], $0x1400  }
0x34: {  	[sflag:s16] =	ssyncset.done $0x0  }
0x35: {  	s24 =	simm.s32 $0x2760;
	[sflag:s16] =	ssyncadd.s32 $0xFFFFEC00  }
0x36: {  	[spmem:s2] =	stream.indirect.scatter.add.f32 [tilespmem:s21], [sflag:$0x8], $0x80, s24, s17, $0xb8;
	[tilespmem:$0x1EAA0] =	vst v63  }
0x37: {  	_ =	swait.ge [sflag:s26], $0x1400  }
0x38: {  	[sflag:s26] =	ssyncset.done $0x0  }
0x39: {  	s5 =	simm.s32 $0x2788;
	[sflag:s26] =	ssyncadd.s32 $0xFFFFEC00  }
0x3a: {  	[spmem:s2] =	stream.indirect.scatter.add.f32 [tilespmem:s23], [sflag:$0x9], $0x80, s5, s17, $0xb8;
	[tilespmem:$0x1EAA0] =	vst v63  }
0x3b: {  	_ =	swait.ge [sflag:s28], $0x1400  }
0x3c: {  	[sflag:s28] =	ssyncset.done $0x0  }
0x3d: {  	s24 =	simm.s32 $0x27B0;
	[sflag:s28] =	ssyncadd.s32 $0xFFFFEC00  }
0x3e: {  	[spmem:s2] =	stream.indirect.scatter.add.f32 [tilespmem:s25], [sflag:$0xA], $0x80, s24, s17, $0xb8;
	[tilespmem:$0x1EAA0] =	vst v63  }
0x3f: {  	_ =	swait.ge [sflag:s29], $0x1400  }
0x40: {  	[sflag:s29] =	ssyncset.done $0x0  }
0x41: {  	s5 =	simm.s32 $0xC8;
	[sflag:s29] =	ssyncadd.s32 $0xFFFFEC00  }
0x42: {  	[tilespmem:s18], [sflag:$0x1] =	stream.indirect.gather [hbm4b:s4+s17], $0x80, s5, s17, $0xb8;
	[tilespmem:$0x1EAA0] =	vst v63  }
0x43: {  	_ =	swait.ge [sflag:s30], $0x1400  }
0x44: {  	[sflag:s30] =	ssyncset.done $0x0  }
0x45: {  	s24 =	simm.s32 $0xF0;
	[sflag:s30] =	ssyncadd.s32 $0xFFFFEC00  }
0x46: {  	[tilespmem:s19], [sflag:$0x2] =	stream.indirect.gather [hbm4b:s4+s17], $0x80, s24, s17, $0xb8;
	[tilespmem:$0x1EAA0] =	vst v63  }
0x47: {  	_ =	swait.ge [sflag:s31], $0x1400  }
0x48: {  	[sflag:s31] =	ssyncset.done $0x0  }
0x49: {  	s5 =	simm.s32 $0x118;
	[sflag:s31] =	ssyncadd.s32 $0xFFFFEC00  }
0x4a: {  	[tilespmem:s21], [sflag:$0x3] =	stream.indirect.gather [hbm4b:s4+s17], $0x80, s5, s17, $0xb8;
	[tilespmem:$0x1EAA0] =	vst v63  }
0x4b: {  	_ =	swait.ge [sflag:s1], $0x1400  }
0x4c: {  	[sflag:s1] =	ssyncset.done $0x0  }
0x4d: {  	s24 =	simm.s32 $0x140;
	[sflag:s1] =	ssyncadd.s32 $0xFFFFEC00  }
0x4e: {  	[tilespmem:s23], [sflag:$0x4] =	stream.indirect.gather [hbm4b:s4+s17], $0x80, s24, s17, $0xb8;
	[tilespmem:$0x1EAA0] =	vst v63  }
0x4f: {  	_ =	swait.ge [sflag:s0], $0x1400  }
0x50: {  	[sflag:s0] =	ssyncset.done $0x0  }
0x51: {  	s12 =	simm.s32 $0x168;
	s24 =	simm.s32 $0x320;
	[sflag:s0] =	ssyncadd.s32 $0xFFFFEC00  }
.LBB2_2:
0x52: {  	[tilespmem:s25], [sflag:$0x5] =	stream.indirect.gather [hbm4b:s4+s17], $0x80, s12, s17, $0xb8;
	[tilespmem:$0x1EAA0] =	vst v63  }
0x53: {  	s12 =	smov.u32 s24  }
0x54: {  	p0 =	sne.s32 s24, $0x9600;
	s24 =	sadd.s32 $0x320, s24;
	_ =	swait.ge [sflag:s14], $0x1400  }
0x55: {  	s12 =	sshra.s32 s12, $0x2;
	[sflag:s14] =	ssyncset.done $0x0  }
0x56: {  	s5 =	sadd.s32 $0x2710, s12;
	[sflag:s14] =	ssyncadd.s32 $0xFFFFEC00  }
0x57: {  	[spmem:s2] =	stream.indirect.scatter.add.f32 [tilespmem:s18], [sflag:$0x6], $0x80, s5, s17, $0xb8;
	[tilespmem:$0x1EAA0] =	vst v63  }
0x58: {  	_ =	swait.ge [sflag:s15], $0x1400  }
0x59: {  	[sflag:s15] =	ssyncset.done $0x0  }
0x5a: {  	s5 =	sadd.s32 $0x2738, s12;
	[sflag:s15] =	ssyncadd.s32 $0xFFFFEC00  }
0x5b: {  	[spmem:s2] =	stream.indirect.scatter.add.f32 [tilespmem:s19], [sflag:$0x7], $0x80, s5, s17, $0xb8;
	[tilespmem:$0x1EAA0] =	vst v63  }
0x5c: {  	_ =	swait.ge [sflag:s16], $0x1400  }
0x5d: {  	[sflag:s16] =	ssyncset.done $0x0  }
0x5e: {  	s5 =	sadd.s32 $0x2760, s12;
	[sflag:s16] =	ssyncadd.s32 $0xFFFFEC00  }
0x5f: {  	[spmem:s2] =	stream.indirect.scatter.add.f32 [tilespmem:s21], [sflag:$0x8], $0x80, s5, s17, $0xb8;
	[tilespmem:$0x1EAA0] =	vst v63  }
0x60: {  	_ =	swait.ge [sflag:s26], $0x1400  }
0x61: {  	[sflag:s26] =	ssyncset.done $0x0  }
0x62: {  	s5 =	sadd.s32 $0x2788, s12;
	[sflag:s26] =	ssyncadd.s32 $0xFFFFEC00  }
0x63: {  	[spmem:s2] =	stream.indirect.scatter.add.f32 [tilespmem:s23], [sflag:$0x9], $0x80, s5, s17, $0xb8;
	[tilespmem:$0x1EAA0] =	vst v63  }
0x64: {  	_ =	swait.ge [sflag:s28], $0x1400  }
0x65: {  	[sflag:s28] =	ssyncset.done $0x0  }
0x66: {  	s5 =	sadd.s32 $0x27B0, s12;
	[sflag:s28] =	ssyncadd.s32 $0xFFFFEC00  }
0x67: {  	[spmem:s2] =	stream.indirect.scatter.add.f32 [tilespmem:s25], [sflag:$0xA], $0x80, s5, s17, $0xb8;
	[tilespmem:$0x1EAA0] =	vst v63  }
0x68: {  	_ =	swait.ge [sflag:s29], $0x1400  }
0x69: {  	[sflag:s29] =	ssyncset.done $0x0  }
0x6a: {  	s5 =	sadd.s32 $0xC8, s12;
	[sflag:s29] =	ssyncadd.s32 $0xFFFFEC00  }
0x6b: {  	[tilespmem:s18], [sflag:$0x1] =	stream.indirect.gather [hbm4b:s4+s17], $0x80, s5, s17, $0xb8;
	[tilespmem:$0x1EAA0] =	vst v63  }
0x6c: {  	_ =	swait.ge [sflag:s30], $0x1400  }
0x6d: {  	[sflag:s30] =	ssyncset.done $0x0  }
0x6e: {  	s5 =	sadd.s32 $0xF0, s12;
	[sflag:s30] =	ssyncadd.s32 $0xFFFFEC00  }
0x6f: {  	[tilespmem:s19], [sflag:$0x2] =	stream.indirect.gather [hbm4b:s4+s17], $0x80, s5, s17, $0xb8;
	[tilespmem:$0x1EAA0] =	vst v63  }
0x70: {  	_ =	swait.ge [sflag:s31], $0x1400  }
0x71: {  	[sflag:s31] =	ssyncset.done $0x0  }
0x72: {  	s5 =	sadd.s32 $0x118, s12;
	[sflag:s31] =	ssyncadd.s32 $0xFFFFEC00  }
0x73: {  	[tilespmem:s21], [sflag:$0x3] =	stream.indirect.gather [hbm4b:s4+s17], $0x80, s5, s17, $0xb8;
	[tilespmem:$0x1EAA0] =	vst v63  }
0x74: {  	_ =	swait.ge [sflag:s1], $0x1400  }
0x75: {  	[sflag:s1] =	ssyncset.done $0x0  }
.Ltmp0:
0x76: {  	s5 =	sadd.s32 $0x140, s12;
	[sflag:s1] =	ssyncadd.s32 $0xFFFFEC00;
	(pc) =	sbr.rel @p0 .LBB2_2-.Ltmp0, $4  }
0x77: {  	[tilespmem:s23], [sflag:$0x4] =	stream.indirect.gather [hbm4b:s4+s17], $0x80, s5, s17, $0xb8;
	[tilespmem:$0x1EAA0] =	vst v63  }
0x78: {  	_ =	swait.ge [sflag:s0], $0x1400  }
0x79: {  	[sflag:s0] =	ssyncset.done $0x0  }
0x7a: {  	s12 =	sadd.s32 $0x168, s12;
	[sflag:s0] =	ssyncadd.s32 $0xFFFFEC00  }
0x7b: {  	[tilespmem:s25], [sflag:$0x5] =	stream.indirect.gather [hbm4b:s4+s17], $0x80, s12, s17, $0xb8;
	[tilespmem:$0x1EAA0] =	vst v63  }
0x7c: {  	_ =	swait.ge [sflag:s14], $0x1400  }
0x7d: {  	[sflag:s14] =	ssyncset.done $0x0  }
0x7e: {  	s5 =	simm.s32 $0x4D58;
	[sflag:s14] =	ssyncadd.s32 $0xFFFFEC00  }
0x7f: {  	[spmem:s2] =	stream.indirect.scatter.add.f32 [tilespmem:s18], [sflag:$0x6], $0x80, s5, s17, $0xb8;
	[tilespmem:$0x1EAA0] =	vst v63  }
0x80: {  	_ =	swait.ge [sflag:s15], $0x1400  }
0x81: {  	[sflag:s15] =	ssyncset.done $0x0  }
0x82: {  	s24 =	simm.s32 $0x4D80;
	[sflag:s15] =	ssyncadd.s32 $0xFFFFEC00  }
0x83: {  	[spmem:s2] =	stream.indirect.scatter.add.f32 [tilespmem:s19], [sflag:$0x7], $0x80, s24, s17, $0xb8;
	[tilespmem:$0x1EAA0] =	vst v63  }
0x84: {  	_ =	swait.ge [sflag:s16], $0x1400  }
0x85: {  	[sflag:s16] =	ssyncset.done $0x0  }
0x86: {  	s12 =	simm.s32 $0x4DA8;
	[sflag:s16] =	ssyncadd.s32 $0xFFFFEC00  }
0x87: {  	[spmem:s2] =	stream.indirect.scatter.add.f32 [tilespmem:s21], [sflag:$0x8], $0x80, s12, s17, $0xb8;
	[tilespmem:$0x1EAA0] =	vst v63  }
0x88: {  	_ =	swait.ge [sflag:s26], $0x1400  }
0x89: {  	[sflag:s26] =	ssyncset.done $0x0  }
0x8a: {  	s24 =	simm.s32 $0x4DD0;
	[sflag:s26] =	ssyncadd.s32 $0xFFFFEC00  }
0x8b: {  	[spmem:s2] =	stream.indirect.scatter.add.f32 [tilespmem:s23], [sflag:$0x9], $0x80, s24, s17, $0xb8;
	[tilespmem:$0x1EAA0] =	vst v63  }
0x8c: {  	_ =	swait.ge [sflag:s28], $0x1400  }
0x8d: {  	[sflag:s28] =	ssyncset.done $0x0  }
0x8e: {  	s12 =	simm.s32 $0x4DF8;
	[sflag:s28] =	ssyncadd.s32 $0xFFFFEC00  }
0x8f: {  	[spmem:s2] =	stream.indirect.scatter.add.f32 [tilespmem:s25], [sflag:$0xA], $0x80, s12, s17, $0xb8;
	[tilespmem:$0x1EAA0] =	vst v63  }
0x90: {  	_ =	swait.ge [sflag:s29], $0x1400  }
0x91: {  	[sflag:s29] =	ssyncset.done $0x0  }
0x92: {  	[sflag:s29] =	ssyncadd.s32 $0xFFFFEC00  }
0x93: {  	_ =	swait.ge [sflag:s30], $0x1400  }
0x94: {  	[sflag:s30] =	ssyncset.done $0x0  }
0x95: {  	[sflag:s30] =	ssyncadd.s32 $0xFFFFEC00  }
0x96: {  	_ =	swait.ge [sflag:s31], $0x1400  }
0x97: {  	[sflag:s31] =	ssyncset.done $0x0  }
0x98: {  	[sflag:s31] =	ssyncadd.s32 $0xFFFFEC00  }
0x99: {  	_ =	swait.ge [sflag:s1], $0x1400  }
0x9a: {  	[sflag:s1] =	ssyncset.done $0x0  }
0x9b: {  	[sflag:s1] =	ssyncadd.s32 $0xFFFFEC00  }
0x9c: {  	_ =	swait.ge [sflag:s0], $0x1400  }
0x9d: {  	s22 =	sadd.s32 $0x1, s22;
	[sflag:s0] =	ssyncset.done $0x0  }
0x9e: {  	p0 =	sne.s32 s22, s11;
	[sflag:s0] =	ssyncadd.s32 $0xFFFFEC00  }
.Ltmp1:
0x9f: {  	s24 =	sor.u32 $0x1C0B, s7;
	[bflag:$0x0] =	sbarrier.arrive $0xFFFF;
	(pc) =	sbr.rel @p0 .LBB2_1-.Ltmp1, $4  }
0xa0: {  	[hbm:s10], [sflag:s24] =	dma.local [spmem:s13], $0x2710  }
0xa1: {  	_ =	swait.ge [sflag:s20], $0x2710  }
0xa2: {  	[sflag:s20] =	ssyncset.done $0x0  }
0xa3: {  	[sflag:s20] =	ssyncadd.s32 $0xFFFFD8F0  }
0xa4: {  	_ =	sfence.sel $0x180000  }
0xa5: {  	[bflag:$0x0] =	sbarrier.arrive $0xFFFF  }
0xa6: {  	_ =	strace $0x90000059  }
0xa7: {  	s0 =	stileid.u32;
	[bflag:$0x2] =	sbarrier.arrive $0xFFFF  }
0xa8: {  	p0 =	sne.s32 s0, $0x0;
	s0 =	rddreg [dreg:$0x2]  }
0xa9: {  	s0 =	sadd.s32 @!p0 $0x100000, s0  }
0xaa: {  	[sflag:s0] =	ssyncadd.tile.s32 @!p0 $0x1;
	_ =	shalt  }
.Lfunc_end2:
_tile_overlayer_lowered:
.L_overlay_start_2:
0xab: {  	(tag) =	ssettag $0x2  }
0xac: {  	s0 =	rddreg [dreg:$0x0];
	s2 =	stileid.u32  }
0xad: {  	s1 =	rddreg [dreg:$0x1];
	p0 =	sne.s32 s2, $0x0  }
0xae: {  	s3 =	rddreg [dreg:$0x2];
	[bflag:$0x3] =	sbarrier.arrive $0xFFFF;
	s2 =	simm.s32 @!p0 $0x1C0B  }
0xaf: {  	[timem:s3], [sflag:s2] =	dma.local @!p0 [hbm:s0], s1  }
0xb0: {  	s0 =	simm.s32 @!p0 $0xB  }
0xb1: {  	_ =	swait.ge @!p0 [sflag:s0], s1  }
0xb2: {  	s1 =	ssub.s32 @!p0 $0x0, s1;
	[sflag:s0] =	ssyncset.done @!p0 $0x0  }
0xb3: {  	[sflag:s0] =	ssyncadd.s32 @!p0 s1  }
0xb4: {  	[bflag:$0x3] =	sbarrier.arrive $0xFFFF  }
0xb5: {  	_ =	shalt  }

</sc_bundles>
